<compile_context>
chip_gen: v7x
topology: tpu7x:2x2x1
jax: 0.10.2.dev20260603
libtpu: 0.0.44.dev20260713+nightly
codegen_flags: <defaults>
</compile_context>

<pallas_src>
import jax
import jax.numpy as jnp
from jax import lax
from jax.experimental import pallas as pl
from jax.experimental.pallas import tpu as pltpu
from jax.experimental.pallas import tpu_sc as plsc

BINS = 256
NC = 2
NS = 16
NW = NC * NS
LANES = 16

B, C, H, W = 4, 3, 224, 224
NBLK = B * C
GRP = H // 8
UPW = NBLK * GRP // (NW // 2)
UVECS = 8 * W // LANES
UNROLL = 8
NCH = 2 * C
CH_W = 272
ROW_W = NCH * CH_W
ACC_VECS = ROW_W // LANES


def _sc_hist(s_hbm, t_hbm, out_hbm, buf, acc, part, sem):
    wid = lax.axis_index("s") * NC + lax.axis_index("c")
    ws = lax.rem(wid, NW // 2)

    def issue(src):
        for ul in range(UPW):
            u = ws * UPW + ul
            kimg = u // GRP
            g = lax.rem(u, GRP)
            pltpu.async_copy(
                src.at[kimg // C, lax.rem(kimg, C), pl.ds(g * 8, 8), :],
                buf.at[ul],
                sem,
            )

    @pl.when(wid < NW // 2)
    def _():
        issue(s_hbm)

    @pl.when(wid >= NW // 2)
    def _():
        issue(t_hbm)

    zeros = jnp.zeros((LANES,), jnp.float32)

    @plsc.parallel_loop(0, LANES * ACC_VECS, unroll=8)
    def zero_body(j):
        acc[pl.ds(j * LANES, LANES)] = zeros

    for ul in range(UPW):
        pltpu.make_async_copy(
            s_hbm.at[0, 0, pl.ds(0, 8), :], buf.at[ul], sem
        ).wait()

    lane_base = lax.iota(jnp.int32, LANES) * ROW_W
    img_off = jnp.where(wid >= NW // 2, C * CH_W, 0)

    def unit_body(ul, _):
        kimg = (ws * UPW + ul) // GRP
        bidx = lane_base + (img_off + lax.rem(kimg, C) * CH_W)

        @plsc.parallel_loop(0, UVECS, unroll=UNROLL)
        def bin_body(i):
            v = buf[ul, jnp.bitwise_and(i, 7), pl.ds((i >> 3) * LANES, LANES)]
            y = v * jnp.float32(BINS) + jnp.float32(0.5)
            ji = y.astype(jnp.int32)
            f = y - ji.astype(jnp.float32)
            idx0 = bidx + ji
            plsc.addupdate_scatter(acc, [idx0], jnp.float32(1.0) - f)
            plsc.addupdate_scatter(acc, [idx0 + 1], f)

        return _

    lax.fori_loop(0, UPW, unit_body, None)

    @plsc.parallel_loop(0, ACC_VECS, unroll=2)
    def red_body(cidx):
        start = cidx * LANES
        s = acc[pl.ds(start, LANES)]
        for r in range(1, LANES):
            s = s + acc[pl.ds(r * ROW_W + start, LANES)]
        part[pl.ds(start, LANES)] = s

    pltpu.sync_copy(part, out_hbm.at[wid])


def _tc_loss(p_ref, o_ref):
    p = p_ref[...]
    h = jnp.sum(p, axis=0, keepdims=True)
    chans = [h[:, c * CH_W + 1:c * CH_W + 1 + BINS] for c in range(NCH)]
    a = jnp.concatenate(chans[:C], axis=0)
    b = jnp.concatenate(chans[C:], axis=0)
    a = a / (jnp.sum(a, axis=1, keepdims=True) + jnp.float32(1e-10))
    b = b / (jnp.sum(b, axis=1, keepdims=True) + jnp.float32(1e-10))
    a = a + jnp.float32(1e-16)
    b = b + jnp.float32(1e-16)
    o_ref[0, 0] = jnp.float32(2.0) * jnp.sum((a - b) ** 2 / (a + b))


def kernel(fake_img_s, fake_img_t):
    mesh = plsc.VectorSubcoreMesh(
        core_axis_name="c", subcore_axis_name="s", num_cores=NC, num_subcores=NS
    )
    partials = pl.kernel(
        _sc_hist,
        out_type=jax.ShapeDtypeStruct((NW, ROW_W), jnp.float32),
        mesh=mesh,
        compiler_params=pltpu.CompilerParams(needs_layout_passes=False),
        scratch_types=[
            pltpu.VMEM((UPW, 8, W), jnp.float32),
            pltpu.VMEM((LANES * ROW_W,), jnp.float32),
            pltpu.VMEM((ROW_W,), jnp.float32),
            pltpu.SemaphoreType.DMA,
        ],
    )(fake_img_s, fake_img_t)

    loss = pl.pallas_call(
        _tc_loss,
        out_shape=jax.ShapeDtypeStruct((1, 1), jnp.float32),
        out_specs=pl.BlockSpec(memory_space=pltpu.SMEM),
    )(partials)
    return loss[0, 0]

# --- scband reference (transcript-rebuilt; emitter-appended) ---
"""Pipeline reference for scband-hist-loss-56049323213076 (READ-ONLY COPY).

The authoritative reference and input builder live on the scoring server;
editing this copy changes nothing except your own understanding.
"""

import jax, jax.numpy as jnp
import numpy as np

BINS = 256

def calc_hist(img, bins=BINS):
    # img: [B, C, H, W], values assumed in [0, 1]
    # Differentiable soft histogram with triangular (linear) kernel per channel,
    # normalized to sum to 1 (standard util.calc_hist in histogram-loss repos).
    b, c, h, w = img.shape
    centers = (jnp.arange(bins, dtype=jnp.float32) + 0.5) / bins
    delta = 1.0 / bins
    hists = []
    for ch in range(c):
        v = img[:, ch].reshape(-1)
        wgt = jax.nn.relu(1.0 - jnp.abs(v[:, None] - centers[None, :]) / delta)
        hh = wgt.sum(axis=0)
        hh = hh / (hh.sum() + 1e-10)
        hists.append(hh)
    return jnp.stack(hists, axis=0)  # [C, bins]


def setup_inputs(seed: int = 0) -> dict:
    key = jax.random.key(seed)
    k1, k2 = jax.random.split(key)
    fake_img_s = jax.random.uniform(k1, (4, 3, 224, 224), dtype=jnp.float32)
    fake_img_t = jax.random.uniform(k2, (4, 3, 224, 224), dtype=jnp.float32)
    return {"fake_img_s": fake_img_s, "fake_img_t": fake_img_t}


def reference(fake_img_s, fake_img_t):
    TH = calc_hist(fake_img_s) + 1e-16
    RH = calc_hist(fake_img_t) + 1e-16
    return 2.0 * jnp.sum((TH - RH) ** 2 / (TH + RH))

if __name__ == "__main__":
    import jax
    _d = setup_inputs()
    print(jax.jit(kernel)(*tuple(_d.values())))

</pallas_src>

<mosaic_0001>
#map = affine_map<(d0, d1) -> (0, 0, 0, 0)>
#map1 = affine_map<(d0, d1) -> (0, 0)>
module attributes {stable_mosaic.version = 14 : i64} {
  func.func @_sc_hist(%arg0: i32, %arg1: i32, %arg2: memref<4x3x224x224xf32, #tpu.memory_space<hbm>>, %arg3: memref<4x3x224x224xf32, #tpu.memory_space<hbm>>, %arg4: memref<32x1632xf32, #tpu.memory_space<hbm>>, %arg5: memref<21x8x224xf32, #tpu.memory_space<vmem>>, %arg6: memref<26112xf32, #tpu.memory_space<vmem>>, %arg7: memref<1632xf32, #tpu.memory_space<vmem>>, %arg8: memref<!tpu.dma_semaphore, #tpu.memory_space<semaphore_mem>>) attributes {dimension_semantics = [#tpu.dimension_semantics<core_parallel>, #tpu.dimension_semantics<subcore_parallel>], iteration_bounds = array<i64: 2, 16>, scalar_prefetch = 0 : i64, scratch_operands = 4 : i64, tpu.core_type = #tpu.core_type<sc_vector_subcore>, window_params = [{transform_indices = #map}, {transform_indices = #map}, {transform_indices = #map1}]} {
    %mul3A = arith.constant 2 : i32
    %mul3A_0 = arith.muli %arg1, %mul3A : i32
    %add3A = arith.addi %mul3A_0, %arg0 : i32
    %rem3A = arith.constant 16 : i32
    %rem3A_1 = arith.remsi %add3A, %rem3A : i32
    %lt3A = arith.constant 16 : i32
    %lt3A_2 = arith.cmpi slt, %add3A, %lt3A : i32
    %convert_element_type3A = arith.extui %lt3A_2 : i1 to i32
    %cond3A = arith.constant 0 : i32
    %cond3A_3 = arith.cmpi ne, %convert_element_type3A, %cond3A : i32
    scf.if %cond3A_3 {
      %mul3A_422 = arith.constant 21 : i32
      %mul3A_423 = arith.muli %rem3A_1, %mul3A_422 : i32
      %add3A_424 = arith.constant 0 : i32
      %add3A_425 = arith.addi %mul3A_423, %add3A_424 : i32
      %jit3A_426 = arith.constant 28 : i32
      %div3A = arith.divsi %add3A_425, %jit3A_426 : i32
      %sign3A = arith.constant 0 : i32
      %sign3A_427 = arith.cmpi sgt, %add3A_425, %sign3A : i32
      %sign3A_428 = arith.extui %sign3A_427 : i1 to i32
      %sign3A_429 = arith.constant 0 : i32
      %sign3A_430 = arith.cmpi slt, %add3A_425, %sign3A_429 : i32
      %sign3A_431 = arith.extui %sign3A_430 : i1 to i32
      %sign3A_432 = arith.subi %sign3A_428, %sign3A_431 : i32
      %sign3A_433 = arith.constant 0 : i32
      %sign3A_434 = arith.cmpi sgt, %jit3A_426, %sign3A_433 : i32
      %sign3A_435 = arith.extui %sign3A_434 : i1 to i32
      %sign3A_436 = arith.constant 0 : i32
      %sign3A_437 = arith.cmpi slt, %jit3A_426, %sign3A_436 : i32
      %sign3A_438 = arith.extui %sign3A_437 : i1 to i32
      %sign3A_439 = arith.subi %sign3A_435, %sign3A_438 : i32
      %ne3A = arith.cmpi ne, %sign3A_432, %sign3A_439 : i32
      %rem3A_440 = arith.remsi %add3A_425, %jit3A_426 : i32
      %ne3A_441 = arith.constant 0 : i32
      %ne3A_442 = arith.cmpi ne, %rem3A_440, %ne3A_441 : i32
      %and3A = arith.andi %ne3A, %ne3A_442 : i1
      %sub3A = arith.constant 1 : i32
      %sub3A_443 = arith.subi %div3A, %sub3A : i32
      %select_n3A_444 = arith.select %and3A, %sub3A_443, %div3A : i32
      %rem3A_445 = arith.constant 28 : i32
      %rem3A_446 = arith.remsi %add3A_425, %rem3A_445 : i32
      %jit3A_447 = arith.constant 3 : i32
      %div3A_448 = arith.divsi %select_n3A_444, %jit3A_447 : i32
      %sign3A_449 = arith.constant 0 : i32
      %sign3A_450 = arith.cmpi sgt, %select_n3A_444, %sign3A_449 : i32
      %sign3A_451 = arith.extui %sign3A_450 : i1 to i32
      %sign3A_452 = arith.constant 0 : i32
      %sign3A_453 = arith.cmpi slt, %select_n3A_444, %sign3A_452 : i32
      %sign3A_454 = arith.extui %sign3A_453 : i1 to i32
      %sign3A_455 = arith.subi %sign3A_451, %sign3A_454 : i32
      %sign3A_456 = arith.constant 0 : i32
      %sign3A_457 = arith.cmpi sgt, %jit3A_447, %sign3A_456 : i32
      %sign3A_458 = arith.extui %sign3A_457 : i1 to i32
      %sign3A_459 = arith.constant 0 : i32
      %sign3A_460 = arith.cmpi slt, %jit3A_447, %sign3A_459 : i32
      %sign3A_461 = arith.extui %sign3A_460 : i1 to i32
      %sign3A_462 = arith.subi %sign3A_458, %sign3A_461 : i32
      %ne3A_463 = arith.cmpi ne, %sign3A_455, %sign3A_462 : i32
      %rem3A_464 = arith.remsi %select_n3A_444, %jit3A_447 : i32
      %ne3A_465 = arith.constant 0 : i32
      %ne3A_466 = arith.cmpi ne, %rem3A_464, %ne3A_465 : i32
      %and3A_467 = arith.andi %ne3A_463, %ne3A_466 : i1
      %sub3A_468 = arith.constant 1 : i32
      %sub3A_469 = arith.subi %div3A_448, %sub3A_468 : i32
      %select_n3A_470 = arith.select %and3A_467, %sub3A_469, %div3A_448 : i32
      %rem3A_471 = arith.constant 3 : i32
      %rem3A_472 = arith.remsi %select_n3A_444, %rem3A_471 : i32
      %mul3A_473 = arith.constant 8 : i32
      %mul3A_474 = arith.muli %rem3A_446, %mul3A_473 : i32
      %dma_start3A = arith.constant 0 : i32
      %dma_start3A_475 = arith.constant 0 : i32
      %dma_start3A_476 = arith.constant 0 : i32
      %dma_start3A_477 = tpu.memref_slice %arg5[%dma_start3A, %dma_start3A_475, %dma_start3A_476] : memref<21x8x224xf32, #tpu.memory_space<vmem>> -> memref<1x8x224xf32, #tpu.memory_space<vmem>>
      %dma_start3A_478 = tpu.memref_squeeze %dma_start3A_477 : memref<1x8x224xf32, #tpu.memory_space<vmem>> -> memref<8x224xf32, #tpu.memory_space<vmem>>
      %dma_start3A_479 = arith.constant 0 : i32
      %dma_start3A_480 = tpu.memref_slice %arg2[%select_n3A_470, %rem3A_472, %mul3A_474, %dma_start3A_479] : memref<4x3x224x224xf32, #tpu.memory_space<hbm>> -> memref<1x1x8x224xf32, #tpu.memory_space<hbm>>
      %dma_start3A_481 = tpu.memref_squeeze %dma_start3A_480 : memref<1x1x8x224xf32, #tpu.memory_space<hbm>> -> memref<8x224xf32, #tpu.memory_space<hbm>>
      %dma_start3A_482 = arith.constant 0 : i32
      %dma_start3A_483 = arith.constant 0 : i32
      %dma_start3A_484 = tpu.memref_slice %arg5[%dma_start3A, %dma_start3A_482, %dma_start3A_483] : memref<21x8x224xf32, #tpu.memory_space<vmem>> -> memref<1x8x224xf32, #tpu.memory_space<vmem>>
      %dma_start3A_485 = tpu.memref_squeeze %dma_start3A_484 : memref<1x8x224xf32, #tpu.memory_space<vmem>> -> memref<8x224xf32, #tpu.memory_space<vmem>>
      %dma_start3A_486 = arith.constant 0 : i32
      %dma_start3A_487 = tpu.memref_slice %arg2[%select_n3A_470, %rem3A_472, %mul3A_474, %dma_start3A_486] : memref<4x3x224x224xf32, #tpu.memory_space<hbm>> -> memref<1x1x8x224xf32, #tpu.memory_space<hbm>>
      %dma_start3A_488 = tpu.memref_squeeze %dma_start3A_487 : memref<1x1x8x224xf32, #tpu.memory_space<hbm>> -> memref<8x224xf32, #tpu.memory_space<hbm>>
      tpu.enqueue_dma source(%dma_start3A_488 : memref<8x224xf32, #tpu.memory_space<hbm>>) target(%dma_start3A_485 : memref<8x224xf32, #tpu.memory_space<vmem>>) target_semaphore(%arg8 : memref<!tpu.dma_semaphore, #tpu.memory_space<semaphore_mem>>)
      %mul3A_489 = arith.constant 21 : i32
      %mul3A_490 = arith.muli %rem3A_1, %mul3A_489 : i32
      %add3A_491 = arith.constant 1 : i32
      %add3A_492 = arith.addi %mul3A_490, %add3A_491 : i32
      %jit3A_493 = arith.constant 28 : i32
      %div3A_494 = arith.divsi %add3A_492, %jit3A_493 : i32
      %sign3A_495 = arith.constant 0 : i32
      %sign3A_496 = arith.cmpi sgt, %add3A_492, %sign3A_495 : i32
      %sign3A_497 = arith.extui %sign3A_496 : i1 to i32
      %sign3A_498 = arith.constant 0 : i32
      %sign3A_499 = arith.cmpi slt, %add3A_492, %sign3A_498 : i32
      %sign3A_500 = arith.extui %sign3A_499 : i1 to i32
      %sign3A_501 = arith.subi %sign3A_497, %sign3A_500 : i32
      %sign3A_502 = arith.constant 0 : i32
      %sign3A_503 = arith.cmpi sgt, %jit3A_493, %sign3A_502 : i32
      %sign3A_504 = arith.extui %sign3A_503 : i1 to i32
      %sign3A_505 = arith.constant 0 : i32
      %sign3A_506 = arith.cmpi slt, %jit3A_493, %sign3A_505 : i32
      %sign3A_507 = arith.extui %sign3A_506 : i1 to i32
      %sign3A_508 = arith.subi %sign3A_504, %sign3A_507 : i32
      %ne3A_509 = arith.cmpi ne, %sign3A_501, %sign3A_508 : i32
      %rem3A_510 = arith.remsi %add3A_492, %jit3A_493 : i32
      %ne3A_511 = arith.constant 0 : i32
      %ne3A_512 = arith.cmpi ne, %rem3A_510, %ne3A_511 : i32
      %and3A_513 = arith.andi %ne3A_509, %ne3A_512 : i1
      %sub3A_514 = arith.constant 1 : i32
      %sub3A_515 = arith.subi %div3A_494, %sub3A_514 : i32
      %select_n3A_516 = arith.select %and3A_513, %sub3A_515, %div3A_494 : i32
      %rem3A_517 = arith.constant 28 : i32
      %rem3A_518 = arith.remsi %add3A_492, %rem3A_517 : i32
      %jit3A_519 = arith.constant 3 : i32
      %div3A_520 = arith.divsi %select_n3A_516, %jit3A_519 : i32
      %sign3A_521 = arith.constant 0 : i32
      %sign3A_522 = arith.cmpi sgt, %select_n3A_516, %sign3A_521 : i32
      %sign3A_523 = arith.extui %sign3A_522 : i1 to i32
      %sign3A_524 = arith.constant 0 : i32
      %sign3A_525 = arith.cmpi slt, %select_n3A_516, %sign3A_524 : i32
      %sign3A_526 = arith.extui %sign3A_525 : i1 to i32
      %sign3A_527 = arith.subi %sign3A_523, %sign3A_526 : i32
      %sign3A_528 = arith.constant 0 : i32
      %sign3A_529 = arith.cmpi sgt, %jit3A_519, %sign3A_528 : i32
      %sign3A_530 = arith.extui %sign3A_529 : i1 to i32
      %sign3A_531 = arith.constant 0 : i32
      %sign3A_532 = arith.cmpi slt, %jit3A_519, %sign3A_531 : i32
      %sign3A_533 = arith.extui %sign3A_532 : i1 to i32
      %sign3A_534 = arith.subi %sign3A_530, %sign3A_533 : i32
      %ne3A_535 = arith.cmpi ne, %sign3A_527, %sign3A_534 : i32
      %rem3A_536 = arith.remsi %select_n3A_516, %jit3A_519 : i32
      %ne3A_537 = arith.constant 0 : i32
      %ne3A_538 = arith.cmpi ne, %rem3A_536, %ne3A_537 : i32
      %and3A_539 = arith.andi %ne3A_535, %ne3A_538 : i1
      %sub3A_540 = arith.constant 1 : i32
      %sub3A_541 = arith.subi %div3A_520, %sub3A_540 : i32
      %select_n3A_542 = arith.select %and3A_539, %sub3A_541, %div3A_520 : i32
      %rem3A_543 = arith.constant 3 : i32
      %rem3A_544 = arith.remsi %select_n3A_516, %rem3A_543 : i32
      %mul3A_545 = arith.constant 8 : i32
      %mul3A_546 = arith.muli %rem3A_518, %mul3A_545 : i32
      %dma_start3A_547 = arith.constant 1 : i32
      %dma_start3A_548 = arith.constant 0 : i32
      %dma_start3A_549 = arith.constant 0 : i32
      %dma_start3A_550 = tpu.memref_slice %arg5[%dma_start3A_547, %dma_start3A_548, %dma_start3A_549] : memref<21x8x224xf32, #tpu.memory_space<vmem>> -> memref<1x8x224xf32, #tpu.memory_space<vmem>>
      %dma_start3A_551 = tpu.memref_squeeze %dma_start3A_550 : memref<1x8x224xf32, #tpu.memory_space<vmem>> -> memref<8x224xf32, #tpu.memory_space<vmem>>
      %dma_start3A_552 = arith.constant 0 : i32
      %dma_start3A_553 = tpu.memref_slice %arg2[%select_n3A_542, %rem3A_544, %mul3A_546, %dma_start3A_552] : memref<4x3x224x224xf32, #tpu.memory_space<hbm>> -> memref<1x1x8x224xf32, #tpu.memory_space<hbm>>
      %dma_start3A_554 = tpu.memref_squeeze %dma_start3A_553 : memref<1x1x8x224xf32, #tpu.memory_space<hbm>> -> memref<8x224xf32, #tpu.memory_space<hbm>>
      %dma_start3A_555 = arith.constant 0 : i32
      %dma_start3A_556 = arith.constant 0 : i32
      %dma_start3A_557 = tpu.memref_slice %arg5[%dma_start3A_547, %dma_start3A_555, %dma_start3A_556] : memref<21x8x224xf32, #tpu.memory_space<vmem>> -> memref<1x8x224xf32, #tpu.memory_space<vmem>>
      %dma_start3A_558 = tpu.memref_squeeze %dma_start3A_557 : memref<1x8x224xf32, #tpu.memory_space<vmem>> -> memref<8x224xf32, #tpu.memory_space<vmem>>
      %dma_start3A_559 = arith.constant 0 : i32
      %dma_start3A_560 = tpu.memref_slice %arg2[%select_n3A_542, %rem3A_544, %mul3A_546, %dma_start3A_559] : memref<4x3x224x224xf32, #tpu.memory_space<hbm>> -> memref<1x1x8x224xf32, #tpu.memory_space<hbm>>
      %dma_start3A_561 = tpu.memref_squeeze %dma_start3A_560 : memref<1x1x8x224xf32, #tpu.memory_space<hbm>> -> memref<8x224xf32, #tpu.memory_space<hbm>>
      tpu.enqueue_dma source(%dma_start3A_561 : memref<8x224xf32, #tpu.memory_space<hbm>>) target(%dma_start3A_558 : memref<8x224xf32, #tpu.memory_space<vmem>>) target_semaphore(%arg8 : memref<!tpu.dma_semaphore, #tpu.memory_space<semaphore_mem>>)
      %mul3A_562 = arith.constant 21 : i32
      %mul3A_563 = arith.muli %rem3A_1, %mul3A_562 : i32
      %add3A_564 = arith.constant 2 : i32
      %add3A_565 = arith.addi %mul3A_563, %add3A_564 : i32
      %jit3A_566 = arith.constant 28 : i32
      %div3A_567 = arith.divsi %add3A_565, %jit3A_566 : i32
      %sign3A_568 = arith.constant 0 : i32
      %sign3A_569 = arith.cmpi sgt, %add3A_565, %sign3A_568 : i32
      %sign3A_570 = arith.extui %sign3A_569 : i1 to i32
      %sign3A_571 = arith.constant 0 : i32
      %sign3A_572 = arith.cmpi slt, %add3A_565, %sign3A_571 : i32
      %sign3A_573 = arith.extui %sign3A_572 : i1 to i32
      %sign3A_574 = arith.subi %sign3A_570, %sign3A_573 : i32
      %sign3A_575 = arith.constant 0 : i32
      %sign3A_576 = arith.cmpi sgt, %jit3A_566, %sign3A_575 : i32
      %sign3A_577 = arith.extui %sign3A_576 : i1 to i32
      %sign3A_578 = arith.constant 0 : i32
      %sign3A_579 = arith.cmpi slt, %jit3A_566, %sign3A_578 : i32
      %sign3A_580 = arith.extui %sign3A_579 : i1 to i32
      %sign3A_581 = arith.subi %sign3A_577, %sign3A_580 : i32
      %ne3A_582 = arith.cmpi ne, %sign3A_574, %sign3A_581 : i32
      %rem3A_583 = arith.remsi %add3A_565, %jit3A_566 : i32
      %ne3A_584 = arith.constant 0 : i32
      %ne3A_585 = arith.cmpi ne, %rem3A_583, %ne3A_584 : i32
      %and3A_586 = arith.andi %ne3A_582, %ne3A_585 : i1
      %sub3A_587 = arith.constant 1 : i32
      %sub3A_588 = arith.subi %div3A_567, %sub3A_587 : i32
      %select_n3A_589 = arith.select %and3A_586, %sub3A_588, %div3A_567 : i32
      %rem3A_590 = arith.constant 28 : i32
      %rem3A_591 = arith.remsi %add3A_565, %rem3A_590 : i32
      %jit3A_592 = arith.constant 3 : i32
      %div3A_593 = arith.divsi %select_n3A_589, %jit3A_592 : i32
      %sign3A_594 = arith.constant 0 : i32
      %sign3A_595 = arith.cmpi sgt, %select_n3A_589, %sign3A_594 : i32
      %sign3A_596 = arith.extui %sign3A_595 : i1 to i32
      %sign3A_597 = arith.constant 0 : i32
      %sign3A_598 = arith.cmpi slt, %select_n3A_589, %sign3A_597 : i32
      %sign3A_599 = arith.extui %sign3A_598 : i1 to i32
      %sign3A_600 = arith.subi %sign3A_596, %sign3A_599 : i32
      %sign3A_601 = arith.constant 0 : i32
      %sign3A_602 = arith.cmpi sgt, %jit3A_592, %sign3A_601 : i32
      %sign3A_603 = arith.extui %sign3A_602 : i1 to i32
      %sign3A_604 = arith.constant 0 : i32
      %sign3A_605 = arith.cmpi slt, %jit3A_592, %sign3A_604 : i32
      %sign3A_606 = arith.extui %sign3A_605 : i1 to i32
      %sign3A_607 = arith.subi %sign3A_603, %sign3A_606 : i32
      %ne3A_608 = arith.cmpi ne, %sign3A_600, %sign3A_607 : i32
      %rem3A_609 = arith.remsi %select_n3A_589, %jit3A_592 : i32
      %ne3A_610 = arith.constant 0 : i32
      %ne3A_611 = arith.cmpi ne, %rem3A_609, %ne3A_610 : i32
      %and3A_612 = arith.andi %ne3A_608, %ne3A_611 : i1
      %sub3A_613 = arith.constant 1 : i32
      %sub3A_614 = arith.subi %div3A_593, %sub3A_613 : i32
      %select_n3A_615 = arith.select %and3A_612, %sub3A_614, %div3A_593 : i32
      %rem3A_616 = arith.constant 3 : i32
      %rem3A_617 = arith.remsi %select_n3A_589, %rem3A_616 : i32
      %mul3A_618 = arith.constant 8 : i32
      %mul3A_619 = arith.muli %rem3A_591, %mul3A_618 : i32
      %dma_start3A_620 = arith.constant 2 : i32
      %dma_start3A_621 = arith.constant 0 : i32
      %dma_start3A_622 = arith.constant 0 : i32
      %dma_start3A_623 = tpu.memref_slice %arg5[%dma_start3A_620, %dma_start3A_621, %dma_start3A_622] : memref<21x8x224xf32, #tpu.memory_space<vmem>> -> memref<1x8x224xf32, #tpu.memory_space<vmem>>
      %dma_start3A_624 = tpu.memref_squeeze %dma_start3A_623 : memref<1x8x224xf32, #tpu.memory_space<vmem>> -> memref<8x224xf32, #tpu.memory_space<vmem>>
      %dma_start3A_625 = arith.constant 0 : i32
      %dma_start3A_626 = tpu.memref_slice %arg2[%select_n3A_615, %rem3A_617, %mul3A_619, %dma_start3A_625] : memref<4x3x224x224xf32, #tpu.memory_space<hbm>> -> memref<1x1x8x224xf32, #tpu.memory_space<hbm>>
      %dma_start3A_627 = tpu.memref_squeeze %dma_start3A_626 : memref<1x1x8x224xf32, #tpu.memory_space<hbm>> -> memref<8x224xf32, #tpu.memory_space<hbm>>
      %dma_start3A_628 = arith.constant 0 : i32
      %dma_start3A_629 = arith.constant 0 : i32
      %dma_start3A_630 = tpu.memref_slice %arg5[%dma_start3A_620, %dma_start3A_628, %dma_start3A_629] : memref<21x8x224xf32, #tpu.memory_space<vmem>> -> memref<1x8x224xf32, #tpu.memory_space<vmem>>
      %dma_start3A_631 = tpu.memref_squeeze %dma_start3A_630 : memref<1x8x224xf32, #tpu.memory_space<vmem>> -> memref<8x224xf32, #tpu.memory_space<vmem>>
      %dma_start3A_632 = arith.constant 0 : i32
      %dma_start3A_633 = tpu.memref_slice %arg2[%select_n3A_615, %rem3A_617, %mul3A_619, %dma_start3A_632] : memref<4x3x224x224xf32, #tpu.memory_space<hbm>> -> memref<1x1x8x224xf32, #tpu.memory_space<hbm>>
      %dma_start3A_634 = tpu.memref_squeeze %dma_start3A_633 : memref<1x1x8x224xf32, #tpu.memory_space<hbm>> -> memref<8x224xf32, #tpu.memory_space<hbm>>
      tpu.enqueue_dma source(%dma_start3A_634 : memref<8x224xf32, #tpu.memory_space<hbm>>) target(%dma_start3A_631 : memref<8x224xf32, #tpu.memory_space<vmem>>) target_semaphore(%arg8 : memref<!tpu.dma_semaphore, #tpu.memory_space<semaphore_mem>>)
      %mul3A_635 = arith.constant 21 : i32
      %mul3A_636 = arith.muli %rem3A_1, %mul3A_635 : i32
      %add3A_637 = arith.constant 3 : i32
      %add3A_638 = arith.addi %mul3A_636, %add3A_637 : i32
      %jit3A_639 = arith.constant 28 : i32
      %div3A_640 = arith.divsi %add3A_638, %jit3A_639 : i32
      %sign3A_641 = arith.constant 0 : i32
      %sign3A_642 = arith.cmpi sgt, %add3A_638, %sign3A_641 : i32
      %sign3A_643 = arith.extui %sign3A_642 : i1 to i32
      %sign3A_644 = arith.constant 0 : i32
      %sign3A_645 = arith.cmpi slt, %add3A_638, %sign3A_644 : i32
      %sign3A_646 = arith.extui %sign3A_645 : i1 to i32
      %sign3A_647 = arith.subi %sign3A_643, %sign3A_646 : i32
      %sign3A_648 = arith.constant 0 : i32
      %sign3A_649 = arith.cmpi sgt, %jit3A_639, %sign3A_648 : i32
      %sign3A_650 = arith.extui %sign3A_649 : i1 to i32
      %sign3A_651 = arith.constant 0 : i32
      %sign3A_652 = arith.cmpi slt, %jit3A_639, %sign3A_651 : i32
      %sign3A_653 = arith.extui %sign3A_652 : i1 to i32
      %sign3A_654 = arith.subi %sign3A_650, %sign3A_653 : i32
      %ne3A_655 = arith.cmpi ne, %sign3A_647, %sign3A_654 : i32
      %rem3A_656 = arith.remsi %add3A_638, %jit3A_639 : i32
      %ne3A_657 = arith.constant 0 : i32
      %ne3A_658 = arith.cmpi ne, %rem3A_656, %ne3A_657 : i32
      %and3A_659 = arith.andi %ne3A_655, %ne3A_658 : i1
      %sub3A_660 = arith.constant 1 : i32
      %sub3A_661 = arith.subi %div3A_640, %sub3A_660 : i32
      %select_n3A_662 = arith.select %and3A_659, %sub3A_661, %div3A_640 : i32
      %rem3A_663 = arith.constant 28 : i32
      %rem3A_664 = arith.remsi %add3A_638, %rem3A_663 : i32
      %jit3A_665 = arith.constant 3 : i32
      %div3A_666 = arith.divsi %select_n3A_662, %jit3A_665 : i32
      %sign3A_667 = arith.constant 0 : i32
      %sign3A_668 = arith.cmpi sgt, %select_n3A_662, %sign3A_667 : i32
      %sign3A_669 = arith.extui %sign3A_668 : i1 to i32
      %sign3A_670 = arith.constant 0 : i32
      %sign3A_671 = arith.cmpi slt, %select_n3A_662, %sign3A_670 : i32
      %sign3A_672 = arith.extui %sign3A_671 : i1 to i32
      %sign3A_673 = arith.subi %sign3A_669, %sign3A_672 : i32
      %sign3A_674 = arith.constant 0 : i32
      %sign3A_675 = arith.cmpi sgt, %jit3A_665, %sign3A_674 : i32
      %sign3A_676 = arith.extui %sign3A_675 : i1 to i32
      %sign3A_677 = arith.constant 0 : i32
      %sign3A_678 = arith.cmpi slt, %jit3A_665, %sign3A_677 : i32
      %sign3A_679 = arith.extui %sign3A_678 : i1 to i32
      %sign3A_680 = arith.subi %sign3A_676, %sign3A_679 : i32
      %ne3A_681 = arith.cmpi ne, %sign3A_673, %sign3A_680 : i32
      %rem3A_682 = arith.remsi %select_n3A_662, %jit3A_665 : i32
      %ne3A_683 = arith.constant 0 : i32
      %ne3A_684 = arith.cmpi ne, %rem3A_682, %ne3A_683 : i32
      %and3A_685 = arith.andi %ne3A_681, %ne3A_684 : i1
      %sub3A_686 = arith.constant 1 : i32
      %sub3A_687 = arith.subi %div3A_666, %sub3A_686 : i32
      %select_n3A_688 = arith.select %and3A_685, %sub3A_687, %div3A_666 : i32
      %rem3A_689 = arith.constant 3 : i32
      %rem3A_690 = arith.remsi %select_n3A_662, %rem3A_689 : i32
      %mul3A_691 = arith.constant 8 : i32
      %mul3A_692 = arith.muli %rem3A_664, %mul3A_691 : i32
      %dma_start3A_693 = arith.constant 3 : i32
      %dma_start3A_694 = arith.constant 0 : i32
      %dma_start3A_695 = arith.constant 0 : i32
      %dma_start3A_696 = tpu.memref_slice %arg5[%dma_start3A_693, %dma_start3A_694, %dma_start3A_695] : memref<21x8x224xf32, #tpu.memory_space<vmem>> -> memref<1x8x224xf32, #tpu.memory_space<vmem>>
      %dma_start3A_697 = tpu.memref_squeeze %dma_start3A_696 : memref<1x8x224xf32, #tpu.memory_space<vmem>> -> memref<8x224xf32, #tpu.memory_space<vmem>>
      %dma_start3A_698 = arith.constant 0 : i32
      %dma_start3A_699 = tpu.memref_slice %arg2[%select_n3A_688, %rem3A_690, %mul3A_692, %dma_start3A_698] : memref<4x3x224x224xf32, #tpu.memory_space<hbm>> -> memref<1x1x8x224xf32, #tpu.memory_space<hbm>>
      %dma_start3A_700 = tpu.memref_squeeze %dma_start3A_699 : memref<1x1x8x224xf32, #tpu.memory_space<hbm>> -> memref<8x224xf32, #tpu.memory_space<hbm>>
      %dma_start3A_701 = arith.constant 0 : i32
      %dma_start3A_702 = arith.constant 0 : i32
      %dma_start3A_703 = tpu.memref_slice %arg5[%dma_start3A_693, %dma_start3A_701, %dma_start3A_702] : memref<21x8x224xf32, #tpu.memory_space<vmem>> -> memref<1x8x224xf32, #tpu.memory_space<vmem>>
      %dma_start3A_704 = tpu.memref_squeeze %dma_start3A_703 : memref<1x8x224xf32, #tpu.memory_space<vmem>> -> memref<8x224xf32, #tpu.memory_space<vmem>>
      %dma_start3A_705 = arith.constant 0 : i32
      %dma_start3A_706 = tpu.memref_slice %arg2[%select_n3A_688, %rem3A_690, %mul3A_692, %dma_start3A_705] : memref<4x3x224x224xf32, #tpu.memory_space<hbm>> -> memref<1x1x8x224xf32, #tpu.memory_space<hbm>>
      %dma_start3A_707 = tpu.memref_squeeze %dma_start3A_706 : memref<1x1x8x224xf32, #tpu.memory_space<hbm>> -> memref<8x224xf32, #tpu.memory_space<hbm>>
      tpu.enqueue_dma source(%dma_start3A_707 : memref<8x224xf32, #tpu.memory_space<hbm>>) target(%dma_start3A_704 : memref<8x224xf32, #tpu.memory_space<vmem>>) target_semaphore(%arg8 : memref<!tpu.dma_semaphore, #tpu.memory_space<semaphore_mem>>)
      %mul3A_708 = arith.constant 21 : i32
      %mul3A_709 = arith.muli %rem3A_1, %mul3A_708 : i32
      %add3A_710 = arith.constant 4 : i32
      %add3A_711 = arith.addi %mul3A_709, %add3A_710 : i32
      %jit3A_712 = arith.constant 28 : i32
      %div3A_713 = arith.divsi %add3A_711, %jit3A_712 : i32
      %sign3A_714 = arith.constant 0 : i32
      %sign3A_715 = arith.cmpi sgt, %add3A_711, %sign3A_714 : i32
      %sign3A_716 = arith.extui %sign3A_715 : i1 to i32
      %sign3A_717 = arith.constant 0 : i32
      %sign3A_718 = arith.cmpi slt, %add3A_711, %sign3A_717 : i32
      %sign3A_719 = arith.extui %sign3A_718 : i1 to i32
      %sign3A_720 = arith.subi %sign3A_716, %sign3A_719 : i32
      %sign3A_721 = arith.constant 0 : i32
      %sign3A_722 = arith.cmpi sgt, %jit3A_712, %sign3A_721 : i32
      %sign3A_723 = arith.extui %sign3A_722 : i1 to i32
      %sign3A_724 = arith.constant 0 : i32
      %sign3A_725 = arith.cmpi slt, %jit3A_712, %sign3A_724 : i32
      %sign3A_726 = arith.extui %sign3A_725 : i1 to i32
      %sign3A_727 = arith.subi %sign3A_723, %sign3A_726 : i32
      %ne3A_728 = arith.cmpi ne, %sign3A_720, %sign3A_727 : i32
      %rem3A_729 = arith.remsi %add3A_711, %jit3A_712 : i32
      %ne3A_730 = arith.constant 0 : i32
      %ne3A_731 = arith.cmpi ne, %rem3A_729, %ne3A_730 : i32
      %and3A_732 = arith.andi %ne3A_728, %ne3A_731 : i1
      %sub3A_733 = arith.constant 1 : i32
      %sub3A_734 = arith.subi %div3A_713, %sub3A_733 : i32
      %select_n3A_735 = arith.select %and3A_732, %sub3A_734, %div3A_713 : i32
      %rem3A_736 = arith.constant 28 : i32
      %rem3A_737 = arith.remsi %add3A_711, %rem3A_736 : i32
      %jit3A_738 = arith.constant 3 : i32
      %div3A_739 = arith.divsi %select_n3A_735, %jit3A_738 : i32
      %sign3A_740 = arith.constant 0 : i32
      %sign3A_741 = arith.cmpi sgt, %select_n3A_735, %sign3A_740 : i32
      %sign3A_742 = arith.extui %sign3A_741 : i1 to i32
      %sign3A_743 = arith.constant 0 : i32
      %sign3A_744 = arith.cmpi slt, %select_n3A_735, %sign3A_743 : i32
      %sign3A_745 = arith.extui %sign3A_744 : i1 to i32
      %sign3A_746 = arith.subi %sign3A_742, %sign3A_745 : i32
      %sign3A_747 = arith.constant 0 : i32
      %sign3A_748 = arith.cmpi sgt, %jit3A_738, %sign3A_747 : i32
      %sign3A_749 = arith.extui %sign3A_748 : i1 to i32
      %sign3A_750 = arith.constant 0 : i32
      %sign3A_751 = arith.cmpi slt, %jit3A_738, %sign3A_750 : i32
      %sign3A_752 = arith.extui %sign3A_751 : i1 to i32
      %sign3A_753 = arith.subi %sign3A_749, %sign3A_752 : i32
      %ne3A_754 = arith.cmpi ne, %sign3A_746, %sign3A_753 : i32
      %rem3A_755 = arith.remsi %select_n3A_735, %jit3A_738 : i32
      %ne3A_756 = arith.constant 0 : i32
      %ne3A_757 = arith.cmpi ne, %rem3A_755, %ne3A_756 : i32
      %and3A_758 = arith.andi %ne3A_754, %ne3A_757 : i1
      %sub3A_759 = arith.constant 1 : i32
      %sub3A_760 = arith.subi %div3A_739, %sub3A_759 : i32
      %select_n3A_761 = arith.select %and3A_758, %sub3A_760, %div3A_739 : i32
      %rem3A_762 = arith.constant 3 : i32
      %rem3A_763 = arith.remsi %select_n3A_735, %rem3A_762 : i32
      %mul3A_764 = arith.constant 8 : i32
      %mul3A_765 = arith.muli %rem3A_737, %mul3A_764 : i32
      %dma_start3A_766 = arith.constant 4 : i32
      %dma_start3A_767 = arith.constant 0 : i32
      %dma_start3A_768 = arith.constant 0 : i32
      %dma_start3A_769 = tpu.memref_slice %arg5[%dma_start3A_766, %dma_start3A_767, %dma_start3A_768] : memref<21x8x224xf32, #tpu.memory_space<vmem>> -> memref<1x8x224xf32, #tpu.memory_space<vmem>>
      %dma_start3A_770 = tpu.memref_squeeze %dma_start3A_769 : memref<1x8x224xf32, #tpu.memory_space<vmem>> -> memref<8x224xf32, #tpu.memory_space<vmem>>
      %dma_start3A_771 = arith.constant 0 : i32
      %dma_start3A_772 = tpu.memref_slice %arg2[%select_n3A_761, %rem3A_763, %mul3A_765, %dma_start3A_771] : memref<4x3x224x224xf32, #tpu.memory_space<hbm>> -> memref<1x1x8x224xf32, #tpu.memory_space<hbm>>
      %dma_start3A_773 = tpu.memref_squeeze %dma_start3A_772 : memref<1x1x8x224xf32, #tpu.memory_space<hbm>> -> memref<8x224xf32, #tpu.memory_space<hbm>>
      %dma_start3A_774 = arith.constant 0 : i32
      %dma_start3A_775 = arith.constant 0 : i32
      %dma_start3A_776 = tpu.memref_slice %arg5[%dma_start3A_766, %dma_start3A_774, %dma_start3A_775] : memref<21x8x224xf32, #tpu.memory_space<vmem>> -> memref<1x8x224xf32, #tpu.memory_space<vmem>>
      %dma_start3A_777 = tpu.memref_squeeze %dma_start3A_776 : memref<1x8x224xf32, #tpu.memory_space<vmem>> -> memref<8x224xf32, #tpu.memory_space<vmem>>
      %dma_start3A_778 = arith.constant 0 : i32
      %dma_start3A_779 = tpu.memref_slice %arg2[%select_n3A_761, %rem3A_763, %mul3A_765, %dma_start3A_778] : memref<4x3x224x224xf32, #tpu.memory_space<hbm>> -> memref<1x1x8x224xf32, #tpu.memory_space<hbm>>
      %dma_start3A_780 = tpu.memref_squeeze %dma_start3A_779 : memref<1x1x8x224xf32, #tpu.memory_space<hbm>> -> memref<8x224xf32, #tpu.memory_space<hbm>>
      tpu.enqueue_dma source(%dma_start3A_780 : memref<8x224xf32, #tpu.memory_space<hbm>>) target(%dma_start3A_777 : memref<8x224xf32, #tpu.memory_space<vmem>>) target_semaphore(%arg8 : memref<!tpu.dma_semaphore, #tpu.memory_space<semaphore_mem>>)
      %mul3A_781 = arith.constant 21 : i32
      %mul3A_782 = arith.muli %rem3A_1, %mul3A_781 : i32
      %add3A_783 = arith.constant 5 : i32
      %add3A_784 = arith.addi %mul3A_782, %add3A_783 : i32
      %jit3A_785 = arith.constant 28 : i32
      %div3A_786 = arith.divsi %add3A_784, %jit3A_785 : i32
      %sign3A_787 = arith.constant 0 : i32
      %sign3A_788 = arith.cmpi sgt, %add3A_784, %sign3A_787 : i32
      %sign3A_789 = arith.extui %sign3A_788 : i1 to i32
      %sign3A_790 = arith.constant 0 : i32
      %sign3A_791 = arith.cmpi slt, %add3A_784, %sign3A_790 : i32
      %sign3A_792 = arith.extui %sign3A_791 : i1 to i32
      %sign3A_793 = arith.subi %sign3A_789, %sign3A_792 : i32
      %sign3A_794 = arith.constant 0 : i32
      %sign3A_795 = arith.cmpi sgt, %jit3A_785, %sign3A_794 : i32
      %sign3A_796 = arith.extui %sign3A_795 : i1 to i32
      %sign3A_797 = arith.constant 0 : i32
      %sign3A_798 = arith.cmpi slt, %jit3A_785, %sign3A_797 : i32
      %sign3A_799 = arith.extui %sign3A_798 : i1 to i32
      %sign3A_800 = arith.subi %sign3A_796, %sign3A_799 : i32
      %ne3A_801 = arith.cmpi ne, %sign3A_793, %sign3A_800 : i32
      %rem3A_802 = arith.remsi %add3A_784, %jit3A_785 : i32
      %ne3A_803 = arith.constant 0 : i32
      %ne3A_804 = arith.cmpi ne, %rem3A_802, %ne3A_803 : i32
      %and3A_805 = arith.andi %ne3A_801, %ne3A_804 : i1
      %sub3A_806 = arith.constant 1 : i32
      %sub3A_807 = arith.subi %div3A_786, %sub3A_806 : i32
      %select_n3A_808 = arith.select %and3A_805, %sub3A_807, %div3A_786 : i32
      %rem3A_809 = arith.constant 28 : i32
      %rem3A_810 = arith.remsi %add3A_784, %rem3A_809 : i32
      %jit3A_811 = arith.constant 3 : i32
      %div3A_812 = arith.divsi %select_n3A_808, %jit3A_811 : i32
      %sign3A_813 = arith.constant 0 : i32
      %sign3A_814 = arith.cmpi sgt, %select_n3A_808, %sign3A_813 : i32
      %sign3A_815 = arith.extui %sign3A_814 : i1 to i32
      %sign3A_816 = arith.constant 0 : i32
      %sign3A_817 = arith.cmpi slt, %select_n3A_808, %sign3A_816 : i32
      %sign3A_818 = arith.extui %sign3A_817 : i1 to i32
      %sign3A_819 = arith.subi %sign3A_815, %sign3A_818 : i32
      %sign3A_820 = arith.constant 0 : i32
      %sign3A_821 = arith.cmpi sgt, %jit3A_811, %sign3A_820 : i32
      %sign3A_822 = arith.extui %sign3A_821 : i1 to i32
      %sign3A_823 = arith.constant 0 : i32
      %sign3A_824 = arith.cmpi slt, %jit3A_811, %sign3A_823 : i32
      %sign3A_825 = arith.extui %sign3A_824 : i1 to i32
      %sign3A_826 = arith.subi %sign3A_822, %sign3A_825 : i32
      %ne3A_827 = arith.cmpi ne, %sign3A_819, %sign3A_826 : i32
      %rem3A_828 = arith.remsi %select_n3A_808, %jit3A_811 : i32
      %ne3A_829 = arith.constant 0 : i32
      %ne3A_830 = arith.cmpi ne, %rem3A_828, %ne3A_829 : i32
      %and3A_831 = arith.andi %ne3A_827, %ne3A_830 : i1
      %sub3A_832 = arith.constant 1 : i32
      %sub3A_833 = arith.subi %div3A_812, %sub3A_832 : i32
      %select_n3A_834 = arith.select %and3A_831, %sub3A_833, %div3A_812 : i32
      %rem3A_835 = arith.constant 3 : i32
      %rem3A_836 = arith.remsi %select_n3A_808, %rem3A_835 : i32
      %mul3A_837 = arith.constant 8 : i32
      %mul3A_838 = arith.muli %rem3A_810, %mul3A_837 : i32
      %dma_start3A_839 = arith.constant 5 : i32
      %dma_start3A_840 = arith.constant 0 : i32
      %dma_start3A_841 = arith.constant 0 : i32
      %dma_start3A_842 = tpu.memref_slice %arg5[%dma_start3A_839, %dma_start3A_840, %dma_start3A_841] : memref<21x8x224xf32, #tpu.memory_space<vmem>> -> memref<1x8x224xf32, #tpu.memory_space<vmem>>
      %dma_start3A_843 = tpu.memref_squeeze %dma_start3A_842 : memref<1x8x224xf32, #tpu.memory_space<vmem>> -> memref<8x224xf32, #tpu.memory_space<vmem>>
      %dma_start3A_844 = arith.constant 0 : i32
      %dma_start3A_845 = tpu.memref_slice %arg2[%select_n3A_834, %rem3A_836, %mul3A_838, %dma_start3A_844] : memref<4x3x224x224xf32, #tpu.memory_space<hbm>> -> memref<1x1x8x224xf32, #tpu.memory_space<hbm>>
      %dma_start3A_846 = tpu.memref_squeeze %dma_start3A_845 : memref<1x1x8x224xf32, #tpu.memory_space<hbm>> -> memref<8x224xf32, #tpu.memory_space<hbm>>
      %dma_start3A_847 = arith.constant 0 : i32
      %dma_start3A_848 = arith.constant 0 : i32
      %dma_start3A_849 = tpu.memref_slice %arg5[%dma_start3A_839, %dma_start3A_847, %dma_start3A_848] : memref<21x8x224xf32, #tpu.memory_space<vmem>> -> memref<1x8x224xf32, #tpu.memory_space<vmem>>
      %dma_start3A_850 = tpu.memref_squeeze %dma_start3A_849 : memref<1x8x224xf32, #tpu.memory_space<vmem>> -> memref<8x224xf32, #tpu.memory_space<vmem>>
      %dma_start3A_851 = arith.constant 0 : i32
      %dma_start3A_852 = tpu.memref_slice %arg2[%select_n3A_834, %rem3A_836, %mul3A_838, %dma_start3A_851] : memref<4x3x224x224xf32, #tpu.memory_space<hbm>> -> memref<1x1x8x224xf32, #tpu.memory_space<hbm>>
      %dma_start3A_853 = tpu.memref_squeeze %dma_start3A_852 : memref<1x1x8x224xf32, #tpu.memory_space<hbm>> -> memref<8x224xf32, #tpu.memory_space<hbm>>
      tpu.enqueue_dma source(%dma_start3A_853 : memref<8x224xf32, #tpu.memory_space<hbm>>) target(%dma_start3A_850 : memref<8x224xf32, #tpu.memory_space<vmem>>) target_semaphore(%arg8 : memref<!tpu.dma_semaphore, #tpu.memory_space<semaphore_mem>>)
      %mul3A_854 = arith.constant 21 : i32
      %mul3A_855 = arith.muli %rem3A_1, %mul3A_854 : i32
      %add3A_856 = arith.constant 6 : i32
      %add3A_857 = arith.addi %mul3A_855, %add3A_856 : i32
      %jit3A_858 = arith.constant 28 : i32
      %div3A_859 = arith.divsi %add3A_857, %jit3A_858 : i32
      %sign3A_860 = arith.constant 0 : i32
      %sign3A_861 = arith.cmpi sgt, %add3A_857, %sign3A_860 : i32
      %sign3A_862 = arith.extui %sign3A_861 : i1 to i32
      %sign3A_863 = arith.constant 0 : i32
      %sign3A_864 = arith.cmpi slt, %add3A_857, %sign3A_863 : i32
      %sign3A_865 = arith.extui %sign3A_864 : i1 to i32
      %sign3A_866 = arith.subi %sign3A_862, %sign3A_865 : i32
      %sign3A_867 = arith.constant 0 : i32
      %sign3A_868 = arith.cmpi sgt, %jit3A_858, %sign3A_867 : i32
      %sign3A_869 = arith.extui %sign3A_868 : i1 to i32
      %sign3A_870 = arith.constant 0 : i32
      %sign3A_871 = arith.cmpi slt, %jit3A_858, %sign3A_870 : i32
      %sign3A_872 = arith.extui %sign3A_871 : i1 to i32
      %sign3A_873 = arith.subi %sign3A_869, %sign3A_872 : i32
      %ne3A_874 = arith.cmpi ne, %sign3A_866, %sign3A_873 : i32
      %rem3A_875 = arith.remsi %add3A_857, %jit3A_858 : i32
      %ne3A_876 = arith.constant 0 : i32
      %ne3A_877 = arith.cmpi ne, %rem3A_875, %ne3A_876 : i32
      %and3A_878 = arith.andi %ne3A_874, %ne3A_877 : i1
      %sub3A_879 = arith.constant 1 : i32
      %sub3A_880 = arith.subi %div3A_859, %sub3A_879 : i32
      %select_n3A_881 = arith.select %and3A_878, %sub3A_880, %div3A_859 : i32
      %rem3A_882 = arith.constant 28 : i32
      %rem3A_883 = arith.remsi %add3A_857, %rem3A_882 : i32
      %jit3A_884 = arith.constant 3 : i32
      %div3A_885 = arith.divsi %select_n3A_881, %jit3A_884 : i32
      %sign3A_886 = arith.constant 0 : i32
      %sign3A_887 = arith.cmpi sgt, %select_n3A_881, %sign3A_886 : i32
      %sign3A_888 = arith.extui %sign3A_887 : i1 to i32
      %sign3A_889 = arith.constant 0 : i32
      %sign3A_890 = arith.cmpi slt, %select_n3A_881, %sign3A_889 : i32
      %sign3A_891 = arith.extui %sign3A_890 : i1 to i32
      %sign3A_892 = arith.subi %sign3A_888, %sign3A_891 : i32
      %sign3A_893 = arith.constant 0 : i32
      %sign3A_894 = arith.cmpi sgt, %jit3A_884, %sign3A_893 : i32
      %sign3A_895 = arith.extui %sign3A_894 : i1 to i32
      %sign3A_896 = arith.constant 0 : i32
      %sign3A_897 = arith.cmpi slt, %jit3A_884, %sign3A_896 : i32
      %sign3A_898 = arith.extui %sign3A_897 : i1 to i32
      %sign3A_899 = arith.subi %sign3A_895, %sign3A_898 : i32
      %ne3A_900 = arith.cmpi ne, %sign3A_892, %sign3A_899 : i32
      %rem3A_901 = arith.remsi %select_n3A_881, %jit3A_884 : i32
      %ne3A_902 = arith.constant 0 : i32
      %ne3A_903 = arith.cmpi ne, %rem3A_901, %ne3A_902 : i32
      %and3A_904 = arith.andi %ne3A_900, %ne3A_903 : i1
      %sub3A_905 = arith.constant 1 : i32
      %sub3A_906 = arith.subi %div3A_885, %sub3A_905 : i32
      %select_n3A_907 = arith.select %and3A_904, %sub3A_906, %div3A_885 : i32
      %rem3A_908 = arith.constant 3 : i32
      %rem3A_909 = arith.remsi %select_n3A_881, %rem3A_908 : i32
      %mul3A_910 = arith.constant 8 : i32
      %mul3A_911 = arith.muli %rem3A_883, %mul3A_910 : i32
      %dma_start3A_912 = arith.constant 6 : i32
      %dma_start3A_913 = arith.constant 0 : i32
      %dma_start3A_914 = arith.constant 0 : i32
      %dma_start3A_915 = tpu.memref_slice %arg5[%dma_start3A_912, %dma_start3A_913, %dma_start3A_914] : memref<21x8x224xf32, #tpu.memory_space<vmem>> -> memref<1x8x224xf32, #tpu.memory_space<vmem>>
      %dma_start3A_916 = tpu.memref_squeeze %dma_start3A_915 : memref<1x8x224xf32, #tpu.memory_space<vmem>> -> memref<8x224xf32, #tpu.memory_space<vmem>>
      %dma_start3A_917 = arith.constant 0 : i32
      %dma_start3A_918 = tpu.memref_slice %arg2[%select_n3A_907, %rem3A_909, %mul3A_911, %dma_start3A_917] : memref<4x3x224x224xf32, #tpu.memory_space<hbm>> -> memref<1x1x8x224xf32, #tpu.memory_space<hbm>>
      %dma_start3A_919 = tpu.memref_squeeze %dma_start3A_918 : memref<1x1x8x224xf32, #tpu.memory_space<hbm>> -> memref<8x224xf32, #tpu.memory_space<hbm>>
      %dma_start3A_920 = arith.constant 0 : i32
      %dma_start3A_921 = arith.constant 0 : i32
      %dma_start3A_922 = tpu.memref_slice %arg5[%dma_start3A_912, %dma_start3A_920, %dma_start3A_921] : memref<21x8x224xf32, #tpu.memory_space<vmem>> -> memref<1x8x224xf32, #tpu.memory_space<vmem>>
      %dma_start3A_923 = tpu.memref_squeeze %dma_start3A_922 : memref<1x8x224xf32, #tpu.memory_space<vmem>> -> memref<8x224xf32, #tpu.memory_space<vmem>>
      %dma_start3A_924 = arith.constant 0 : i32
      %dma_start3A_925 = tpu.memref_slice %arg2[%select_n3A_907, %rem3A_909, %mul3A_911, %dma_start3A_924] : memref<4x3x224x224xf32, #tpu.memory_space<hbm>> -> memref<1x1x8x224xf32, #tpu.memory_space<hbm>>
      %dma_start3A_926 = tpu.memref_squeeze %dma_start3A_925 : memref<1x1x8x224xf32, #tpu.memory_space<hbm>> -> memref<8x224xf32, #tpu.memory_space<hbm>>
      tpu.enqueue_dma source(%dma_start3A_926 : memref<8x224xf32, #tpu.memory_space<hbm>>) target(%dma_start3A_923 : memref<8x224xf32, #tpu.memory_space<vmem>>) target_semaphore(%arg8 : memref<!tpu.dma_semaphore, #tpu.memory_space<semaphore_mem>>)
      %mul3A_927 = arith.constant 21 : i32
      %mul3A_928 = arith.muli %rem3A_1, %mul3A_927 : i32
      %add3A_929 = arith.constant 7 : i32
      %add3A_930 = arith.addi %mul3A_928, %add3A_929 : i32
      %jit3A_931 = arith.constant 28 : i32
      %div3A_932 = arith.divsi %add3A_930, %jit3A_931 : i32
      %sign3A_933 = arith.constant 0 : i32
      %sign3A_934 = arith.cmpi sgt, %add3A_930, %sign3A_933 : i32
      %sign3A_935 = arith.extui %sign3A_934 : i1 to i32
      %sign3A_936 = arith.constant 0 : i32
      %sign3A_937 = arith.cmpi slt, %add3A_930, %sign3A_936 : i32
      %sign3A_938 = arith.extui %sign3A_937 : i1 to i32
      %sign3A_939 = arith.subi %sign3A_935, %sign3A_938 : i32
      %sign3A_940 = arith.constant 0 : i32
      %sign3A_941 = arith.cmpi sgt, %jit3A_931, %sign3A_940 : i32
      %sign3A_942 = arith.extui %sign3A_941 : i1 to i32
      %sign3A_943 = arith.constant 0 : i32
      %sign3A_944 = arith.cmpi slt, %jit3A_931, %sign3A_943 : i32
      %sign3A_945 = arith.extui %sign3A_944 : i1 to i32
      %sign3A_946 = arith.subi %sign3A_942, %sign3A_945 : i32
      %ne3A_947 = arith.cmpi ne, %sign3A_939, %sign3A_946 : i32
      %rem3A_948 = arith.remsi %add3A_930, %jit3A_931 : i32
      %ne3A_949 = arith.constant 0 : i32
      %ne3A_950 = arith.cmpi ne, %rem3A_948, %ne3A_949 : i32
      %and3A_951 = arith.andi %ne3A_947, %ne3A_950 : i1
      %sub3A_952 = arith.constant 1 : i32
      %sub3A_953 = arith.subi %div3A_932, %sub3A_952 : i32
      %select_n3A_954 = arith.select %and3A_951, %sub3A_953, %div3A_932 : i32
      %rem3A_955 = arith.constant 28 : i32
      %rem3A_956 = arith.remsi %add3A_930, %rem3A_955 : i32
      %jit3A_957 = arith.constant 3 : i32
      %div3A_958 = arith.divsi %select_n3A_954, %jit3A_957 : i32
      %sign3A_959 = arith.constant 0 : i32
      %sign3A_960 = arith.cmpi sgt, %select_n3A_954, %sign3A_959 : i32
      %sign3A_961 = arith.extui %sign3A_960 : i1 to i32
      %sign3A_962 = arith.constant 0 : i32
      %sign3A_963 = arith.cmpi slt, %select_n3A_954, %sign3A_962 : i32
      %sign3A_964 = arith.extui %sign3A_963 : i1 to i32
      %sign3A_965 = arith.subi %sign3A_961, %sign3A_964 : i32
      %sign3A_966 = arith.constant 0 : i32
      %sign3A_967 = arith.cmpi sgt, %jit3A_957, %sign3A_966 : i32
      %sign3A_968 = arith.extui %sign3A_967 : i1 to i32
      %sign3A_969 = arith.constant 0 : i32
      %sign3A_970 = arith.cmpi slt, %jit3A_957, %sign3A_969 : i32
      %sign3A_971 = arith.extui %sign3A_970 : i1 to i32
      %sign3A_972 = arith.subi %sign3A_968, %sign3A_971 : i32
      %ne3A_973 = arith.cmpi ne, %sign3A_965, %sign3A_972 : i32
      %rem3A_974 = arith.remsi %select_n3A_954, %jit3A_957 : i32
      %ne3A_975 = arith.constant 0 : i32
      %ne3A_976 = arith.cmpi ne, %rem3A_974, %ne3A_975 : i32
      %and3A_977 = arith.andi %ne3A_973, %ne3A_976 : i1
      %sub3A_978 = arith.constant 1 : i32
      %sub3A_979 = arith.subi %div3A_958, %sub3A_978 : i32
      %select_n3A_980 = arith.select %and3A_977, %sub3A_979, %div3A_958 : i32
      %rem3A_981 = arith.constant 3 : i32
      %rem3A_982 = arith.remsi %select_n3A_954, %rem3A_981 : i32
      %mul3A_983 = arith.constant 8 : i32
      %mul3A_984 = arith.muli %rem3A_956, %mul3A_983 : i32
      %dma_start3A_985 = arith.constant 7 : i32
      %dma_start3A_986 = arith.constant 0 : i32
      %dma_start3A_987 = arith.constant 0 : i32
      %dma_start3A_988 = tpu.memref_slice %arg5[%dma_start3A_985, %dma_start3A_986, %dma_start3A_987] : memref<21x8x224xf32, #tpu.memory_space<vmem>> -> memref<1x8x224xf32, #tpu.memory_space<vmem>>
      %dma_start3A_989 = tpu.memref_squeeze %dma_start3A_988 : memref<1x8x224xf32, #tpu.memory_space<vmem>> -> memref<8x224xf32, #tpu.memory_space<vmem>>
      %dma_start3A_990 = arith.constant 0 : i32
      %dma_start3A_991 = tpu.memref_slice %arg2[%select_n3A_980, %rem3A_982, %mul3A_984, %dma_start3A_990] : memref<4x3x224x224xf32, #tpu.memory_space<hbm>> -> memref<1x1x8x224xf32, #tpu.memory_space<hbm>>
      %dma_start3A_992 = tpu.memref_squeeze %dma_start3A_991 : memref<1x1x8x224xf32, #tpu.memory_space<hbm>> -> memref<8x224xf32, #tpu.memory_space<hbm>>
      %dma_start3A_993 = arith.constant 0 : i32
      %dma_start3A_994 = arith.constant 0 : i32
      %dma_start3A_995 = tpu.memref_slice %arg5[%dma_start3A_985, %dma_start3A_993, %dma_start3A_994] : memref<21x8x224xf32, #tpu.memory_space<vmem>> -> memref<1x8x224xf32, #tpu.memory_space<vmem>>
      %dma_start3A_996 = tpu.memref_squeeze %dma_start3A_995 : memref<1x8x224xf32, #tpu.memory_space<vmem>> -> memref<8x224xf32, #tpu.memory_space<vmem>>
      %dma_start3A_997 = arith.constant 0 : i32
      %dma_start3A_998 = tpu.memref_slice %arg2[%select_n3A_980, %rem3A_982, %mul3A_984, %dma_start3A_997] : memref<4x3x224x224xf32, #tpu.memory_space<hbm>> -> memref<1x1x8x224xf32, #tpu.memory_space<hbm>>
      %dma_start3A_999 = tpu.memref_squeeze %dma_start3A_998 : memref<1x1x8x224xf32, #tpu.memory_space<hbm>> -> memref<8x224xf32, #tpu.memory_space<hbm>>
      tpu.enqueue_dma source(%dma_start3A_999 : memref<8x224xf32, #tpu.memory_space<hbm>>) target(%dma_start3A_996 : memref<8x224xf32, #tpu.memory_space<vmem>>) target_semaphore(%arg8 : memref<!tpu.dma_semaphore, #tpu.memory_space<semaphore_mem>>)
      %mul3A_1000 = arith.constant 21 : i32
      %mul3A_1001 = arith.muli %rem3A_1, %mul3A_1000 : i32
      %add3A_1002 = arith.constant 8 : i32
      %add3A_1003 = arith.addi %mul3A_1001, %add3A_1002 : i32
      %jit3A_1004 = arith.constant 28 : i32
      %div3A_1005 = arith.divsi %add3A_1003, %jit3A_1004 : i32
      %sign3A_1006 = arith.constant 0 : i32
      %sign3A_1007 = arith.cmpi sgt, %add3A_1003, %sign3A_1006 : i32
      %sign3A_1008 = arith.extui %sign3A_1007 : i1 to i32
      %sign3A_1009 = arith.constant 0 : i32
      %sign3A_1010 = arith.cmpi slt, %add3A_1003, %sign3A_1009 : i32
      %sign3A_1011 = arith.extui %sign3A_1010 : i1 to i32
      %sign3A_1012 = arith.subi %sign3A_1008, %sign3A_1011 : i32
      %sign3A_1013 = arith.constant 0 : i32
      %sign3A_1014 = arith.cmpi sgt, %jit3A_1004, %sign3A_1013 : i32
      %sign3A_1015 = arith.extui %sign3A_1014 : i1 to i32
      %sign3A_1016 = arith.constant 0 : i32
      %sign3A_1017 = arith.cmpi slt, %jit3A_1004, %sign3A_1016 : i32
      %sign3A_1018 = arith.extui %sign3A_1017 : i1 to i32
      %sign3A_1019 = arith.subi %sign3A_1015, %sign3A_1018 : i32
      %ne3A_1020 = arith.cmpi ne, %sign3A_1012, %sign3A_1019 : i32
      %rem3A_1021 = arith.remsi %add3A_1003, %jit3A_1004 : i32
      %ne3A_1022 = arith.constant 0 : i32
      %ne3A_1023 = arith.cmpi ne, %rem3A_1021, %ne3A_1022 : i32
      %and3A_1024 = arith.andi %ne3A_1020, %ne3A_1023 : i1
      %sub3A_1025 = arith.constant 1 : i32
      %sub3A_1026 = arith.subi %div3A_1005, %sub3A_1025 : i32
      %select_n3A_1027 = arith.select %and3A_1024, %sub3A_1026, %div3A_1005 : i32
      %rem3A_1028 = arith.constant 28 : i32
      %rem3A_1029 = arith.remsi %add3A_1003, %rem3A_1028 : i32
      %jit3A_1030 = arith.constant 3 : i32
      %div3A_1031 = arith.divsi %select_n3A_1027, %jit3A_1030 : i32
      %sign3A_1032 = arith.constant 0 : i32
      %sign3A_1033 = arith.cmpi sgt, %select_n3A_1027, %sign3A_1032 : i32
      %sign3A_1034 = arith.extui %sign3A_1033 : i1 to i32
      %sign3A_1035 = arith.constant 0 : i32
      %sign3A_1036 = arith.cmpi slt, %select_n3A_1027, %sign3A_1035 : i32
      %sign3A_1037 = arith.extui %sign3A_1036 : i1 to i32
      %sign3A_1038 = arith.subi %sign3A_1034, %sign3A_1037 : i32
      %sign3A_1039 = arith.constant 0 : i32
      %sign3A_1040 = arith.cmpi sgt, %jit3A_1030, %sign3A_1039 : i32
      %sign3A_1041 = arith.extui %sign3A_1040 : i1 to i32
      %sign3A_1042 = arith.constant 0 : i32
      %sign3A_1043 = arith.cmpi slt, %jit3A_1030, %sign3A_1042 : i32
      %sign3A_1044 = arith.extui %sign3A_1043 : i1 to i32
      %sign3A_1045 = arith.subi %sign3A_1041, %sign3A_1044 : i32
      %ne3A_1046 = arith.cmpi ne, %sign3A_1038, %sign3A_1045 : i32
      %rem3A_1047 = arith.remsi %select_n3A_1027, %jit3A_1030 : i32
      %ne3A_1048 = arith.constant 0 : i32
      %ne3A_1049 = arith.cmpi ne, %rem3A_1047, %ne3A_1048 : i32
      %and3A_1050 = arith.andi %ne3A_1046, %ne3A_1049 : i1
      %sub3A_1051 = arith.constant 1 : i32
      %sub3A_1052 = arith.subi %div3A_1031, %sub3A_1051 : i32
      %select_n3A_1053 = arith.select %and3A_1050, %sub3A_1052, %div3A_1031 : i32
      %rem3A_1054 = arith.constant 3 : i32
      %rem3A_1055 = arith.remsi %select_n3A_1027, %rem3A_1054 : i32
      %mul3A_1056 = arith.constant 8 : i32
      %mul3A_1057 = arith.muli %rem3A_1029, %mul3A_1056 : i32
      %dma_start3A_1058 = arith.constant 8 : i32
      %dma_start3A_1059 = arith.constant 0 : i32
      %dma_start3A_1060 = arith.constant 0 : i32
      %dma_start3A_1061 = tpu.memref_slice %arg5[%dma_start3A_1058, %dma_start3A_1059, %dma_start3A_1060] : memref<21x8x224xf32, #tpu.memory_space<vmem>> -> memref<1x8x224xf32, #tpu.memory_space<vmem>>
      %dma_start3A_1062 = tpu.memref_squeeze %dma_start3A_1061 : memref<1x8x224xf32, #tpu.memory_space<vmem>> -> memref<8x224xf32, #tpu.memory_space<vmem>>
      %dma_start3A_1063 = arith.constant 0 : i32
      %dma_start3A_1064 = tpu.memref_slice %arg2[%select_n3A_1053, %rem3A_1055, %mul3A_1057, %dma_start3A_1063] : memref<4x3x224x224xf32, #tpu.memory_space<hbm>> -> memref<1x1x8x224xf32, #tpu.memory_space<hbm>>
      %dma_start3A_1065 = tpu.memref_squeeze %dma_start3A_1064 : memref<1x1x8x224xf32, #tpu.memory_space<hbm>> -> memref<8x224xf32, #tpu.memory_space<hbm>>
      %dma_start3A_1066 = arith.constant 0 : i32
      %dma_start3A_1067 = arith.constant 0 : i32
      %dma_start3A_1068 = tpu.memref_slice %arg5[%dma_start3A_1058, %dma_start3A_1066, %dma_start3A_1067] : memref<21x8x224xf32, #tpu.memory_space<vmem>> -> memref<1x8x224xf32, #tpu.memory_space<vmem>>
      %dma_start3A_1069 = tpu.memref_squeeze %dma_start3A_1068 : memref<1x8x224xf32, #tpu.memory_space<vmem>> -> memref<8x224xf32, #tpu.memory_space<vmem>>
      %dma_start3A_1070 = arith.constant 0 : i32
      %dma_start3A_1071 = tpu.memref_slice %arg2[%select_n3A_1053, %rem3A_1055, %mul3A_1057, %dma_start3A_1070] : memref<4x3x224x224xf32, #tpu.memory_space<hbm>> -> memref<1x1x8x224xf32, #tpu.memory_space<hbm>>
      %dma_start3A_1072 = tpu.memref_squeeze %dma_start3A_1071 : memref<1x1x8x224xf32, #tpu.memory_space<hbm>> -> memref<8x224xf32, #tpu.memory_space<hbm>>
      tpu.enqueue_dma source(%dma_start3A_1072 : memref<8x224xf32, #tpu.memory_space<hbm>>) target(%dma_start3A_1069 : memref<8x224xf32, #tpu.memory_space<vmem>>) target_semaphore(%arg8 : memref<!tpu.dma_semaphore, #tpu.memory_space<semaphore_mem>>)
      %mul3A_1073 = arith.constant 21 : i32
      %mul3A_1074 = arith.muli %rem3A_1, %mul3A_1073 : i32
      %add3A_1075 = arith.constant 9 : i32
      %add3A_1076 = arith.addi %mul3A_1074, %add3A_1075 : i32
      %jit3A_1077 = arith.constant 28 : i32
      %div3A_1078 = arith.divsi %add3A_1076, %jit3A_1077 : i32
      %sign3A_1079 = arith.constant 0 : i32
      %sign3A_1080 = arith.cmpi sgt, %add3A_1076, %sign3A_1079 : i32
      %sign3A_1081 = arith.extui %sign3A_1080 : i1 to i32
      %sign3A_1082 = arith.constant 0 : i32
      %sign3A_1083 = arith.cmpi slt, %add3A_1076, %sign3A_1082 : i32
      %sign3A_1084 = arith.extui %sign3A_1083 : i1 to i32
      %sign3A_1085 = arith.subi %sign3A_1081, %sign3A_1084 : i32
      %sign3A_1086 = arith.constant 0 : i32
      %sign3A_1087 = arith.cmpi sgt, %jit3A_1077, %sign3A_1086 : i32
      %sign3A_1088 = arith.extui %sign3A_1087 : i1 to i32
      %sign3A_1089 = arith.constant 0 : i32
      %sign3A_1090 = arith.cmpi slt, %jit3A_1077, %sign3A_1089 : i32
      %sign3A_1091 = arith.extui %sign3A_1090 : i1 to i32
      %sign3A_1092 = arith.subi %sign3A_1088, %sign3A_1091 : i32
      %ne3A_1093 = arith.cmpi ne, %sign3A_1085, %sign3A_1092 : i32
      %rem3A_1094 = arith.remsi %add3A_1076, %jit3A_1077 : i32
      %ne3A_1095 = arith.constant 0 : i32
      %ne3A_1096 = arith.cmpi ne, %rem3A_1094, %ne3A_1095 : i32
      %and3A_1097 = arith.andi %ne3A_1093, %ne3A_1096 : i1
      %sub3A_1098 = arith.constant 1 : i32
      %sub3A_1099 = arith.subi %div3A_1078, %sub3A_1098 : i32
      %select_n3A_1100 = arith.select %and3A_1097, %sub3A_1099, %div3A_1078 : i32
      %rem3A_1101 = arith.constant 28 : i32
      %rem3A_1102 = arith.remsi %add3A_1076, %rem3A_1101 : i32
      %jit3A_1103 = arith.constant 3 : i32
      %div3A_1104 = arith.divsi %select_n3A_1100, %jit3A_1103 : i32
      %sign3A_1105 = arith.constant 0 : i32
      %sign3A_1106 = arith.cmpi sgt, %select_n3A_1100, %sign3A_1105 : i32
      %sign3A_1107 = arith.extui %sign3A_1106 : i1 to i32
      %sign3A_1108 = arith.constant 0 : i32
      %sign3A_1109 = arith.cmpi slt, %select_n3A_1100, %sign3A_1108 : i32
      %sign3A_1110 = arith.extui %sign3A_1109 : i1 to i32
      %sign3A_1111 = arith.subi %sign3A_1107, %sign3A_1110 : i32
      %sign3A_1112 = arith.constant 0 : i32
      %sign3A_1113 = arith.cmpi sgt, %jit3A_1103, %sign3A_1112 : i32
      %sign3A_1114 = arith.extui %sign3A_1113 : i1 to i32
      %sign3A_1115 = arith.constant 0 : i32
      %sign3A_1116 = arith.cmpi slt, %jit3A_1103, %sign3A_1115 : i32
      %sign3A_1117 = arith.extui %sign3A_1116 : i1 to i32
      %sign3A_1118 = arith.subi %sign3A_1114, %sign3A_1117 : i32
      %ne3A_1119 = arith.cmpi ne, %sign3A_1111, %sign3A_1118 : i32
      %rem3A_1120 = arith.remsi %select_n3A_1100, %jit3A_1103 : i32
      %ne3A_1121 = arith.constant 0 : i32
      %ne3A_1122 = arith.cmpi ne, %rem3A_1120, %ne3A_1121 : i32
      %and3A_1123 = arith.andi %ne3A_1119, %ne3A_1122 : i1
      %sub3A_1124 = arith.constant 1 : i32
      %sub3A_1125 = arith.subi %div3A_1104, %sub3A_1124 : i32
      %select_n3A_1126 = arith.select %and3A_1123, %sub3A_1125, %div3A_1104 : i32
      %rem3A_1127 = arith.constant 3 : i32
      %rem3A_1128 = arith.remsi %select_n3A_1100, %rem3A_1127 : i32
      %mul3A_1129 = arith.constant 8 : i32
      %mul3A_1130 = arith.muli %rem3A_1102, %mul3A_1129 : i32
      %dma_start3A_1131 = arith.constant 9 : i32
      %dma_start3A_1132 = arith.constant 0 : i32
      %dma_start3A_1133 = arith.constant 0 : i32
      %dma_start3A_1134 = tpu.memref_slice %arg5[%dma_start3A_1131, %dma_start3A_1132, %dma_start3A_1133] : memref<21x8x224xf32, #tpu.memory_space<vmem>> -> memref<1x8x224xf32, #tpu.memory_space<vmem>>
      %dma_start3A_1135 = tpu.memref_squeeze %dma_start3A_1134 : memref<1x8x224xf32, #tpu.memory_space<vmem>> -> memref<8x224xf32, #tpu.memory_space<vmem>>
      %dma_start3A_1136 = arith.constant 0 : i32
      %dma_start3A_1137 = tpu.memref_slice %arg2[%select_n3A_1126, %rem3A_1128, %mul3A_1130, %dma_start3A_1136] : memref<4x3x224x224xf32, #tpu.memory_space<hbm>> -> memref<1x1x8x224xf32, #tpu.memory_space<hbm>>
      %dma_start3A_1138 = tpu.memref_squeeze %dma_start3A_1137 : memref<1x1x8x224xf32, #tpu.memory_space<hbm>> -> memref<8x224xf32, #tpu.memory_space<hbm>>
      %dma_start3A_1139 = arith.constant 0 : i32
      %dma_start3A_1140 = arith.constant 0 : i32
      %dma_start3A_1141 = tpu.memref_slice %arg5[%dma_start3A_1131, %dma_start3A_1139, %dma_start3A_1140] : memref<21x8x224xf32, #tpu.memory_space<vmem>> -> memref<1x8x224xf32, #tpu.memory_space<vmem>>
      %dma_start3A_1142 = tpu.memref_squeeze %dma_start3A_1141 : memref<1x8x224xf32, #tpu.memory_space<vmem>> -> memref<8x224xf32, #tpu.memory_space<vmem>>
      %dma_start3A_1143 = arith.constant 0 : i32
      %dma_start3A_1144 = tpu.memref_slice %arg2[%select_n3A_1126, %rem3A_1128, %mul3A_1130, %dma_start3A_1143] : memref<4x3x224x224xf32, #tpu.memory_space<hbm>> -> memref<1x1x8x224xf32, #tpu.memory_space<hbm>>
      %dma_start3A_1145 = tpu.memref_squeeze %dma_start3A_1144 : memref<1x1x8x224xf32, #tpu.memory_space<hbm>> -> memref<8x224xf32, #tpu.memory_space<hbm>>
      tpu.enqueue_dma source(%dma_start3A_1145 : memref<8x224xf32, #tpu.memory_space<hbm>>) target(%dma_start3A_1142 : memref<8x224xf32, #tpu.memory_space<vmem>>) target_semaphore(%arg8 : memref<!tpu.dma_semaphore, #tpu.memory_space<semaphore_mem>>)
      %mul3A_1146 = arith.constant 21 : i32
      %mul3A_1147 = arith.muli %rem3A_1, %mul3A_1146 : i32
      %add3A_1148 = arith.constant 10 : i32
      %add3A_1149 = arith.addi %mul3A_1147, %add3A_1148 : i32
      %jit3A_1150 = arith.constant 28 : i32
      %div3A_1151 = arith.divsi %add3A_1149, %jit3A_1150 : i32
      %sign3A_1152 = arith.constant 0 : i32
      %sign3A_1153 = arith.cmpi sgt, %add3A_1149, %sign3A_1152 : i32
      %sign3A_1154 = arith.extui %sign3A_1153 : i1 to i32
      %sign3A_1155 = arith.constant 0 : i32
      %sign3A_1156 = arith.cmpi slt, %add3A_1149, %sign3A_1155 : i32
      %sign3A_1157 = arith.extui %sign3A_1156 : i1 to i32
      %sign3A_1158 = arith.subi %sign3A_1154, %sign3A_1157 : i32
      %sign3A_1159 = arith.constant 0 : i32
      %sign3A_1160 = arith.cmpi sgt, %jit3A_1150, %sign3A_1159 : i32
      %sign3A_1161 = arith.extui %sign3A_1160 : i1 to i32
      %sign3A_1162 = arith.constant 0 : i32
      %sign3A_1163 = arith.cmpi slt, %jit3A_1150, %sign3A_1162 : i32
      %sign3A_1164 = arith.extui %sign3A_1163 : i1 to i32
      %sign3A_1165 = arith.subi %sign3A_1161, %sign3A_1164 : i32
      %ne3A_1166 = arith.cmpi ne, %sign3A_1158, %sign3A_1165 : i32
      %rem3A_1167 = arith.remsi %add3A_1149, %jit3A_1150 : i32
      %ne3A_1168 = arith.constant 0 : i32
      %ne3A_1169 = arith.cmpi ne, %rem3A_1167, %ne3A_1168 : i32
      %and3A_1170 = arith.andi %ne3A_1166, %ne3A_1169 : i1
      %sub3A_1171 = arith.constant 1 : i32
      %sub3A_1172 = arith.subi %div3A_1151, %sub3A_1171 : i32
      %select_n3A_1173 = arith.select %and3A_1170, %sub3A_1172, %div3A_1151 : i32
      %rem3A_1174 = arith.constant 28 : i32
      %rem3A_1175 = arith.remsi %add3A_1149, %rem3A_1174 : i32
      %jit3A_1176 = arith.constant 3 : i32
      %div3A_1177 = arith.divsi %select_n3A_1173, %jit3A_1176 : i32
      %sign3A_1178 = arith.constant 0 : i32
      %sign3A_1179 = arith.cmpi sgt, %select_n3A_1173, %sign3A_1178 : i32
      %sign3A_1180 = arith.extui %sign3A_1179 : i1 to i32
      %sign3A_1181 = arith.constant 0 : i32
      %sign3A_1182 = arith.cmpi slt, %select_n3A_1173, %sign3A_1181 : i32
      %sign3A_1183 = arith.extui %sign3A_1182 : i1 to i32
      %sign3A_1184 = arith.subi %sign3A_1180, %sign3A_1183 : i32
      %sign3A_1185 = arith.constant 0 : i32
      %sign3A_1186 = arith.cmpi sgt, %jit3A_1176, %sign3A_1185 : i32
      %sign3A_1187 = arith.extui %sign3A_1186 : i1 to i32
      %sign3A_1188 = arith.constant 0 : i32
      %sign3A_1189 = arith.cmpi slt, %jit3A_1176, %sign3A_1188 : i32
      %sign3A_1190 = arith.extui %sign3A_1189 : i1 to i32
      %sign3A_1191 = arith.subi %sign3A_1187, %sign3A_1190 : i32
      %ne3A_1192 = arith.cmpi ne, %sign3A_1184, %sign3A_1191 : i32
      %rem3A_1193 = arith.remsi %select_n3A_1173, %jit3A_1176 : i32
      %ne3A_1194 = arith.constant 0 : i32
      %ne3A_1195 = arith.cmpi ne, %rem3A_1193, %ne3A_1194 : i32
      %and3A_1196 = arith.andi %ne3A_1192, %ne3A_1195 : i1
      %sub3A_1197 = arith.constant 1 : i32
      %sub3A_1198 = arith.subi %div3A_1177, %sub3A_1197 : i32
      %select_n3A_1199 = arith.select %and3A_1196, %sub3A_1198, %div3A_1177 : i32
      %rem3A_1200 = arith.constant 3 : i32
      %rem3A_1201 = arith.remsi %select_n3A_1173, %rem3A_1200 : i32
      %mul3A_1202 = arith.constant 8 : i32
      %mul3A_1203 = arith.muli %rem3A_1175, %mul3A_1202 : i32
      %dma_start3A_1204 = arith.constant 10 : i32
      %dma_start3A_1205 = arith.constant 0 : i32
      %dma_start3A_1206 = arith.constant 0 : i32
      %dma_start3A_1207 = tpu.memref_slice %arg5[%dma_start3A_1204, %dma_start3A_1205, %dma_start3A_1206] : memref<21x8x224xf32, #tpu.memory_space<vmem>> -> memref<1x8x224xf32, #tpu.memory_space<vmem>>
      %dma_start3A_1208 = tpu.memref_squeeze %dma_start3A_1207 : memref<1x8x224xf32, #tpu.memory_space<vmem>> -> memref<8x224xf32, #tpu.memory_space<vmem>>
      %dma_start3A_1209 = arith.constant 0 : i32
      %dma_start3A_1210 = tpu.memref_slice %arg2[%select_n3A_1199, %rem3A_1201, %mul3A_1203, %dma_start3A_1209] : memref<4x3x224x224xf32, #tpu.memory_space<hbm>> -> memref<1x1x8x224xf32, #tpu.memory_space<hbm>>
      %dma_start3A_1211 = tpu.memref_squeeze %dma_start3A_1210 : memref<1x1x8x224xf32, #tpu.memory_space<hbm>> -> memref<8x224xf32, #tpu.memory_space<hbm>>
      %dma_start3A_1212 = arith.constant 0 : i32
      %dma_start3A_1213 = arith.constant 0 : i32
      %dma_start3A_1214 = tpu.memref_slice %arg5[%dma_start3A_1204, %dma_start3A_1212, %dma_start3A_1213] : memref<21x8x224xf32, #tpu.memory_space<vmem>> -> memref<1x8x224xf32, #tpu.memory_space<vmem>>
      %dma_start3A_1215 = tpu.memref_squeeze %dma_start3A_1214 : memref<1x8x224xf32, #tpu.memory_space<vmem>> -> memref<8x224xf32, #tpu.memory_space<vmem>>
      %dma_start3A_1216 = arith.constant 0 : i32
      %dma_start3A_1217 = tpu.memref_slice %arg2[%select_n3A_1199, %rem3A_1201, %mul3A_1203, %dma_start3A_1216] : memref<4x3x224x224xf32, #tpu.memory_space<hbm>> -> memref<1x1x8x224xf32, #tpu.memory_space<hbm>>
      %dma_start3A_1218 = tpu.memref_squeeze %dma_start3A_1217 : memref<1x1x8x224xf32, #tpu.memory_space<hbm>> -> memref<8x224xf32, #tpu.memory_space<hbm>>
      tpu.enqueue_dma source(%dma_start3A_1218 : memref<8x224xf32, #tpu.memory_space<hbm>>) target(%dma_start3A_1215 : memref<8x224xf32, #tpu.memory_space<vmem>>) target_semaphore(%arg8 : memref<!tpu.dma_semaphore, #tpu.memory_space<semaphore_mem>>)
      %mul3A_1219 = arith.constant 21 : i32
      %mul3A_1220 = arith.muli %rem3A_1, %mul3A_1219 : i32
      %add3A_1221 = arith.constant 11 : i32
      %add3A_1222 = arith.addi %mul3A_1220, %add3A_1221 : i32
      %jit3A_1223 = arith.constant 28 : i32
      %div3A_1224 = arith.divsi %add3A_1222, %jit3A_1223 : i32
      %sign3A_1225 = arith.constant 0 : i32
      %sign3A_1226 = arith.cmpi sgt, %add3A_1222, %sign3A_1225 : i32
      %sign3A_1227 = arith.extui %sign3A_1226 : i1 to i32
      %sign3A_1228 = arith.constant 0 : i32
      %sign3A_1229 = arith.cmpi slt, %add3A_1222, %sign3A_1228 : i32
      %sign3A_1230 = arith.extui %sign3A_1229 : i1 to i32
      %sign3A_1231 = arith.subi %sign3A_1227, %sign3A_1230 : i32
      %sign3A_1232 = arith.constant 0 : i32
      %sign3A_1233 = arith.cmpi sgt, %jit3A_1223, %sign3A_1232 : i32
      %sign3A_1234 = arith.extui %sign3A_1233 : i1 to i32
      %sign3A_1235 = arith.constant 0 : i32
      %sign3A_1236 = arith.cmpi slt, %jit3A_1223, %sign3A_1235 : i32
      %sign3A_1237 = arith.extui %sign3A_1236 : i1 to i32
      %sign3A_1238 = arith.subi %sign3A_1234, %sign3A_1237 : i32
      %ne3A_1239 = arith.cmpi ne, %sign3A_1231, %sign3A_1238 : i32
      %rem3A_1240 = arith.remsi %add3A_1222, %jit3A_1223 : i32
      %ne3A_1241 = arith.constant 0 : i32
      %ne3A_1242 = arith.cmpi ne, %rem3A_1240, %ne3A_1241 : i32
      %and3A_1243 = arith.andi %ne3A_1239, %ne3A_1242 : i1
      %sub3A_1244 = arith.constant 1 : i32
      %sub3A_1245 = arith.subi %div3A_1224, %sub3A_1244 : i32
      %select_n3A_1246 = arith.select %and3A_1243, %sub3A_1245, %div3A_1224 : i32
      %rem3A_1247 = arith.constant 28 : i32
      %rem3A_1248 = arith.remsi %add3A_1222, %rem3A_1247 : i32
      %jit3A_1249 = arith.constant 3 : i32
      %div3A_1250 = arith.divsi %select_n3A_1246, %jit3A_1249 : i32
      %sign3A_1251 = arith.constant 0 : i32
      %sign3A_1252 = arith.cmpi sgt, %select_n3A_1246, %sign3A_1251 : i32
      %sign3A_1253 = arith.extui %sign3A_1252 : i1 to i32
      %sign3A_1254 = arith.constant 0 : i32
      %sign3A_1255 = arith.cmpi slt, %select_n3A_1246, %sign3A_1254 : i32
      %sign3A_1256 = arith.extui %sign3A_1255 : i1 to i32
      %sign3A_1257 = arith.subi %sign3A_1253, %sign3A_1256 : i32
      %sign3A_1258 = arith.constant 0 : i32
      %sign3A_1259 = arith.cmpi sgt, %jit3A_1249, %sign3A_1258 : i32
      %sign3A_1260 = arith.extui %sign3A_1259 : i1 to i32
      %sign3A_1261 = arith.constant 0 : i32
      %sign3A_1262 = arith.cmpi slt, %jit3A_1249, %sign3A_1261 : i32
      %sign3A_1263 = arith.extui %sign3A_1262 : i1 to i32
      %sign3A_1264 = arith.subi %sign3A_1260, %sign3A_1263 : i32
      %ne3A_1265 = arith.cmpi ne, %sign3A_1257, %sign3A_1264 : i32
      %rem3A_1266 = arith.remsi %select_n3A_1246, %jit3A_1249 : i32
      %ne3A_1267 = arith.constant 0 : i32
      %ne3A_1268 = arith.cmpi ne, %rem3A_1266, %ne3A_1267 : i32
      %and3A_1269 = arith.andi %ne3A_1265, %ne3A_1268 : i1
      %sub3A_1270 = arith.constant 1 : i32
      %sub3A_1271 = arith.subi %div3A_1250, %sub3A_1270 : i32
      %select_n3A_1272 = arith.select %and3A_1269, %sub3A_1271, %div3A_1250 : i32
      %rem3A_1273 = arith.constant 3 : i32
      %rem3A_1274 = arith.remsi %select_n3A_1246, %rem3A_1273 : i32
      %mul3A_1275 = arith.constant 8 : i32
      %mul3A_1276 = arith.muli %rem3A_1248, %mul3A_1275 : i32
      %dma_start3A_1277 = arith.constant 11 : i32
      %dma_start3A_1278 = arith.constant 0 : i32
      %dma_start3A_1279 = arith.constant 0 : i32
      %dma_start3A_1280 = tpu.memref_slice %arg5[%dma_start3A_1277, %dma_start3A_1278, %dma_start3A_1279] : memref<21x8x224xf32, #tpu.memory_space<vmem>> -> memref<1x8x224xf32, #tpu.memory_space<vmem>>
      %dma_start3A_1281 = tpu.memref_squeeze %dma_start3A_1280 : memref<1x8x224xf32, #tpu.memory_space<vmem>> -> memref<8x224xf32, #tpu.memory_space<vmem>>
      %dma_start3A_1282 = arith.constant 0 : i32
      %dma_start3A_1283 = tpu.memref_slice %arg2[%select_n3A_1272, %rem3A_1274, %mul3A_1276, %dma_start3A_1282] : memref<4x3x224x224xf32, #tpu.memory_space<hbm>> -> memref<1x1x8x224xf32, #tpu.memory_space<hbm>>
      %dma_start3A_1284 = tpu.memref_squeeze %dma_start3A_1283 : memref<1x1x8x224xf32, #tpu.memory_space<hbm>> -> memref<8x224xf32, #tpu.memory_space<hbm>>
      %dma_start3A_1285 = arith.constant 0 : i32
      %dma_start3A_1286 = arith.constant 0 : i32
      %dma_start3A_1287 = tpu.memref_slice %arg5[%dma_start3A_1277, %dma_start3A_1285, %dma_start3A_1286] : memref<21x8x224xf32, #tpu.memory_space<vmem>> -> memref<1x8x224xf32, #tpu.memory_space<vmem>>
      %dma_start3A_1288 = tpu.memref_squeeze %dma_start3A_1287 : memref<1x8x224xf32, #tpu.memory_space<vmem>> -> memref<8x224xf32, #tpu.memory_space<vmem>>
      %dma_start3A_1289 = arith.constant 0 : i32
      %dma_start3A_1290 = tpu.memref_slice %arg2[%select_n3A_1272, %rem3A_1274, %mul3A_1276, %dma_start3A_1289] : memref<4x3x224x224xf32, #tpu.memory_space<hbm>> -> memref<1x1x8x224xf32, #tpu.memory_space<hbm>>
      %dma_start3A_1291 = tpu.memref_squeeze %dma_start3A_1290 : memref<1x1x8x224xf32, #tpu.memory_space<hbm>> -> memref<8x224xf32, #tpu.memory_space<hbm>>
      tpu.enqueue_dma source(%dma_start3A_1291 : memref<8x224xf32, #tpu.memory_space<hbm>>) target(%dma_start3A_1288 : memref<8x224xf32, #tpu.memory_space<vmem>>) target_semaphore(%arg8 : memref<!tpu.dma_semaphore, #tpu.memory_space<semaphore_mem>>)
      %mul3A_1292 = arith.constant 21 : i32
      %mul3A_1293 = arith.muli %rem3A_1, %mul3A_1292 : i32
      %add3A_1294 = arith.constant 12 : i32
      %add3A_1295 = arith.addi %mul3A_1293, %add3A_1294 : i32
      %jit3A_1296 = arith.constant 28 : i32
      %div3A_1297 = arith.divsi %add3A_1295, %jit3A_1296 : i32
      %sign3A_1298 = arith.constant 0 : i32
      %sign3A_1299 = arith.cmpi sgt, %add3A_1295, %sign3A_1298 : i32
      %sign3A_1300 = arith.extui %sign3A_1299 : i1 to i32
      %sign3A_1301 = arith.constant 0 : i32
      %sign3A_1302 = arith.cmpi slt, %add3A_1295, %sign3A_1301 : i32
      %sign3A_1303 = arith.extui %sign3A_1302 : i1 to i32
      %sign3A_1304 = arith.subi %sign3A_1300, %sign3A_1303 : i32
      %sign3A_1305 = arith.constant 0 : i32
      %sign3A_1306 = arith.cmpi sgt, %jit3A_1296, %sign3A_1305 : i32
      %sign3A_1307 = arith.extui %sign3A_1306 : i1 to i32
      %sign3A_1308 = arith.constant 0 : i32
      %sign3A_1309 = arith.cmpi slt, %jit3A_1296, %sign3A_1308 : i32
      %sign3A_1310 = arith.extui %sign3A_1309 : i1 to i32
      %sign3A_1311 = arith.subi %sign3A_1307, %sign3A_1310 : i32
      %ne3A_1312 = arith.cmpi ne, %sign3A_1304, %sign3A_1311 : i32
      %rem3A_1313 = arith.remsi %add3A_1295, %jit3A_1296 : i32
      %ne3A_1314 = arith.constant 0 : i32
      %ne3A_1315 = arith.cmpi ne, %rem3A_1313, %ne3A_1314 : i32
      %and3A_1316 = arith.andi %ne3A_1312, %ne3A_1315 : i1
      %sub3A_1317 = arith.constant 1 : i32
      %sub3A_1318 = arith.subi %div3A_1297, %sub3A_1317 : i32
      %select_n3A_1319 = arith.select %and3A_1316, %sub3A_1318, %div3A_1297 : i32
      %rem3A_1320 = arith.constant 28 : i32
      %rem3A_1321 = arith.remsi %add3A_1295, %rem3A_1320 : i32
      %jit3A_1322 = arith.constant 3 : i32
      %div3A_1323 = arith.divsi %select_n3A_1319, %jit3A_1322 : i32
      %sign3A_1324 = arith.constant 0 : i32
      %sign3A_1325 = arith.cmpi sgt, %select_n3A_1319, %sign3A_1324 : i32
      %sign3A_1326 = arith.extui %sign3A_1325 : i1 to i32
      %sign3A_1327 = arith.constant 0 : i32
      %sign3A_1328 = arith.cmpi slt, %select_n3A_1319, %sign3A_1327 : i32
      %sign3A_1329 = arith.extui %sign3A_1328 : i1 to i32
      %sign3A_1330 = arith.subi %sign3A_1326, %sign3A_1329 : i32
      %sign3A_1331 = arith.constant 0 : i32
      %sign3A_1332 = arith.cmpi sgt, %jit3A_1322, %sign3A_1331 : i32
      %sign3A_1333 = arith.extui %sign3A_1332 : i1 to i32
      %sign3A_1334 = arith.constant 0 : i32
      %sign3A_1335 = arith.cmpi slt, %jit3A_1322, %sign3A_1334 : i32
      %sign3A_1336 = arith.extui %sign3A_1335 : i1 to i32
      %sign3A_1337 = arith.subi %sign3A_1333, %sign3A_1336 : i32
      %ne3A_1338 = arith.cmpi ne, %sign3A_1330, %sign3A_1337 : i32
      %rem3A_1339 = arith.remsi %select_n3A_1319, %jit3A_1322 : i32
      %ne3A_1340 = arith.constant 0 : i32
      %ne3A_1341 = arith.cmpi ne, %rem3A_1339, %ne3A_1340 : i32
      %and3A_1342 = arith.andi %ne3A_1338, %ne3A_1341 : i1
      %sub3A_1343 = arith.constant 1 : i32
      %sub3A_1344 = arith.subi %div3A_1323, %sub3A_1343 : i32
      %select_n3A_1345 = arith.select %and3A_1342, %sub3A_1344, %div3A_1323 : i32
      %rem3A_1346 = arith.constant 3 : i32
      %rem3A_1347 = arith.remsi %select_n3A_1319, %rem3A_1346 : i32
      %mul3A_1348 = arith.constant 8 : i32
      %mul3A_1349 = arith.muli %rem3A_1321, %mul3A_1348 : i32
      %dma_start3A_1350 = arith.constant 12 : i32
      %dma_start3A_1351 = arith.constant 0 : i32
      %dma_start3A_1352 = arith.constant 0 : i32
      %dma_start3A_1353 = tpu.memref_slice %arg5[%dma_start3A_1350, %dma_start3A_1351, %dma_start3A_1352] : memref<21x8x224xf32, #tpu.memory_space<vmem>> -> memref<1x8x224xf32, #tpu.memory_space<vmem>>
      %dma_start3A_1354 = tpu.memref_squeeze %dma_start3A_1353 : memref<1x8x224xf32, #tpu.memory_space<vmem>> -> memref<8x224xf32, #tpu.memory_space<vmem>>
      %dma_start3A_1355 = arith.constant 0 : i32
      %dma_start3A_1356 = tpu.memref_slice %arg2[%select_n3A_1345, %rem3A_1347, %mul3A_1349, %dma_start3A_1355] : memref<4x3x224x224xf32, #tpu.memory_space<hbm>> -> memref<1x1x8x224xf32, #tpu.memory_space<hbm>>
      %dma_start3A_1357 = tpu.memref_squeeze %dma_start3A_1356 : memref<1x1x8x224xf32, #tpu.memory_space<hbm>> -> memref<8x224xf32, #tpu.memory_space<hbm>>
      %dma_start3A_1358 = arith.constant 0 : i32
      %dma_start3A_1359 = arith.constant 0 : i32
      %dma_start3A_1360 = tpu.memref_slice %arg5[%dma_start3A_1350, %dma_start3A_1358, %dma_start3A_1359] : memref<21x8x224xf32, #tpu.memory_space<vmem>> -> memref<1x8x224xf32, #tpu.memory_space<vmem>>
      %dma_start3A_1361 = tpu.memref_squeeze %dma_start3A_1360 : memref<1x8x224xf32, #tpu.memory_space<vmem>> -> memref<8x224xf32, #tpu.memory_space<vmem>>
      %dma_start3A_1362 = arith.constant 0 : i32
      %dma_start3A_1363 = tpu.memref_slice %arg2[%select_n3A_1345, %rem3A_1347, %mul3A_1349, %dma_start3A_1362] : memref<4x3x224x224xf32, #tpu.memory_space<hbm>> -> memref<1x1x8x224xf32, #tpu.memory_space<hbm>>
      %dma_start3A_1364 = tpu.memref_squeeze %dma_start3A_1363 : memref<1x1x8x224xf32, #tpu.memory_space<hbm>> -> memref<8x224xf32, #tpu.memory_space<hbm>>
      tpu.enqueue_dma source(%dma_start3A_1364 : memref<8x224xf32, #tpu.memory_space<hbm>>) target(%dma_start3A_1361 : memref<8x224xf32, #tpu.memory_space<vmem>>) target_semaphore(%arg8 : memref<!tpu.dma_semaphore, #tpu.memory_space<semaphore_mem>>)
      %mul3A_1365 = arith.constant 21 : i32
      %mul3A_1366 = arith.muli %rem3A_1, %mul3A_1365 : i32
      %add3A_1367 = arith.constant 13 : i32
      %add3A_1368 = arith.addi %mul3A_1366, %add3A_1367 : i32
      %jit3A_1369 = arith.constant 28 : i32
      %div3A_1370 = arith.divsi %add3A_1368, %jit3A_1369 : i32
      %sign3A_1371 = arith.constant 0 : i32
      %sign3A_1372 = arith.cmpi sgt, %add3A_1368, %sign3A_1371 : i32
      %sign3A_1373 = arith.extui %sign3A_1372 : i1 to i32
      %sign3A_1374 = arith.constant 0 : i32
      %sign3A_1375 = arith.cmpi slt, %add3A_1368, %sign3A_1374 : i32
      %sign3A_1376 = arith.extui %sign3A_1375 : i1 to i32
      %sign3A_1377 = arith.subi %sign3A_1373, %sign3A_1376 : i32
      %sign3A_1378 = arith.constant 0 : i32
      %sign3A_1379 = arith.cmpi sgt, %jit3A_1369, %sign3A_1378 : i32
      %sign3A_1380 = arith.extui %sign3A_1379 : i1 to i32
      %sign3A_1381 = arith.constant 0 : i32
      %sign3A_1382 = arith.cmpi slt, %jit3A_1369, %sign3A_1381 : i32
      %sign3A_1383 = arith.extui %sign3A_1382 : i1 to i32
      %sign3A_1384 = arith.subi %sign3A_1380, %sign3A_1383 : i32
      %ne3A_1385 = arith.cmpi ne, %sign3A_1377, %sign3A_1384 : i32
      %rem3A_1386 = arith.remsi %add3A_1368, %jit3A_1369 : i32
      %ne3A_1387 = arith.constant 0 : i32
      %ne3A_1388 = arith.cmpi ne, %rem3A_1386, %ne3A_1387 : i32
      %and3A_1389 = arith.andi %ne3A_1385, %ne3A_1388 : i1
      %sub3A_1390 = arith.constant 1 : i32
      %sub3A_1391 = arith.subi %div3A_1370, %sub3A_1390 : i32
      %select_n3A_1392 = arith.select %and3A_1389, %sub3A_1391, %div3A_1370 : i32
      %rem3A_1393 = arith.constant 28 : i32
      %rem3A_1394 = arith.remsi %add3A_1368, %rem3A_1393 : i32
      %jit3A_1395 = arith.constant 3 : i32
      %div3A_1396 = arith.divsi %select_n3A_1392, %jit3A_1395 : i32
      %sign3A_1397 = arith.constant 0 : i32
      %sign3A_1398 = arith.cmpi sgt, %select_n3A_1392, %sign3A_1397 : i32
      %sign3A_1399 = arith.extui %sign3A_1398 : i1 to i32
      %sign3A_1400 = arith.constant 0 : i32
      %sign3A_1401 = arith.cmpi slt, %select_n3A_1392, %sign3A_1400 : i32
      %sign3A_1402 = arith.extui %sign3A_1401 : i1 to i32
      %sign3A_1403 = arith.subi %sign3A_1399, %sign3A_1402 : i32
      %sign3A_1404 = arith.constant 0 : i32
      %sign3A_1405 = arith.cmpi sgt, %jit3A_1395, %sign3A_1404 : i32
      %sign3A_1406 = arith.extui %sign3A_1405 : i1 to i32
      %sign3A_1407 = arith.constant 0 : i32
      %sign3A_1408 = arith.cmpi slt, %jit3A_1395, %sign3A_1407 : i32
      %sign3A_1409 = arith.extui %sign3A_1408 : i1 to i32
      %sign3A_1410 = arith.subi %sign3A_1406, %sign3A_1409 : i32
      %ne3A_1411 = arith.cmpi ne, %sign3A_1403, %sign3A_1410 : i32
      %rem3A_1412 = arith.remsi %select_n3A_1392, %jit3A_1395 : i32
      %ne3A_1413 = arith.constant 0 : i32
      %ne3A_1414 = arith.cmpi ne, %rem3A_1412, %ne3A_1413 : i32
      %and3A_1415 = arith.andi %ne3A_1411, %ne3A_1414 : i1
      %sub3A_1416 = arith.constant 1 : i32
      %sub3A_1417 = arith.subi %div3A_1396, %sub3A_1416 : i32
      %select_n3A_1418 = arith.select %and3A_1415, %sub3A_1417, %div3A_1396 : i32
      %rem3A_1419 = arith.constant 3 : i32
      %rem3A_1420 = arith.remsi %select_n3A_1392, %rem3A_1419 : i32
      %mul3A_1421 = arith.constant 8 : i32
      %mul3A_1422 = arith.muli %rem3A_1394, %mul3A_1421 : i32
      %dma_start3A_1423 = arith.constant 13 : i32
      %dma_start3A_1424 = arith.constant 0 : i32
      %dma_start3A_1425 = arith.constant 0 : i32
      %dma_start3A_1426 = tpu.memref_slice %arg5[%dma_start3A_1423, %dma_start3A_1424, %dma_start3A_1425] : memref<21x8x224xf32, #tpu.memory_space<vmem>> -> memref<1x8x224xf32, #tpu.memory_space<vmem>>
      %dma_start3A_1427 = tpu.memref_squeeze %dma_start3A_1426 : memref<1x8x224xf32, #tpu.memory_space<vmem>> -> memref<8x224xf32, #tpu.memory_space<vmem>>
      %dma_start3A_1428 = arith.constant 0 : i32
      %dma_start3A_1429 = tpu.memref_slice %arg2[%select_n3A_1418, %rem3A_1420, %mul3A_1422, %dma_start3A_1428] : memref<4x3x224x224xf32, #tpu.memory_space<hbm>> -> memref<1x1x8x224xf32, #tpu.memory_space<hbm>>
      %dma_start3A_1430 = tpu.memref_squeeze %dma_start3A_1429 : memref<1x1x8x224xf32, #tpu.memory_space<hbm>> -> memref<8x224xf32, #tpu.memory_space<hbm>>
      %dma_start3A_1431 = arith.constant 0 : i32
      %dma_start3A_1432 = arith.constant 0 : i32
      %dma_start3A_1433 = tpu.memref_slice %arg5[%dma_start3A_1423, %dma_start3A_1431, %dma_start3A_1432] : memref<21x8x224xf32, #tpu.memory_space<vmem>> -> memref<1x8x224xf32, #tpu.memory_space<vmem>>
      %dma_start3A_1434 = tpu.memref_squeeze %dma_start3A_1433 : memref<1x8x224xf32, #tpu.memory_space<vmem>> -> memref<8x224xf32, #tpu.memory_space<vmem>>
      %dma_start3A_1435 = arith.constant 0 : i32
      %dma_start3A_1436 = tpu.memref_slice %arg2[%select_n3A_1418, %rem3A_1420, %mul3A_1422, %dma_start3A_1435] : memref<4x3x224x224xf32, #tpu.memory_space<hbm>> -> memref<1x1x8x224xf32, #tpu.memory_space<hbm>>
      %dma_start3A_1437 = tpu.memref_squeeze %dma_start3A_1436 : memref<1x1x8x224xf32, #tpu.memory_space<hbm>> -> memref<8x224xf32, #tpu.memory_space<hbm>>
      tpu.enqueue_dma source(%dma_start3A_1437 : memref<8x224xf32, #tpu.memory_space<hbm>>) target(%dma_start3A_1434 : memref<8x224xf32, #tpu.memory_space<vmem>>) target_semaphore(%arg8 : memref<!tpu.dma_semaphore, #tpu.memory_space<semaphore_mem>>)
      %mul3A_1438 = arith.constant 21 : i32
      %mul3A_1439 = arith.muli %rem3A_1, %mul3A_1438 : i32
      %add3A_1440 = arith.constant 14 : i32
      %add3A_1441 = arith.addi %mul3A_1439, %add3A_1440 : i32
      %jit3A_1442 = arith.constant 28 : i32
      %div3A_1443 = arith.divsi %add3A_1441, %jit3A_1442 : i32
      %sign3A_1444 = arith.constant 0 : i32
      %sign3A_1445 = arith.cmpi sgt, %add3A_1441, %sign3A_1444 : i32
      %sign3A_1446 = arith.extui %sign3A_1445 : i1 to i32
      %sign3A_1447 = arith.constant 0 : i32
      %sign3A_1448 = arith.cmpi slt, %add3A_1441, %sign3A_1447 : i32
      %sign3A_1449 = arith.extui %sign3A_1448 : i1 to i32
      %sign3A_1450 = arith.subi %sign3A_1446, %sign3A_1449 : i32
      %sign3A_1451 = arith.constant 0 : i32
      %sign3A_1452 = arith.cmpi sgt, %jit3A_1442, %sign3A_1451 : i32
      %sign3A_1453 = arith.extui %sign3A_1452 : i1 to i32
      %sign3A_1454 = arith.constant 0 : i32
      %sign3A_1455 = arith.cmpi slt, %jit3A_1442, %sign3A_1454 : i32
      %sign3A_1456 = arith.extui %sign3A_1455 : i1 to i32
      %sign3A_1457 = arith.subi %sign3A_1453, %sign3A_1456 : i32
      %ne3A_1458 = arith.cmpi ne, %sign3A_1450, %sign3A_1457 : i32
      %rem3A_1459 = arith.remsi %add3A_1441, %jit3A_1442 : i32
      %ne3A_1460 = arith.constant 0 : i32
      %ne3A_1461 = arith.cmpi ne, %rem3A_1459, %ne3A_1460 : i32
      %and3A_1462 = arith.andi %ne3A_1458, %ne3A_1461 : i1
      %sub3A_1463 = arith.constant 1 : i32
      %sub3A_1464 = arith.subi %div3A_1443, %sub3A_1463 : i32
      %select_n3A_1465 = arith.select %and3A_1462, %sub3A_1464, %div3A_1443 : i32
      %rem3A_1466 = arith.constant 28 : i32
      %rem3A_1467 = arith.remsi %add3A_1441, %rem3A_1466 : i32
      %jit3A_1468 = arith.constant 3 : i32
      %div3A_1469 = arith.divsi %select_n3A_1465, %jit3A_1468 : i32
      %sign3A_1470 = arith.constant 0 : i32
      %sign3A_1471 = arith.cmpi sgt, %select_n3A_1465, %sign3A_1470 : i32
      %sign3A_1472 = arith.extui %sign3A_1471 : i1 to i32
      %sign3A_1473 = arith.constant 0 : i32
      %sign3A_1474 = arith.cmpi slt, %select_n3A_1465, %sign3A_1473 : i32
      %sign3A_1475 = arith.extui %sign3A_1474 : i1 to i32
      %sign3A_1476 = arith.subi %sign3A_1472, %sign3A_1475 : i32
      %sign3A_1477 = arith.constant 0 : i32
      %sign3A_1478 = arith.cmpi sgt, %jit3A_1468, %sign3A_1477 : i32
      %sign3A_1479 = arith.extui %sign3A_1478 : i1 to i32
      %sign3A_1480 = arith.constant 0 : i32
      %sign3A_1481 = arith.cmpi slt, %jit3A_1468, %sign3A_1480 : i32
      %sign3A_1482 = arith.extui %sign3A_1481 : i1 to i32
      %sign3A_1483 = arith.subi %sign3A_1479, %sign3A_1482 : i32
      %ne3A_1484 = arith.cmpi ne, %sign3A_1476, %sign3A_1483 : i32
      %rem3A_1485 = arith.remsi %select_n3A_1465, %jit3A_1468 : i32
      %ne3A_1486 = arith.constant 0 : i32
      %ne3A_1487 = arith.cmpi ne, %rem3A_1485, %ne3A_1486 : i32
      %and3A_1488 = arith.andi %ne3A_1484, %ne3A_1487 : i1
      %sub3A_1489 = arith.constant 1 : i32
      %sub3A_1490 = arith.subi %div3A_1469, %sub3A_1489 : i32
      %select_n3A_1491 = arith.select %and3A_1488, %sub3A_1490, %div3A_1469 : i32
      %rem3A_1492 = arith.constant 3 : i32
      %rem3A_1493 = arith.remsi %select_n3A_1465, %rem3A_1492 : i32
      %mul3A_1494 = arith.constant 8 : i32
      %mul3A_1495 = arith.muli %rem3A_1467, %mul3A_1494 : i32
      %dma_start3A_1496 = arith.constant 14 : i32
      %dma_start3A_1497 = arith.constant 0 : i32
      %dma_start3A_1498 = arith.constant 0 : i32
      %dma_start3A_1499 = tpu.memref_slice %arg5[%dma_start3A_1496, %dma_start3A_1497, %dma_start3A_1498] : memref<21x8x224xf32, #tpu.memory_space<vmem>> -> memref<1x8x224xf32, #tpu.memory_space<vmem>>
      %dma_start3A_1500 = tpu.memref_squeeze %dma_start3A_1499 : memref<1x8x224xf32, #tpu.memory_space<vmem>> -> memref<8x224xf32, #tpu.memory_space<vmem>>
      %dma_start3A_1501 = arith.constant 0 : i32
      %dma_start3A_1502 = tpu.memref_slice %arg2[%select_n3A_1491, %rem3A_1493, %mul3A_1495, %dma_start3A_1501] : memref<4x3x224x224xf32, #tpu.memory_space<hbm>> -> memref<1x1x8x224xf32, #tpu.memory_space<hbm>>
      %dma_start3A_1503 = tpu.memref_squeeze %dma_start3A_1502 : memref<1x1x8x224xf32, #tpu.memory_space<hbm>> -> memref<8x224xf32, #tpu.memory_space<hbm>>
      %dma_start3A_1504 = arith.constant 0 : i32
      %dma_start3A_1505 = arith.constant 0 : i32
      %dma_start3A_1506 = tpu.memref_slice %arg5[%dma_start3A_1496, %dma_start3A_1504, %dma_start3A_1505] : memref<21x8x224xf32, #tpu.memory_space<vmem>> -> memref<1x8x224xf32, #tpu.memory_space<vmem>>
      %dma_start3A_1507 = tpu.memref_squeeze %dma_start3A_1506 : memref<1x8x224xf32, #tpu.memory_space<vmem>> -> memref<8x224xf32, #tpu.memory_space<vmem>>
      %dma_start3A_1508 = arith.constant 0 : i32
      %dma_start3A_1509 = tpu.memref_slice %arg2[%select_n3A_1491, %rem3A_1493, %mul3A_1495, %dma_start3A_1508] : memref<4x3x224x224xf32, #tpu.memory_space<hbm>> -> memref<1x1x8x224xf32, #tpu.memory_space<hbm>>
      %dma_start3A_1510 = tpu.memref_squeeze %dma_start3A_1509 : memref<1x1x8x224xf32, #tpu.memory_space<hbm>> -> memref<8x224xf32, #tpu.memory_space<hbm>>
      tpu.enqueue_dma source(%dma_start3A_1510 : memref<8x224xf32, #tpu.memory_space<hbm>>) target(%dma_start3A_1507 : memref<8x224xf32, #tpu.memory_space<vmem>>) target_semaphore(%arg8 : memref<!tpu.dma_semaphore, #tpu.memory_space<semaphore_mem>>)
      %mul3A_1511 = arith.constant 21 : i32
      %mul3A_1512 = arith.muli %rem3A_1, %mul3A_1511 : i32
      %add3A_1513 = arith.constant 15 : i32
      %add3A_1514 = arith.addi %mul3A_1512, %add3A_1513 : i32
      %jit3A_1515 = arith.constant 28 : i32
      %div3A_1516 = arith.divsi %add3A_1514, %jit3A_1515 : i32
      %sign3A_1517 = arith.constant 0 : i32
      %sign3A_1518 = arith.cmpi sgt, %add3A_1514, %sign3A_1517 : i32
      %sign3A_1519 = arith.extui %sign3A_1518 : i1 to i32
      %sign3A_1520 = arith.constant 0 : i32
      %sign3A_1521 = arith.cmpi slt, %add3A_1514, %sign3A_1520 : i32
      %sign3A_1522 = arith.extui %sign3A_1521 : i1 to i32
      %sign3A_1523 = arith.subi %sign3A_1519, %sign3A_1522 : i32
      %sign3A_1524 = arith.constant 0 : i32
      %sign3A_1525 = arith.cmpi sgt, %jit3A_1515, %sign3A_1524 : i32
      %sign3A_1526 = arith.extui %sign3A_1525 : i1 to i32
      %sign3A_1527 = arith.constant 0 : i32
      %sign3A_1528 = arith.cmpi slt, %jit3A_1515, %sign3A_1527 : i32
      %sign3A_1529 = arith.extui %sign3A_1528 : i1 to i32
      %sign3A_1530 = arith.subi %sign3A_1526, %sign3A_1529 : i32
      %ne3A_1531 = arith.cmpi ne, %sign3A_1523, %sign3A_1530 : i32
      %rem3A_1532 = arith.remsi %add3A_1514, %jit3A_1515 : i32
      %ne3A_1533 = arith.constant 0 : i32
      %ne3A_1534 = arith.cmpi ne, %rem3A_1532, %ne3A_1533 : i32
      %and3A_1535 = arith.andi %ne3A_1531, %ne3A_1534 : i1
      %sub3A_1536 = arith.constant 1 : i32
      %sub3A_1537 = arith.subi %div3A_1516, %sub3A_1536 : i32
      %select_n3A_1538 = arith.select %and3A_1535, %sub3A_1537, %div3A_1516 : i32
      %rem3A_1539 = arith.constant 28 : i32
      %rem3A_1540 = arith.remsi %add3A_1514, %rem3A_1539 : i32
      %jit3A_1541 = arith.constant 3 : i32
      %div3A_1542 = arith.divsi %select_n3A_1538, %jit3A_1541 : i32
      %sign3A_1543 = arith.constant 0 : i32
      %sign3A_1544 = arith.cmpi sgt, %select_n3A_1538, %sign3A_1543 : i32
      %sign3A_1545 = arith.extui %sign3A_1544 : i1 to i32
      %sign3A_1546 = arith.constant 0 : i32
      %sign3A_1547 = arith.cmpi slt, %select_n3A_1538, %sign3A_1546 : i32
      %sign3A_1548 = arith.extui %sign3A_1547 : i1 to i32
      %sign3A_1549 = arith.subi %sign3A_1545, %sign3A_1548 : i32
      %sign3A_1550 = arith.constant 0 : i32
      %sign3A_1551 = arith.cmpi sgt, %jit3A_1541, %sign3A_1550 : i32
      %sign3A_1552 = arith.extui %sign3A_1551 : i1 to i32
      %sign3A_1553 = arith.constant 0 : i32
      %sign3A_1554 = arith.cmpi slt, %jit3A_1541, %sign3A_1553 : i32
      %sign3A_1555 = arith.extui %sign3A_1554 : i1 to i32
      %sign3A_1556 = arith.subi %sign3A_1552, %sign3A_1555 : i32
      %ne3A_1557 = arith.cmpi ne, %sign3A_1549, %sign3A_1556 : i32
      %rem3A_1558 = arith.remsi %select_n3A_1538, %jit3A_1541 : i32
      %ne3A_1559 = arith.constant 0 : i32
      %ne3A_1560 = arith.cmpi ne, %rem3A_1558, %ne3A_1559 : i32
      %and3A_1561 = arith.andi %ne3A_1557, %ne3A_1560 : i1
      %sub3A_1562 = arith.constant 1 : i32
      %sub3A_1563 = arith.subi %div3A_1542, %sub3A_1562 : i32
      %select_n3A_1564 = arith.select %and3A_1561, %sub3A_1563, %div3A_1542 : i32
      %rem3A_1565 = arith.constant 3 : i32
      %rem3A_1566 = arith.remsi %select_n3A_1538, %rem3A_1565 : i32
      %mul3A_1567 = arith.constant 8 : i32
      %mul3A_1568 = arith.muli %rem3A_1540, %mul3A_1567 : i32
      %dma_start3A_1569 = arith.constant 15 : i32
      %dma_start3A_1570 = arith.constant 0 : i32
      %dma_start3A_1571 = arith.constant 0 : i32
      %dma_start3A_1572 = tpu.memref_slice %arg5[%dma_start3A_1569, %dma_start3A_1570, %dma_start3A_1571] : memref<21x8x224xf32, #tpu.memory_space<vmem>> -> memref<1x8x224xf32, #tpu.memory_space<vmem>>
      %dma_start3A_1573 = tpu.memref_squeeze %dma_start3A_1572 : memref<1x8x224xf32, #tpu.memory_space<vmem>> -> memref<8x224xf32, #tpu.memory_space<vmem>>
      %dma_start3A_1574 = arith.constant 0 : i32
      %dma_start3A_1575 = tpu.memref_slice %arg2[%select_n3A_1564, %rem3A_1566, %mul3A_1568, %dma_start3A_1574] : memref<4x3x224x224xf32, #tpu.memory_space<hbm>> -> memref<1x1x8x224xf32, #tpu.memory_space<hbm>>
      %dma_start3A_1576 = tpu.memref_squeeze %dma_start3A_1575 : memref<1x1x8x224xf32, #tpu.memory_space<hbm>> -> memref<8x224xf32, #tpu.memory_space<hbm>>
      %dma_start3A_1577 = arith.constant 0 : i32
      %dma_start3A_1578 = arith.constant 0 : i32
      %dma_start3A_1579 = tpu.memref_slice %arg5[%dma_start3A_1569, %dma_start3A_1577, %dma_start3A_1578] : memref<21x8x224xf32, #tpu.memory_space<vmem>> -> memref<1x8x224xf32, #tpu.memory_space<vmem>>
      %dma_start3A_1580 = tpu.memref_squeeze %dma_start3A_1579 : memref<1x8x224xf32, #tpu.memory_space<vmem>> -> memref<8x224xf32, #tpu.memory_space<vmem>>
      %dma_start3A_1581 = arith.constant 0 : i32
      %dma_start3A_1582 = tpu.memref_slice %arg2[%select_n3A_1564, %rem3A_1566, %mul3A_1568, %dma_start3A_1581] : memref<4x3x224x224xf32, #tpu.memory_space<hbm>> -> memref<1x1x8x224xf32, #tpu.memory_space<hbm>>
      %dma_start3A_1583 = tpu.memref_squeeze %dma_start3A_1582 : memref<1x1x8x224xf32, #tpu.memory_space<hbm>> -> memref<8x224xf32, #tpu.memory_space<hbm>>
      tpu.enqueue_dma source(%dma_start3A_1583 : memref<8x224xf32, #tpu.memory_space<hbm>>) target(%dma_start3A_1580 : memref<8x224xf32, #tpu.memory_space<vmem>>) target_semaphore(%arg8 : memref<!tpu.dma_semaphore, #tpu.memory_space<semaphore_mem>>)
      %mul3A_1584 = arith.constant 21 : i32
      %mul3A_1585 = arith.muli %rem3A_1, %mul3A_1584 : i32
      %add3A_1586 = arith.constant 16 : i32
      %add3A_1587 = arith.addi %mul3A_1585, %add3A_1586 : i32
      %jit3A_1588 = arith.constant 28 : i32
      %div3A_1589 = arith.divsi %add3A_1587, %jit3A_1588 : i32
      %sign3A_1590 = arith.constant 0 : i32
      %sign3A_1591 = arith.cmpi sgt, %add3A_1587, %sign3A_1590 : i32
      %sign3A_1592 = arith.extui %sign3A_1591 : i1 to i32
      %sign3A_1593 = arith.constant 0 : i32
      %sign3A_1594 = arith.cmpi slt, %add3A_1587, %sign3A_1593 : i32
      %sign3A_1595 = arith.extui %sign3A_1594 : i1 to i32
      %sign3A_1596 = arith.subi %sign3A_1592, %sign3A_1595 : i32
      %sign3A_1597 = arith.constant 0 : i32
      %sign3A_1598 = arith.cmpi sgt, %jit3A_1588, %sign3A_1597 : i32
      %sign3A_1599 = arith.extui %sign3A_1598 : i1 to i32
      %sign3A_1600 = arith.constant 0 : i32
      %sign3A_1601 = arith.cmpi slt, %jit3A_1588, %sign3A_1600 : i32
      %sign3A_1602 = arith.extui %sign3A_1601 : i1 to i32
      %sign3A_1603 = arith.subi %sign3A_1599, %sign3A_1602 : i32
      %ne3A_1604 = arith.cmpi ne, %sign3A_1596, %sign3A_1603 : i32
      %rem3A_1605 = arith.remsi %add3A_1587, %jit3A_1588 : i32
      %ne3A_1606 = arith.constant 0 : i32
      %ne3A_1607 = arith.cmpi ne, %rem3A_1605, %ne3A_1606 : i32
      %and3A_1608 = arith.andi %ne3A_1604, %ne3A_1607 : i1
      %sub3A_1609 = arith.constant 1 : i32
      %sub3A_1610 = arith.subi %div3A_1589, %sub3A_1609 : i32
      %select_n3A_1611 = arith.select %and3A_1608, %sub3A_1610, %div3A_1589 : i32
      %rem3A_1612 = arith.constant 28 : i32
      %rem3A_1613 = arith.remsi %add3A_1587, %rem3A_1612 : i32
      %jit3A_1614 = arith.constant 3 : i32
      %div3A_1615 = arith.divsi %select_n3A_1611, %jit3A_1614 : i32
      %sign3A_1616 = arith.constant 0 : i32
      %sign3A_1617 = arith.cmpi sgt, %select_n3A_1611, %sign3A_1616 : i32
      %sign3A_1618 = arith.extui %sign3A_1617 : i1 to i32
      %sign3A_1619 = arith.constant 0 : i32
      %sign3A_1620 = arith.cmpi slt, %select_n3A_1611, %sign3A_1619 : i32
      %sign3A_1621 = arith.extui %sign3A_1620 : i1 to i32
      %sign3A_1622 = arith.subi %sign3A_1618, %sign3A_1621 : i32
      %sign3A_1623 = arith.constant 0 : i32
      %sign3A_1624 = arith.cmpi sgt, %jit3A_1614, %sign3A_1623 : i32
      %sign3A_1625 = arith.extui %sign3A_1624 : i1 to i32
      %sign3A_1626 = arith.constant 0 : i32
      %sign3A_1627 = arith.cmpi slt, %jit3A_1614, %sign3A_1626 : i32
      %sign3A_1628 = arith.extui %sign3A_1627 : i1 to i32
      %sign3A_1629 = arith.subi %sign3A_1625, %sign3A_1628 : i32
      %ne3A_1630 = arith.cmpi ne, %sign3A_1622, %sign3A_1629 : i32
      %rem3A_1631 = arith.remsi %select_n3A_1611, %jit3A_1614 : i32
      %ne3A_1632 = arith.constant 0 : i32
      %ne3A_1633 = arith.cmpi ne, %rem3A_1631, %ne3A_1632 : i32
      %and3A_1634 = arith.andi %ne3A_1630, %ne3A_1633 : i1
      %sub3A_1635 = arith.constant 1 : i32
      %sub3A_1636 = arith.subi %div3A_1615, %sub3A_1635 : i32
      %select_n3A_1637 = arith.select %and3A_1634, %sub3A_1636, %div3A_1615 : i32
      %rem3A_1638 = arith.constant 3 : i32
      %rem3A_1639 = arith.remsi %select_n3A_1611, %rem3A_1638 : i32
      %mul3A_1640 = arith.constant 8 : i32
      %mul3A_1641 = arith.muli %rem3A_1613, %mul3A_1640 : i32
      %dma_start3A_1642 = arith.constant 16 : i32
      %dma_start3A_1643 = arith.constant 0 : i32
      %dma_start3A_1644 = arith.constant 0 : i32
      %dma_start3A_1645 = tpu.memref_slice %arg5[%dma_start3A_1642, %dma_start3A_1643, %dma_start3A_1644] : memref<21x8x224xf32, #tpu.memory_space<vmem>> -> memref<1x8x224xf32, #tpu.memory_space<vmem>>
      %dma_start3A_1646 = tpu.memref_squeeze %dma_start3A_1645 : memref<1x8x224xf32, #tpu.memory_space<vmem>> -> memref<8x224xf32, #tpu.memory_space<vmem>>
      %dma_start3A_1647 = arith.constant 0 : i32
      %dma_start3A_1648 = tpu.memref_slice %arg2[%select_n3A_1637, %rem3A_1639, %mul3A_1641, %dma_start3A_1647] : memref<4x3x224x224xf32, #tpu.memory_space<hbm>> -> memref<1x1x8x224xf32, #tpu.memory_space<hbm>>
      %dma_start3A_1649 = tpu.memref_squeeze %dma_start3A_1648 : memref<1x1x8x224xf32, #tpu.memory_space<hbm>> -> memref<8x224xf32, #tpu.memory_space<hbm>>
      %dma_start3A_1650 = arith.constant 0 : i32
      %dma_start3A_1651 = arith.constant 0 : i32
      %dma_start3A_1652 = tpu.memref_slice %arg5[%dma_start3A_1642, %dma_start3A_1650, %dma_start3A_1651] : memref<21x8x224xf32, #tpu.memory_space<vmem>> -> memref<1x8x224xf32, #tpu.memory_space<vmem>>
      %dma_start3A_1653 = tpu.memref_squeeze %dma_start3A_1652 : memref<1x8x224xf32, #tpu.memory_space<vmem>> -> memref<8x224xf32, #tpu.memory_space<vmem>>
      %dma_start3A_1654 = arith.constant 0 : i32
      %dma_start3A_1655 = tpu.memref_slice %arg2[%select_n3A_1637, %rem3A_1639, %mul3A_1641, %dma_start3A_1654] : memref<4x3x224x224xf32, #tpu.memory_space<hbm>> -> memref<1x1x8x224xf32, #tpu.memory_space<hbm>>
      %dma_start3A_1656 = tpu.memref_squeeze %dma_start3A_1655 : memref<1x1x8x224xf32, #tpu.memory_space<hbm>> -> memref<8x224xf32, #tpu.memory_space<hbm>>
      tpu.enqueue_dma source(%dma_start3A_1656 : memref<8x224xf32, #tpu.memory_space<hbm>>) target(%dma_start3A_1653 : memref<8x224xf32, #tpu.memory_space<vmem>>) target_semaphore(%arg8 : memref<!tpu.dma_semaphore, #tpu.memory_space<semaphore_mem>>)
      %mul3A_1657 = arith.constant 21 : i32
      %mul3A_1658 = arith.muli %rem3A_1, %mul3A_1657 : i32
      %add3A_1659 = arith.constant 17 : i32
      %add3A_1660 = arith.addi %mul3A_1658, %add3A_1659 : i32
      %jit3A_1661 = arith.constant 28 : i32
      %div3A_1662 = arith.divsi %add3A_1660, %jit3A_1661 : i32
      %sign3A_1663 = arith.constant 0 : i32
      %sign3A_1664 = arith.cmpi sgt, %add3A_1660, %sign3A_1663 : i32
      %sign3A_1665 = arith.extui %sign3A_1664 : i1 to i32
      %sign3A_1666 = arith.constant 0 : i32
      %sign3A_1667 = arith.cmpi slt, %add3A_1660, %sign3A_1666 : i32
      %sign3A_1668 = arith.extui %sign3A_1667 : i1 to i32
      %sign3A_1669 = arith.subi %sign3A_1665, %sign3A_1668 : i32
      %sign3A_1670 = arith.constant 0 : i32
      %sign3A_1671 = arith.cmpi sgt, %jit3A_1661, %sign3A_1670 : i32
      %sign3A_1672 = arith.extui %sign3A_1671 : i1 to i32
      %sign3A_1673 = arith.constant 0 : i32
      %sign3A_1674 = arith.cmpi slt, %jit3A_1661, %sign3A_1673 : i32
      %sign3A_1675 = arith.extui %sign3A_1674 : i1 to i32
      %sign3A_1676 = arith.subi %sign3A_1672, %sign3A_1675 : i32
      %ne3A_1677 = arith.cmpi ne, %sign3A_1669, %sign3A_1676 : i32
      %rem3A_1678 = arith.remsi %add3A_1660, %jit3A_1661 : i32
      %ne3A_1679 = arith.constant 0 : i32
      %ne3A_1680 = arith.cmpi ne, %rem3A_1678, %ne3A_1679 : i32
      %and3A_1681 = arith.andi %ne3A_1677, %ne3A_1680 : i1
      %sub3A_1682 = arith.constant 1 : i32
      %sub3A_1683 = arith.subi %div3A_1662, %sub3A_1682 : i32
      %select_n3A_1684 = arith.select %and3A_1681, %sub3A_1683, %div3A_1662 : i32
      %rem3A_1685 = arith.constant 28 : i32
      %rem3A_1686 = arith.remsi %add3A_1660, %rem3A_1685 : i32
      %jit3A_1687 = arith.constant 3 : i32
      %div3A_1688 = arith.divsi %select_n3A_1684, %jit3A_1687 : i32
      %sign3A_1689 = arith.constant 0 : i32
      %sign3A_1690 = arith.cmpi sgt, %select_n3A_1684, %sign3A_1689 : i32
      %sign3A_1691 = arith.extui %sign3A_1690 : i1 to i32
      %sign3A_1692 = arith.constant 0 : i32
      %sign3A_1693 = arith.cmpi slt, %select_n3A_1684, %sign3A_1692 : i32
      %sign3A_1694 = arith.extui %sign3A_1693 : i1 to i32
      %sign3A_1695 = arith.subi %sign3A_1691, %sign3A_1694 : i32
      %sign3A_1696 = arith.constant 0 : i32
      %sign3A_1697 = arith.cmpi sgt, %jit3A_1687, %sign3A_1696 : i32
      %sign3A_1698 = arith.extui %sign3A_1697 : i1 to i32
      %sign3A_1699 = arith.constant 0 : i32
      %sign3A_1700 = arith.cmpi slt, %jit3A_1687, %sign3A_1699 : i32
      %sign3A_1701 = arith.extui %sign3A_1700 : i1 to i32
      %sign3A_1702 = arith.subi %sign3A_1698, %sign3A_1701 : i32
      %ne3A_1703 = arith.cmpi ne, %sign3A_1695, %sign3A_1702 : i32
      %rem3A_1704 = arith.remsi %select_n3A_1684, %jit3A_1687 : i32
      %ne3A_1705 = arith.constant 0 : i32
      %ne3A_1706 = arith.cmpi ne, %rem3A_1704, %ne3A_1705 : i32
      %and3A_1707 = arith.andi %ne3A_1703, %ne3A_1706 : i1
      %sub3A_1708 = arith.constant 1 : i32
      %sub3A_1709 = arith.subi %div3A_1688, %sub3A_1708 : i32
      %select_n3A_1710 = arith.select %and3A_1707, %sub3A_1709, %div3A_1688 : i32
      %rem3A_1711 = arith.constant 3 : i32
      %rem3A_1712 = arith.remsi %select_n3A_1684, %rem3A_1711 : i32
      %mul3A_1713 = arith.constant 8 : i32
      %mul3A_1714 = arith.muli %rem3A_1686, %mul3A_1713 : i32
      %dma_start3A_1715 = arith.constant 17 : i32
      %dma_start3A_1716 = arith.constant 0 : i32
      %dma_start3A_1717 = arith.constant 0 : i32
      %dma_start3A_1718 = tpu.memref_slice %arg5[%dma_start3A_1715, %dma_start3A_1716, %dma_start3A_1717] : memref<21x8x224xf32, #tpu.memory_space<vmem>> -> memref<1x8x224xf32, #tpu.memory_space<vmem>>
      %dma_start3A_1719 = tpu.memref_squeeze %dma_start3A_1718 : memref<1x8x224xf32, #tpu.memory_space<vmem>> -> memref<8x224xf32, #tpu.memory_space<vmem>>
      %dma_start3A_1720 = arith.constant 0 : i32
      %dma_start3A_1721 = tpu.memref_slice %arg2[%select_n3A_1710, %rem3A_1712, %mul3A_1714, %dma_start3A_1720] : memref<4x3x224x224xf32, #tpu.memory_space<hbm>> -> memref<1x1x8x224xf32, #tpu.memory_space<hbm>>
      %dma_start3A_1722 = tpu.memref_squeeze %dma_start3A_1721 : memref<1x1x8x224xf32, #tpu.memory_space<hbm>> -> memref<8x224xf32, #tpu.memory_space<hbm>>
      %dma_start3A_1723 = arith.constant 0 : i32
      %dma_start3A_1724 = arith.constant 0 : i32
      %dma_start3A_1725 = tpu.memref_slice %arg5[%dma_start3A_1715, %dma_start3A_1723, %dma_start3A_1724] : memref<21x8x224xf32, #tpu.memory_space<vmem>> -> memref<1x8x224xf32, #tpu.memory_space<vmem>>
      %dma_start3A_1726 = tpu.memref_squeeze %dma_start3A_1725 : memref<1x8x224xf32, #tpu.memory_space<vmem>> -> memref<8x224xf32, #tpu.memory_space<vmem>>
      %dma_start3A_1727 = arith.constant 0 : i32
      %dma_start3A_1728 = tpu.memref_slice %arg2[%select_n3A_1710, %rem3A_1712, %mul3A_1714, %dma_start3A_1727] : memref<4x3x224x224xf32, #tpu.memory_space<hbm>> -> memref<1x1x8x224xf32, #tpu.memory_space<hbm>>
      %dma_start3A_1729 = tpu.memref_squeeze %dma_start3A_1728 : memref<1x1x8x224xf32, #tpu.memory_space<hbm>> -> memref<8x224xf32, #tpu.memory_space<hbm>>
      tpu.enqueue_dma source(%dma_start3A_1729 : memref<8x224xf32, #tpu.memory_space<hbm>>) target(%dma_start3A_1726 : memref<8x224xf32, #tpu.memory_space<vmem>>) target_semaphore(%arg8 : memref<!tpu.dma_semaphore, #tpu.memory_space<semaphore_mem>>)
      %mul3A_1730 = arith.constant 21 : i32
      %mul3A_1731 = arith.muli %rem3A_1, %mul3A_1730 : i32
      %add3A_1732 = arith.constant 18 : i32
      %add3A_1733 = arith.addi %mul3A_1731, %add3A_1732 : i32
      %jit3A_1734 = arith.constant 28 : i32
      %div3A_1735 = arith.divsi %add3A_1733, %jit3A_1734 : i32
      %sign3A_1736 = arith.constant 0 : i32
      %sign3A_1737 = arith.cmpi sgt, %add3A_1733, %sign3A_1736 : i32
      %sign3A_1738 = arith.extui %sign3A_1737 : i1 to i32
      %sign3A_1739 = arith.constant 0 : i32
      %sign3A_1740 = arith.cmpi slt, %add3A_1733, %sign3A_1739 : i32
      %sign3A_1741 = arith.extui %sign3A_1740 : i1 to i32
      %sign3A_1742 = arith.subi %sign3A_1738, %sign3A_1741 : i32
      %sign3A_1743 = arith.constant 0 : i32
      %sign3A_1744 = arith.cmpi sgt, %jit3A_1734, %sign3A_1743 : i32
      %sign3A_1745 = arith.extui %sign3A_1744 : i1 to i32
      %sign3A_1746 = arith.constant 0 : i32
      %sign3A_1747 = arith.cmpi slt, %jit3A_1734, %sign3A_1746 : i32
      %sign3A_1748 = arith.extui %sign3A_1747 : i1 to i32
      %sign3A_1749 = arith.subi %sign3A_1745, %sign3A_1748 : i32
      %ne3A_1750 = arith.cmpi ne, %sign3A_1742, %sign3A_1749 : i32
      %rem3A_1751 = arith.remsi %add3A_1733, %jit3A_1734 : i32
      %ne3A_1752 = arith.constant 0 : i32
      %ne3A_1753 = arith.cmpi ne, %rem3A_1751, %ne3A_1752 : i32
      %and3A_1754 = arith.andi %ne3A_1750, %ne3A_1753 : i1
      %sub3A_1755 = arith.constant 1 : i32
      %sub3A_1756 = arith.subi %div3A_1735, %sub3A_1755 : i32
      %select_n3A_1757 = arith.select %and3A_1754, %sub3A_1756, %div3A_1735 : i32
      %rem3A_1758 = arith.constant 28 : i32
      %rem3A_1759 = arith.remsi %add3A_1733, %rem3A_1758 : i32
      %jit3A_1760 = arith.constant 3 : i32
      %div3A_1761 = arith.divsi %select_n3A_1757, %jit3A_1760 : i32
      %sign3A_1762 = arith.constant 0 : i32
      %sign3A_1763 = arith.cmpi sgt, %select_n3A_1757, %sign3A_1762 : i32
      %sign3A_1764 = arith.extui %sign3A_1763 : i1 to i32
      %sign3A_1765 = arith.constant 0 : i32
      %sign3A_1766 = arith.cmpi slt, %select_n3A_1757, %sign3A_1765 : i32
      %sign3A_1767 = arith.extui %sign3A_1766 : i1 to i32
      %sign3A_1768 = arith.subi %sign3A_1764, %sign3A_1767 : i32
      %sign3A_1769 = arith.constant 0 : i32
      %sign3A_1770 = arith.cmpi sgt, %jit3A_1760, %sign3A_1769 : i32
      %sign3A_1771 = arith.extui %sign3A_1770 : i1 to i32
      %sign3A_1772 = arith.constant 0 : i32
      %sign3A_1773 = arith.cmpi slt, %jit3A_1760, %sign3A_1772 : i32
      %sign3A_1774 = arith.extui %sign3A_1773 : i1 to i32
      %sign3A_1775 = arith.subi %sign3A_1771, %sign3A_1774 : i32
      %ne3A_1776 = arith.cmpi ne, %sign3A_1768, %sign3A_1775 : i32
      %rem3A_1777 = arith.remsi %select_n3A_1757, %jit3A_1760 : i32
      %ne3A_1778 = arith.constant 0 : i32
      %ne3A_1779 = arith.cmpi ne, %rem3A_1777, %ne3A_1778 : i32
      %and3A_1780 = arith.andi %ne3A_1776, %ne3A_1779 : i1
      %sub3A_1781 = arith.constant 1 : i32
      %sub3A_1782 = arith.subi %div3A_1761, %sub3A_1781 : i32
      %select_n3A_1783 = arith.select %and3A_1780, %sub3A_1782, %div3A_1761 : i32
      %rem3A_1784 = arith.constant 3 : i32
      %rem3A_1785 = arith.remsi %select_n3A_1757, %rem3A_1784 : i32
      %mul3A_1786 = arith.constant 8 : i32
      %mul3A_1787 = arith.muli %rem3A_1759, %mul3A_1786 : i32
      %dma_start3A_1788 = arith.constant 18 : i32
      %dma_start3A_1789 = arith.constant 0 : i32
      %dma_start3A_1790 = arith.constant 0 : i32
      %dma_start3A_1791 = tpu.memref_slice %arg5[%dma_start3A_1788, %dma_start3A_1789, %dma_start3A_1790] : memref<21x8x224xf32, #tpu.memory_space<vmem>> -> memref<1x8x224xf32, #tpu.memory_space<vmem>>
      %dma_start3A_1792 = tpu.memref_squeeze %dma_start3A_1791 : memref<1x8x224xf32, #tpu.memory_space<vmem>> -> memref<8x224xf32, #tpu.memory_space<vmem>>
      %dma_start3A_1793 = arith.constant 0 : i32
      %dma_start3A_1794 = tpu.memref_slice %arg2[%select_n3A_1783, %rem3A_1785, %mul3A_1787, %dma_start3A_1793] : memref<4x3x224x224xf32, #tpu.memory_space<hbm>> -> memref<1x1x8x224xf32, #tpu.memory_space<hbm>>
      %dma_start3A_1795 = tpu.memref_squeeze %dma_start3A_1794 : memref<1x1x8x224xf32, #tpu.memory_space<hbm>> -> memref<8x224xf32, #tpu.memory_space<hbm>>
      %dma_start3A_1796 = arith.constant 0 : i32
      %dma_start3A_1797 = arith.constant 0 : i32
      %dma_start3A_1798 = tpu.memref_slice %arg5[%dma_start3A_1788, %dma_start3A_1796, %dma_start3A_1797] : memref<21x8x224xf32, #tpu.memory_space<vmem>> -> memref<1x8x224xf32, #tpu.memory_space<vmem>>
      %dma_start3A_1799 = tpu.memref_squeeze %dma_start3A_1798 : memref<1x8x224xf32, #tpu.memory_space<vmem>> -> memref<8x224xf32, #tpu.memory_space<vmem>>
      %dma_start3A_1800 = arith.constant 0 : i32
      %dma_start3A_1801 = tpu.memref_slice %arg2[%select_n3A_1783, %rem3A_1785, %mul3A_1787, %dma_start3A_1800] : memref<4x3x224x224xf32, #tpu.memory_space<hbm>> -> memref<1x1x8x224xf32, #tpu.memory_space<hbm>>
      %dma_start3A_1802 = tpu.memref_squeeze %dma_start3A_1801 : memref<1x1x8x224xf32, #tpu.memory_space<hbm>> -> memref<8x224xf32, #tpu.memory_space<hbm>>
      tpu.enqueue_dma source(%dma_start3A_1802 : memref<8x224xf32, #tpu.memory_space<hbm>>) target(%dma_start3A_1799 : memref<8x224xf32, #tpu.memory_space<vmem>>) target_semaphore(%arg8 : memref<!tpu.dma_semaphore, #tpu.memory_space<semaphore_mem>>)
      %mul3A_1803 = arith.constant 21 : i32
      %mul3A_1804 = arith.muli %rem3A_1, %mul3A_1803 : i32
      %add3A_1805 = arith.constant 19 : i32
      %add3A_1806 = arith.addi %mul3A_1804, %add3A_1805 : i32
      %jit3A_1807 = arith.constant 28 : i32
      %div3A_1808 = arith.divsi %add3A_1806, %jit3A_1807 : i32
      %sign3A_1809 = arith.constant 0 : i32
      %sign3A_1810 = arith.cmpi sgt, %add3A_1806, %sign3A_1809 : i32
      %sign3A_1811 = arith.extui %sign3A_1810 : i1 to i32
      %sign3A_1812 = arith.constant 0 : i32
      %sign3A_1813 = arith.cmpi slt, %add3A_1806, %sign3A_1812 : i32
      %sign3A_1814 = arith.extui %sign3A_1813 : i1 to i32
      %sign3A_1815 = arith.subi %sign3A_1811, %sign3A_1814 : i32
      %sign3A_1816 = arith.constant 0 : i32
      %sign3A_1817 = arith.cmpi sgt, %jit3A_1807, %sign3A_1816 : i32
      %sign3A_1818 = arith.extui %sign3A_1817 : i1 to i32
      %sign3A_1819 = arith.constant 0 : i32
      %sign3A_1820 = arith.cmpi slt, %jit3A_1807, %sign3A_1819 : i32
      %sign3A_1821 = arith.extui %sign3A_1820 : i1 to i32
      %sign3A_1822 = arith.subi %sign3A_1818, %sign3A_1821 : i32
      %ne3A_1823 = arith.cmpi ne, %sign3A_1815, %sign3A_1822 : i32
      %rem3A_1824 = arith.remsi %add3A_1806, %jit3A_1807 : i32
      %ne3A_1825 = arith.constant 0 : i32
      %ne3A_1826 = arith.cmpi ne, %rem3A_1824, %ne3A_1825 : i32
      %and3A_1827 = arith.andi %ne3A_1823, %ne3A_1826 : i1
      %sub3A_1828 = arith.constant 1 : i32
      %sub3A_1829 = arith.subi %div3A_1808, %sub3A_1828 : i32
      %select_n3A_1830 = arith.select %and3A_1827, %sub3A_1829, %div3A_1808 : i32
      %rem3A_1831 = arith.constant 28 : i32
      %rem3A_1832 = arith.remsi %add3A_1806, %rem3A_1831 : i32
      %jit3A_1833 = arith.constant 3 : i32
      %div3A_1834 = arith.divsi %select_n3A_1830, %jit3A_1833 : i32
      %sign3A_1835 = arith.constant 0 : i32
      %sign3A_1836 = arith.cmpi sgt, %select_n3A_1830, %sign3A_1835 : i32
      %sign3A_1837 = arith.extui %sign3A_1836 : i1 to i32
      %sign3A_1838 = arith.constant 0 : i32
      %sign3A_1839 = arith.cmpi slt, %select_n3A_1830, %sign3A_1838 : i32
      %sign3A_1840 = arith.extui %sign3A_1839 : i1 to i32
      %sign3A_1841 = arith.subi %sign3A_1837, %sign3A_1840 : i32
      %sign3A_1842 = arith.constant 0 : i32
      %sign3A_1843 = arith.cmpi sgt, %jit3A_1833, %sign3A_1842 : i32
      %sign3A_1844 = arith.extui %sign3A_1843 : i1 to i32
      %sign3A_1845 = arith.constant 0 : i32
      %sign3A_1846 = arith.cmpi slt, %jit3A_1833, %sign3A_1845 : i32
      %sign3A_1847 = arith.extui %sign3A_1846 : i1 to i32
      %sign3A_1848 = arith.subi %sign3A_1844, %sign3A_1847 : i32
      %ne3A_1849 = arith.cmpi ne, %sign3A_1841, %sign3A_1848 : i32
      %rem3A_1850 = arith.remsi %select_n3A_1830, %jit3A_1833 : i32
      %ne3A_1851 = arith.constant 0 : i32
      %ne3A_1852 = arith.cmpi ne, %rem3A_1850, %ne3A_1851 : i32
      %and3A_1853 = arith.andi %ne3A_1849, %ne3A_1852 : i1
      %sub3A_1854 = arith.constant 1 : i32
      %sub3A_1855 = arith.subi %div3A_1834, %sub3A_1854 : i32
      %select_n3A_1856 = arith.select %and3A_1853, %sub3A_1855, %div3A_1834 : i32
      %rem3A_1857 = arith.constant 3 : i32
      %rem3A_1858 = arith.remsi %select_n3A_1830, %rem3A_1857 : i32
      %mul3A_1859 = arith.constant 8 : i32
      %mul3A_1860 = arith.muli %rem3A_1832, %mul3A_1859 : i32
      %dma_start3A_1861 = arith.constant 19 : i32
      %dma_start3A_1862 = arith.constant 0 : i32
      %dma_start3A_1863 = arith.constant 0 : i32
      %dma_start3A_1864 = tpu.memref_slice %arg5[%dma_start3A_1861, %dma_start3A_1862, %dma_start3A_1863] : memref<21x8x224xf32, #tpu.memory_space<vmem>> -> memref<1x8x224xf32, #tpu.memory_space<vmem>>
      %dma_start3A_1865 = tpu.memref_squeeze %dma_start3A_1864 : memref<1x8x224xf32, #tpu.memory_space<vmem>> -> memref<8x224xf32, #tpu.memory_space<vmem>>
      %dma_start3A_1866 = arith.constant 0 : i32
      %dma_start3A_1867 = tpu.memref_slice %arg2[%select_n3A_1856, %rem3A_1858, %mul3A_1860, %dma_start3A_1866] : memref<4x3x224x224xf32, #tpu.memory_space<hbm>> -> memref<1x1x8x224xf32, #tpu.memory_space<hbm>>
      %dma_start3A_1868 = tpu.memref_squeeze %dma_start3A_1867 : memref<1x1x8x224xf32, #tpu.memory_space<hbm>> -> memref<8x224xf32, #tpu.memory_space<hbm>>
      %dma_start3A_1869 = arith.constant 0 : i32
      %dma_start3A_1870 = arith.constant 0 : i32
      %dma_start3A_1871 = tpu.memref_slice %arg5[%dma_start3A_1861, %dma_start3A_1869, %dma_start3A_1870] : memref<21x8x224xf32, #tpu.memory_space<vmem>> -> memref<1x8x224xf32, #tpu.memory_space<vmem>>
      %dma_start3A_1872 = tpu.memref_squeeze %dma_start3A_1871 : memref<1x8x224xf32, #tpu.memory_space<vmem>> -> memref<8x224xf32, #tpu.memory_space<vmem>>
      %dma_start3A_1873 = arith.constant 0 : i32
      %dma_start3A_1874 = tpu.memref_slice %arg2[%select_n3A_1856, %rem3A_1858, %mul3A_1860, %dma_start3A_1873] : memref<4x3x224x224xf32, #tpu.memory_space<hbm>> -> memref<1x1x8x224xf32, #tpu.memory_space<hbm>>
      %dma_start3A_1875 = tpu.memref_squeeze %dma_start3A_1874 : memref<1x1x8x224xf32, #tpu.memory_space<hbm>> -> memref<8x224xf32, #tpu.memory_space<hbm>>
      tpu.enqueue_dma source(%dma_start3A_1875 : memref<8x224xf32, #tpu.memory_space<hbm>>) target(%dma_start3A_1872 : memref<8x224xf32, #tpu.memory_space<vmem>>) target_semaphore(%arg8 : memref<!tpu.dma_semaphore, #tpu.memory_space<semaphore_mem>>)
      %mul3A_1876 = arith.constant 21 : i32
      %mul3A_1877 = arith.muli %rem3A_1, %mul3A_1876 : i32
      %add3A_1878 = arith.constant 20 : i32
      %add3A_1879 = arith.addi %mul3A_1877, %add3A_1878 : i32
      %jit3A_1880 = arith.constant 28 : i32
      %div3A_1881 = arith.divsi %add3A_1879, %jit3A_1880 : i32
      %sign3A_1882 = arith.constant 0 : i32
      %sign3A_1883 = arith.cmpi sgt, %add3A_1879, %sign3A_1882 : i32
      %sign3A_1884 = arith.extui %sign3A_1883 : i1 to i32
      %sign3A_1885 = arith.constant 0 : i32
      %sign3A_1886 = arith.cmpi slt, %add3A_1879, %sign3A_1885 : i32
      %sign3A_1887 = arith.extui %sign3A_1886 : i1 to i32
      %sign3A_1888 = arith.subi %sign3A_1884, %sign3A_1887 : i32
      %sign3A_1889 = arith.constant 0 : i32
      %sign3A_1890 = arith.cmpi sgt, %jit3A_1880, %sign3A_1889 : i32
      %sign3A_1891 = arith.extui %sign3A_1890 : i1 to i32
      %sign3A_1892 = arith.constant 0 : i32
      %sign3A_1893 = arith.cmpi slt, %jit3A_1880, %sign3A_1892 : i32
      %sign3A_1894 = arith.extui %sign3A_1893 : i1 to i32
      %sign3A_1895 = arith.subi %sign3A_1891, %sign3A_1894 : i32
      %ne3A_1896 = arith.cmpi ne, %sign3A_1888, %sign3A_1895 : i32
      %rem3A_1897 = arith.remsi %add3A_1879, %jit3A_1880 : i32
      %ne3A_1898 = arith.constant 0 : i32
      %ne3A_1899 = arith.cmpi ne, %rem3A_1897, %ne3A_1898 : i32
      %and3A_1900 = arith.andi %ne3A_1896, %ne3A_1899 : i1
      %sub3A_1901 = arith.constant 1 : i32
      %sub3A_1902 = arith.subi %div3A_1881, %sub3A_1901 : i32
      %select_n3A_1903 = arith.select %and3A_1900, %sub3A_1902, %div3A_1881 : i32
      %rem3A_1904 = arith.constant 28 : i32
      %rem3A_1905 = arith.remsi %add3A_1879, %rem3A_1904 : i32
      %jit3A_1906 = arith.constant 3 : i32
      %div3A_1907 = arith.divsi %select_n3A_1903, %jit3A_1906 : i32
      %sign3A_1908 = arith.constant 0 : i32
      %sign3A_1909 = arith.cmpi sgt, %select_n3A_1903, %sign3A_1908 : i32
      %sign3A_1910 = arith.extui %sign3A_1909 : i1 to i32
      %sign3A_1911 = arith.constant 0 : i32
      %sign3A_1912 = arith.cmpi slt, %select_n3A_1903, %sign3A_1911 : i32
      %sign3A_1913 = arith.extui %sign3A_1912 : i1 to i32
      %sign3A_1914 = arith.subi %sign3A_1910, %sign3A_1913 : i32
      %sign3A_1915 = arith.constant 0 : i32
      %sign3A_1916 = arith.cmpi sgt, %jit3A_1906, %sign3A_1915 : i32
      %sign3A_1917 = arith.extui %sign3A_1916 : i1 to i32
      %sign3A_1918 = arith.constant 0 : i32
      %sign3A_1919 = arith.cmpi slt, %jit3A_1906, %sign3A_1918 : i32
      %sign3A_1920 = arith.extui %sign3A_1919 : i1 to i32
      %sign3A_1921 = arith.subi %sign3A_1917, %sign3A_1920 : i32
      %ne3A_1922 = arith.cmpi ne, %sign3A_1914, %sign3A_1921 : i32
      %rem3A_1923 = arith.remsi %select_n3A_1903, %jit3A_1906 : i32
      %ne3A_1924 = arith.constant 0 : i32
      %ne3A_1925 = arith.cmpi ne, %rem3A_1923, %ne3A_1924 : i32
      %and3A_1926 = arith.andi %ne3A_1922, %ne3A_1925 : i1
      %sub3A_1927 = arith.constant 1 : i32
      %sub3A_1928 = arith.subi %div3A_1907, %sub3A_1927 : i32
      %select_n3A_1929 = arith.select %and3A_1926, %sub3A_1928, %div3A_1907 : i32
      %rem3A_1930 = arith.constant 3 : i32
      %rem3A_1931 = arith.remsi %select_n3A_1903, %rem3A_1930 : i32
      %mul3A_1932 = arith.constant 8 : i32
      %mul3A_1933 = arith.muli %rem3A_1905, %mul3A_1932 : i32
      %dma_start3A_1934 = arith.constant 20 : i32
      %dma_start3A_1935 = arith.constant 0 : i32
      %dma_start3A_1936 = arith.constant 0 : i32
      %dma_start3A_1937 = tpu.memref_slice %arg5[%dma_start3A_1934, %dma_start3A_1935, %dma_start3A_1936] : memref<21x8x224xf32, #tpu.memory_space<vmem>> -> memref<1x8x224xf32, #tpu.memory_space<vmem>>
      %dma_start3A_1938 = tpu.memref_squeeze %dma_start3A_1937 : memref<1x8x224xf32, #tpu.memory_space<vmem>> -> memref<8x224xf32, #tpu.memory_space<vmem>>
      %dma_start3A_1939 = arith.constant 0 : i32
      %dma_start3A_1940 = tpu.memref_slice %arg2[%select_n3A_1929, %rem3A_1931, %mul3A_1933, %dma_start3A_1939] : memref<4x3x224x224xf32, #tpu.memory_space<hbm>> -> memref<1x1x8x224xf32, #tpu.memory_space<hbm>>
      %dma_start3A_1941 = tpu.memref_squeeze %dma_start3A_1940 : memref<1x1x8x224xf32, #tpu.memory_space<hbm>> -> memref<8x224xf32, #tpu.memory_space<hbm>>
      %dma_start3A_1942 = arith.constant 0 : i32
      %dma_start3A_1943 = arith.constant 0 : i32
      %dma_start3A_1944 = tpu.memref_slice %arg5[%dma_start3A_1934, %dma_start3A_1942, %dma_start3A_1943] : memref<21x8x224xf32, #tpu.memory_space<vmem>> -> memref<1x8x224xf32, #tpu.memory_space<vmem>>
      %dma_start3A_1945 = tpu.memref_squeeze %dma_start3A_1944 : memref<1x8x224xf32, #tpu.memory_space<vmem>> -> memref<8x224xf32, #tpu.memory_space<vmem>>
      %dma_start3A_1946 = arith.constant 0 : i32
      %dma_start3A_1947 = tpu.memref_slice %arg2[%select_n3A_1929, %rem3A_1931, %mul3A_1933, %dma_start3A_1946] : memref<4x3x224x224xf32, #tpu.memory_space<hbm>> -> memref<1x1x8x224xf32, #tpu.memory_space<hbm>>
      %dma_start3A_1948 = tpu.memref_squeeze %dma_start3A_1947 : memref<1x1x8x224xf32, #tpu.memory_space<hbm>> -> memref<8x224xf32, #tpu.memory_space<hbm>>
      tpu.enqueue_dma source(%dma_start3A_1948 : memref<8x224xf32, #tpu.memory_space<hbm>>) target(%dma_start3A_1945 : memref<8x224xf32, #tpu.memory_space<vmem>>) target_semaphore(%arg8 : memref<!tpu.dma_semaphore, #tpu.memory_space<semaphore_mem>>)
    } else {
    }
    %ge3A = arith.constant 16 : i32
    %ge3A_4 = arith.cmpi sge, %add3A, %ge3A : i32
    %convert_element_type3A_5 = arith.extui %ge3A_4 : i1 to i32
    %cond3A_6 = arith.constant 0 : i32
    %cond3A_7 = arith.cmpi ne, %convert_element_type3A_5, %cond3A_6 : i32
    scf.if %cond3A_7 {
      %mul3A_422 = arith.constant 21 : i32
      %mul3A_423 = arith.muli %rem3A_1, %mul3A_422 : i32
      %add3A_424 = arith.constant 0 : i32
      %add3A_425 = arith.addi %mul3A_423, %add3A_424 : i32
      %jit3A_426 = arith.constant 28 : i32
      %div3A = arith.divsi %add3A_425, %jit3A_426 : i32
      %sign3A = arith.constant 0 : i32
      %sign3A_427 = arith.cmpi sgt, %add3A_425, %sign3A : i32
      %sign3A_428 = arith.extui %sign3A_427 : i1 to i32
      %sign3A_429 = arith.constant 0 : i32
      %sign3A_430 = arith.cmpi slt, %add3A_425, %sign3A_429 : i32
      %sign3A_431 = arith.extui %sign3A_430 : i1 to i32
      %sign3A_432 = arith.subi %sign3A_428, %sign3A_431 : i32
      %sign3A_433 = arith.constant 0 : i32
      %sign3A_434 = arith.cmpi sgt, %jit3A_426, %sign3A_433 : i32
      %sign3A_435 = arith.extui %sign3A_434 : i1 to i32
      %sign3A_436 = arith.constant 0 : i32
      %sign3A_437 = arith.cmpi slt, %jit3A_426, %sign3A_436 : i32
      %sign3A_438 = arith.extui %sign3A_437 : i1 to i32
      %sign3A_439 = arith.subi %sign3A_435, %sign3A_438 : i32
      %ne3A = arith.cmpi ne, %sign3A_432, %sign3A_439 : i32
      %rem3A_440 = arith.remsi %add3A_425, %jit3A_426 : i32
      %ne3A_441 = arith.constant 0 : i32
      %ne3A_442 = arith.cmpi ne, %rem3A_440, %ne3A_441 : i32
      %and3A = arith.andi %ne3A, %ne3A_442 : i1
      %sub3A = arith.constant 1 : i32
      %sub3A_443 = arith.subi %div3A, %sub3A : i32
      %select_n3A_444 = arith.select %and3A, %sub3A_443, %div3A : i32
      %rem3A_445 = arith.constant 28 : i32
      %rem3A_446 = arith.remsi %add3A_425, %rem3A_445 : i32
      %jit3A_447 = arith.constant 3 : i32
      %div3A_448 = arith.divsi %select_n3A_444, %jit3A_447 : i32
      %sign3A_449 = arith.constant 0 : i32
      %sign3A_450 = arith.cmpi sgt, %select_n3A_444, %sign3A_449 : i32
      %sign3A_451 = arith.extui %sign3A_450 : i1 to i32
      %sign3A_452 = arith.constant 0 : i32
      %sign3A_453 = arith.cmpi slt, %select_n3A_444, %sign3A_452 : i32
      %sign3A_454 = arith.extui %sign3A_453 : i1 to i32
      %sign3A_455 = arith.subi %sign3A_451, %sign3A_454 : i32
      %sign3A_456 = arith.constant 0 : i32
      %sign3A_457 = arith.cmpi sgt, %jit3A_447, %sign3A_456 : i32
      %sign3A_458 = arith.extui %sign3A_457 : i1 to i32
      %sign3A_459 = arith.constant 0 : i32
      %sign3A_460 = arith.cmpi slt, %jit3A_447, %sign3A_459 : i32
      %sign3A_461 = arith.extui %sign3A_460 : i1 to i32
      %sign3A_462 = arith.subi %sign3A_458, %sign3A_461 : i32
      %ne3A_463 = arith.cmpi ne, %sign3A_455, %sign3A_462 : i32
      %rem3A_464 = arith.remsi %select_n3A_444, %jit3A_447 : i32
      %ne3A_465 = arith.constant 0 : i32
      %ne3A_466 = arith.cmpi ne, %rem3A_464, %ne3A_465 : i32
      %and3A_467 = arith.andi %ne3A_463, %ne3A_466 : i1
      %sub3A_468 = arith.constant 1 : i32
      %sub3A_469 = arith.subi %div3A_448, %sub3A_468 : i32
      %select_n3A_470 = arith.select %and3A_467, %sub3A_469, %div3A_448 : i32
      %rem3A_471 = arith.constant 3 : i32
      %rem3A_472 = arith.remsi %select_n3A_444, %rem3A_471 : i32
      %mul3A_473 = arith.constant 8 : i32
      %mul3A_474 = arith.muli %rem3A_446, %mul3A_473 : i32
      %dma_start3A = arith.constant 0 : i32
      %dma_start3A_475 = arith.constant 0 : i32
      %dma_start3A_476 = arith.constant 0 : i32
      %dma_start3A_477 = tpu.memref_slice %arg5[%dma_start3A, %dma_start3A_475, %dma_start3A_476] : memref<21x8x224xf32, #tpu.memory_space<vmem>> -> memref<1x8x224xf32, #tpu.memory_space<vmem>>
      %dma_start3A_478 = tpu.memref_squeeze %dma_start3A_477 : memref<1x8x224xf32, #tpu.memory_space<vmem>> -> memref<8x224xf32, #tpu.memory_space<vmem>>
      %dma_start3A_479 = arith.constant 0 : i32
      %dma_start3A_480 = tpu.memref_slice %arg3[%select_n3A_470, %rem3A_472, %mul3A_474, %dma_start3A_479] : memref<4x3x224x224xf32, #tpu.memory_space<hbm>> -> memref<1x1x8x224xf32, #tpu.memory_space<hbm>>
      %dma_start3A_481 = tpu.memref_squeeze %dma_start3A_480 : memref<1x1x8x224xf32, #tpu.memory_space<hbm>> -> memref<8x224xf32, #tpu.memory_space<hbm>>
      %dma_start3A_482 = arith.constant 0 : i32
      %dma_start3A_483 = arith.constant 0 : i32
      %dma_start3A_484 = tpu.memref_slice %arg5[%dma_start3A, %dma_start3A_482, %dma_start3A_483] : memref<21x8x224xf32, #tpu.memory_space<vmem>> -> memref<1x8x224xf32, #tpu.memory_space<vmem>>
      %dma_start3A_485 = tpu.memref_squeeze %dma_start3A_484 : memref<1x8x224xf32, #tpu.memory_space<vmem>> -> memref<8x224xf32, #tpu.memory_space<vmem>>
      %dma_start3A_486 = arith.constant 0 : i32
      %dma_start3A_487 = tpu.memref_slice %arg3[%select_n3A_470, %rem3A_472, %mul3A_474, %dma_start3A_486] : memref<4x3x224x224xf32, #tpu.memory_space<hbm>> -> memref<1x1x8x224xf32, #tpu.memory_space<hbm>>
      %dma_start3A_488 = tpu.memref_squeeze %dma_start3A_487 : memref<1x1x8x224xf32, #tpu.memory_space<hbm>> -> memref<8x224xf32, #tpu.memory_space<hbm>>
      tpu.enqueue_dma source(%dma_start3A_488 : memref<8x224xf32, #tpu.memory_space<hbm>>) target(%dma_start3A_485 : memref<8x224xf32, #tpu.memory_space<vmem>>) target_semaphore(%arg8 : memref<!tpu.dma_semaphore, #tpu.memory_space<semaphore_mem>>)
      %mul3A_489 = arith.constant 21 : i32
      %mul3A_490 = arith.muli %rem3A_1, %mul3A_489 : i32
      %add3A_491 = arith.constant 1 : i32
      %add3A_492 = arith.addi %mul3A_490, %add3A_491 : i32
      %jit3A_493 = arith.constant 28 : i32
      %div3A_494 = arith.divsi %add3A_492, %jit3A_493 : i32
      %sign3A_495 = arith.constant 0 : i32
      %sign3A_496 = arith.cmpi sgt, %add3A_492, %sign3A_495 : i32
      %sign3A_497 = arith.extui %sign3A_496 : i1 to i32
      %sign3A_498 = arith.constant 0 : i32
      %sign3A_499 = arith.cmpi slt, %add3A_492, %sign3A_498 : i32
      %sign3A_500 = arith.extui %sign3A_499 : i1 to i32
      %sign3A_501 = arith.subi %sign3A_497, %sign3A_500 : i32
      %sign3A_502 = arith.constant 0 : i32
      %sign3A_503 = arith.cmpi sgt, %jit3A_493, %sign3A_502 : i32
      %sign3A_504 = arith.extui %sign3A_503 : i1 to i32
      %sign3A_505 = arith.constant 0 : i32
      %sign3A_506 = arith.cmpi slt, %jit3A_493, %sign3A_505 : i32
      %sign3A_507 = arith.extui %sign3A_506 : i1 to i32
      %sign3A_508 = arith.subi %sign3A_504, %sign3A_507 : i32
      %ne3A_509 = arith.cmpi ne, %sign3A_501, %sign3A_508 : i32
      %rem3A_510 = arith.remsi %add3A_492, %jit3A_493 : i32
      %ne3A_511 = arith.constant 0 : i32
      %ne3A_512 = arith.cmpi ne, %rem3A_510, %ne3A_511 : i32
      %and3A_513 = arith.andi %ne3A_509, %ne3A_512 : i1
      %sub3A_514 = arith.constant 1 : i32
      %sub3A_515 = arith.subi %div3A_494, %sub3A_514 : i32
      %select_n3A_516 = arith.select %and3A_513, %sub3A_515, %div3A_494 : i32
      %rem3A_517 = arith.constant 28 : i32
      %rem3A_518 = arith.remsi %add3A_492, %rem3A_517 : i32
      %jit3A_519 = arith.constant 3 : i32
      %div3A_520 = arith.divsi %select_n3A_516, %jit3A_519 : i32
      %sign3A_521 = arith.constant 0 : i32
      %sign3A_522 = arith.cmpi sgt, %select_n3A_516, %sign3A_521 : i32
      %sign3A_523 = arith.extui %sign3A_522 : i1 to i32
      %sign3A_524 = arith.constant 0 : i32
      %sign3A_525 = arith.cmpi slt, %select_n3A_516, %sign3A_524 : i32
      %sign3A_526 = arith.extui %sign3A_525 : i1 to i32
      %sign3A_527 = arith.subi %sign3A_523, %sign3A_526 : i32
      %sign3A_528 = arith.constant 0 : i32
      %sign3A_529 = arith.cmpi sgt, %jit3A_519, %sign3A_528 : i32
      %sign3A_530 = arith.extui %sign3A_529 : i1 to i32
      %sign3A_531 = arith.constant 0 : i32
      %sign3A_532 = arith.cmpi slt, %jit3A_519, %sign3A_531 : i32
      %sign3A_533 = arith.extui %sign3A_532 : i1 to i32
      %sign3A_534 = arith.subi %sign3A_530, %sign3A_533 : i32
      %ne3A_535 = arith.cmpi ne, %sign3A_527, %sign3A_534 : i32
      %rem3A_536 = arith.remsi %select_n3A_516, %jit3A_519 : i32
      %ne3A_537 = arith.constant 0 : i32
      %ne3A_538 = arith.cmpi ne, %rem3A_536, %ne3A_537 : i32
      %and3A_539 = arith.andi %ne3A_535, %ne3A_538 : i1
      %sub3A_540 = arith.constant 1 : i32
      %sub3A_541 = arith.subi %div3A_520, %sub3A_540 : i32
      %select_n3A_542 = arith.select %and3A_539, %sub3A_541, %div3A_520 : i32
      %rem3A_543 = arith.constant 3 : i32
      %rem3A_544 = arith.remsi %select_n3A_516, %rem3A_543 : i32
      %mul3A_545 = arith.constant 8 : i32
      %mul3A_546 = arith.muli %rem3A_518, %mul3A_545 : i32
      %dma_start3A_547 = arith.constant 1 : i32
      %dma_start3A_548 = arith.constant 0 : i32
      %dma_start3A_549 = arith.constant 0 : i32
      %dma_start3A_550 = tpu.memref_slice %arg5[%dma_start3A_547, %dma_start3A_548, %dma_start3A_549] : memref<21x8x224xf32, #tpu.memory_space<vmem>> -> memref<1x8x224xf32, #tpu.memory_space<vmem>>
      %dma_start3A_551 = tpu.memref_squeeze %dma_start3A_550 : memref<1x8x224xf32, #tpu.memory_space<vmem>> -> memref<8x224xf32, #tpu.memory_space<vmem>>
      %dma_start3A_552 = arith.constant 0 : i32
      %dma_start3A_553 = tpu.memref_slice %arg3[%select_n3A_542, %rem3A_544, %mul3A_546, %dma_start3A_552] : memref<4x3x224x224xf32, #tpu.memory_space<hbm>> -> memref<1x1x8x224xf32, #tpu.memory_space<hbm>>
      %dma_start3A_554 = tpu.memref_squeeze %dma_start3A_553 : memref<1x1x8x224xf32, #tpu.memory_space<hbm>> -> memref<8x224xf32, #tpu.memory_space<hbm>>
      %dma_start3A_555 = arith.constant 0 : i32
      %dma_start3A_556 = arith.constant 0 : i32
      %dma_start3A_557 = tpu.memref_slice %arg5[%dma_start3A_547, %dma_start3A_555, %dma_start3A_556] : memref<21x8x224xf32, #tpu.memory_space<vmem>> -> memref<1x8x224xf32, #tpu.memory_space<vmem>>
      %dma_start3A_558 = tpu.memref_squeeze %dma_start3A_557 : memref<1x8x224xf32, #tpu.memory_space<vmem>> -> memref<8x224xf32, #tpu.memory_space<vmem>>
      %dma_start3A_559 = arith.constant 0 : i32
      %dma_start3A_560 = tpu.memref_slice %arg3[%select_n3A_542, %rem3A_544, %mul3A_546, %dma_start3A_559] : memref<4x3x224x224xf32, #tpu.memory_space<hbm>> -> memref<1x1x8x224xf32, #tpu.memory_space<hbm>>
      %dma_start3A_561 = tpu.memref_squeeze %dma_start3A_560 : memref<1x1x8x224xf32, #tpu.memory_space<hbm>> -> memref<8x224xf32, #tpu.memory_space<hbm>>
      tpu.enqueue_dma source(%dma_start3A_561 : memref<8x224xf32, #tpu.memory_space<hbm>>) target(%dma_start3A_558 : memref<8x224xf32, #tpu.memory_space<vmem>>) target_semaphore(%arg8 : memref<!tpu.dma_semaphore, #tpu.memory_space<semaphore_mem>>)
      %mul3A_562 = arith.constant 21 : i32
      %mul3A_563 = arith.muli %rem3A_1, %mul3A_562 : i32
      %add3A_564 = arith.constant 2 : i32
      %add3A_565 = arith.addi %mul3A_563, %add3A_564 : i32
      %jit3A_566 = arith.constant 28 : i32
      %div3A_567 = arith.divsi %add3A_565, %jit3A_566 : i32
      %sign3A_568 = arith.constant 0 : i32
      %sign3A_569 = arith.cmpi sgt, %add3A_565, %sign3A_568 : i32
      %sign3A_570 = arith.extui %sign3A_569 : i1 to i32
      %sign3A_571 = arith.constant 0 : i32
      %sign3A_572 = arith.cmpi slt, %add3A_565, %sign3A_571 : i32
      %sign3A_573 = arith.extui %sign3A_572 : i1 to i32
      %sign3A_574 = arith.subi %sign3A_570, %sign3A_573 : i32
      %sign3A_575 = arith.constant 0 : i32
      %sign3A_576 = arith.cmpi sgt, %jit3A_566, %sign3A_575 : i32
      %sign3A_577 = arith.extui %sign3A_576 : i1 to i32
      %sign3A_578 = arith.constant 0 : i32
      %sign3A_579 = arith.cmpi slt, %jit3A_566, %sign3A_578 : i32
      %sign3A_580 = arith.extui %sign3A_579 : i1 to i32
      %sign3A_581 = arith.subi %sign3A_577, %sign3A_580 : i32
      %ne3A_582 = arith.cmpi ne, %sign3A_574, %sign3A_581 : i32
      %rem3A_583 = arith.remsi %add3A_565, %jit3A_566 : i32
      %ne3A_584 = arith.constant 0 : i32
      %ne3A_585 = arith.cmpi ne, %rem3A_583, %ne3A_584 : i32
      %and3A_586 = arith.andi %ne3A_582, %ne3A_585 : i1
      %sub3A_587 = arith.constant 1 : i32
      %sub3A_588 = arith.subi %div3A_567, %sub3A_587 : i32
      %select_n3A_589 = arith.select %and3A_586, %sub3A_588, %div3A_567 : i32
      %rem3A_590 = arith.constant 28 : i32
      %rem3A_591 = arith.remsi %add3A_565, %rem3A_590 : i32
      %jit3A_592 = arith.constant 3 : i32
      %div3A_593 = arith.divsi %select_n3A_589, %jit3A_592 : i32
      %sign3A_594 = arith.constant 0 : i32
      %sign3A_595 = arith.cmpi sgt, %select_n3A_589, %sign3A_594 : i32
      %sign3A_596 = arith.extui %sign3A_595 : i1 to i32
      %sign3A_597 = arith.constant 0 : i32
      %sign3A_598 = arith.cmpi slt, %select_n3A_589, %sign3A_597 : i32
      %sign3A_599 = arith.extui %sign3A_598 : i1 to i32
      %sign3A_600 = arith.subi %sign3A_596, %sign3A_599 : i32
      %sign3A_601 = arith.constant 0 : i32
      %sign3A_602 = arith.cmpi sgt, %jit3A_592, %sign3A_601 : i32
      %sign3A_603 = arith.extui %sign3A_602 : i1 to i32
      %sign3A_604 = arith.constant 0 : i32
      %sign3A_605 = arith.cmpi slt, %jit3A_592, %sign3A_604 : i32
      %sign3A_606 = arith.extui %sign3A_605 : i1 to i32
      %sign3A_607 = arith.subi %sign3A_603, %sign3A_606 : i32
      %ne3A_608 = arith.cmpi ne, %sign3A_600, %sign3A_607 : i32
      %rem3A_609 = arith.remsi %select_n3A_589, %jit3A_592 : i32
      %ne3A_610 = arith.constant 0 : i32
      %ne3A_611 = arith.cmpi ne, %rem3A_609, %ne3A_610 : i32
      %and3A_612 = arith.andi %ne3A_608, %ne3A_611 : i1
      %sub3A_613 = arith.constant 1 : i32
      %sub3A_614 = arith.subi %div3A_593, %sub3A_613 : i32
      %select_n3A_615 = arith.select %and3A_612, %sub3A_614, %div3A_593 : i32
      %rem3A_616 = arith.constant 3 : i32
      %rem3A_617 = arith.remsi %select_n3A_589, %rem3A_616 : i32
      %mul3A_618 = arith.constant 8 : i32
      %mul3A_619 = arith.muli %rem3A_591, %mul3A_618 : i32
      %dma_start3A_620 = arith.constant 2 : i32
      %dma_start3A_621 = arith.constant 0 : i32
      %dma_start3A_622 = arith.constant 0 : i32
      %dma_start3A_623 = tpu.memref_slice %arg5[%dma_start3A_620, %dma_start3A_621, %dma_start3A_622] : memref<21x8x224xf32, #tpu.memory_space<vmem>> -> memref<1x8x224xf32, #tpu.memory_space<vmem>>
      %dma_start3A_624 = tpu.memref_squeeze %dma_start3A_623 : memref<1x8x224xf32, #tpu.memory_space<vmem>> -> memref<8x224xf32, #tpu.memory_space<vmem>>
      %dma_start3A_625 = arith.constant 0 : i32
      %dma_start3A_626 = tpu.memref_slice %arg3[%select_n3A_615, %rem3A_617, %mul3A_619, %dma_start3A_625] : memref<4x3x224x224xf32, #tpu.memory_space<hbm>> -> memref<1x1x8x224xf32, #tpu.memory_space<hbm>>
      %dma_start3A_627 = tpu.memref_squeeze %dma_start3A_626 : memref<1x1x8x224xf32, #tpu.memory_space<hbm>> -> memref<8x224xf32, #tpu.memory_space<hbm>>
      %dma_start3A_628 = arith.constant 0 : i32
      %dma_start3A_629 = arith.constant 0 : i32
      %dma_start3A_630 = tpu.memref_slice %arg5[%dma_start3A_620, %dma_start3A_628, %dma_start3A_629] : memref<21x8x224xf32, #tpu.memory_space<vmem>> -> memref<1x8x224xf32, #tpu.memory_space<vmem>>
      %dma_start3A_631 = tpu.memref_squeeze %dma_start3A_630 : memref<1x8x224xf32, #tpu.memory_space<vmem>> -> memref<8x224xf32, #tpu.memory_space<vmem>>
      %dma_start3A_632 = arith.constant 0 : i32
      %dma_start3A_633 = tpu.memref_slice %arg3[%select_n3A_615, %rem3A_617, %mul3A_619, %dma_start3A_632] : memref<4x3x224x224xf32, #tpu.memory_space<hbm>> -> memref<1x1x8x224xf32, #tpu.memory_space<hbm>>
      %dma_start3A_634 = tpu.memref_squeeze %dma_start3A_633 : memref<1x1x8x224xf32, #tpu.memory_space<hbm>> -> memref<8x224xf32, #tpu.memory_space<hbm>>
      tpu.enqueue_dma source(%dma_start3A_634 : memref<8x224xf32, #tpu.memory_space<hbm>>) target(%dma_start3A_631 : memref<8x224xf32, #tpu.memory_space<vmem>>) target_semaphore(%arg8 : memref<!tpu.dma_semaphore, #tpu.memory_space<semaphore_mem>>)
      %mul3A_635 = arith.constant 21 : i32
      %mul3A_636 = arith.muli %rem3A_1, %mul3A_635 : i32
      %add3A_637 = arith.constant 3 : i32
      %add3A_638 = arith.addi %mul3A_636, %add3A_637 : i32
      %jit3A_639 = arith.constant 28 : i32
      %div3A_640 = arith.divsi %add3A_638, %jit3A_639 : i32
      %sign3A_641 = arith.constant 0 : i32
      %sign3A_642 = arith.cmpi sgt, %add3A_638, %sign3A_641 : i32
      %sign3A_643 = arith.extui %sign3A_642 : i1 to i32
      %sign3A_644 = arith.constant 0 : i32
      %sign3A_645 = arith.cmpi slt, %add3A_638, %sign3A_644 : i32
      %sign3A_646 = arith.extui %sign3A_645 : i1 to i32
      %sign3A_647 = arith.subi %sign3A_643, %sign3A_646 : i32
      %sign3A_648 = arith.constant 0 : i32
      %sign3A_649 = arith.cmpi sgt, %jit3A_639, %sign3A_648 : i32
      %sign3A_650 = arith.extui %sign3A_649 : i1 to i32
      %sign3A_651 = arith.constant 0 : i32
      %sign3A_652 = arith.cmpi slt, %jit3A_639, %sign3A_651 : i32
      %sign3A_653 = arith.extui %sign3A_652 : i1 to i32
      %sign3A_654 = arith.subi %sign3A_650, %sign3A_653 : i32
      %ne3A_655 = arith.cmpi ne, %sign3A_647, %sign3A_654 : i32
      %rem3A_656 = arith.remsi %add3A_638, %jit3A_639 : i32
      %ne3A_657 = arith.constant 0 : i32
      %ne3A_658 = arith.cmpi ne, %rem3A_656, %ne3A_657 : i32
      %and3A_659 = arith.andi %ne3A_655, %ne3A_658 : i1
      %sub3A_660 = arith.constant 1 : i32
      %sub3A_661 = arith.subi %div3A_640, %sub3A_660 : i32
      %select_n3A_662 = arith.select %and3A_659, %sub3A_661, %div3A_640 : i32
      %rem3A_663 = arith.constant 28 : i32
      %rem3A_664 = arith.remsi %add3A_638, %rem3A_663 : i32
      %jit3A_665 = arith.constant 3 : i32
      %div3A_666 = arith.divsi %select_n3A_662, %jit3A_665 : i32
      %sign3A_667 = arith.constant 0 : i32
      %sign3A_668 = arith.cmpi sgt, %select_n3A_662, %sign3A_667 : i32
      %sign3A_669 = arith.extui %sign3A_668 : i1 to i32
      %sign3A_670 = arith.constant 0 : i32
      %sign3A_671 = arith.cmpi slt, %select_n3A_662, %sign3A_670 : i32
      %sign3A_672 = arith.extui %sign3A_671 : i1 to i32
      %sign3A_673 = arith.subi %sign3A_669, %sign3A_672 : i32
      %sign3A_674 = arith.constant 0 : i32
      %sign3A_675 = arith.cmpi sgt, %jit3A_665, %sign3A_674 : i32
      %sign3A_676 = arith.extui %sign3A_675 : i1 to i32
      %sign3A_677 = arith.constant 0 : i32
      %sign3A_678 = arith.cmpi slt, %jit3A_665, %sign3A_677 : i32
      %sign3A_679 = arith.extui %sign3A_678 : i1 to i32
      %sign3A_680 = arith.subi %sign3A_676, %sign3A_679 : i32
      %ne3A_681 = arith.cmpi ne, %sign3A_673, %sign3A_680 : i32
      %rem3A_682 = arith.remsi %select_n3A_662, %jit3A_665 : i32
      %ne3A_683 = arith.constant 0 : i32
      %ne3A_684 = arith.cmpi ne, %rem3A_682, %ne3A_683 : i32
      %and3A_685 = arith.andi %ne3A_681, %ne3A_684 : i1
      %sub3A_686 = arith.constant 1 : i32
      %sub3A_687 = arith.subi %div3A_666, %sub3A_686 : i32
      %select_n3A_688 = arith.select %and3A_685, %sub3A_687, %div3A_666 : i32
      %rem3A_689 = arith.constant 3 : i32
      %rem3A_690 = arith.remsi %select_n3A_662, %rem3A_689 : i32
      %mul3A_691 = arith.constant 8 : i32
      %mul3A_692 = arith.muli %rem3A_664, %mul3A_691 : i32
      %dma_start3A_693 = arith.constant 3 : i32
      %dma_start3A_694 = arith.constant 0 : i32
      %dma_start3A_695 = arith.constant 0 : i32
      %dma_start3A_696 = tpu.memref_slice %arg5[%dma_start3A_693, %dma_start3A_694, %dma_start3A_695] : memref<21x8x224xf32, #tpu.memory_space<vmem>> -> memref<1x8x224xf32, #tpu.memory_space<vmem>>
      %dma_start3A_697 = tpu.memref_squeeze %dma_start3A_696 : memref<1x8x224xf32, #tpu.memory_space<vmem>> -> memref<8x224xf32, #tpu.memory_space<vmem>>
      %dma_start3A_698 = arith.constant 0 : i32
      %dma_start3A_699 = tpu.memref_slice %arg3[%select_n3A_688, %rem3A_690, %mul3A_692, %dma_start3A_698] : memref<4x3x224x224xf32, #tpu.memory_space<hbm>> -> memref<1x1x8x224xf32, #tpu.memory_space<hbm>>
      %dma_start3A_700 = tpu.memref_squeeze %dma_start3A_699 : memref<1x1x8x224xf32, #tpu.memory_space<hbm>> -> memref<8x224xf32, #tpu.memory_space<hbm>>
      %dma_start3A_701 = arith.constant 0 : i32
      %dma_start3A_702 = arith.constant 0 : i32
      %dma_start3A_703 = tpu.memref_slice %arg5[%dma_start3A_693, %dma_start3A_701, %dma_start3A_702] : memref<21x8x224xf32, #tpu.memory_space<vmem>> -> memref<1x8x224xf32, #tpu.memory_space<vmem>>
      %dma_start3A_704 = tpu.memref_squeeze %dma_start3A_703 : memref<1x8x224xf32, #tpu.memory_space<vmem>> -> memref<8x224xf32, #tpu.memory_space<vmem>>
      %dma_start3A_705 = arith.constant 0 : i32
      %dma_start3A_706 = tpu.memref_slice %arg3[%select_n3A_688, %rem3A_690, %mul3A_692, %dma_start3A_705] : memref<4x3x224x224xf32, #tpu.memory_space<hbm>> -> memref<1x1x8x224xf32, #tpu.memory_space<hbm>>
      %dma_start3A_707 = tpu.memref_squeeze %dma_start3A_706 : memref<1x1x8x224xf32, #tpu.memory_space<hbm>> -> memref<8x224xf32, #tpu.memory_space<hbm>>
      tpu.enqueue_dma source(%dma_start3A_707 : memref<8x224xf32, #tpu.memory_space<hbm>>) target(%dma_start3A_704 : memref<8x224xf32, #tpu.memory_space<vmem>>) target_semaphore(%arg8 : memref<!tpu.dma_semaphore, #tpu.memory_space<semaphore_mem>>)
      %mul3A_708 = arith.constant 21 : i32
      %mul3A_709 = arith.muli %rem3A_1, %mul3A_708 : i32
      %add3A_710 = arith.constant 4 : i32
      %add3A_711 = arith.addi %mul3A_709, %add3A_710 : i32
      %jit3A_712 = arith.constant 28 : i32
      %div3A_713 = arith.divsi %add3A_711, %jit3A_712 : i32
      %sign3A_714 = arith.constant 0 : i32
      %sign3A_715 = arith.cmpi sgt, %add3A_711, %sign3A_714 : i32
      %sign3A_716 = arith.extui %sign3A_715 : i1 to i32
      %sign3A_717 = arith.constant 0 : i32
      %sign3A_718 = arith.cmpi slt, %add3A_711, %sign3A_717 : i32
      %sign3A_719 = arith.extui %sign3A_718 : i1 to i32
      %sign3A_720 = arith.subi %sign3A_716, %sign3A_719 : i32
      %sign3A_721 = arith.constant 0 : i32
      %sign3A_722 = arith.cmpi sgt, %jit3A_712, %sign3A_721 : i32
      %sign3A_723 = arith.extui %sign3A_722 : i1 to i32
      %sign3A_724 = arith.constant 0 : i32
      %sign3A_725 = arith.cmpi slt, %jit3A_712, %sign3A_724 : i32
      %sign3A_726 = arith.extui %sign3A_725 : i1 to i32
      %sign3A_727 = arith.subi %sign3A_723, %sign3A_726 : i32
      %ne3A_728 = arith.cmpi ne, %sign3A_720, %sign3A_727 : i32
      %rem3A_729 = arith.remsi %add3A_711, %jit3A_712 : i32
      %ne3A_730 = arith.constant 0 : i32
      %ne3A_731 = arith.cmpi ne, %rem3A_729, %ne3A_730 : i32
      %and3A_732 = arith.andi %ne3A_728, %ne3A_731 : i1
      %sub3A_733 = arith.constant 1 : i32
      %sub3A_734 = arith.subi %div3A_713, %sub3A_733 : i32
      %select_n3A_735 = arith.select %and3A_732, %sub3A_734, %div3A_713 : i32
      %rem3A_736 = arith.constant 28 : i32
      %rem3A_737 = arith.remsi %add3A_711, %rem3A_736 : i32
      %jit3A_738 = arith.constant 3 : i32
      %div3A_739 = arith.divsi %select_n3A_735, %jit3A_738 : i32
      %sign3A_740 = arith.constant 0 : i32
      %sign3A_741 = arith.cmpi sgt, %select_n3A_735, %sign3A_740 : i32
      %sign3A_742 = arith.extui %sign3A_741 : i1 to i32
      %sign3A_743 = arith.constant 0 : i32
      %sign3A_744 = arith.cmpi slt, %select_n3A_735, %sign3A_743 : i32
      %sign3A_745 = arith.extui %sign3A_744 : i1 to i32
      %sign3A_746 = arith.subi %sign3A_742, %sign3A_745 : i32
      %sign3A_747 = arith.constant 0 : i32
      %sign3A_748 = arith.cmpi sgt, %jit3A_738, %sign3A_747 : i32
      %sign3A_749 = arith.extui %sign3A_748 : i1 to i32
      %sign3A_750 = arith.constant 0 : i32
      %sign3A_751 = arith.cmpi slt, %jit3A_738, %sign3A_750 : i32
      %sign3A_752 = arith.extui %sign3A_751 : i1 to i32
      %sign3A_753 = arith.subi %sign3A_749, %sign3A_752 : i32
      %ne3A_754 = arith.cmpi ne, %sign3A_746, %sign3A_753 : i32
      %rem3A_755 = arith.remsi %select_n3A_735, %jit3A_738 : i32
      %ne3A_756 = arith.constant 0 : i32
      %ne3A_757 = arith.cmpi ne, %rem3A_755, %ne3A_756 : i32
      %and3A_758 = arith.andi %ne3A_754, %ne3A_757 : i1
      %sub3A_759 = arith.constant 1 : i32
      %sub3A_760 = arith.subi %div3A_739, %sub3A_759 : i32
      %select_n3A_761 = arith.select %and3A_758, %sub3A_760, %div3A_739 : i32
      %rem3A_762 = arith.constant 3 : i32
      %rem3A_763 = arith.remsi %select_n3A_735, %rem3A_762 : i32
      %mul3A_764 = arith.constant 8 : i32
      %mul3A_765 = arith.muli %rem3A_737, %mul3A_764 : i32
      %dma_start3A_766 = arith.constant 4 : i32
      %dma_start3A_767 = arith.constant 0 : i32
      %dma_start3A_768 = arith.constant 0 : i32
      %dma_start3A_769 = tpu.memref_slice %arg5[%dma_start3A_766, %dma_start3A_767, %dma_start3A_768] : memref<21x8x224xf32, #tpu.memory_space<vmem>> -> memref<1x8x224xf32, #tpu.memory_space<vmem>>
      %dma_start3A_770 = tpu.memref_squeeze %dma_start3A_769 : memref<1x8x224xf32, #tpu.memory_space<vmem>> -> memref<8x224xf32, #tpu.memory_space<vmem>>
      %dma_start3A_771 = arith.constant 0 : i32
      %dma_start3A_772 = tpu.memref_slice %arg3[%select_n3A_761, %rem3A_763, %mul3A_765, %dma_start3A_771] : memref<4x3x224x224xf32, #tpu.memory_space<hbm>> -> memref<1x1x8x224xf32, #tpu.memory_space<hbm>>
      %dma_start3A_773 = tpu.memref_squeeze %dma_start3A_772 : memref<1x1x8x224xf32, #tpu.memory_space<hbm>> -> memref<8x224xf32, #tpu.memory_space<hbm>>
      %dma_start3A_774 = arith.constant 0 : i32
      %dma_start3A_775 = arith.constant 0 : i32
      %dma_start3A_776 = tpu.memref_slice %arg5[%dma_start3A_766, %dma_start3A_774, %dma_start3A_775] : memref<21x8x224xf32, #tpu.memory_space<vmem>> -> memref<1x8x224xf32, #tpu.memory_space<vmem>>
      %dma_start3A_777 = tpu.memref_squeeze %dma_start3A_776 : memref<1x8x224xf32, #tpu.memory_space<vmem>> -> memref<8x224xf32, #tpu.memory_space<vmem>>
      %dma_start3A_778 = arith.constant 0 : i32
      %dma_start3A_779 = tpu.memref_slice %arg3[%select_n3A_761, %rem3A_763, %mul3A_765, %dma_start3A_778] : memref<4x3x224x224xf32, #tpu.memory_space<hbm>> -> memref<1x1x8x224xf32, #tpu.memory_space<hbm>>
      %dma_start3A_780 = tpu.memref_squeeze %dma_start3A_779 : memref<1x1x8x224xf32, #tpu.memory_space<hbm>> -> memref<8x224xf32, #tpu.memory_space<hbm>>
      tpu.enqueue_dma source(%dma_start3A_780 : memref<8x224xf32, #tpu.memory_space<hbm>>) target(%dma_start3A_777 : memref<8x224xf32, #tpu.memory_space<vmem>>) target_semaphore(%arg8 : memref<!tpu.dma_semaphore, #tpu.memory_space<semaphore_mem>>)
      %mul3A_781 = arith.constant 21 : i32
      %mul3A_782 = arith.muli %rem3A_1, %mul3A_781 : i32
      %add3A_783 = arith.constant 5 : i32
      %add3A_784 = arith.addi %mul3A_782, %add3A_783 : i32
      %jit3A_785 = arith.constant 28 : i32
      %div3A_786 = arith.divsi %add3A_784, %jit3A_785 : i32
      %sign3A_787 = arith.constant 0 : i32
      %sign3A_788 = arith.cmpi sgt, %add3A_784, %sign3A_787 : i32
      %sign3A_789 = arith.extui %sign3A_788 : i1 to i32
      %sign3A_790 = arith.constant 0 : i32
      %sign3A_791 = arith.cmpi slt, %add3A_784, %sign3A_790 : i32
      %sign3A_792 = arith.extui %sign3A_791 : i1 to i32
      %sign3A_793 = arith.subi %sign3A_789, %sign3A_792 : i32
      %sign3A_794 = arith.constant 0 : i32
      %sign3A_795 = arith.cmpi sgt, %jit3A_785, %sign3A_794 : i32
      %sign3A_796 = arith.extui %sign3A_795 : i1 to i32
      %sign3A_797 = arith.constant 0 : i32
      %sign3A_798 = arith.cmpi slt, %jit3A_785, %sign3A_797 : i32
      %sign3A_799 = arith.extui %sign3A_798 : i1 to i32
      %sign3A_800 = arith.subi %sign3A_796, %sign3A_799 : i32
      %ne3A_801 = arith.cmpi ne, %sign3A_793, %sign3A_800 : i32
      %rem3A_802 = arith.remsi %add3A_784, %jit3A_785 : i32
      %ne3A_803 = arith.constant 0 : i32
      %ne3A_804 = arith.cmpi ne, %rem3A_802, %ne3A_803 : i32
      %and3A_805 = arith.andi %ne3A_801, %ne3A_804 : i1
      %sub3A_806 = arith.constant 1 : i32
      %sub3A_807 = arith.subi %div3A_786, %sub3A_806 : i32
      %select_n3A_808 = arith.select %and3A_805, %sub3A_807, %div3A_786 : i32
      %rem3A_809 = arith.constant 28 : i32
      %rem3A_810 = arith.remsi %add3A_784, %rem3A_809 : i32
      %jit3A_811 = arith.constant 3 : i32
      %div3A_812 = arith.divsi %select_n3A_808, %jit3A_811 : i32
      %sign3A_813 = arith.constant 0 : i32
      %sign3A_814 = arith.cmpi sgt, %select_n3A_808, %sign3A_813 : i32
      %sign3A_815 = arith.extui %sign3A_814 : i1 to i32
      %sign3A_816 = arith.constant 0 : i32
      %sign3A_817 = arith.cmpi slt, %select_n3A_808, %sign3A_816 : i32
      %sign3A_818 = arith.extui %sign3A_817 : i1 to i32
      %sign3A_819 = arith.subi %sign3A_815, %sign3A_818 : i32
      %sign3A_820 = arith.constant 0 : i32
      %sign3A_821 = arith.cmpi sgt, %jit3A_811, %sign3A_820 : i32
      %sign3A_822 = arith.extui %sign3A_821 : i1 to i32
      %sign3A_823 = arith.constant 0 : i32
      %sign3A_824 = arith.cmpi slt, %jit3A_811, %sign3A_823 : i32
      %sign3A_825 = arith.extui %sign3A_824 : i1 to i32
      %sign3A_826 = arith.subi %sign3A_822, %sign3A_825 : i32
      %ne3A_827 = arith.cmpi ne, %sign3A_819, %sign3A_826 : i32
      %rem3A_828 = arith.remsi %select_n3A_808, %jit3A_811 : i32
      %ne3A_829 = arith.constant 0 : i32
      %ne3A_830 = arith.cmpi ne, %rem3A_828, %ne3A_829 : i32
      %and3A_831 = arith.andi %ne3A_827, %ne3A_830 : i1
      %sub3A_832 = arith.constant 1 : i32
      %sub3A_833 = arith.subi %div3A_812, %sub3A_832 : i32
      %select_n3A_834 = arith.select %and3A_831, %sub3A_833, %div3A_812 : i32
      %rem3A_835 = arith.constant 3 : i32
      %rem3A_836 = arith.remsi %select_n3A_808, %rem3A_835 : i32
      %mul3A_837 = arith.constant 8 : i32
      %mul3A_838 = arith.muli %rem3A_810, %mul3A_837 : i32
      %dma_start3A_839 = arith.constant 5 : i32
      %dma_start3A_840 = arith.constant 0 : i32
      %dma_start3A_841 = arith.constant 0 : i32
      %dma_start3A_842 = tpu.memref_slice %arg5[%dma_start3A_839, %dma_start3A_840, %dma_start3A_841] : memref<21x8x224xf32, #tpu.memory_space<vmem>> -> memref<1x8x224xf32, #tpu.memory_space<vmem>>
      %dma_start3A_843 = tpu.memref_squeeze %dma_start3A_842 : memref<1x8x224xf32, #tpu.memory_space<vmem>> -> memref<8x224xf32, #tpu.memory_space<vmem>>
      %dma_start3A_844 = arith.constant 0 : i32
      %dma_start3A_845 = tpu.memref_slice %arg3[%select_n3A_834, %rem3A_836, %mul3A_838, %dma_start3A_844] : memref<4x3x224x224xf32, #tpu.memory_space<hbm>> -> memref<1x1x8x224xf32, #tpu.memory_space<hbm>>
      %dma_start3A_846 = tpu.memref_squeeze %dma_start3A_845 : memref<1x1x8x224xf32, #tpu.memory_space<hbm>> -> memref<8x224xf32, #tpu.memory_space<hbm>>
      %dma_start3A_847 = arith.constant 0 : i32
      %dma_start3A_848 = arith.constant 0 : i32
      %dma_start3A_849 = tpu.memref_slice %arg5[%dma_start3A_839, %dma_start3A_847, %dma_start3A_848] : memref<21x8x224xf32, #tpu.memory_space<vmem>> -> memref<1x8x224xf32, #tpu.memory_space<vmem>>
      %dma_start3A_850 = tpu.memref_squeeze %dma_start3A_849 : memref<1x8x224xf32, #tpu.memory_space<vmem>> -> memref<8x224xf32, #tpu.memory_space<vmem>>
      %dma_start3A_851 = arith.constant 0 : i32
      %dma_start3A_852 = tpu.memref_slice %arg3[%select_n3A_834, %rem3A_836, %mul3A_838, %dma_start3A_851] : memref<4x3x224x224xf32, #tpu.memory_space<hbm>> -> memref<1x1x8x224xf32, #tpu.memory_space<hbm>>
      %dma_start3A_853 = tpu.memref_squeeze %dma_start3A_852 : memref<1x1x8x224xf32, #tpu.memory_space<hbm>> -> memref<8x224xf32, #tpu.memory_space<hbm>>
      tpu.enqueue_dma source(%dma_start3A_853 : memref<8x224xf32, #tpu.memory_space<hbm>>) target(%dma_start3A_850 : memref<8x224xf32, #tpu.memory_space<vmem>>) target_semaphore(%arg8 : memref<!tpu.dma_semaphore, #tpu.memory_space<semaphore_mem>>)
      %mul3A_854 = arith.constant 21 : i32
      %mul3A_855 = arith.muli %rem3A_1, %mul3A_854 : i32
      %add3A_856 = arith.constant 6 : i32
      %add3A_857 = arith.addi %mul3A_855, %add3A_856 : i32
      %jit3A_858 = arith.constant 28 : i32
      %div3A_859 = arith.divsi %add3A_857, %jit3A_858 : i32
      %sign3A_860 = arith.constant 0 : i32
      %sign3A_861 = arith.cmpi sgt, %add3A_857, %sign3A_860 : i32
      %sign3A_862 = arith.extui %sign3A_861 : i1 to i32
      %sign3A_863 = arith.constant 0 : i32
      %sign3A_864 = arith.cmpi slt, %add3A_857, %sign3A_863 : i32
      %sign3A_865 = arith.extui %sign3A_864 : i1 to i32
      %sign3A_866 = arith.subi %sign3A_862, %sign3A_865 : i32
      %sign3A_867 = arith.constant 0 : i32
      %sign3A_868 = arith.cmpi sgt, %jit3A_858, %sign3A_867 : i32
      %sign3A_869 = arith.extui %sign3A_868 : i1 to i32
      %sign3A_870 = arith.constant 0 : i32
      %sign3A_871 = arith.cmpi slt, %jit3A_858, %sign3A_870 : i32
      %sign3A_872 = arith.extui %sign3A_871 : i1 to i32
      %sign3A_873 = arith.subi %sign3A_869, %sign3A_872 : i32
      %ne3A_874 = arith.cmpi ne, %sign3A_866, %sign3A_873 : i32
      %rem3A_875 = arith.remsi %add3A_857, %jit3A_858 : i32
      %ne3A_876 = arith.constant 0 : i32
      %ne3A_877 = arith.cmpi ne, %rem3A_875, %ne3A_876 : i32
      %and3A_878 = arith.andi %ne3A_874, %ne3A_877 : i1
      %sub3A_879 = arith.constant 1 : i32
      %sub3A_880 = arith.subi %div3A_859, %sub3A_879 : i32
      %select_n3A_881 = arith.select %and3A_878, %sub3A_880, %div3A_859 : i32
      %rem3A_882 = arith.constant 28 : i32
      %rem3A_883 = arith.remsi %add3A_857, %rem3A_882 : i32
      %jit3A_884 = arith.constant 3 : i32
      %div3A_885 = arith.divsi %select_n3A_881, %jit3A_884 : i32
      %sign3A_886 = arith.constant 0 : i32
      %sign3A_887 = arith.cmpi sgt, %select_n3A_881, %sign3A_886 : i32
      %sign3A_888 = arith.extui %sign3A_887 : i1 to i32
      %sign3A_889 = arith.constant 0 : i32
      %sign3A_890 = arith.cmpi slt, %select_n3A_881, %sign3A_889 : i32
      %sign3A_891 = arith.extui %sign3A_890 : i1 to i32
      %sign3A_892 = arith.subi %sign3A_888, %sign3A_891 : i32
      %sign3A_893 = arith.constant 0 : i32
      %sign3A_894 = arith.cmpi sgt, %jit3A_884, %sign3A_893 : i32
      %sign3A_895 = arith.extui %sign3A_894 : i1 to i32
      %sign3A_896 = arith.constant 0 : i32
      %sign3A_897 = arith.cmpi slt, %jit3A_884, %sign3A_896 : i32
      %sign3A_898 = arith.extui %sign3A_897 : i1 to i32
      %sign3A_899 = arith.subi %sign3A_895, %sign3A_898 : i32
      %ne3A_900 = arith.cmpi ne, %sign3A_892, %sign3A_899 : i32
      %rem3A_901 = arith.remsi %select_n3A_881, %jit3A_884 : i32
      %ne3A_902 = arith.constant 0 : i32
      %ne3A_903 = arith.cmpi ne, %rem3A_901, %ne3A_902 : i32
      %and3A_904 = arith.andi %ne3A_900, %ne3A_903 : i1
      %sub3A_905 = arith.constant 1 : i32
      %sub3A_906 = arith.subi %div3A_885, %sub3A_905 : i32
      %select_n3A_907 = arith.select %and3A_904, %sub3A_906, %div3A_885 : i32
      %rem3A_908 = arith.constant 3 : i32
      %rem3A_909 = arith.remsi %select_n3A_881, %rem3A_908 : i32
      %mul3A_910 = arith.constant 8 : i32
      %mul3A_911 = arith.muli %rem3A_883, %mul3A_910 : i32
      %dma_start3A_912 = arith.constant 6 : i32
      %dma_start3A_913 = arith.constant 0 : i32
      %dma_start3A_914 = arith.constant 0 : i32
      %dma_start3A_915 = tpu.memref_slice %arg5[%dma_start3A_912, %dma_start3A_913, %dma_start3A_914] : memref<21x8x224xf32, #tpu.memory_space<vmem>> -> memref<1x8x224xf32, #tpu.memory_space<vmem>>
      %dma_start3A_916 = tpu.memref_squeeze %dma_start3A_915 : memref<1x8x224xf32, #tpu.memory_space<vmem>> -> memref<8x224xf32, #tpu.memory_space<vmem>>
      %dma_start3A_917 = arith.constant 0 : i32
      %dma_start3A_918 = tpu.memref_slice %arg3[%select_n3A_907, %rem3A_909, %mul3A_911, %dma_start3A_917] : memref<4x3x224x224xf32, #tpu.memory_space<hbm>> -> memref<1x1x8x224xf32, #tpu.memory_space<hbm>>
      %dma_start3A_919 = tpu.memref_squeeze %dma_start3A_918 : memref<1x1x8x224xf32, #tpu.memory_space<hbm>> -> memref<8x224xf32, #tpu.memory_space<hbm>>
      %dma_start3A_920 = arith.constant 0 : i32
      %dma_start3A_921 = arith.constant 0 : i32
      %dma_start3A_922 = tpu.memref_slice %arg5[%dma_start3A_912, %dma_start3A_920, %dma_start3A_921] : memref<21x8x224xf32, #tpu.memory_space<vmem>> -> memref<1x8x224xf32, #tpu.memory_space<vmem>>
      %dma_start3A_923 = tpu.memref_squeeze %dma_start3A_922 : memref<1x8x224xf32, #tpu.memory_space<vmem>> -> memref<8x224xf32, #tpu.memory_space<vmem>>
      %dma_start3A_924 = arith.constant 0 : i32
      %dma_start3A_925 = tpu.memref_slice %arg3[%select_n3A_907, %rem3A_909, %mul3A_911, %dma_start3A_924] : memref<4x3x224x224xf32, #tpu.memory_space<hbm>> -> memref<1x1x8x224xf32, #tpu.memory_space<hbm>>
      %dma_start3A_926 = tpu.memref_squeeze %dma_start3A_925 : memref<1x1x8x224xf32, #tpu.memory_space<hbm>> -> memref<8x224xf32, #tpu.memory_space<hbm>>
      tpu.enqueue_dma source(%dma_start3A_926 : memref<8x224xf32, #tpu.memory_space<hbm>>) target(%dma_start3A_923 : memref<8x224xf32, #tpu.memory_space<vmem>>) target_semaphore(%arg8 : memref<!tpu.dma_semaphore, #tpu.memory_space<semaphore_mem>>)
      %mul3A_927 = arith.constant 21 : i32
      %mul3A_928 = arith.muli %rem3A_1, %mul3A_927 : i32
      %add3A_929 = arith.constant 7 : i32
      %add3A_930 = arith.addi %mul3A_928, %add3A_929 : i32
      %jit3A_931 = arith.constant 28 : i32
      %div3A_932 = arith.divsi %add3A_930, %jit3A_931 : i32
      %sign3A_933 = arith.constant 0 : i32
      %sign3A_934 = arith.cmpi sgt, %add3A_930, %sign3A_933 : i32
      %sign3A_935 = arith.extui %sign3A_934 : i1 to i32
      %sign3A_936 = arith.constant 0 : i32
      %sign3A_937 = arith.cmpi slt, %add3A_930, %sign3A_936 : i32
      %sign3A_938 = arith.extui %sign3A_937 : i1 to i32
      %sign3A_939 = arith.subi %sign3A_935, %sign3A_938 : i32
      %sign3A_940 = arith.constant 0 : i32
      %sign3A_941 = arith.cmpi sgt, %jit3A_931, %sign3A_940 : i32
      %sign3A_942 = arith.extui %sign3A_941 : i1 to i32
      %sign3A_943 = arith.constant 0 : i32
      %sign3A_944 = arith.cmpi slt, %jit3A_931, %sign3A_943 : i32
      %sign3A_945 = arith.extui %sign3A_944 : i1 to i32
      %sign3A_946 = arith.subi %sign3A_942, %sign3A_945 : i32
      %ne3A_947 = arith.cmpi ne, %sign3A_939, %sign3A_946 : i32
      %rem3A_948 = arith.remsi %add3A_930, %jit3A_931 : i32
      %ne3A_949 = arith.constant 0 : i32
      %ne3A_950 = arith.cmpi ne, %rem3A_948, %ne3A_949 : i32
      %and3A_951 = arith.andi %ne3A_947, %ne3A_950 : i1
      %sub3A_952 = arith.constant 1 : i32
      %sub3A_953 = arith.subi %div3A_932, %sub3A_952 : i32
      %select_n3A_954 = arith.select %and3A_951, %sub3A_953, %div3A_932 : i32
      %rem3A_955 = arith.constant 28 : i32
      %rem3A_956 = arith.remsi %add3A_930, %rem3A_955 : i32
      %jit3A_957 = arith.constant 3 : i32
      %div3A_958 = arith.divsi %select_n3A_954, %jit3A_957 : i32
      %sign3A_959 = arith.constant 0 : i32
      %sign3A_960 = arith.cmpi sgt, %select_n3A_954, %sign3A_959 : i32
      %sign3A_961 = arith.extui %sign3A_960 : i1 to i32
      %sign3A_962 = arith.constant 0 : i32
      %sign3A_963 = arith.cmpi slt, %select_n3A_954, %sign3A_962 : i32
      %sign3A_964 = arith.extui %sign3A_963 : i1 to i32
      %sign3A_965 = arith.subi %sign3A_961, %sign3A_964 : i32
      %sign3A_966 = arith.constant 0 : i32
      %sign3A_967 = arith.cmpi sgt, %jit3A_957, %sign3A_966 : i32
      %sign3A_968 = arith.extui %sign3A_967 : i1 to i32
      %sign3A_969 = arith.constant 0 : i32
      %sign3A_970 = arith.cmpi slt, %jit3A_957, %sign3A_969 : i32
      %sign3A_971 = arith.extui %sign3A_970 : i1 to i32
      %sign3A_972 = arith.subi %sign3A_968, %sign3A_971 : i32
      %ne3A_973 = arith.cmpi ne, %sign3A_965, %sign3A_972 : i32
      %rem3A_974 = arith.remsi %select_n3A_954, %jit3A_957 : i32
      %ne3A_975 = arith.constant 0 : i32
      %ne3A_976 = arith.cmpi ne, %rem3A_974, %ne3A_975 : i32
      %and3A_977 = arith.andi %ne3A_973, %ne3A_976 : i1
      %sub3A_978 = arith.constant 1 : i32
      %sub3A_979 = arith.subi %div3A_958, %sub3A_978 : i32
      %select_n3A_980 = arith.select %and3A_977, %sub3A_979, %div3A_958 : i32
      %rem3A_981 = arith.constant 3 : i32
      %rem3A_982 = arith.remsi %select_n3A_954, %rem3A_981 : i32
      %mul3A_983 = arith.constant 8 : i32
      %mul3A_984 = arith.muli %rem3A_956, %mul3A_983 : i32
      %dma_start3A_985 = arith.constant 7 : i32
      %dma_start3A_986 = arith.constant 0 : i32
      %dma_start3A_987 = arith.constant 0 : i32
      %dma_start3A_988 = tpu.memref_slice %arg5[%dma_start3A_985, %dma_start3A_986, %dma_start3A_987] : memref<21x8x224xf32, #tpu.memory_space<vmem>> -> memref<1x8x224xf32, #tpu.memory_space<vmem>>
      %dma_start3A_989 = tpu.memref_squeeze %dma_start3A_988 : memref<1x8x224xf32, #tpu.memory_space<vmem>> -> memref<8x224xf32, #tpu.memory_space<vmem>>
      %dma_start3A_990 = arith.constant 0 : i32
      %dma_start3A_991 = tpu.memref_slice %arg3[%select_n3A_980, %rem3A_982, %mul3A_984, %dma_start3A_990] : memref<4x3x224x224xf32, #tpu.memory_space<hbm>> -> memref<1x1x8x224xf32, #tpu.memory_space<hbm>>
      %dma_start3A_992 = tpu.memref_squeeze %dma_start3A_991 : memref<1x1x8x224xf32, #tpu.memory_space<hbm>> -> memref<8x224xf32, #tpu.memory_space<hbm>>
      %dma_start3A_993 = arith.constant 0 : i32
      %dma_start3A_994 = arith.constant 0 : i32
      %dma_start3A_995 = tpu.memref_slice %arg5[%dma_start3A_985, %dma_start3A_993, %dma_start3A_994] : memref<21x8x224xf32, #tpu.memory_space<vmem>> -> memref<1x8x224xf32, #tpu.memory_space<vmem>>
      %dma_start3A_996 = tpu.memref_squeeze %dma_start3A_995 : memref<1x8x224xf32, #tpu.memory_space<vmem>> -> memref<8x224xf32, #tpu.memory_space<vmem>>
      %dma_start3A_997 = arith.constant 0 : i32
      %dma_start3A_998 = tpu.memref_slice %arg3[%select_n3A_980, %rem3A_982, %mul3A_984, %dma_start3A_997] : memref<4x3x224x224xf32, #tpu.memory_space<hbm>> -> memref<1x1x8x224xf32, #tpu.memory_space<hbm>>
      %dma_start3A_999 = tpu.memref_squeeze %dma_start3A_998 : memref<1x1x8x224xf32, #tpu.memory_space<hbm>> -> memref<8x224xf32, #tpu.memory_space<hbm>>
      tpu.enqueue_dma source(%dma_start3A_999 : memref<8x224xf32, #tpu.memory_space<hbm>>) target(%dma_start3A_996 : memref<8x224xf32, #tpu.memory_space<vmem>>) target_semaphore(%arg8 : memref<!tpu.dma_semaphore, #tpu.memory_space<semaphore_mem>>)
      %mul3A_1000 = arith.constant 21 : i32
      %mul3A_1001 = arith.muli %rem3A_1, %mul3A_1000 : i32
      %add3A_1002 = arith.constant 8 : i32
      %add3A_1003 = arith.addi %mul3A_1001, %add3A_1002 : i32
      %jit3A_1004 = arith.constant 28 : i32
      %div3A_1005 = arith.divsi %add3A_1003, %jit3A_1004 : i32
      %sign3A_1006 = arith.constant 0 : i32
      %sign3A_1007 = arith.cmpi sgt, %add3A_1003, %sign3A_1006 : i32
      %sign3A_1008 = arith.extui %sign3A_1007 : i1 to i32
      %sign3A_1009 = arith.constant 0 : i32
      %sign3A_1010 = arith.cmpi slt, %add3A_1003, %sign3A_1009 : i32
      %sign3A_1011 = arith.extui %sign3A_1010 : i1 to i32
      %sign3A_1012 = arith.subi %sign3A_1008, %sign3A_1011 : i32
      %sign3A_1013 = arith.constant 0 : i32
      %sign3A_1014 = arith.cmpi sgt, %jit3A_1004, %sign3A_1013 : i32
      %sign3A_1015 = arith.extui %sign3A_1014 : i1 to i32
      %sign3A_1016 = arith.constant 0 : i32
      %sign3A_1017 = arith.cmpi slt, %jit3A_1004, %sign3A_1016 : i32
      %sign3A_1018 = arith.extui %sign3A_1017 : i1 to i32
      %sign3A_1019 = arith.subi %sign3A_1015, %sign3A_1018 : i32
      %ne3A_1020 = arith.cmpi ne, %sign3A_1012, %sign3A_1019 : i32
      %rem3A_1021 = arith.remsi %add3A_1003, %jit3A_1004 : i32
      %ne3A_1022 = arith.constant 0 : i32
      %ne3A_1023 = arith.cmpi ne, %rem3A_1021, %ne3A_1022 : i32
      %and3A_1024 = arith.andi %ne3A_1020, %ne3A_1023 : i1
      %sub3A_1025 = arith.constant 1 : i32
      %sub3A_1026 = arith.subi %div3A_1005, %sub3A_1025 : i32
      %select_n3A_1027 = arith.select %and3A_1024, %sub3A_1026, %div3A_1005 : i32
      %rem3A_1028 = arith.constant 28 : i32
      %rem3A_1029 = arith.remsi %add3A_1003, %rem3A_1028 : i32
      %jit3A_1030 = arith.constant 3 : i32
      %div3A_1031 = arith.divsi %select_n3A_1027, %jit3A_1030 : i32
      %sign3A_1032 = arith.constant 0 : i32
      %sign3A_1033 = arith.cmpi sgt, %select_n3A_1027, %sign3A_1032 : i32
      %sign3A_1034 = arith.extui %sign3A_1033 : i1 to i32
      %sign3A_1035 = arith.constant 0 : i32
      %sign3A_1036 = arith.cmpi slt, %select_n3A_1027, %sign3A_1035 : i32
      %sign3A_1037 = arith.extui %sign3A_1036 : i1 to i32
      %sign3A_1038 = arith.subi %sign3A_1034, %sign3A_1037 : i32
      %sign3A_1039 = arith.constant 0 : i32
      %sign3A_1040 = arith.cmpi sgt, %jit3A_1030, %sign3A_1039 : i32
      %sign3A_1041 = arith.extui %sign3A_1040 : i1 to i32
      %sign3A_1042 = arith.constant 0 : i32
      %sign3A_1043 = arith.cmpi slt, %jit3A_1030, %sign3A_1042 : i32
      %sign3A_1044 = arith.extui %sign3A_1043 : i1 to i32
      %sign3A_1045 = arith.subi %sign3A_1041, %sign3A_1044 : i32
      %ne3A_1046 = arith.cmpi ne, %sign3A_1038, %sign3A_1045 : i32
      %rem3A_1047 = arith.remsi %select_n3A_1027, %jit3A_1030 : i32
      %ne3A_1048 = arith.constant 0 : i32
      %ne3A_1049 = arith.cmpi ne, %rem3A_1047, %ne3A_1048 : i32
      %and3A_1050 = arith.andi %ne3A_1046, %ne3A_1049 : i1
      %sub3A_1051 = arith.constant 1 : i32
      %sub3A_1052 = arith.subi %div3A_1031, %sub3A_1051 : i32
      %select_n3A_1053 = arith.select %and3A_1050, %sub3A_1052, %div3A_1031 : i32
      %rem3A_1054 = arith.constant 3 : i32
      %rem3A_1055 = arith.remsi %select_n3A_1027, %rem3A_1054 : i32
      %mul3A_1056 = arith.constant 8 : i32
      %mul3A_1057 = arith.muli %rem3A_1029, %mul3A_1056 : i32
      %dma_start3A_1058 = arith.constant 8 : i32
      %dma_start3A_1059 = arith.constant 0 : i32
      %dma_start3A_1060 = arith.constant 0 : i32
      %dma_start3A_1061 = tpu.memref_slice %arg5[%dma_start3A_1058, %dma_start3A_1059, %dma_start3A_1060] : memref<21x8x224xf32, #tpu.memory_space<vmem>> -> memref<1x8x224xf32, #tpu.memory_space<vmem>>
      %dma_start3A_1062 = tpu.memref_squeeze %dma_start3A_1061 : memref<1x8x224xf32, #tpu.memory_space<vmem>> -> memref<8x224xf32, #tpu.memory_space<vmem>>
      %dma_start3A_1063 = arith.constant 0 : i32
      %dma_start3A_1064 = tpu.memref_slice %arg3[%select_n3A_1053, %rem3A_1055, %mul3A_1057, %dma_start3A_1063] : memref<4x3x224x224xf32, #tpu.memory_space<hbm>> -> memref<1x1x8x224xf32, #tpu.memory_space<hbm>>
      %dma_start3A_1065 = tpu.memref_squeeze %dma_start3A_1064 : memref<1x1x8x224xf32, #tpu.memory_space<hbm>> -> memref<8x224xf32, #tpu.memory_space<hbm>>
      %dma_start3A_1066 = arith.constant 0 : i32
      %dma_start3A_1067 = arith.constant 0 : i32
      %dma_start3A_1068 = tpu.memref_slice %arg5[%dma_start3A_1058, %dma_start3A_1066, %dma_start3A_1067] : memref<21x8x224xf32, #tpu.memory_space<vmem>> -> memref<1x8x224xf32, #tpu.memory_space<vmem>>
      %dma_start3A_1069 = tpu.memref_squeeze %dma_start3A_1068 : memref<1x8x224xf32, #tpu.memory_space<vmem>> -> memref<8x224xf32, #tpu.memory_space<vmem>>
      %dma_start3A_1070 = arith.constant 0 : i32
      %dma_start3A_1071 = tpu.memref_slice %arg3[%select_n3A_1053, %rem3A_1055, %mul3A_1057, %dma_start3A_1070] : memref<4x3x224x224xf32, #tpu.memory_space<hbm>> -> memref<1x1x8x224xf32, #tpu.memory_space<hbm>>
      %dma_start3A_1072 = tpu.memref_squeeze %dma_start3A_1071 : memref<1x1x8x224xf32, #tpu.memory_space<hbm>> -> memref<8x224xf32, #tpu.memory_space<hbm>>
      tpu.enqueue_dma source(%dma_start3A_1072 : memref<8x224xf32, #tpu.memory_space<hbm>>) target(%dma_start3A_1069 : memref<8x224xf32, #tpu.memory_space<vmem>>) target_semaphore(%arg8 : memref<!tpu.dma_semaphore, #tpu.memory_space<semaphore_mem>>)
      %mul3A_1073 = arith.constant 21 : i32
      %mul3A_1074 = arith.muli %rem3A_1, %mul3A_1073 : i32
      %add3A_1075 = arith.constant 9 : i32
      %add3A_1076 = arith.addi %mul3A_1074, %add3A_1075 : i32
      %jit3A_1077 = arith.constant 28 : i32
      %div3A_1078 = arith.divsi %add3A_1076, %jit3A_1077 : i32
      %sign3A_1079 = arith.constant 0 : i32
      %sign3A_1080 = arith.cmpi sgt, %add3A_1076, %sign3A_1079 : i32
      %sign3A_1081 = arith.extui %sign3A_1080 : i1 to i32
      %sign3A_1082 = arith.constant 0 : i32
      %sign3A_1083 = arith.cmpi slt, %add3A_1076, %sign3A_1082 : i32
      %sign3A_1084 = arith.extui %sign3A_1083 : i1 to i32
      %sign3A_1085 = arith.subi %sign3A_1081, %sign3A_1084 : i32
      %sign3A_1086 = arith.constant 0 : i32
      %sign3A_1087 = arith.cmpi sgt, %jit3A_1077, %sign3A_1086 : i32
      %sign3A_1088 = arith.extui %sign3A_1087 : i1 to i32
      %sign3A_1089 = arith.constant 0 : i32
      %sign3A_1090 = arith.cmpi slt, %jit3A_1077, %sign3A_1089 : i32
      %sign3A_1091 = arith.extui %sign3A_1090 : i1 to i32
      %sign3A_1092 = arith.subi %sign3A_1088, %sign3A_1091 : i32
      %ne3A_1093 = arith.cmpi ne, %sign3A_1085, %sign3A_1092 : i32
      %rem3A_1094 = arith.remsi %add3A_1076, %jit3A_1077 : i32
      %ne3A_1095 = arith.constant 0 : i32
      %ne3A_1096 = arith.cmpi ne, %rem3A_1094, %ne3A_1095 : i32
      %and3A_1097 = arith.andi %ne3A_1093, %ne3A_1096 : i1
      %sub3A_1098 = arith.constant 1 : i32
      %sub3A_1099 = arith.subi %div3A_1078, %sub3A_1098 : i32
      %select_n3A_1100 = arith.select %and3A_1097, %sub3A_1099, %div3A_1078 : i32
      %rem3A_1101 = arith.constant 28 : i32
      %rem3A_1102 = arith.remsi %add3A_1076, %rem3A_1101 : i32
      %jit3A_1103 = arith.constant 3 : i32
      %div3A_1104 = arith.divsi %select_n3A_1100, %jit3A_1103 : i32
      %sign3A_1105 = arith.constant 0 : i32
      %sign3A_1106 = arith.cmpi sgt, %select_n3A_1100, %sign3A_1105 : i32
      %sign3A_1107 = arith.extui %sign3A_1106 : i1 to i32
      %sign3A_1108 = arith.constant 0 : i32
      %sign3A_1109 = arith.cmpi slt, %select_n3A_1100, %sign3A_1108 : i32
      %sign3A_1110 = arith.extui %sign3A_1109 : i1 to i32
      %sign3A_1111 = arith.subi %sign3A_1107, %sign3A_1110 : i32
      %sign3A_1112 = arith.constant 0 : i32
      %sign3A_1113 = arith.cmpi sgt, %jit3A_1103, %sign3A_1112 : i32
      %sign3A_1114 = arith.extui %sign3A_1113 : i1 to i32
      %sign3A_1115 = arith.constant 0 : i32
      %sign3A_1116 = arith.cmpi slt, %jit3A_1103, %sign3A_1115 : i32
      %sign3A_1117 = arith.extui %sign3A_1116 : i1 to i32
      %sign3A_1118 = arith.subi %sign3A_1114, %sign3A_1117 : i32
      %ne3A_1119 = arith.cmpi ne, %sign3A_1111, %sign3A_1118 : i32
      %rem3A_1120 = arith.remsi %select_n3A_1100, %jit3A_1103 : i32
      %ne3A_1121 = arith.constant 0 : i32
      %ne3A_1122 = arith.cmpi ne, %rem3A_1120, %ne3A_1121 : i32
      %and3A_1123 = arith.andi %ne3A_1119, %ne3A_1122 : i1
      %sub3A_1124 = arith.constant 1 : i32
      %sub3A_1125 = arith.subi %div3A_1104, %sub3A_1124 : i32
      %select_n3A_1126 = arith.select %and3A_1123, %sub3A_1125, %div3A_1104 : i32
      %rem3A_1127 = arith.constant 3 : i32
      %rem3A_1128 = arith.remsi %select_n3A_1100, %rem3A_1127 : i32
      %mul3A_1129 = arith.constant 8 : i32
      %mul3A_1130 = arith.muli %rem3A_1102, %mul3A_1129 : i32
      %dma_start3A_1131 = arith.constant 9 : i32
      %dma_start3A_1132 = arith.constant 0 : i32
      %dma_start3A_1133 = arith.constant 0 : i32
      %dma_start3A_1134 = tpu.memref_slice %arg5[%dma_start3A_1131, %dma_start3A_1132, %dma_start3A_1133] : memref<21x8x224xf32, #tpu.memory_space<vmem>> -> memref<1x8x224xf32, #tpu.memory_space<vmem>>
      %dma_start3A_1135 = tpu.memref_squeeze %dma_start3A_1134 : memref<1x8x224xf32, #tpu.memory_space<vmem>> -> memref<8x224xf32, #tpu.memory_space<vmem>>
      %dma_start3A_1136 = arith.constant 0 : i32
      %dma_start3A_1137 = tpu.memref_slice %arg3[%select_n3A_1126, %rem3A_1128, %mul3A_1130, %dma_start3A_1136] : memref<4x3x224x224xf32, #tpu.memory_space<hbm>> -> memref<1x1x8x224xf32, #tpu.memory_space<hbm>>
      %dma_start3A_1138 = tpu.memref_squeeze %dma_start3A_1137 : memref<1x1x8x224xf32, #tpu.memory_space<hbm>> -> memref<8x224xf32, #tpu.memory_space<hbm>>
      %dma_start3A_1139 = arith.constant 0 : i32
      %dma_start3A_1140 = arith.constant 0 : i32
      %dma_start3A_1141 = tpu.memref_slice %arg5[%dma_start3A_1131, %dma_start3A_1139, %dma_start3A_1140] : memref<21x8x224xf32, #tpu.memory_space<vmem>> -> memref<1x8x224xf32, #tpu.memory_space<vmem>>
      %dma_start3A_1142 = tpu.memref_squeeze %dma_start3A_1141 : memref<1x8x224xf32, #tpu.memory_space<vmem>> -> memref<8x224xf32, #tpu.memory_space<vmem>>
      %dma_start3A_1143 = arith.constant 0 : i32
      %dma_start3A_1144 = tpu.memref_slice %arg3[%select_n3A_1126, %rem3A_1128, %mul3A_1130, %dma_start3A_1143] : memref<4x3x224x224xf32, #tpu.memory_space<hbm>> -> memref<1x1x8x224xf32, #tpu.memory_space<hbm>>
      %dma_start3A_1145 = tpu.memref_squeeze %dma_start3A_1144 : memref<1x1x8x224xf32, #tpu.memory_space<hbm>> -> memref<8x224xf32, #tpu.memory_space<hbm>>
      tpu.enqueue_dma source(%dma_start3A_1145 : memref<8x224xf32, #tpu.memory_space<hbm>>) target(%dma_start3A_1142 : memref<8x224xf32, #tpu.memory_space<vmem>>) target_semaphore(%arg8 : memref<!tpu.dma_semaphore, #tpu.memory_space<semaphore_mem>>)
      %mul3A_1146 = arith.constant 21 : i32
      %mul3A_1147 = arith.muli %rem3A_1, %mul3A_1146 : i32
      %add3A_1148 = arith.constant 10 : i32
      %add3A_1149 = arith.addi %mul3A_1147, %add3A_1148 : i32
      %jit3A_1150 = arith.constant 28 : i32
      %div3A_1151 = arith.divsi %add3A_1149, %jit3A_1150 : i32
      %sign3A_1152 = arith.constant 0 : i32
      %sign3A_1153 = arith.cmpi sgt, %add3A_1149, %sign3A_1152 : i32
      %sign3A_1154 = arith.extui %sign3A_1153 : i1 to i32
      %sign3A_1155 = arith.constant 0 : i32
      %sign3A_1156 = arith.cmpi slt, %add3A_1149, %sign3A_1155 : i32
      %sign3A_1157 = arith.extui %sign3A_1156 : i1 to i32
      %sign3A_1158 = arith.subi %sign3A_1154, %sign3A_1157 : i32
      %sign3A_1159 = arith.constant 0 : i32
      %sign3A_1160 = arith.cmpi sgt, %jit3A_1150, %sign3A_1159 : i32
      %sign3A_1161 = arith.extui %sign3A_1160 : i1 to i32
      %sign3A_1162 = arith.constant 0 : i32
      %sign3A_1163 = arith.cmpi slt, %jit3A_1150, %sign3A_1162 : i32
      %sign3A_1164 = arith.extui %sign3A_1163 : i1 to i32
      %sign3A_1165 = arith.subi %sign3A_1161, %sign3A_1164 : i32
      %ne3A_1166 = arith.cmpi ne, %sign3A_1158, %sign3A_1165 : i32
      %rem3A_1167 = arith.remsi %add3A_1149, %jit3A_1150 : i32
      %ne3A_1168 = arith.constant 0 : i32
      %ne3A_1169 = arith.cmpi ne, %rem3A_1167, %ne3A_1168 : i32
      %and3A_1170 = arith.andi %ne3A_1166, %ne3A_1169 : i1
      %sub3A_1171 = arith.constant 1 : i32
      %sub3A_1172 = arith.subi %div3A_1151, %sub3A_1171 : i32
      %select_n3A_1173 = arith.select %and3A_1170, %sub3A_1172, %div3A_1151 : i32
      %rem3A_1174 = arith.constant 28 : i32
      %rem3A_1175 = arith.remsi %add3A_1149, %rem3A_1174 : i32
      %jit3A_1176 = arith.constant 3 : i32
      %div3A_1177 = arith.divsi %select_n3A_1173, %jit3A_1176 : i32
      %sign3A_1178 = arith.constant 0 : i32
      %sign3A_1179 = arith.cmpi sgt, %select_n3A_1173, %sign3A_1178 : i32
      %sign3A_1180 = arith.extui %sign3A_1179 : i1 to i32
      %sign3A_1181 = arith.constant 0 : i32
      %sign3A_1182 = arith.cmpi slt, %select_n3A_1173, %sign3A_1181 : i32
      %sign3A_1183 = arith.extui %sign3A_1182 : i1 to i32
      %sign3A_1184 = arith.subi %sign3A_1180, %sign3A_1183 : i32
      %sign3A_1185 = arith.constant 0 : i32
      %sign3A_1186 = arith.cmpi sgt, %jit3A_1176, %sign3A_1185 : i32
      %sign3A_1187 = arith.extui %sign3A_1186 : i1 to i32
      %sign3A_1188 = arith.constant 0 : i32
      %sign3A_1189 = arith.cmpi slt, %jit3A_1176, %sign3A_1188 : i32
      %sign3A_1190 = arith.extui %sign3A_1189 : i1 to i32
      %sign3A_1191 = arith.subi %sign3A_1187, %sign3A_1190 : i32
      %ne3A_1192 = arith.cmpi ne, %sign3A_1184, %sign3A_1191 : i32
      %rem3A_1193 = arith.remsi %select_n3A_1173, %jit3A_1176 : i32
      %ne3A_1194 = arith.constant 0 : i32
      %ne3A_1195 = arith.cmpi ne, %rem3A_1193, %ne3A_1194 : i32
      %and3A_1196 = arith.andi %ne3A_1192, %ne3A_1195 : i1
      %sub3A_1197 = arith.constant 1 : i32
      %sub3A_1198 = arith.subi %div3A_1177, %sub3A_1197 : i32
      %select_n3A_1199 = arith.select %and3A_1196, %sub3A_1198, %div3A_1177 : i32
      %rem3A_1200 = arith.constant 3 : i32
      %rem3A_1201 = arith.remsi %select_n3A_1173, %rem3A_1200 : i32
      %mul3A_1202 = arith.constant 8 : i32
      %mul3A_1203 = arith.muli %rem3A_1175, %mul3A_1202 : i32
      %dma_start3A_1204 = arith.constant 10 : i32
      %dma_start3A_1205 = arith.constant 0 : i32
      %dma_start3A_1206 = arith.constant 0 : i32
      %dma_start3A_1207 = tpu.memref_slice %arg5[%dma_start3A_1204, %dma_start3A_1205, %dma_start3A_1206] : memref<21x8x224xf32, #tpu.memory_space<vmem>> -> memref<1x8x224xf32, #tpu.memory_space<vmem>>
      %dma_start3A_1208 = tpu.memref_squeeze %dma_start3A_1207 : memref<1x8x224xf32, #tpu.memory_space<vmem>> -> memref<8x224xf32, #tpu.memory_space<vmem>>
      %dma_start3A_1209 = arith.constant 0 : i32
      %dma_start3A_1210 = tpu.memref_slice %arg3[%select_n3A_1199, %rem3A_1201, %mul3A_1203, %dma_start3A_1209] : memref<4x3x224x224xf32, #tpu.memory_space<hbm>> -> memref<1x1x8x224xf32, #tpu.memory_space<hbm>>
      %dma_start3A_1211 = tpu.memref_squeeze %dma_start3A_1210 : memref<1x1x8x224xf32, #tpu.memory_space<hbm>> -> memref<8x224xf32, #tpu.memory_space<hbm>>
      %dma_start3A_1212 = arith.constant 0 : i32
      %dma_start3A_1213 = arith.constant 0 : i32
      %dma_start3A_1214 = tpu.memref_slice %arg5[%dma_start3A_1204, %dma_start3A_1212, %dma_start3A_1213] : memref<21x8x224xf32, #tpu.memory_space<vmem>> -> memref<1x8x224xf32, #tpu.memory_space<vmem>>
      %dma_start3A_1215 = tpu.memref_squeeze %dma_start3A_1214 : memref<1x8x224xf32, #tpu.memory_space<vmem>> -> memref<8x224xf32, #tpu.memory_space<vmem>>
      %dma_start3A_1216 = arith.constant 0 : i32
      %dma_start3A_1217 = tpu.memref_slice %arg3[%select_n3A_1199, %rem3A_1201, %mul3A_1203, %dma_start3A_1216] : memref<4x3x224x224xf32, #tpu.memory_space<hbm>> -> memref<1x1x8x224xf32, #tpu.memory_space<hbm>>
      %dma_start3A_1218 = tpu.memref_squeeze %dma_start3A_1217 : memref<1x1x8x224xf32, #tpu.memory_space<hbm>> -> memref<8x224xf32, #tpu.memory_space<hbm>>
      tpu.enqueue_dma source(%dma_start3A_1218 : memref<8x224xf32, #tpu.memory_space<hbm>>) target(%dma_start3A_1215 : memref<8x224xf32, #tpu.memory_space<vmem>>) target_semaphore(%arg8 : memref<!tpu.dma_semaphore, #tpu.memory_space<semaphore_mem>>)
      %mul3A_1219 = arith.constant 21 : i32
      %mul3A_1220 = arith.muli %rem3A_1, %mul3A_1219 : i32
      %add3A_1221 = arith.constant 11 : i32
      %add3A_1222 = arith.addi %mul3A_1220, %add3A_1221 : i32
      %jit3A_1223 = arith.constant 28 : i32
      %div3A_1224 = arith.divsi %add3A_1222, %jit3A_1223 : i32
      %sign3A_1225 = arith.constant 0 : i32
      %sign3A_1226 = arith.cmpi sgt, %add3A_1222, %sign3A_1225 : i32
      %sign3A_1227 = arith.extui %sign3A_1226 : i1 to i32
      %sign3A_1228 = arith.constant 0 : i32
      %sign3A_1229 = arith.cmpi slt, %add3A_1222, %sign3A_1228 : i32
      %sign3A_1230 = arith.extui %sign3A_1229 : i1 to i32
      %sign3A_1231 = arith.subi %sign3A_1227, %sign3A_1230 : i32
      %sign3A_1232 = arith.constant 0 : i32
      %sign3A_1233 = arith.cmpi sgt, %jit3A_1223, %sign3A_1232 : i32
      %sign3A_1234 = arith.extui %sign3A_1233 : i1 to i32
      %sign3A_1235 = arith.constant 0 : i32
      %sign3A_1236 = arith.cmpi slt, %jit3A_1223, %sign3A_1235 : i32
      %sign3A_1237 = arith.extui %sign3A_1236 : i1 to i32
      %sign3A_1238 = arith.subi %sign3A_1234, %sign3A_1237 : i32
      %ne3A_1239 = arith.cmpi ne, %sign3A_1231, %sign3A_1238 : i32
      %rem3A_1240 = arith.remsi %add3A_1222, %jit3A_1223 : i32
      %ne3A_1241 = arith.constant 0 : i32
      %ne3A_1242 = arith.cmpi ne, %rem3A_1240, %ne3A_1241 : i32
      %and3A_1243 = arith.andi %ne3A_1239, %ne3A_1242 : i1
      %sub3A_1244 = arith.constant 1 : i32
      %sub3A_1245 = arith.subi %div3A_1224, %sub3A_1244 : i32
      %select_n3A_1246 = arith.select %and3A_1243, %sub3A_1245, %div3A_1224 : i32
      %rem3A_1247 = arith.constant 28 : i32
      %rem3A_1248 = arith.remsi %add3A_1222, %rem3A_1247 : i32
      %jit3A_1249 = arith.constant 3 : i32
      %div3A_1250 = arith.divsi %select_n3A_1246, %jit3A_1249 : i32
      %sign3A_1251 = arith.constant 0 : i32
      %sign3A_1252 = arith.cmpi sgt, %select_n3A_1246, %sign3A_1251 : i32
      %sign3A_1253 = arith.extui %sign3A_1252 : i1 to i32
      %sign3A_1254 = arith.constant 0 : i32
      %sign3A_1255 = arith.cmpi slt, %select_n3A_1246, %sign3A_1254 : i32
      %sign3A_1256 = arith.extui %sign3A_1255 : i1 to i32
      %sign3A_1257 = arith.subi %sign3A_1253, %sign3A_1256 : i32
      %sign3A_1258 = arith.constant 0 : i32
      %sign3A_1259 = arith.cmpi sgt, %jit3A_1249, %sign3A_1258 : i32
      %sign3A_1260 = arith.extui %sign3A_1259 : i1 to i32
      %sign3A_1261 = arith.constant 0 : i32
      %sign3A_1262 = arith.cmpi slt, %jit3A_1249, %sign3A_1261 : i32
      %sign3A_1263 = arith.extui %sign3A_1262 : i1 to i32
      %sign3A_1264 = arith.subi %sign3A_1260, %sign3A_1263 : i32
      %ne3A_1265 = arith.cmpi ne, %sign3A_1257, %sign3A_1264 : i32
      %rem3A_1266 = arith.remsi %select_n3A_1246, %jit3A_1249 : i32
      %ne3A_1267 = arith.constant 0 : i32
      %ne3A_1268 = arith.cmpi ne, %rem3A_1266, %ne3A_1267 : i32
      %and3A_1269 = arith.andi %ne3A_1265, %ne3A_1268 : i1
      %sub3A_1270 = arith.constant 1 : i32
      %sub3A_1271 = arith.subi %div3A_1250, %sub3A_1270 : i32
      %select_n3A_1272 = arith.select %and3A_1269, %sub3A_1271, %div3A_1250 : i32
      %rem3A_1273 = arith.constant 3 : i32
      %rem3A_1274 = arith.remsi %select_n3A_1246, %rem3A_1273 : i32
      %mul3A_1275 = arith.constant 8 : i32
      %mul3A_1276 = arith.muli %rem3A_1248, %mul3A_1275 : i32
      %dma_start3A_1277 = arith.constant 11 : i32
      %dma_start3A_1278 = arith.constant 0 : i32
      %dma_start3A_1279 = arith.constant 0 : i32
      %dma_start3A_1280 = tpu.memref_slice %arg5[%dma_start3A_1277, %dma_start3A_1278, %dma_start3A_1279] : memref<21x8x224xf32, #tpu.memory_space<vmem>> -> memref<1x8x224xf32, #tpu.memory_space<vmem>>
      %dma_start3A_1281 = tpu.memref_squeeze %dma_start3A_1280 : memref<1x8x224xf32, #tpu.memory_space<vmem>> -> memref<8x224xf32, #tpu.memory_space<vmem>>
      %dma_start3A_1282 = arith.constant 0 : i32
      %dma_start3A_1283 = tpu.memref_slice %arg3[%select_n3A_1272, %rem3A_1274, %mul3A_1276, %dma_start3A_1282] : memref<4x3x224x224xf32, #tpu.memory_space<hbm>> -> memref<1x1x8x224xf32, #tpu.memory_space<hbm>>
      %dma_start3A_1284 = tpu.memref_squeeze %dma_start3A_1283 : memref<1x1x8x224xf32, #tpu.memory_space<hbm>> -> memref<8x224xf32, #tpu.memory_space<hbm>>
      %dma_start3A_1285 = arith.constant 0 : i32
      %dma_start3A_1286 = arith.constant 0 : i32
      %dma_start3A_1287 = tpu.memref_slice %arg5[%dma_start3A_1277, %dma_start3A_1285, %dma_start3A_1286] : memref<21x8x224xf32, #tpu.memory_space<vmem>> -> memref<1x8x224xf32, #tpu.memory_space<vmem>>
      %dma_start3A_1288 = tpu.memref_squeeze %dma_start3A_1287 : memref<1x8x224xf32, #tpu.memory_space<vmem>> -> memref<8x224xf32, #tpu.memory_space<vmem>>
      %dma_start3A_1289 = arith.constant 0 : i32
      %dma_start3A_1290 = tpu.memref_slice %arg3[%select_n3A_1272, %rem3A_1274, %mul3A_1276, %dma_start3A_1289] : memref<4x3x224x224xf32, #tpu.memory_space<hbm>> -> memref<1x1x8x224xf32, #tpu.memory_space<hbm>>
      %dma_start3A_1291 = tpu.memref_squeeze %dma_start3A_1290 : memref<1x1x8x224xf32, #tpu.memory_space<hbm>> -> memref<8x224xf32, #tpu.memory_space<hbm>>
      tpu.enqueue_dma source(%dma_start3A_1291 : memref<8x224xf32, #tpu.memory_space<hbm>>) target(%dma_start3A_1288 : memref<8x224xf32, #tpu.memory_space<vmem>>) target_semaphore(%arg8 : memref<!tpu.dma_semaphore, #tpu.memory_space<semaphore_mem>>)
      %mul3A_1292 = arith.constant 21 : i32
      %mul3A_1293 = arith.muli %rem3A_1, %mul3A_1292 : i32
      %add3A_1294 = arith.constant 12 : i32
      %add3A_1295 = arith.addi %mul3A_1293, %add3A_1294 : i32
      %jit3A_1296 = arith.constant 28 : i32
      %div3A_1297 = arith.divsi %add3A_1295, %jit3A_1296 : i32
      %sign3A_1298 = arith.constant 0 : i32
      %sign3A_1299 = arith.cmpi sgt, %add3A_1295, %sign3A_1298 : i32
      %sign3A_1300 = arith.extui %sign3A_1299 : i1 to i32
      %sign3A_1301 = arith.constant 0 : i32
      %sign3A_1302 = arith.cmpi slt, %add3A_1295, %sign3A_1301 : i32
      %sign3A_1303 = arith.extui %sign3A_1302 : i1 to i32
      %sign3A_1304 = arith.subi %sign3A_1300, %sign3A_1303 : i32
      %sign3A_1305 = arith.constant 0 : i32
      %sign3A_1306 = arith.cmpi sgt, %jit3A_1296, %sign3A_1305 : i32
      %sign3A_1307 = arith.extui %sign3A_1306 : i1 to i32
      %sign3A_1308 = arith.constant 0 : i32
      %sign3A_1309 = arith.cmpi slt, %jit3A_1296, %sign3A_1308 : i32
      %sign3A_1310 = arith.extui %sign3A_1309 : i1 to i32
      %sign3A_1311 = arith.subi %sign3A_1307, %sign3A_1310 : i32
      %ne3A_1312 = arith.cmpi ne, %sign3A_1304, %sign3A_1311 : i32
      %rem3A_1313 = arith.remsi %add3A_1295, %jit3A_1296 : i32
      %ne3A_1314 = arith.constant 0 : i32
      %ne3A_1315 = arith.cmpi ne, %rem3A_1313, %ne3A_1314 : i32
      %and3A_1316 = arith.andi %ne3A_1312, %ne3A_1315 : i1
      %sub3A_1317 = arith.constant 1 : i32
      %sub3A_1318 = arith.subi %div3A_1297, %sub3A_1317 : i32
      %select_n3A_1319 = arith.select %and3A_1316, %sub3A_1318, %div3A_1297 : i32
      %rem3A_1320 = arith.constant 28 : i32
      %rem3A_1321 = arith.remsi %add3A_1295, %rem3A_1320 : i32
      %jit3A_1322 = arith.constant 3 : i32
      %div3A_1323 = arith.divsi %select_n3A_1319, %jit3A_1322 : i32
      %sign3A_1324 = arith.constant 0 : i32
      %sign3A_1325 = arith.cmpi sgt, %select_n3A_1319, %sign3A_1324 : i32
      %sign3A_1326 = arith.extui %sign3A_1325 : i1 to i32
      %sign3A_1327 = arith.constant 0 : i32
      %sign3A_1328 = arith.cmpi slt, %select_n3A_1319, %sign3A_1327 : i32
      %sign3A_1329 = arith.extui %sign3A_1328 : i1 to i32
      %sign3A_1330 = arith.subi %sign3A_1326, %sign3A_1329 : i32
      %sign3A_1331 = arith.constant 0 : i32
      %sign3A_1332 = arith.cmpi sgt, %jit3A_1322, %sign3A_1331 : i32
      %sign3A_1333 = arith.extui %sign3A_1332 : i1 to i32
      %sign3A_1334 = arith.constant 0 : i32
      %sign3A_1335 = arith.cmpi slt, %jit3A_1322, %sign3A_1334 : i32
      %sign3A_1336 = arith.extui %sign3A_1335 : i1 to i32
      %sign3A_1337 = arith.subi %sign3A_1333, %sign3A_1336 : i32
      %ne3A_1338 = arith.cmpi ne, %sign3A_1330, %sign3A_1337 : i32
      %rem3A_1339 = arith.remsi %select_n3A_1319, %jit3A_1322 : i32
      %ne3A_1340 = arith.constant 0 : i32
      %ne3A_1341 = arith.cmpi ne, %rem3A_1339, %ne3A_1340 : i32
      %and3A_1342 = arith.andi %ne3A_1338, %ne3A_1341 : i1
      %sub3A_1343 = arith.constant 1 : i32
      %sub3A_1344 = arith.subi %div3A_1323, %sub3A_1343 : i32
      %select_n3A_1345 = arith.select %and3A_1342, %sub3A_1344, %div3A_1323 : i32
      %rem3A_1346 = arith.constant 3 : i32
      %rem3A_1347 = arith.remsi %select_n3A_1319, %rem3A_1346 : i32
      %mul3A_1348 = arith.constant 8 : i32
      %mul3A_1349 = arith.muli %rem3A_1321, %mul3A_1348 : i32
      %dma_start3A_1350 = arith.constant 12 : i32
      %dma_start3A_1351 = arith.constant 0 : i32
      %dma_start3A_1352 = arith.constant 0 : i32
      %dma_start3A_1353 = tpu.memref_slice %arg5[%dma_start3A_1350, %dma_start3A_1351, %dma_start3A_1352] : memref<21x8x224xf32, #tpu.memory_space<vmem>> -> memref<1x8x224xf32, #tpu.memory_space<vmem>>
      %dma_start3A_1354 = tpu.memref_squeeze %dma_start3A_1353 : memref<1x8x224xf32, #tpu.memory_space<vmem>> -> memref<8x224xf32, #tpu.memory_space<vmem>>
      %dma_start3A_1355 = arith.constant 0 : i32
      %dma_start3A_1356 = tpu.memref_slice %arg3[%select_n3A_1345, %rem3A_1347, %mul3A_1349, %dma_start3A_1355] : memref<4x3x224x224xf32, #tpu.memory_space<hbm>> -> memref<1x1x8x224xf32, #tpu.memory_space<hbm>>
      %dma_start3A_1357 = tpu.memref_squeeze %dma_start3A_1356 : memref<1x1x8x224xf32, #tpu.memory_space<hbm>> -> memref<8x224xf32, #tpu.memory_space<hbm>>
      %dma_start3A_1358 = arith.constant 0 : i32
      %dma_start3A_1359 = arith.constant 0 : i32
      %dma_start3A_1360 = tpu.memref_slice %arg5[%dma_start3A_1350, %dma_start3A_1358, %dma_start3A_1359] : memref<21x8x224xf32, #tpu.memory_space<vmem>> -> memref<1x8x224xf32, #tpu.memory_space<vmem>>
      %dma_start3A_1361 = tpu.memref_squeeze %dma_start3A_1360 : memref<1x8x224xf32, #tpu.memory_space<vmem>> -> memref<8x224xf32, #tpu.memory_space<vmem>>
      %dma_start3A_1362 = arith.constant 0 : i32
      %dma_start3A_1363 = tpu.memref_slice %arg3[%select_n3A_1345, %rem3A_1347, %mul3A_1349, %dma_start3A_1362] : memref<4x3x224x224xf32, #tpu.memory_space<hbm>> -> memref<1x1x8x224xf32, #tpu.memory_space<hbm>>
      %dma_start3A_1364 = tpu.memref_squeeze %dma_start3A_1363 : memref<1x1x8x224xf32, #tpu.memory_space<hbm>> -> memref<8x224xf32, #tpu.memory_space<hbm>>
      tpu.enqueue_dma source(%dma_start3A_1364 : memref<8x224xf32, #tpu.memory_space<hbm>>) target(%dma_start3A_1361 : memref<8x224xf32, #tpu.memory_space<vmem>>) target_semaphore(%arg8 : memref<!tpu.dma_semaphore, #tpu.memory_space<semaphore_mem>>)
      %mul3A_1365 = arith.constant 21 : i32
      %mul3A_1366 = arith.muli %rem3A_1, %mul3A_1365 : i32
      %add3A_1367 = arith.constant 13 : i32
      %add3A_1368 = arith.addi %mul3A_1366, %add3A_1367 : i32
      %jit3A_1369 = arith.constant 28 : i32
      %div3A_1370 = arith.divsi %add3A_1368, %jit3A_1369 : i32
      %sign3A_1371 = arith.constant 0 : i32
      %sign3A_1372 = arith.cmpi sgt, %add3A_1368, %sign3A_1371 : i32
      %sign3A_1373 = arith.extui %sign3A_1372 : i1 to i32
      %sign3A_1374 = arith.constant 0 : i32
      %sign3A_1375 = arith.cmpi slt, %add3A_1368, %sign3A_1374 : i32
      %sign3A_1376 = arith.extui %sign3A_1375 : i1 to i32
      %sign3A_1377 = arith.subi %sign3A_1373, %sign3A_1376 : i32
      %sign3A_1378 = arith.constant 0 : i32
      %sign3A_1379 = arith.cmpi sgt, %jit3A_1369, %sign3A_1378 : i32
      %sign3A_1380 = arith.extui %sign3A_1379 : i1 to i32
      %sign3A_1381 = arith.constant 0 : i32
      %sign3A_1382 = arith.cmpi slt, %jit3A_1369, %sign3A_1381 : i32
      %sign3A_1383 = arith.extui %sign3A_1382 : i1 to i32
      %sign3A_1384 = arith.subi %sign3A_1380, %sign3A_1383 : i32
      %ne3A_1385 = arith.cmpi ne, %sign3A_1377, %sign3A_1384 : i32
      %rem3A_1386 = arith.remsi %add3A_1368, %jit3A_1369 : i32
      %ne3A_1387 = arith.constant 0 : i32
      %ne3A_1388 = arith.cmpi ne, %rem3A_1386, %ne3A_1387 : i32
      %and3A_1389 = arith.andi %ne3A_1385, %ne3A_1388 : i1
      %sub3A_1390 = arith.constant 1 : i32
      %sub3A_1391 = arith.subi %div3A_1370, %sub3A_1390 : i32
      %select_n3A_1392 = arith.select %and3A_1389, %sub3A_1391, %div3A_1370 : i32
      %rem3A_1393 = arith.constant 28 : i32
      %rem3A_1394 = arith.remsi %add3A_1368, %rem3A_1393 : i32
      %jit3A_1395 = arith.constant 3 : i32
      %div3A_1396 = arith.divsi %select_n3A_1392, %jit3A_1395 : i32
      %sign3A_1397 = arith.constant 0 : i32
      %sign3A_1398 = arith.cmpi sgt, %select_n3A_1392, %sign3A_1397 : i32
      %sign3A_1399 = arith.extui %sign3A_1398 : i1 to i32
      %sign3A_1400 = arith.constant 0 : i32
      %sign3A_1401 = arith.cmpi slt, %select_n3A_1392, %sign3A_1400 : i32
      %sign3A_1402 = arith.extui %sign3A_1401 : i1 to i32
      %sign3A_1403 = arith.subi %sign3A_1399, %sign3A_1402 : i32
      %sign3A_1404 = arith.constant 0 : i32
      %sign3A_1405 = arith.cmpi sgt, %jit3A_1395, %sign3A_1404 : i32
      %sign3A_1406 = arith.extui %sign3A_1405 : i1 to i32
      %sign3A_1407 = arith.constant 0 : i32
      %sign3A_1408 = arith.cmpi slt, %jit3A_1395, %sign3A_1407 : i32
      %sign3A_1409 = arith.extui %sign3A_1408 : i1 to i32
      %sign3A_1410 = arith.subi %sign3A_1406, %sign3A_1409 : i32
      %ne3A_1411 = arith.cmpi ne, %sign3A_1403, %sign3A_1410 : i32
      %rem3A_1412 = arith.remsi %select_n3A_1392, %jit3A_1395 : i32
      %ne3A_1413 = arith.constant 0 : i32
      %ne3A_1414 = arith.cmpi ne, %rem3A_1412, %ne3A_1413 : i32
      %and3A_1415 = arith.andi %ne3A_1411, %ne3A_1414 : i1
      %sub3A_1416 = arith.constant 1 : i32
      %sub3A_1417 = arith.subi %div3A_1396, %sub3A_1416 : i32
      %select_n3A_1418 = arith.select %and3A_1415, %sub3A_1417, %div3A_1396 : i32
      %rem3A_1419 = arith.constant 3 : i32
      %rem3A_1420 = arith.remsi %select_n3A_1392, %rem3A_1419 : i32
      %mul3A_1421 = arith.constant 8 : i32
      %mul3A_1422 = arith.muli %rem3A_1394, %mul3A_1421 : i32
      %dma_start3A_1423 = arith.constant 13 : i32
      %dma_start3A_1424 = arith.constant 0 : i32
      %dma_start3A_1425 = arith.constant 0 : i32
      %dma_start3A_1426 = tpu.memref_slice %arg5[%dma_start3A_1423, %dma_start3A_1424, %dma_start3A_1425] : memref<21x8x224xf32, #tpu.memory_space<vmem>> -> memref<1x8x224xf32, #tpu.memory_space<vmem>>
      %dma_start3A_1427 = tpu.memref_squeeze %dma_start3A_1426 : memref<1x8x224xf32, #tpu.memory_space<vmem>> -> memref<8x224xf32, #tpu.memory_space<vmem>>
      %dma_start3A_1428 = arith.constant 0 : i32
      %dma_start3A_1429 = tpu.memref_slice %arg3[%select_n3A_1418, %rem3A_1420, %mul3A_1422, %dma_start3A_1428] : memref<4x3x224x224xf32, #tpu.memory_space<hbm>> -> memref<1x1x8x224xf32, #tpu.memory_space<hbm>>
      %dma_start3A_1430 = tpu.memref_squeeze %dma_start3A_1429 : memref<1x1x8x224xf32, #tpu.memory_space<hbm>> -> memref<8x224xf32, #tpu.memory_space<hbm>>
      %dma_start3A_1431 = arith.constant 0 : i32
      %dma_start3A_1432 = arith.constant 0 : i32
      %dma_start3A_1433 = tpu.memref_slice %arg5[%dma_start3A_1423, %dma_start3A_1431, %dma_start3A_1432] : memref<21x8x224xf32, #tpu.memory_space<vmem>> -> memref<1x8x224xf32, #tpu.memory_space<vmem>>
      %dma_start3A_1434 = tpu.memref_squeeze %dma_start3A_1433 : memref<1x8x224xf32, #tpu.memory_space<vmem>> -> memref<8x224xf32, #tpu.memory_space<vmem>>
      %dma_start3A_1435 = arith.constant 0 : i32
      %dma_start3A_1436 = tpu.memref_slice %arg3[%select_n3A_1418, %rem3A_1420, %mul3A_1422, %dma_start3A_1435] : memref<4x3x224x224xf32, #tpu.memory_space<hbm>> -> memref<1x1x8x224xf32, #tpu.memory_space<hbm>>
      %dma_start3A_1437 = tpu.memref_squeeze %dma_start3A_1436 : memref<1x1x8x224xf32, #tpu.memory_space<hbm>> -> memref<8x224xf32, #tpu.memory_space<hbm>>
      tpu.enqueue_dma source(%dma_start3A_1437 : memref<8x224xf32, #tpu.memory_space<hbm>>) target(%dma_start3A_1434 : memref<8x224xf32, #tpu.memory_space<vmem>>) target_semaphore(%arg8 : memref<!tpu.dma_semaphore, #tpu.memory_space<semaphore_mem>>)
      %mul3A_1438 = arith.constant 21 : i32
      %mul3A_1439 = arith.muli %rem3A_1, %mul3A_1438 : i32
      %add3A_1440 = arith.constant 14 : i32
      %add3A_1441 = arith.addi %mul3A_1439, %add3A_1440 : i32
      %jit3A_1442 = arith.constant 28 : i32
      %div3A_1443 = arith.divsi %add3A_1441, %jit3A_1442 : i32
      %sign3A_1444 = arith.constant 0 : i32
      %sign3A_1445 = arith.cmpi sgt, %add3A_1441, %sign3A_1444 : i32
      %sign3A_1446 = arith.extui %sign3A_1445 : i1 to i32
      %sign3A_1447 = arith.constant 0 : i32
      %sign3A_1448 = arith.cmpi slt, %add3A_1441, %sign3A_1447 : i32
      %sign3A_1449 = arith.extui %sign3A_1448 : i1 to i32
      %sign3A_1450 = arith.subi %sign3A_1446, %sign3A_1449 : i32
      %sign3A_1451 = arith.constant 0 : i32
      %sign3A_1452 = arith.cmpi sgt, %jit3A_1442, %sign3A_1451 : i32
      %sign3A_1453 = arith.extui %sign3A_1452 : i1 to i32
      %sign3A_1454 = arith.constant 0 : i32
      %sign3A_1455 = arith.cmpi slt, %jit3A_1442, %sign3A_1454 : i32
      %sign3A_1456 = arith.extui %sign3A_1455 : i1 to i32
      %sign3A_1457 = arith.subi %sign3A_1453, %sign3A_1456 : i32
      %ne3A_1458 = arith.cmpi ne, %sign3A_1450, %sign3A_1457 : i32
      %rem3A_1459 = arith.remsi %add3A_1441, %jit3A_1442 : i32
      %ne3A_1460 = arith.constant 0 : i32
      %ne3A_1461 = arith.cmpi ne, %rem3A_1459, %ne3A_1460 : i32
      %and3A_1462 = arith.andi %ne3A_1458, %ne3A_1461 : i1
      %sub3A_1463 = arith.constant 1 : i32
      %sub3A_1464 = arith.subi %div3A_1443, %sub3A_1463 : i32
      %select_n3A_1465 = arith.select %and3A_1462, %sub3A_1464, %div3A_1443 : i32
      %rem3A_1466 = arith.constant 28 : i32
      %rem3A_1467 = arith.remsi %add3A_1441, %rem3A_1466 : i32
      %jit3A_1468 = arith.constant 3 : i32
      %div3A_1469 = arith.divsi %select_n3A_1465, %jit3A_1468 : i32
      %sign3A_1470 = arith.constant 0 : i32
      %sign3A_1471 = arith.cmpi sgt, %select_n3A_1465, %sign3A_1470 : i32
      %sign3A_1472 = arith.extui %sign3A_1471 : i1 to i32
      %sign3A_1473 = arith.constant 0 : i32
      %sign3A_1474 = arith.cmpi slt, %select_n3A_1465, %sign3A_1473 : i32
      %sign3A_1475 = arith.extui %sign3A_1474 : i1 to i32
      %sign3A_1476 = arith.subi %sign3A_1472, %sign3A_1475 : i32
      %sign3A_1477 = arith.constant 0 : i32
      %sign3A_1478 = arith.cmpi sgt, %jit3A_1468, %sign3A_1477 : i32
      %sign3A_1479 = arith.extui %sign3A_1478 : i1 to i32
      %sign3A_1480 = arith.constant 0 : i32
      %sign3A_1481 = arith.cmpi slt, %jit3A_1468, %sign3A_1480 : i32
      %sign3A_1482 = arith.extui %sign3A_1481 : i1 to i32
      %sign3A_1483 = arith.subi %sign3A_1479, %sign3A_1482 : i32
      %ne3A_1484 = arith.cmpi ne, %sign3A_1476, %sign3A_1483 : i32
      %rem3A_1485 = arith.remsi %select_n3A_1465, %jit3A_1468 : i32
      %ne3A_1486 = arith.constant 0 : i32
      %ne3A_1487 = arith.cmpi ne, %rem3A_1485, %ne3A_1486 : i32
      %and3A_1488 = arith.andi %ne3A_1484, %ne3A_1487 : i1
      %sub3A_1489 = arith.constant 1 : i32
      %sub3A_1490 = arith.subi %div3A_1469, %sub3A_1489 : i32
      %select_n3A_1491 = arith.select %and3A_1488, %sub3A_1490, %div3A_1469 : i32
      %rem3A_1492 = arith.constant 3 : i32
      %rem3A_1493 = arith.remsi %select_n3A_1465, %rem3A_1492 : i32
      %mul3A_1494 = arith.constant 8 : i32
      %mul3A_1495 = arith.muli %rem3A_1467, %mul3A_1494 : i32
      %dma_start3A_1496 = arith.constant 14 : i32
      %dma_start3A_1497 = arith.constant 0 : i32
      %dma_start3A_1498 = arith.constant 0 : i32
      %dma_start3A_1499 = tpu.memref_slice %arg5[%dma_start3A_1496, %dma_start3A_1497, %dma_start3A_1498] : memref<21x8x224xf32, #tpu.memory_space<vmem>> -> memref<1x8x224xf32, #tpu.memory_space<vmem>>
      %dma_start3A_1500 = tpu.memref_squeeze %dma_start3A_1499 : memref<1x8x224xf32, #tpu.memory_space<vmem>> -> memref<8x224xf32, #tpu.memory_space<vmem>>
      %dma_start3A_1501 = arith.constant 0 : i32
      %dma_start3A_1502 = tpu.memref_slice %arg3[%select_n3A_1491, %rem3A_1493, %mul3A_1495, %dma_start3A_1501] : memref<4x3x224x224xf32, #tpu.memory_space<hbm>> -> memref<1x1x8x224xf32, #tpu.memory_space<hbm>>
      %dma_start3A_1503 = tpu.memref_squeeze %dma_start3A_1502 : memref<1x1x8x224xf32, #tpu.memory_space<hbm>> -> memref<8x224xf32, #tpu.memory_space<hbm>>
      %dma_start3A_1504 = arith.constant 0 : i32
      %dma_start3A_1505 = arith.constant 0 : i32
      %dma_start3A_1506 = tpu.memref_slice %arg5[%dma_start3A_1496, %dma_start3A_1504, %dma_start3A_1505] : memref<21x8x224xf32, #tpu.memory_space<vmem>> -> memref<1x8x224xf32, #tpu.memory_space<vmem>>
      %dma_start3A_1507 = tpu.memref_squeeze %dma_start3A_1506 : memref<1x8x224xf32, #tpu.memory_space<vmem>> -> memref<8x224xf32, #tpu.memory_space<vmem>>
      %dma_start3A_1508 = arith.constant 0 : i32
      %dma_start3A_1509 = tpu.memref_slice %arg3[%select_n3A_1491, %rem3A_1493, %mul3A_1495, %dma_start3A_1508] : memref<4x3x224x224xf32, #tpu.memory_space<hbm>> -> memref<1x1x8x224xf32, #tpu.memory_space<hbm>>
      %dma_start3A_1510 = tpu.memref_squeeze %dma_start3A_1509 : memref<1x1x8x224xf32, #tpu.memory_space<hbm>> -> memref<8x224xf32, #tpu.memory_space<hbm>>
      tpu.enqueue_dma source(%dma_start3A_1510 : memref<8x224xf32, #tpu.memory_space<hbm>>) target(%dma_start3A_1507 : memref<8x224xf32, #tpu.memory_space<vmem>>) target_semaphore(%arg8 : memref<!tpu.dma_semaphore, #tpu.memory_space<semaphore_mem>>)
      %mul3A_1511 = arith.constant 21 : i32
      %mul3A_1512 = arith.muli %rem3A_1, %mul3A_1511 : i32
      %add3A_1513 = arith.constant 15 : i32
      %add3A_1514 = arith.addi %mul3A_1512, %add3A_1513 : i32
      %jit3A_1515 = arith.constant 28 : i32
      %div3A_1516 = arith.divsi %add3A_1514, %jit3A_1515 : i32
      %sign3A_1517 = arith.constant 0 : i32
      %sign3A_1518 = arith.cmpi sgt, %add3A_1514, %sign3A_1517 : i32
      %sign3A_1519 = arith.extui %sign3A_1518 : i1 to i32
      %sign3A_1520 = arith.constant 0 : i32
      %sign3A_1521 = arith.cmpi slt, %add3A_1514, %sign3A_1520 : i32
      %sign3A_1522 = arith.extui %sign3A_1521 : i1 to i32
      %sign3A_1523 = arith.subi %sign3A_1519, %sign3A_1522 : i32
      %sign3A_1524 = arith.constant 0 : i32
      %sign3A_1525 = arith.cmpi sgt, %jit3A_1515, %sign3A_1524 : i32
      %sign3A_1526 = arith.extui %sign3A_1525 : i1 to i32
      %sign3A_1527 = arith.constant 0 : i32
      %sign3A_1528 = arith.cmpi slt, %jit3A_1515, %sign3A_1527 : i32
      %sign3A_1529 = arith.extui %sign3A_1528 : i1 to i32
      %sign3A_1530 = arith.subi %sign3A_1526, %sign3A_1529 : i32
      %ne3A_1531 = arith.cmpi ne, %sign3A_1523, %sign3A_1530 : i32
      %rem3A_1532 = arith.remsi %add3A_1514, %jit3A_1515 : i32
      %ne3A_1533 = arith.constant 0 : i32
      %ne3A_1534 = arith.cmpi ne, %rem3A_1532, %ne3A_1533 : i32
      %and3A_1535 = arith.andi %ne3A_1531, %ne3A_1534 : i1
      %sub3A_1536 = arith.constant 1 : i32
      %sub3A_1537 = arith.subi %div3A_1516, %sub3A_1536 : i32
      %select_n3A_1538 = arith.select %and3A_1535, %sub3A_1537, %div3A_1516 : i32
      %rem3A_1539 = arith.constant 28 : i32
      %rem3A_1540 = arith.remsi %add3A_1514, %rem3A_1539 : i32
      %jit3A_1541 = arith.constant 3 : i32
      %div3A_1542 = arith.divsi %select_n3A_1538, %jit3A_1541 : i32
      %sign3A_1543 = arith.constant 0 : i32
      %sign3A_1544 = arith.cmpi sgt, %select_n3A_1538, %sign3A_1543 : i32
      %sign3A_1545 = arith.extui %sign3A_1544 : i1 to i32
      %sign3A_1546 = arith.constant 0 : i32
      %sign3A_1547 = arith.cmpi slt, %select_n3A_1538, %sign3A_1546 : i32
      %sign3A_1548 = arith.extui %sign3A_1547 : i1 to i32
      %sign3A_1549 = arith.subi %sign3A_1545, %sign3A_1548 : i32
      %sign3A_1550 = arith.constant 0 : i32
      %sign3A_1551 = arith.cmpi sgt, %jit3A_1541, %sign3A_1550 : i32
      %sign3A_1552 = arith.extui %sign3A_1551 : i1 to i32
      %sign3A_1553 = arith.constant 0 : i32
      %sign3A_1554 = arith.cmpi slt, %jit3A_1541, %sign3A_1553 : i32
      %sign3A_1555 = arith.extui %sign3A_1554 : i1 to i32
      %sign3A_1556 = arith.subi %sign3A_1552, %sign3A_1555 : i32
      %ne3A_1557 = arith.cmpi ne, %sign3A_1549, %sign3A_1556 : i32
      %rem3A_1558 = arith.remsi %select_n3A_1538, %jit3A_1541 : i32
      %ne3A_1559 = arith.constant 0 : i32
      %ne3A_1560 = arith.cmpi ne, %rem3A_1558, %ne3A_1559 : i32
      %and3A_1561 = arith.andi %ne3A_1557, %ne3A_1560 : i1
      %sub3A_1562 = arith.constant 1 : i32
      %sub3A_1563 = arith.subi %div3A_1542, %sub3A_1562 : i32
      %select_n3A_1564 = arith.select %and3A_1561, %sub3A_1563, %div3A_1542 : i32
      %rem3A_1565 = arith.constant 3 : i32
      %rem3A_1566 = arith.remsi %select_n3A_1538, %rem3A_1565 : i32
      %mul3A_1567 = arith.constant 8 : i32
      %mul3A_1568 = arith.muli %rem3A_1540, %mul3A_1567 : i32
      %dma_start3A_1569 = arith.constant 15 : i32
      %dma_start3A_1570 = arith.constant 0 : i32
      %dma_start3A_1571 = arith.constant 0 : i32
      %dma_start3A_1572 = tpu.memref_slice %arg5[%dma_start3A_1569, %dma_start3A_1570, %dma_start3A_1571] : memref<21x8x224xf32, #tpu.memory_space<vmem>> -> memref<1x8x224xf32, #tpu.memory_space<vmem>>
      %dma_start3A_1573 = tpu.memref_squeeze %dma_start3A_1572 : memref<1x8x224xf32, #tpu.memory_space<vmem>> -> memref<8x224xf32, #tpu.memory_space<vmem>>
      %dma_start3A_1574 = arith.constant 0 : i32
      %dma_start3A_1575 = tpu.memref_slice %arg3[%select_n3A_1564, %rem3A_1566, %mul3A_1568, %dma_start3A_1574] : memref<4x3x224x224xf32, #tpu.memory_space<hbm>> -> memref<1x1x8x224xf32, #tpu.memory_space<hbm>>
      %dma_start3A_1576 = tpu.memref_squeeze %dma_start3A_1575 : memref<1x1x8x224xf32, #tpu.memory_space<hbm>> -> memref<8x224xf32, #tpu.memory_space<hbm>>
      %dma_start3A_1577 = arith.constant 0 : i32
      %dma_start3A_1578 = arith.constant 0 : i32
      %dma_start3A_1579 = tpu.memref_slice %arg5[%dma_start3A_1569, %dma_start3A_1577, %dma_start3A_1578] : memref<21x8x224xf32, #tpu.memory_space<vmem>> -> memref<1x8x224xf32, #tpu.memory_space<vmem>>
      %dma_start3A_1580 = tpu.memref_squeeze %dma_start3A_1579 : memref<1x8x224xf32, #tpu.memory_space<vmem>> -> memref<8x224xf32, #tpu.memory_space<vmem>>
      %dma_start3A_1581 = arith.constant 0 : i32
      %dma_start3A_1582 = tpu.memref_slice %arg3[%select_n3A_1564, %rem3A_1566, %mul3A_1568, %dma_start3A_1581] : memref<4x3x224x224xf32, #tpu.memory_space<hbm>> -> memref<1x1x8x224xf32, #tpu.memory_space<hbm>>
      %dma_start3A_1583 = tpu.memref_squeeze %dma_start3A_1582 : memref<1x1x8x224xf32, #tpu.memory_space<hbm>> -> memref<8x224xf32, #tpu.memory_space<hbm>>
      tpu.enqueue_dma source(%dma_start3A_1583 : memref<8x224xf32, #tpu.memory_space<hbm>>) target(%dma_start3A_1580 : memref<8x224xf32, #tpu.memory_space<vmem>>) target_semaphore(%arg8 : memref<!tpu.dma_semaphore, #tpu.memory_space<semaphore_mem>>)
      %mul3A_1584 = arith.constant 21 : i32
      %mul3A_1585 = arith.muli %rem3A_1, %mul3A_1584 : i32
      %add3A_1586 = arith.constant 16 : i32
      %add3A_1587 = arith.addi %mul3A_1585, %add3A_1586 : i32
      %jit3A_1588 = arith.constant 28 : i32
      %div3A_1589 = arith.divsi %add3A_1587, %jit3A_1588 : i32
      %sign3A_1590 = arith.constant 0 : i32
      %sign3A_1591 = arith.cmpi sgt, %add3A_1587, %sign3A_1590 : i32
      %sign3A_1592 = arith.extui %sign3A_1591 : i1 to i32
      %sign3A_1593 = arith.constant 0 : i32
      %sign3A_1594 = arith.cmpi slt, %add3A_1587, %sign3A_1593 : i32
      %sign3A_1595 = arith.extui %sign3A_1594 : i1 to i32
      %sign3A_1596 = arith.subi %sign3A_1592, %sign3A_1595 : i32
      %sign3A_1597 = arith.constant 0 : i32
      %sign3A_1598 = arith.cmpi sgt, %jit3A_1588, %sign3A_1597 : i32
      %sign3A_1599 = arith.extui %sign3A_1598 : i1 to i32
      %sign3A_1600 = arith.constant 0 : i32
      %sign3A_1601 = arith.cmpi slt, %jit3A_1588, %sign3A_1600 : i32
      %sign3A_1602 = arith.extui %sign3A_1601 : i1 to i32
      %sign3A_1603 = arith.subi %sign3A_1599, %sign3A_1602 : i32
      %ne3A_1604 = arith.cmpi ne, %sign3A_1596, %sign3A_1603 : i32
      %rem3A_1605 = arith.remsi %add3A_1587, %jit3A_1588 : i32
      %ne3A_1606 = arith.constant 0 : i32
      %ne3A_1607 = arith.cmpi ne, %rem3A_1605, %ne3A_1606 : i32
      %and3A_1608 = arith.andi %ne3A_1604, %ne3A_1607 : i1
      %sub3A_1609 = arith.constant 1 : i32
      %sub3A_1610 = arith.subi %div3A_1589, %sub3A_1609 : i32
      %select_n3A_1611 = arith.select %and3A_1608, %sub3A_1610, %div3A_1589 : i32
      %rem3A_1612 = arith.constant 28 : i32
      %rem3A_1613 = arith.remsi %add3A_1587, %rem3A_1612 : i32
      %jit3A_1614 = arith.constant 3 : i32
      %div3A_1615 = arith.divsi %select_n3A_1611, %jit3A_1614 : i32
      %sign3A_1616 = arith.constant 0 : i32
      %sign3A_1617 = arith.cmpi sgt, %select_n3A_1611, %sign3A_1616 : i32
      %sign3A_1618 = arith.extui %sign3A_1617 : i1 to i32
      %sign3A_1619 = arith.constant 0 : i32
      %sign3A_1620 = arith.cmpi slt, %select_n3A_1611, %sign3A_1619 : i32
      %sign3A_1621 = arith.extui %sign3A_1620 : i1 to i32
      %sign3A_1622 = arith.subi %sign3A_1618, %sign3A_1621 : i32
      %sign3A_1623 = arith.constant 0 : i32
      %sign3A_1624 = arith.cmpi sgt, %jit3A_1614, %sign3A_1623 : i32
      %sign3A_1625 = arith.extui %sign3A_1624 : i1 to i32
      %sign3A_1626 = arith.constant 0 : i32
      %sign3A_1627 = arith.cmpi slt, %jit3A_1614, %sign3A_1626 : i32
      %sign3A_1628 = arith.extui %sign3A_1627 : i1 to i32
      %sign3A_1629 = arith.subi %sign3A_1625, %sign3A_1628 : i32
      %ne3A_1630 = arith.cmpi ne, %sign3A_1622, %sign3A_1629 : i32
      %rem3A_1631 = arith.remsi %select_n3A_1611, %jit3A_1614 : i32
      %ne3A_1632 = arith.constant 0 : i32
      %ne3A_1633 = arith.cmpi ne, %rem3A_1631, %ne3A_1632 : i32
      %and3A_1634 = arith.andi %ne3A_1630, %ne3A_1633 : i1
      %sub3A_1635 = arith.constant 1 : i32
      %sub3A_1636 = arith.subi %div3A_1615, %sub3A_1635 : i32
      %select_n3A_1637 = arith.select %and3A_1634, %sub3A_1636, %div3A_1615 : i32
      %rem3A_1638 = arith.constant 3 : i32
      %rem3A_1639 = arith.remsi %select_n3A_1611, %rem3A_1638 : i32
      %mul3A_1640 = arith.constant 8 : i32
      %mul3A_1641 = arith.muli %rem3A_1613, %mul3A_1640 : i32
      %dma_start3A_1642 = arith.constant 16 : i32
      %dma_start3A_1643 = arith.constant 0 : i32
      %dma_start3A_1644 = arith.constant 0 : i32
      %dma_start3A_1645 = tpu.memref_slice %arg5[%dma_start3A_1642, %dma_start3A_1643, %dma_start3A_1644] : memref<21x8x224xf32, #tpu.memory_space<vmem>> -> memref<1x8x224xf32, #tpu.memory_space<vmem>>
      %dma_start3A_1646 = tpu.memref_squeeze %dma_start3A_1645 : memref<1x8x224xf32, #tpu.memory_space<vmem>> -> memref<8x224xf32, #tpu.memory_space<vmem>>
      %dma_start3A_1647 = arith.constant 0 : i32
      %dma_start3A_1648 = tpu.memref_slice %arg3[%select_n3A_1637, %rem3A_1639, %mul3A_1641, %dma_start3A_1647] : memref<4x3x224x224xf32, #tpu.memory_space<hbm>> -> memref<1x1x8x224xf32, #tpu.memory_space<hbm>>
      %dma_start3A_1649 = tpu.memref_squeeze %dma_start3A_1648 : memref<1x1x8x224xf32, #tpu.memory_space<hbm>> -> memref<8x224xf32, #tpu.memory_space<hbm>>
      %dma_start3A_1650 = arith.constant 0 : i32
      %dma_start3A_1651 = arith.constant 0 : i32
      %dma_start3A_1652 = tpu.memref_slice %arg5[%dma_start3A_1642, %dma_start3A_1650, %dma_start3A_1651] : memref<21x8x224xf32, #tpu.memory_space<vmem>> -> memref<1x8x224xf32, #tpu.memory_space<vmem>>
      %dma_start3A_1653 = tpu.memref_squeeze %dma_start3A_1652 : memref<1x8x224xf32, #tpu.memory_space<vmem>> -> memref<8x224xf32, #tpu.memory_space<vmem>>
      %dma_start3A_1654 = arith.constant 0 : i32
      %dma_start3A_1655 = tpu.memref_slice %arg3[%select_n3A_1637, %rem3A_1639, %mul3A_1641, %dma_start3A_1654] : memref<4x3x224x224xf32, #tpu.memory_space<hbm>> -> memref<1x1x8x224xf32, #tpu.memory_space<hbm>>
      %dma_start3A_1656 = tpu.memref_squeeze %dma_start3A_1655 : memref<1x1x8x224xf32, #tpu.memory_space<hbm>> -> memref<8x224xf32, #tpu.memory_space<hbm>>
      tpu.enqueue_dma source(%dma_start3A_1656 : memref<8x224xf32, #tpu.memory_space<hbm>>) target(%dma_start3A_1653 : memref<8x224xf32, #tpu.memory_space<vmem>>) target_semaphore(%arg8 : memref<!tpu.dma_semaphore, #tpu.memory_space<semaphore_mem>>)
      %mul3A_1657 = arith.constant 21 : i32
      %mul3A_1658 = arith.muli %rem3A_1, %mul3A_1657 : i32
      %add3A_1659 = arith.constant 17 : i32
      %add3A_1660 = arith.addi %mul3A_1658, %add3A_1659 : i32
      %jit3A_1661 = arith.constant 28 : i32
      %div3A_1662 = arith.divsi %add3A_1660, %jit3A_1661 : i32
      %sign3A_1663 = arith.constant 0 : i32
      %sign3A_1664 = arith.cmpi sgt, %add3A_1660, %sign3A_1663 : i32
      %sign3A_1665 = arith.extui %sign3A_1664 : i1 to i32
      %sign3A_1666 = arith.constant 0 : i32
      %sign3A_1667 = arith.cmpi slt, %add3A_1660, %sign3A_1666 : i32
      %sign3A_1668 = arith.extui %sign3A_1667 : i1 to i32
      %sign3A_1669 = arith.subi %sign3A_1665, %sign3A_1668 : i32
      %sign3A_1670 = arith.constant 0 : i32
      %sign3A_1671 = arith.cmpi sgt, %jit3A_1661, %sign3A_1670 : i32
      %sign3A_1672 = arith.extui %sign3A_1671 : i1 to i32
      %sign3A_1673 = arith.constant 0 : i32
      %sign3A_1674 = arith.cmpi slt, %jit3A_1661, %sign3A_1673 : i32
      %sign3A_1675 = arith.extui %sign3A_1674 : i1 to i32
      %sign3A_1676 = arith.subi %sign3A_1672, %sign3A_1675 : i32
      %ne3A_1677 = arith.cmpi ne, %sign3A_1669, %sign3A_1676 : i32
      %rem3A_1678 = arith.remsi %add3A_1660, %jit3A_1661 : i32
      %ne3A_1679 = arith.constant 0 : i32
      %ne3A_1680 = arith.cmpi ne, %rem3A_1678, %ne3A_1679 : i32
      %and3A_1681 = arith.andi %ne3A_1677, %ne3A_1680 : i1
      %sub3A_1682 = arith.constant 1 : i32
      %sub3A_1683 = arith.subi %div3A_1662, %sub3A_1682 : i32
      %select_n3A_1684 = arith.select %and3A_1681, %sub3A_1683, %div3A_1662 : i32
      %rem3A_1685 = arith.constant 28 : i32
      %rem3A_1686 = arith.remsi %add3A_1660, %rem3A_1685 : i32
      %jit3A_1687 = arith.constant 3 : i32
      %div3A_1688 = arith.divsi %select_n3A_1684, %jit3A_1687 : i32
      %sign3A_1689 = arith.constant 0 : i32
      %sign3A_1690 = arith.cmpi sgt, %select_n3A_1684, %sign3A_1689 : i32
      %sign3A_1691 = arith.extui %sign3A_1690 : i1 to i32
      %sign3A_1692 = arith.constant 0 : i32
      %sign3A_1693 = arith.cmpi slt, %select_n3A_1684, %sign3A_1692 : i32
      %sign3A_1694 = arith.extui %sign3A_1693 : i1 to i32
      %sign3A_1695 = arith.subi %sign3A_1691, %sign3A_1694 : i32
      %sign3A_1696 = arith.constant 0 : i32
      %sign3A_1697 = arith.cmpi sgt, %jit3A_1687, %sign3A_1696 : i32
      %sign3A_1698 = arith.extui %sign3A_1697 : i1 to i32
      %sign3A_1699 = arith.constant 0 : i32
      %sign3A_1700 = arith.cmpi slt, %jit3A_1687, %sign3A_1699 : i32
      %sign3A_1701 = arith.extui %sign3A_1700 : i1 to i32
      %sign3A_1702 = arith.subi %sign3A_1698, %sign3A_1701 : i32
      %ne3A_1703 = arith.cmpi ne, %sign3A_1695, %sign3A_1702 : i32
      %rem3A_1704 = arith.remsi %select_n3A_1684, %jit3A_1687 : i32
      %ne3A_1705 = arith.constant 0 : i32
      %ne3A_1706 = arith.cmpi ne, %rem3A_1704, %ne3A_1705 : i32
      %and3A_1707 = arith.andi %ne3A_1703, %ne3A_1706 : i1
      %sub3A_1708 = arith.constant 1 : i32
      %sub3A_1709 = arith.subi %div3A_1688, %sub3A_1708 : i32
      %select_n3A_1710 = arith.select %and3A_1707, %sub3A_1709, %div3A_1688 : i32
      %rem3A_1711 = arith.constant 3 : i32
      %rem3A_1712 = arith.remsi %select_n3A_1684, %rem3A_1711 : i32
      %mul3A_1713 = arith.constant 8 : i32
      %mul3A_1714 = arith.muli %rem3A_1686, %mul3A_1713 : i32
      %dma_start3A_1715 = arith.constant 17 : i32
      %dma_start3A_1716 = arith.constant 0 : i32
      %dma_start3A_1717 = arith.constant 0 : i32
      %dma_start3A_1718 = tpu.memref_slice %arg5[%dma_start3A_1715, %dma_start3A_1716, %dma_start3A_1717] : memref<21x8x224xf32, #tpu.memory_space<vmem>> -> memref<1x8x224xf32, #tpu.memory_space<vmem>>
      %dma_start3A_1719 = tpu.memref_squeeze %dma_start3A_1718 : memref<1x8x224xf32, #tpu.memory_space<vmem>> -> memref<8x224xf32, #tpu.memory_space<vmem>>
      %dma_start3A_1720 = arith.constant 0 : i32
      %dma_start3A_1721 = tpu.memref_slice %arg3[%select_n3A_1710, %rem3A_1712, %mul3A_1714, %dma_start3A_1720] : memref<4x3x224x224xf32, #tpu.memory_space<hbm>> -> memref<1x1x8x224xf32, #tpu.memory_space<hbm>>
      %dma_start3A_1722 = tpu.memref_squeeze %dma_start3A_1721 : memref<1x1x8x224xf32, #tpu.memory_space<hbm>> -> memref<8x224xf32, #tpu.memory_space<hbm>>
      %dma_start3A_1723 = arith.constant 0 : i32
      %dma_start3A_1724 = arith.constant 0 : i32
      %dma_start3A_1725 = tpu.memref_slice %arg5[%dma_start3A_1715, %dma_start3A_1723, %dma_start3A_1724] : memref<21x8x224xf32, #tpu.memory_space<vmem>> -> memref<1x8x224xf32, #tpu.memory_space<vmem>>
      %dma_start3A_1726 = tpu.memref_squeeze %dma_start3A_1725 : memref<1x8x224xf32, #tpu.memory_space<vmem>> -> memref<8x224xf32, #tpu.memory_space<vmem>>
      %dma_start3A_1727 = arith.constant 0 : i32
      %dma_start3A_1728 = tpu.memref_slice %arg3[%select_n3A_1710, %rem3A_1712, %mul3A_1714, %dma_start3A_1727] : memref<4x3x224x224xf32, #tpu.memory_space<hbm>> -> memref<1x1x8x224xf32, #tpu.memory_space<hbm>>
      %dma_start3A_1729 = tpu.memref_squeeze %dma_start3A_1728 : memref<1x1x8x224xf32, #tpu.memory_space<hbm>> -> memref<8x224xf32, #tpu.memory_space<hbm>>
      tpu.enqueue_dma source(%dma_start3A_1729 : memref<8x224xf32, #tpu.memory_space<hbm>>) target(%dma_start3A_1726 : memref<8x224xf32, #tpu.memory_space<vmem>>) target_semaphore(%arg8 : memref<!tpu.dma_semaphore, #tpu.memory_space<semaphore_mem>>)
      %mul3A_1730 = arith.constant 21 : i32
      %mul3A_1731 = arith.muli %rem3A_1, %mul3A_1730 : i32
      %add3A_1732 = arith.constant 18 : i32
      %add3A_1733 = arith.addi %mul3A_1731, %add3A_1732 : i32
      %jit3A_1734 = arith.constant 28 : i32
      %div3A_1735 = arith.divsi %add3A_1733, %jit3A_1734 : i32
      %sign3A_1736 = arith.constant 0 : i32
      %sign3A_1737 = arith.cmpi sgt, %add3A_1733, %sign3A_1736 : i32
      %sign3A_1738 = arith.extui %sign3A_1737 : i1 to i32
      %sign3A_1739 = arith.constant 0 : i32
      %sign3A_1740 = arith.cmpi slt, %add3A_1733, %sign3A_1739 : i32
      %sign3A_1741 = arith.extui %sign3A_1740 : i1 to i32
      %sign3A_1742 = arith.subi %sign3A_1738, %sign3A_1741 : i32
      %sign3A_1743 = arith.constant 0 : i32
      %sign3A_1744 = arith.cmpi sgt, %jit3A_1734, %sign3A_1743 : i32
      %sign3A_1745 = arith.extui %sign3A_1744 : i1 to i32
      %sign3A_1746 = arith.constant 0 : i32
      %sign3A_1747 = arith.cmpi slt, %jit3A_1734, %sign3A_1746 : i32
      %sign3A_1748 = arith.extui %sign3A_1747 : i1 to i32
      %sign3A_1749 = arith.subi %sign3A_1745, %sign3A_1748 : i32
      %ne3A_1750 = arith.cmpi ne, %sign3A_1742, %sign3A_1749 : i32
      %rem3A_1751 = arith.remsi %add3A_1733, %jit3A_1734 : i32
      %ne3A_1752 = arith.constant 0 : i32
      %ne3A_1753 = arith.cmpi ne, %rem3A_1751, %ne3A_1752 : i32
      %and3A_1754 = arith.andi %ne3A_1750, %ne3A_1753 : i1
      %sub3A_1755 = arith.constant 1 : i32
      %sub3A_1756 = arith.subi %div3A_1735, %sub3A_1755 : i32
      %select_n3A_1757 = arith.select %and3A_1754, %sub3A_1756, %div3A_1735 : i32
      %rem3A_1758 = arith.constant 28 : i32
      %rem3A_1759 = arith.remsi %add3A_1733, %rem3A_1758 : i32
      %jit3A_1760 = arith.constant 3 : i32
      %div3A_1761 = arith.divsi %select_n3A_1757, %jit3A_1760 : i32
      %sign3A_1762 = arith.constant 0 : i32
      %sign3A_1763 = arith.cmpi sgt, %select_n3A_1757, %sign3A_1762 : i32
      %sign3A_1764 = arith.extui %sign3A_1763 : i1 to i32
      %sign3A_1765 = arith.constant 0 : i32
      %sign3A_1766 = arith.cmpi slt, %select_n3A_1757, %sign3A_1765 : i32
      %sign3A_1767 = arith.extui %sign3A_1766 : i1 to i32
      %sign3A_1768 = arith.subi %sign3A_1764, %sign3A_1767 : i32
      %sign3A_1769 = arith.constant 0 : i32
      %sign3A_1770 = arith.cmpi sgt, %jit3A_1760, %sign3A_1769 : i32
      %sign3A_1771 = arith.extui %sign3A_1770 : i1 to i32
      %sign3A_1772 = arith.constant 0 : i32
      %sign3A_1773 = arith.cmpi slt, %jit3A_1760, %sign3A_1772 : i32
      %sign3A_1774 = arith.extui %sign3A_1773 : i1 to i32
      %sign3A_1775 = arith.subi %sign3A_1771, %sign3A_1774 : i32
      %ne3A_1776 = arith.cmpi ne, %sign3A_1768, %sign3A_1775 : i32
      %rem3A_1777 = arith.remsi %select_n3A_1757, %jit3A_1760 : i32
      %ne3A_1778 = arith.constant 0 : i32
      %ne3A_1779 = arith.cmpi ne, %rem3A_1777, %ne3A_1778 : i32
      %and3A_1780 = arith.andi %ne3A_1776, %ne3A_1779 : i1
      %sub3A_1781 = arith.constant 1 : i32
      %sub3A_1782 = arith.subi %div3A_1761, %sub3A_1781 : i32
      %select_n3A_1783 = arith.select %and3A_1780, %sub3A_1782, %div3A_1761 : i32
      %rem3A_1784 = arith.constant 3 : i32
      %rem3A_1785 = arith.remsi %select_n3A_1757, %rem3A_1784 : i32
      %mul3A_1786 = arith.constant 8 : i32
      %mul3A_1787 = arith.muli %rem3A_1759, %mul3A_1786 : i32
      %dma_start3A_1788 = arith.constant 18 : i32
      %dma_start3A_1789 = arith.constant 0 : i32
      %dma_start3A_1790 = arith.constant 0 : i32
      %dma_start3A_1791 = tpu.memref_slice %arg5[%dma_start3A_1788, %dma_start3A_1789, %dma_start3A_1790] : memref<21x8x224xf32, #tpu.memory_space<vmem>> -> memref<1x8x224xf32, #tpu.memory_space<vmem>>
      %dma_start3A_1792 = tpu.memref_squeeze %dma_start3A_1791 : memref<1x8x224xf32, #tpu.memory_space<vmem>> -> memref<8x224xf32, #tpu.memory_space<vmem>>
      %dma_start3A_1793 = arith.constant 0 : i32
      %dma_start3A_1794 = tpu.memref_slice %arg3[%select_n3A_1783, %rem3A_1785, %mul3A_1787, %dma_start3A_1793] : memref<4x3x224x224xf32, #tpu.memory_space<hbm>> -> memref<1x1x8x224xf32, #tpu.memory_space<hbm>>
      %dma_start3A_1795 = tpu.memref_squeeze %dma_start3A_1794 : memref<1x1x8x224xf32, #tpu.memory_space<hbm>> -> memref<8x224xf32, #tpu.memory_space<hbm>>
      %dma_start3A_1796 = arith.constant 0 : i32
      %dma_start3A_1797 = arith.constant 0 : i32
      %dma_start3A_1798 = tpu.memref_slice %arg5[%dma_start3A_1788, %dma_start3A_1796, %dma_start3A_1797] : memref<21x8x224xf32, #tpu.memory_space<vmem>> -> memref<1x8x224xf32, #tpu.memory_space<vmem>>
      %dma_start3A_1799 = tpu.memref_squeeze %dma_start3A_1798 : memref<1x8x224xf32, #tpu.memory_space<vmem>> -> memref<8x224xf32, #tpu.memory_space<vmem>>
      %dma_start3A_1800 = arith.constant 0 : i32
      %dma_start3A_1801 = tpu.memref_slice %arg3[%select_n3A_1783, %rem3A_1785, %mul3A_1787, %dma_start3A_1800] : memref<4x3x224x224xf32, #tpu.memory_space<hbm>> -> memref<1x1x8x224xf32, #tpu.memory_space<hbm>>
      %dma_start3A_1802 = tpu.memref_squeeze %dma_start3A_1801 : memref<1x1x8x224xf32, #tpu.memory_space<hbm>> -> memref<8x224xf32, #tpu.memory_space<hbm>>
      tpu.enqueue_dma source(%dma_start3A_1802 : memref<8x224xf32, #tpu.memory_space<hbm>>) target(%dma_start3A_1799 : memref<8x224xf32, #tpu.memory_space<vmem>>) target_semaphore(%arg8 : memref<!tpu.dma_semaphore, #tpu.memory_space<semaphore_mem>>)
      %mul3A_1803 = arith.constant 21 : i32
      %mul3A_1804 = arith.muli %rem3A_1, %mul3A_1803 : i32
      %add3A_1805 = arith.constant 19 : i32
      %add3A_1806 = arith.addi %mul3A_1804, %add3A_1805 : i32
      %jit3A_1807 = arith.constant 28 : i32
      %div3A_1808 = arith.divsi %add3A_1806, %jit3A_1807 : i32
      %sign3A_1809 = arith.constant 0 : i32
      %sign3A_1810 = arith.cmpi sgt, %add3A_1806, %sign3A_1809 : i32
      %sign3A_1811 = arith.extui %sign3A_1810 : i1 to i32
      %sign3A_1812 = arith.constant 0 : i32
      %sign3A_1813 = arith.cmpi slt, %add3A_1806, %sign3A_1812 : i32
      %sign3A_1814 = arith.extui %sign3A_1813 : i1 to i32
      %sign3A_1815 = arith.subi %sign3A_1811, %sign3A_1814 : i32
      %sign3A_1816 = arith.constant 0 : i32
      %sign3A_1817 = arith.cmpi sgt, %jit3A_1807, %sign3A_1816 : i32
      %sign3A_1818 = arith.extui %sign3A_1817 : i1 to i32
      %sign3A_1819 = arith.constant 0 : i32
      %sign3A_1820 = arith.cmpi slt, %jit3A_1807, %sign3A_1819 : i32
      %sign3A_1821 = arith.extui %sign3A_1820 : i1 to i32
      %sign3A_1822 = arith.subi %sign3A_1818, %sign3A_1821 : i32
      %ne3A_1823 = arith.cmpi ne, %sign3A_1815, %sign3A_1822 : i32
      %rem3A_1824 = arith.remsi %add3A_1806, %jit3A_1807 : i32
      %ne3A_1825 = arith.constant 0 : i32
      %ne3A_1826 = arith.cmpi ne, %rem3A_1824, %ne3A_1825 : i32
      %and3A_1827 = arith.andi %ne3A_1823, %ne3A_1826 : i1
      %sub3A_1828 = arith.constant 1 : i32
      %sub3A_1829 = arith.subi %div3A_1808, %sub3A_1828 : i32
      %select_n3A_1830 = arith.select %and3A_1827, %sub3A_1829, %div3A_1808 : i32
      %rem3A_1831 = arith.constant 28 : i32
      %rem3A_1832 = arith.remsi %add3A_1806, %rem3A_1831 : i32
      %jit3A_1833 = arith.constant 3 : i32
      %div3A_1834 = arith.divsi %select_n3A_1830, %jit3A_1833 : i32
      %sign3A_1835 = arith.constant 0 : i32
      %sign3A_1836 = arith.cmpi sgt, %select_n3A_1830, %sign3A_1835 : i32
      %sign3A_1837 = arith.extui %sign3A_1836 : i1 to i32
      %sign3A_1838 = arith.constant 0 : i32
      %sign3A_1839 = arith.cmpi slt, %select_n3A_1830, %sign3A_1838 : i32
      %sign3A_1840 = arith.extui %sign3A_1839 : i1 to i32
      %sign3A_1841 = arith.subi %sign3A_1837, %sign3A_1840 : i32
      %sign3A_1842 = arith.constant 0 : i32
      %sign3A_1843 = arith.cmpi sgt, %jit3A_1833, %sign3A_1842 : i32
      %sign3A_1844 = arith.extui %sign3A_1843 : i1 to i32
      %sign3A_1845 = arith.constant 0 : i32
      %sign3A_1846 = arith.cmpi slt, %jit3A_1833, %sign3A_1845 : i32
      %sign3A_1847 = arith.extui %sign3A_1846 : i1 to i32
      %sign3A_1848 = arith.subi %sign3A_1844, %sign3A_1847 : i32
      %ne3A_1849 = arith.cmpi ne, %sign3A_1841, %sign3A_1848 : i32
      %rem3A_1850 = arith.remsi %select_n3A_1830, %jit3A_1833 : i32
      %ne3A_1851 = arith.constant 0 : i32
      %ne3A_1852 = arith.cmpi ne, %rem3A_1850, %ne3A_1851 : i32
      %and3A_1853 = arith.andi %ne3A_1849, %ne3A_1852 : i1
      %sub3A_1854 = arith.constant 1 : i32
      %sub3A_1855 = arith.subi %div3A_1834, %sub3A_1854 : i32
      %select_n3A_1856 = arith.select %and3A_1853, %sub3A_1855, %div3A_1834 : i32
      %rem3A_1857 = arith.constant 3 : i32
      %rem3A_1858 = arith.remsi %select_n3A_1830, %rem3A_1857 : i32
      %mul3A_1859 = arith.constant 8 : i32
      %mul3A_1860 = arith.muli %rem3A_1832, %mul3A_1859 : i32
      %dma_start3A_1861 = arith.constant 19 : i32
      %dma_start3A_1862 = arith.constant 0 : i32
      %dma_start3A_1863 = arith.constant 0 : i32
      %dma_start3A_1864 = tpu.memref_slice %arg5[%dma_start3A_1861, %dma_start3A_1862, %dma_start3A_1863] : memref<21x8x224xf32, #tpu.memory_space<vmem>> -> memref<1x8x224xf32, #tpu.memory_space<vmem>>
      %dma_start3A_1865 = tpu.memref_squeeze %dma_start3A_1864 : memref<1x8x224xf32, #tpu.memory_space<vmem>> -> memref<8x224xf32, #tpu.memory_space<vmem>>
      %dma_start3A_1866 = arith.constant 0 : i32
      %dma_start3A_1867 = tpu.memref_slice %arg3[%select_n3A_1856, %rem3A_1858, %mul3A_1860, %dma_start3A_1866] : memref<4x3x224x224xf32, #tpu.memory_space<hbm>> -> memref<1x1x8x224xf32, #tpu.memory_space<hbm>>
      %dma_start3A_1868 = tpu.memref_squeeze %dma_start3A_1867 : memref<1x1x8x224xf32, #tpu.memory_space<hbm>> -> memref<8x224xf32, #tpu.memory_space<hbm>>
      %dma_start3A_1869 = arith.constant 0 : i32
      %dma_start3A_1870 = arith.constant 0 : i32
      %dma_start3A_1871 = tpu.memref_slice %arg5[%dma_start3A_1861, %dma_start3A_1869, %dma_start3A_1870] : memref<21x8x224xf32, #tpu.memory_space<vmem>> -> memref<1x8x224xf32, #tpu.memory_space<vmem>>
      %dma_start3A_1872 = tpu.memref_squeeze %dma_start3A_1871 : memref<1x8x224xf32, #tpu.memory_space<vmem>> -> memref<8x224xf32, #tpu.memory_space<vmem>>
      %dma_start3A_1873 = arith.constant 0 : i32
      %dma_start3A_1874 = tpu.memref_slice %arg3[%select_n3A_1856, %rem3A_1858, %mul3A_1860, %dma_start3A_1873] : memref<4x3x224x224xf32, #tpu.memory_space<hbm>> -> memref<1x1x8x224xf32, #tpu.memory_space<hbm>>
      %dma_start3A_1875 = tpu.memref_squeeze %dma_start3A_1874 : memref<1x1x8x224xf32, #tpu.memory_space<hbm>> -> memref<8x224xf32, #tpu.memory_space<hbm>>
      tpu.enqueue_dma source(%dma_start3A_1875 : memref<8x224xf32, #tpu.memory_space<hbm>>) target(%dma_start3A_1872 : memref<8x224xf32, #tpu.memory_space<vmem>>) target_semaphore(%arg8 : memref<!tpu.dma_semaphore, #tpu.memory_space<semaphore_mem>>)
      %mul3A_1876 = arith.constant 21 : i32
      %mul3A_1877 = arith.muli %rem3A_1, %mul3A_1876 : i32
      %add3A_1878 = arith.constant 20 : i32
      %add3A_1879 = arith.addi %mul3A_1877, %add3A_1878 : i32
      %jit3A_1880 = arith.constant 28 : i32
      %div3A_1881 = arith.divsi %add3A_1879, %jit3A_1880 : i32
      %sign3A_1882 = arith.constant 0 : i32
      %sign3A_1883 = arith.cmpi sgt, %add3A_1879, %sign3A_1882 : i32
      %sign3A_1884 = arith.extui %sign3A_1883 : i1 to i32
      %sign3A_1885 = arith.constant 0 : i32
      %sign3A_1886 = arith.cmpi slt, %add3A_1879, %sign3A_1885 : i32
      %sign3A_1887 = arith.extui %sign3A_1886 : i1 to i32
      %sign3A_1888 = arith.subi %sign3A_1884, %sign3A_1887 : i32
      %sign3A_1889 = arith.constant 0 : i32
      %sign3A_1890 = arith.cmpi sgt, %jit3A_1880, %sign3A_1889 : i32
      %sign3A_1891 = arith.extui %sign3A_1890 : i1 to i32
      %sign3A_1892 = arith.constant 0 : i32
      %sign3A_1893 = arith.cmpi slt, %jit3A_1880, %sign3A_1892 : i32
      %sign3A_1894 = arith.extui %sign3A_1893 : i1 to i32
      %sign3A_1895 = arith.subi %sign3A_1891, %sign3A_1894 : i32
      %ne3A_1896 = arith.cmpi ne, %sign3A_1888, %sign3A_1895 : i32
      %rem3A_1897 = arith.remsi %add3A_1879, %jit3A_1880 : i32
      %ne3A_1898 = arith.constant 0 : i32
      %ne3A_1899 = arith.cmpi ne, %rem3A_1897, %ne3A_1898 : i32
      %and3A_1900 = arith.andi %ne3A_1896, %ne3A_1899 : i1
      %sub3A_1901 = arith.constant 1 : i32
      %sub3A_1902 = arith.subi %div3A_1881, %sub3A_1901 : i32
      %select_n3A_1903 = arith.select %and3A_1900, %sub3A_1902, %div3A_1881 : i32
      %rem3A_1904 = arith.constant 28 : i32
      %rem3A_1905 = arith.remsi %add3A_1879, %rem3A_1904 : i32
      %jit3A_1906 = arith.constant 3 : i32
      %div3A_1907 = arith.divsi %select_n3A_1903, %jit3A_1906 : i32
      %sign3A_1908 = arith.constant 0 : i32
      %sign3A_1909 = arith.cmpi sgt, %select_n3A_1903, %sign3A_1908 : i32
      %sign3A_1910 = arith.extui %sign3A_1909 : i1 to i32
      %sign3A_1911 = arith.constant 0 : i32
      %sign3A_1912 = arith.cmpi slt, %select_n3A_1903, %sign3A_1911 : i32
      %sign3A_1913 = arith.extui %sign3A_1912 : i1 to i32
      %sign3A_1914 = arith.subi %sign3A_1910, %sign3A_1913 : i32
      %sign3A_1915 = arith.constant 0 : i32
      %sign3A_1916 = arith.cmpi sgt, %jit3A_1906, %sign3A_1915 : i32
      %sign3A_1917 = arith.extui %sign3A_1916 : i1 to i32
      %sign3A_1918 = arith.constant 0 : i32
      %sign3A_1919 = arith.cmpi slt, %jit3A_1906, %sign3A_1918 : i32
      %sign3A_1920 = arith.extui %sign3A_1919 : i1 to i32
      %sign3A_1921 = arith.subi %sign3A_1917, %sign3A_1920 : i32
      %ne3A_1922 = arith.cmpi ne, %sign3A_1914, %sign3A_1921 : i32
      %rem3A_1923 = arith.remsi %select_n3A_1903, %jit3A_1906 : i32
      %ne3A_1924 = arith.constant 0 : i32
      %ne3A_1925 = arith.cmpi ne, %rem3A_1923, %ne3A_1924 : i32
      %and3A_1926 = arith.andi %ne3A_1922, %ne3A_1925 : i1
      %sub3A_1927 = arith.constant 1 : i32
      %sub3A_1928 = arith.subi %div3A_1907, %sub3A_1927 : i32
      %select_n3A_1929 = arith.select %and3A_1926, %sub3A_1928, %div3A_1907 : i32
      %rem3A_1930 = arith.constant 3 : i32
      %rem3A_1931 = arith.remsi %select_n3A_1903, %rem3A_1930 : i32
      %mul3A_1932 = arith.constant 8 : i32
      %mul3A_1933 = arith.muli %rem3A_1905, %mul3A_1932 : i32
      %dma_start3A_1934 = arith.constant 20 : i32
      %dma_start3A_1935 = arith.constant 0 : i32
      %dma_start3A_1936 = arith.constant 0 : i32
      %dma_start3A_1937 = tpu.memref_slice %arg5[%dma_start3A_1934, %dma_start3A_1935, %dma_start3A_1936] : memref<21x8x224xf32, #tpu.memory_space<vmem>> -> memref<1x8x224xf32, #tpu.memory_space<vmem>>
      %dma_start3A_1938 = tpu.memref_squeeze %dma_start3A_1937 : memref<1x8x224xf32, #tpu.memory_space<vmem>> -> memref<8x224xf32, #tpu.memory_space<vmem>>
      %dma_start3A_1939 = arith.constant 0 : i32
      %dma_start3A_1940 = tpu.memref_slice %arg3[%select_n3A_1929, %rem3A_1931, %mul3A_1933, %dma_start3A_1939] : memref<4x3x224x224xf32, #tpu.memory_space<hbm>> -> memref<1x1x8x224xf32, #tpu.memory_space<hbm>>
      %dma_start3A_1941 = tpu.memref_squeeze %dma_start3A_1940 : memref<1x1x8x224xf32, #tpu.memory_space<hbm>> -> memref<8x224xf32, #tpu.memory_space<hbm>>
      %dma_start3A_1942 = arith.constant 0 : i32
      %dma_start3A_1943 = arith.constant 0 : i32
      %dma_start3A_1944 = tpu.memref_slice %arg5[%dma_start3A_1934, %dma_start3A_1942, %dma_start3A_1943] : memref<21x8x224xf32, #tpu.memory_space<vmem>> -> memref<1x8x224xf32, #tpu.memory_space<vmem>>
      %dma_start3A_1945 = tpu.memref_squeeze %dma_start3A_1944 : memref<1x8x224xf32, #tpu.memory_space<vmem>> -> memref<8x224xf32, #tpu.memory_space<vmem>>
      %dma_start3A_1946 = arith.constant 0 : i32
      %dma_start3A_1947 = tpu.memref_slice %arg3[%select_n3A_1929, %rem3A_1931, %mul3A_1933, %dma_start3A_1946] : memref<4x3x224x224xf32, #tpu.memory_space<hbm>> -> memref<1x1x8x224xf32, #tpu.memory_space<hbm>>
      %dma_start3A_1948 = tpu.memref_squeeze %dma_start3A_1947 : memref<1x1x8x224xf32, #tpu.memory_space<hbm>> -> memref<8x224xf32, #tpu.memory_space<hbm>>
      tpu.enqueue_dma source(%dma_start3A_1948 : memref<8x224xf32, #tpu.memory_space<hbm>>) target(%dma_start3A_1945 : memref<8x224xf32, #tpu.memory_space<vmem>>) target_semaphore(%arg8 : memref<!tpu.dma_semaphore, #tpu.memory_space<semaphore_mem>>)
    } else {
    }
    %broadcast_in_dim3A = arith.constant 0.000000e+00 : f32
    %broadcast_in_dim3A_8 = vector.broadcast %broadcast_in_dim3A : f32 to vector<16xf32>
    %parallel_loop3A = arith.constant 0 : i32
    %parallel_loop3A_9 = arith.constant 1632 : i32
    %parallel_loop3A_10 = arith.constant 1 : i32
    scf.for %parallel_loop3A_422 = %parallel_loop3A to %parallel_loop3A_9 step %parallel_loop3A_10  : i32 {
      %parallel_loop3A_423 = arith.constant 16 : i32
      %parallel_loop3A_424 = arith.muli %parallel_loop3A_422, %parallel_loop3A_423 : i32
      %parallel_loop3A_425 = arith.index_cast %parallel_loop3A_424 : i32 to index
      %parallel_loop3A_426 = tpu.vector_load %arg6[%parallel_loop3A_425] {strides = array<i32>} : memref<26112xf32, #tpu.memory_space<vmem>>, vector<16xf32>,
      tpu.vector_store %arg6[%parallel_loop3A_425], %broadcast_in_dim3A_8 {strides = array<i32>} : memref<26112xf32, #tpu.memory_space<vmem>>, vector<16xf32>,
    } {sc.loop_unroll_factor = 8 : i64, sc.parallel_access}
    %dma_wait3A = arith.constant 0 : i32
    %dma_wait3A_11 = arith.constant 0 : i32
    %dma_wait3A_12 = arith.constant 0 : i32
    %dma_wait3A_13 = arith.constant 0 : i32
    %dma_wait3A_14 = arith.constant 0 : i32
    %dma_wait3A_15 = tpu.memref_slice %arg5[%dma_wait3A_12, %dma_wait3A_13, %dma_wait3A_14] : memref<21x8x224xf32, #tpu.memory_space<vmem>> -> memref<1x8x224xf32, #tpu.memory_space<vmem>>
    %dma_wait3A_16 = tpu.memref_squeeze %dma_wait3A_15 : memref<1x8x224xf32, #tpu.memory_space<vmem>> -> memref<8x224xf32, #tpu.memory_space<vmem>>
    %dma_wait3A_17 = arith.constant 0 : i32
    %dma_wait3A_18 = arith.constant 0 : i32
    %dma_wait3A_19 = tpu.memref_slice %arg2[%dma_wait3A, %dma_wait3A_11, %dma_wait3A_17, %dma_wait3A_18] : memref<4x3x224x224xf32, #tpu.memory_space<hbm>> -> memref<1x1x8x224xf32, #tpu.memory_space<hbm>>
    %dma_wait3A_20 = tpu.memref_squeeze %dma_wait3A_19 : memref<1x1x8x224xf32, #tpu.memory_space<hbm>> -> memref<8x224xf32, #tpu.memory_space<hbm>>
    %dma_wait3A_21 = arith.constant 0 : i32
    %dma_wait3A_22 = arith.constant 0 : i32
    %dma_wait3A_23 = tpu.memref_slice %arg5[%dma_wait3A_12, %dma_wait3A_21, %dma_wait3A_22] : memref<21x8x224xf32, #tpu.memory_space<vmem>> -> memref<1x8x224xf32, #tpu.memory_space<vmem>>
    %dma_wait3A_24 = tpu.memref_squeeze %dma_wait3A_23 : memref<1x8x224xf32, #tpu.memory_space<vmem>> -> memref<8x224xf32, #tpu.memory_space<vmem>>
    %dma_wait3A_25 = arith.constant 0 : i32
    %dma_wait3A_26 = arith.constant 0 : i32
    %dma_wait3A_27 = tpu.memref_slice %arg2[%dma_wait3A, %dma_wait3A_11, %dma_wait3A_25, %dma_wait3A_26] : memref<4x3x224x224xf32, #tpu.memory_space<hbm>> -> memref<1x1x8x224xf32, #tpu.memory_space<hbm>>
    %dma_wait3A_28 = tpu.memref_squeeze %dma_wait3A_27 : memref<1x1x8x224xf32, #tpu.memory_space<hbm>> -> memref<8x224xf32, #tpu.memory_space<hbm>>
    tpu.wait_dma2 semaphore(%arg8 : memref<!tpu.dma_semaphore, #tpu.memory_space<semaphore_mem>>) src(%dma_wait3A_28 : memref<8x224xf32, #tpu.memory_space<hbm>>) dst(%dma_wait3A_24 : memref<8x224xf32, #tpu.memory_space<vmem>>)
    %dma_wait3A_29 = arith.constant 0 : i32
    %dma_wait3A_30 = arith.constant 0 : i32
    %dma_wait3A_31 = arith.constant 1 : i32
    %dma_wait3A_32 = arith.constant 0 : i32
    %dma_wait3A_33 = arith.constant 0 : i32
    %dma_wait3A_34 = tpu.memref_slice %arg5[%dma_wait3A_31, %dma_wait3A_32, %dma_wait3A_33] : memref<21x8x224xf32, #tpu.memory_space<vmem>> -> memref<1x8x224xf32, #tpu.memory_space<vmem>>
    %dma_wait3A_35 = tpu.memref_squeeze %dma_wait3A_34 : memref<1x8x224xf32, #tpu.memory_space<vmem>> -> memref<8x224xf32, #tpu.memory_space<vmem>>
    %dma_wait3A_36 = arith.constant 0 : i32
    %dma_wait3A_37 = arith.constant 0 : i32
    %dma_wait3A_38 = tpu.memref_slice %arg2[%dma_wait3A_29, %dma_wait3A_30, %dma_wait3A_36, %dma_wait3A_37] : memref<4x3x224x224xf32, #tpu.memory_space<hbm>> -> memref<1x1x8x224xf32, #tpu.memory_space<hbm>>
    %dma_wait3A_39 = tpu.memref_squeeze %dma_wait3A_38 : memref<1x1x8x224xf32, #tpu.memory_space<hbm>> -> memref<8x224xf32, #tpu.memory_space<hbm>>
    %dma_wait3A_40 = arith.constant 0 : i32
    %dma_wait3A_41 = arith.constant 0 : i32
    %dma_wait3A_42 = tpu.memref_slice %arg5[%dma_wait3A_31, %dma_wait3A_40, %dma_wait3A_41] : memref<21x8x224xf32, #tpu.memory_space<vmem>> -> memref<1x8x224xf32, #tpu.memory_space<vmem>>
    %dma_wait3A_43 = tpu.memref_squeeze %dma_wait3A_42 : memref<1x8x224xf32, #tpu.memory_space<vmem>> -> memref<8x224xf32, #tpu.memory_space<vmem>>
    %dma_wait3A_44 = arith.constant 0 : i32
    %dma_wait3A_45 = arith.constant 0 : i32
    %dma_wait3A_46 = tpu.memref_slice %arg2[%dma_wait3A_29, %dma_wait3A_30, %dma_wait3A_44, %dma_wait3A_45] : memref<4x3x224x224xf32, #tpu.memory_space<hbm>> -> memref<1x1x8x224xf32, #tpu.memory_space<hbm>>
    %dma_wait3A_47 = tpu.memref_squeeze %dma_wait3A_46 : memref<1x1x8x224xf32, #tpu.memory_space<hbm>> -> memref<8x224xf32, #tpu.memory_space<hbm>>
    tpu.wait_dma2 semaphore(%arg8 : memref<!tpu.dma_semaphore, #tpu.memory_space<semaphore_mem>>) src(%dma_wait3A_47 : memref<8x224xf32, #tpu.memory_space<hbm>>) dst(%dma_wait3A_43 : memref<8x224xf32, #tpu.memory_space<vmem>>)
    %dma_wait3A_48 = arith.constant 0 : i32
    %dma_wait3A_49 = arith.constant 0 : i32
    %dma_wait3A_50 = arith.constant 2 : i32
    %dma_wait3A_51 = arith.constant 0 : i32
    %dma_wait3A_52 = arith.constant 0 : i32
    %dma_wait3A_53 = tpu.memref_slice %arg5[%dma_wait3A_50, %dma_wait3A_51, %dma_wait3A_52] : memref<21x8x224xf32, #tpu.memory_space<vmem>> -> memref<1x8x224xf32, #tpu.memory_space<vmem>>
    %dma_wait3A_54 = tpu.memref_squeeze %dma_wait3A_53 : memref<1x8x224xf32, #tpu.memory_space<vmem>> -> memref<8x224xf32, #tpu.memory_space<vmem>>
    %dma_wait3A_55 = arith.constant 0 : i32
    %dma_wait3A_56 = arith.constant 0 : i32
    %dma_wait3A_57 = tpu.memref_slice %arg2[%dma_wait3A_48, %dma_wait3A_49, %dma_wait3A_55, %dma_wait3A_56] : memref<4x3x224x224xf32, #tpu.memory_space<hbm>> -> memref<1x1x8x224xf32, #tpu.memory_space<hbm>>
    %dma_wait3A_58 = tpu.memref_squeeze %dma_wait3A_57 : memref<1x1x8x224xf32, #tpu.memory_space<hbm>> -> memref<8x224xf32, #tpu.memory_space<hbm>>
    %dma_wait3A_59 = arith.constant 0 : i32
    %dma_wait3A_60 = arith.constant 0 : i32
    %dma_wait3A_61 = tpu.memref_slice %arg5[%dma_wait3A_50, %dma_wait3A_59, %dma_wait3A_60] : memref<21x8x224xf32, #tpu.memory_space<vmem>> -> memref<1x8x224xf32, #tpu.memory_space<vmem>>
    %dma_wait3A_62 = tpu.memref_squeeze %dma_wait3A_61 : memref<1x8x224xf32, #tpu.memory_space<vmem>> -> memref<8x224xf32, #tpu.memory_space<vmem>>
    %dma_wait3A_63 = arith.constant 0 : i32
    %dma_wait3A_64 = arith.constant 0 : i32
    %dma_wait3A_65 = tpu.memref_slice %arg2[%dma_wait3A_48, %dma_wait3A_49, %dma_wait3A_63, %dma_wait3A_64] : memref<4x3x224x224xf32, #tpu.memory_space<hbm>> -> memref<1x1x8x224xf32, #tpu.memory_space<hbm>>
    %dma_wait3A_66 = tpu.memref_squeeze %dma_wait3A_65 : memref<1x1x8x224xf32, #tpu.memory_space<hbm>> -> memref<8x224xf32, #tpu.memory_space<hbm>>
    tpu.wait_dma2 semaphore(%arg8 : memref<!tpu.dma_semaphore, #tpu.memory_space<semaphore_mem>>) src(%dma_wait3A_66 : memref<8x224xf32, #tpu.memory_space<hbm>>) dst(%dma_wait3A_62 : memref<8x224xf32, #tpu.memory_space<vmem>>)
    %dma_wait3A_67 = arith.constant 0 : i32
    %dma_wait3A_68 = arith.constant 0 : i32
    %dma_wait3A_69 = arith.constant 3 : i32
    %dma_wait3A_70 = arith.constant 0 : i32
    %dma_wait3A_71 = arith.constant 0 : i32
    %dma_wait3A_72 = tpu.memref_slice %arg5[%dma_wait3A_69, %dma_wait3A_70, %dma_wait3A_71] : memref<21x8x224xf32, #tpu.memory_space<vmem>> -> memref<1x8x224xf32, #tpu.memory_space<vmem>>
    %dma_wait3A_73 = tpu.memref_squeeze %dma_wait3A_72 : memref<1x8x224xf32, #tpu.memory_space<vmem>> -> memref<8x224xf32, #tpu.memory_space<vmem>>
    %dma_wait3A_74 = arith.constant 0 : i32
    %dma_wait3A_75 = arith.constant 0 : i32
    %dma_wait3A_76 = tpu.memref_slice %arg2[%dma_wait3A_67, %dma_wait3A_68, %dma_wait3A_74, %dma_wait3A_75] : memref<4x3x224x224xf32, #tpu.memory_space<hbm>> -> memref<1x1x8x224xf32, #tpu.memory_space<hbm>>
    %dma_wait3A_77 = tpu.memref_squeeze %dma_wait3A_76 : memref<1x1x8x224xf32, #tpu.memory_space<hbm>> -> memref<8x224xf32, #tpu.memory_space<hbm>>
    %dma_wait3A_78 = arith.constant 0 : i32
    %dma_wait3A_79 = arith.constant 0 : i32
    %dma_wait3A_80 = tpu.memref_slice %arg5[%dma_wait3A_69, %dma_wait3A_78, %dma_wait3A_79] : memref<21x8x224xf32, #tpu.memory_space<vmem>> -> memref<1x8x224xf32, #tpu.memory_space<vmem>>
    %dma_wait3A_81 = tpu.memref_squeeze %dma_wait3A_80 : memref<1x8x224xf32, #tpu.memory_space<vmem>> -> memref<8x224xf32, #tpu.memory_space<vmem>>
    %dma_wait3A_82 = arith.constant 0 : i32
    %dma_wait3A_83 = arith.constant 0 : i32
    %dma_wait3A_84 = tpu.memref_slice %arg2[%dma_wait3A_67, %dma_wait3A_68, %dma_wait3A_82, %dma_wait3A_83] : memref<4x3x224x224xf32, #tpu.memory_space<hbm>> -> memref<1x1x8x224xf32, #tpu.memory_space<hbm>>
    %dma_wait3A_85 = tpu.memref_squeeze %dma_wait3A_84 : memref<1x1x8x224xf32, #tpu.memory_space<hbm>> -> memref<8x224xf32, #tpu.memory_space<hbm>>
    tpu.wait_dma2 semaphore(%arg8 : memref<!tpu.dma_semaphore, #tpu.memory_space<semaphore_mem>>) src(%dma_wait3A_85 : memref<8x224xf32, #tpu.memory_space<hbm>>) dst(%dma_wait3A_81 : memref<8x224xf32, #tpu.memory_space<vmem>>)
    %dma_wait3A_86 = arith.constant 0 : i32
    %dma_wait3A_87 = arith.constant 0 : i32
    %dma_wait3A_88 = arith.constant 4 : i32
    %dma_wait3A_89 = arith.constant 0 : i32
    %dma_wait3A_90 = arith.constant 0 : i32
    %dma_wait3A_91 = tpu.memref_slice %arg5[%dma_wait3A_88, %dma_wait3A_89, %dma_wait3A_90] : memref<21x8x224xf32, #tpu.memory_space<vmem>> -> memref<1x8x224xf32, #tpu.memory_space<vmem>>
    %dma_wait3A_92 = tpu.memref_squeeze %dma_wait3A_91 : memref<1x8x224xf32, #tpu.memory_space<vmem>> -> memref<8x224xf32, #tpu.memory_space<vmem>>
    %dma_wait3A_93 = arith.constant 0 : i32
    %dma_wait3A_94 = arith.constant 0 : i32
    %dma_wait3A_95 = tpu.memref_slice %arg2[%dma_wait3A_86, %dma_wait3A_87, %dma_wait3A_93, %dma_wait3A_94] : memref<4x3x224x224xf32, #tpu.memory_space<hbm>> -> memref<1x1x8x224xf32, #tpu.memory_space<hbm>>
    %dma_wait3A_96 = tpu.memref_squeeze %dma_wait3A_95 : memref<1x1x8x224xf32, #tpu.memory_space<hbm>> -> memref<8x224xf32, #tpu.memory_space<hbm>>
    %dma_wait3A_97 = arith.constant 0 : i32
    %dma_wait3A_98 = arith.constant 0 : i32
    %dma_wait3A_99 = tpu.memref_slice %arg5[%dma_wait3A_88, %dma_wait3A_97, %dma_wait3A_98] : memref<21x8x224xf32, #tpu.memory_space<vmem>> -> memref<1x8x224xf32, #tpu.memory_space<vmem>>
    %dma_wait3A_100 = tpu.memref_squeeze %dma_wait3A_99 : memref<1x8x224xf32, #tpu.memory_space<vmem>> -> memref<8x224xf32, #tpu.memory_space<vmem>>
    %dma_wait3A_101 = arith.constant 0 : i32
    %dma_wait3A_102 = arith.constant 0 : i32
    %dma_wait3A_103 = tpu.memref_slice %arg2[%dma_wait3A_86, %dma_wait3A_87, %dma_wait3A_101, %dma_wait3A_102] : memref<4x3x224x224xf32, #tpu.memory_space<hbm>> -> memref<1x1x8x224xf32, #tpu.memory_space<hbm>>
    %dma_wait3A_104 = tpu.memref_squeeze %dma_wait3A_103 : memref<1x1x8x224xf32, #tpu.memory_space<hbm>> -> memref<8x224xf32, #tpu.memory_space<hbm>>
    tpu.wait_dma2 semaphore(%arg8 : memref<!tpu.dma_semaphore, #tpu.memory_space<semaphore_mem>>) src(%dma_wait3A_104 : memref<8x224xf32, #tpu.memory_space<hbm>>) dst(%dma_wait3A_100 : memref<8x224xf32, #tpu.memory_space<vmem>>)
    %dma_wait3A_105 = arith.constant 0 : i32
    %dma_wait3A_106 = arith.constant 0 : i32
    %dma_wait3A_107 = arith.constant 5 : i32
    %dma_wait3A_108 = arith.constant 0 : i32
    %dma_wait3A_109 = arith.constant 0 : i32
    %dma_wait3A_110 = tpu.memref_slice %arg5[%dma_wait3A_107, %dma_wait3A_108, %dma_wait3A_109] : memref<21x8x224xf32, #tpu.memory_space<vmem>> -> memref<1x8x224xf32, #tpu.memory_space<vmem>>
    %dma_wait3A_111 = tpu.memref_squeeze %dma_wait3A_110 : memref<1x8x224xf32, #tpu.memory_space<vmem>> -> memref<8x224xf32, #tpu.memory_space<vmem>>
    %dma_wait3A_112 = arith.constant 0 : i32
    %dma_wait3A_113 = arith.constant 0 : i32
    %dma_wait3A_114 = tpu.memref_slice %arg2[%dma_wait3A_105, %dma_wait3A_106, %dma_wait3A_112, %dma_wait3A_113] : memref<4x3x224x224xf32, #tpu.memory_space<hbm>> -> memref<1x1x8x224xf32, #tpu.memory_space<hbm>>
    %dma_wait3A_115 = tpu.memref_squeeze %dma_wait3A_114 : memref<1x1x8x224xf32, #tpu.memory_space<hbm>> -> memref<8x224xf32, #tpu.memory_space<hbm>>
    %dma_wait3A_116 = arith.constant 0 : i32
    %dma_wait3A_117 = arith.constant 0 : i32
    %dma_wait3A_118 = tpu.memref_slice %arg5[%dma_wait3A_107, %dma_wait3A_116, %dma_wait3A_117] : memref<21x8x224xf32, #tpu.memory_space<vmem>> -> memref<1x8x224xf32, #tpu.memory_space<vmem>>
    %dma_wait3A_119 = tpu.memref_squeeze %dma_wait3A_118 : memref<1x8x224xf32, #tpu.memory_space<vmem>> -> memref<8x224xf32, #tpu.memory_space<vmem>>
    %dma_wait3A_120 = arith.constant 0 : i32
    %dma_wait3A_121 = arith.constant 0 : i32
    %dma_wait3A_122 = tpu.memref_slice %arg2[%dma_wait3A_105, %dma_wait3A_106, %dma_wait3A_120, %dma_wait3A_121] : memref<4x3x224x224xf32, #tpu.memory_space<hbm>> -> memref<1x1x8x224xf32, #tpu.memory_space<hbm>>
    %dma_wait3A_123 = tpu.memref_squeeze %dma_wait3A_122 : memref<1x1x8x224xf32, #tpu.memory_space<hbm>> -> memref<8x224xf32, #tpu.memory_space<hbm>>
    tpu.wait_dma2 semaphore(%arg8 : memref<!tpu.dma_semaphore, #tpu.memory_space<semaphore_mem>>) src(%dma_wait3A_123 : memref<8x224xf32, #tpu.memory_space<hbm>>) dst(%dma_wait3A_119 : memref<8x224xf32, #tpu.memory_space<vmem>>)
    %dma_wait3A_124 = arith.constant 0 : i32
    %dma_wait3A_125 = arith.constant 0 : i32
    %dma_wait3A_126 = arith.constant 6 : i32
    %dma_wait3A_127 = arith.constant 0 : i32
    %dma_wait3A_128 = arith.constant 0 : i32
    %dma_wait3A_129 = tpu.memref_slice %arg5[%dma_wait3A_126, %dma_wait3A_127, %dma_wait3A_128] : memref<21x8x224xf32, #tpu.memory_space<vmem>> -> memref<1x8x224xf32, #tpu.memory_space<vmem>>
    %dma_wait3A_130 = tpu.memref_squeeze %dma_wait3A_129 : memref<1x8x224xf32, #tpu.memory_space<vmem>> -> memref<8x224xf32, #tpu.memory_space<vmem>>
    %dma_wait3A_131 = arith.constant 0 : i32
    %dma_wait3A_132 = arith.constant 0 : i32
    %dma_wait3A_133 = tpu.memref_slice %arg2[%dma_wait3A_124, %dma_wait3A_125, %dma_wait3A_131, %dma_wait3A_132] : memref<4x3x224x224xf32, #tpu.memory_space<hbm>> -> memref<1x1x8x224xf32, #tpu.memory_space<hbm>>
    %dma_wait3A_134 = tpu.memref_squeeze %dma_wait3A_133 : memref<1x1x8x224xf32, #tpu.memory_space<hbm>> -> memref<8x224xf32, #tpu.memory_space<hbm>>
    %dma_wait3A_135 = arith.constant 0 : i32
    %dma_wait3A_136 = arith.constant 0 : i32
    %dma_wait3A_137 = tpu.memref_slice %arg5[%dma_wait3A_126, %dma_wait3A_135, %dma_wait3A_136] : memref<21x8x224xf32, #tpu.memory_space<vmem>> -> memref<1x8x224xf32, #tpu.memory_space<vmem>>
    %dma_wait3A_138 = tpu.memref_squeeze %dma_wait3A_137 : memref<1x8x224xf32, #tpu.memory_space<vmem>> -> memref<8x224xf32, #tpu.memory_space<vmem>>
    %dma_wait3A_139 = arith.constant 0 : i32
    %dma_wait3A_140 = arith.constant 0 : i32
    %dma_wait3A_141 = tpu.memref_slice %arg2[%dma_wait3A_124, %dma_wait3A_125, %dma_wait3A_139, %dma_wait3A_140] : memref<4x3x224x224xf32, #tpu.memory_space<hbm>> -> memref<1x1x8x224xf32, #tpu.memory_space<hbm>>
    %dma_wait3A_142 = tpu.memref_squeeze %dma_wait3A_141 : memref<1x1x8x224xf32, #tpu.memory_space<hbm>> -> memref<8x224xf32, #tpu.memory_space<hbm>>
    tpu.wait_dma2 semaphore(%arg8 : memref<!tpu.dma_semaphore, #tpu.memory_space<semaphore_mem>>) src(%dma_wait3A_142 : memref<8x224xf32, #tpu.memory_space<hbm>>) dst(%dma_wait3A_138 : memref<8x224xf32, #tpu.memory_space<vmem>>)
    %dma_wait3A_143 = arith.constant 0 : i32
    %dma_wait3A_144 = arith.constant 0 : i32
    %dma_wait3A_145 = arith.constant 7 : i32
    %dma_wait3A_146 = arith.constant 0 : i32
    %dma_wait3A_147 = arith.constant 0 : i32
    %dma_wait3A_148 = tpu.memref_slice %arg5[%dma_wait3A_145, %dma_wait3A_146, %dma_wait3A_147] : memref<21x8x224xf32, #tpu.memory_space<vmem>> -> memref<1x8x224xf32, #tpu.memory_space<vmem>>
    %dma_wait3A_149 = tpu.memref_squeeze %dma_wait3A_148 : memref<1x8x224xf32, #tpu.memory_space<vmem>> -> memref<8x224xf32, #tpu.memory_space<vmem>>
    %dma_wait3A_150 = arith.constant 0 : i32
    %dma_wait3A_151 = arith.constant 0 : i32
    %dma_wait3A_152 = tpu.memref_slice %arg2[%dma_wait3A_143, %dma_wait3A_144, %dma_wait3A_150, %dma_wait3A_151] : memref<4x3x224x224xf32, #tpu.memory_space<hbm>> -> memref<1x1x8x224xf32, #tpu.memory_space<hbm>>
    %dma_wait3A_153 = tpu.memref_squeeze %dma_wait3A_152 : memref<1x1x8x224xf32, #tpu.memory_space<hbm>> -> memref<8x224xf32, #tpu.memory_space<hbm>>
    %dma_wait3A_154 = arith.constant 0 : i32
    %dma_wait3A_155 = arith.constant 0 : i32
    %dma_wait3A_156 = tpu.memref_slice %arg5[%dma_wait3A_145, %dma_wait3A_154, %dma_wait3A_155] : memref<21x8x224xf32, #tpu.memory_space<vmem>> -> memref<1x8x224xf32, #tpu.memory_space<vmem>>
    %dma_wait3A_157 = tpu.memref_squeeze %dma_wait3A_156 : memref<1x8x224xf32, #tpu.memory_space<vmem>> -> memref<8x224xf32, #tpu.memory_space<vmem>>
    %dma_wait3A_158 = arith.constant 0 : i32
    %dma_wait3A_159 = arith.constant 0 : i32
    %dma_wait3A_160 = tpu.memref_slice %arg2[%dma_wait3A_143, %dma_wait3A_144, %dma_wait3A_158, %dma_wait3A_159] : memref<4x3x224x224xf32, #tpu.memory_space<hbm>> -> memref<1x1x8x224xf32, #tpu.memory_space<hbm>>
    %dma_wait3A_161 = tpu.memref_squeeze %dma_wait3A_160 : memref<1x1x8x224xf32, #tpu.memory_space<hbm>> -> memref<8x224xf32, #tpu.memory_space<hbm>>
    tpu.wait_dma2 semaphore(%arg8 : memref<!tpu.dma_semaphore, #tpu.memory_space<semaphore_mem>>) src(%dma_wait3A_161 : memref<8x224xf32, #tpu.memory_space<hbm>>) dst(%dma_wait3A_157 : memref<8x224xf32, #tpu.memory_space<vmem>>)
    %dma_wait3A_162 = arith.constant 0 : i32
    %dma_wait3A_163 = arith.constant 0 : i32
    %dma_wait3A_164 = arith.constant 8 : i32
    %dma_wait3A_165 = arith.constant 0 : i32
    %dma_wait3A_166 = arith.constant 0 : i32
    %dma_wait3A_167 = tpu.memref_slice %arg5[%dma_wait3A_164, %dma_wait3A_165, %dma_wait3A_166] : memref<21x8x224xf32, #tpu.memory_space<vmem>> -> memref<1x8x224xf32, #tpu.memory_space<vmem>>
    %dma_wait3A_168 = tpu.memref_squeeze %dma_wait3A_167 : memref<1x8x224xf32, #tpu.memory_space<vmem>> -> memref<8x224xf32, #tpu.memory_space<vmem>>
    %dma_wait3A_169 = arith.constant 0 : i32
    %dma_wait3A_170 = arith.constant 0 : i32
    %dma_wait3A_171 = tpu.memref_slice %arg2[%dma_wait3A_162, %dma_wait3A_163, %dma_wait3A_169, %dma_wait3A_170] : memref<4x3x224x224xf32, #tpu.memory_space<hbm>> -> memref<1x1x8x224xf32, #tpu.memory_space<hbm>>
    %dma_wait3A_172 = tpu.memref_squeeze %dma_wait3A_171 : memref<1x1x8x224xf32, #tpu.memory_space<hbm>> -> memref<8x224xf32, #tpu.memory_space<hbm>>
    %dma_wait3A_173 = arith.constant 0 : i32
    %dma_wait3A_174 = arith.constant 0 : i32
    %dma_wait3A_175 = tpu.memref_slice %arg5[%dma_wait3A_164, %dma_wait3A_173, %dma_wait3A_174] : memref<21x8x224xf32, #tpu.memory_space<vmem>> -> memref<1x8x224xf32, #tpu.memory_space<vmem>>
    %dma_wait3A_176 = tpu.memref_squeeze %dma_wait3A_175 : memref<1x8x224xf32, #tpu.memory_space<vmem>> -> memref<8x224xf32, #tpu.memory_space<vmem>>
    %dma_wait3A_177 = arith.constant 0 : i32
    %dma_wait3A_178 = arith.constant 0 : i32
    %dma_wait3A_179 = tpu.memref_slice %arg2[%dma_wait3A_162, %dma_wait3A_163, %dma_wait3A_177, %dma_wait3A_178] : memref<4x3x224x224xf32, #tpu.memory_space<hbm>> -> memref<1x1x8x224xf32, #tpu.memory_space<hbm>>
    %dma_wait3A_180 = tpu.memref_squeeze %dma_wait3A_179 : memref<1x1x8x224xf32, #tpu.memory_space<hbm>> -> memref<8x224xf32, #tpu.memory_space<hbm>>
    tpu.wait_dma2 semaphore(%arg8 : memref<!tpu.dma_semaphore, #tpu.memory_space<semaphore_mem>>) src(%dma_wait3A_180 : memref<8x224xf32, #tpu.memory_space<hbm>>) dst(%dma_wait3A_176 : memref<8x224xf32, #tpu.memory_space<vmem>>)
    %dma_wait3A_181 = arith.constant 0 : i32
    %dma_wait3A_182 = arith.constant 0 : i32
    %dma_wait3A_183 = arith.constant 9 : i32
    %dma_wait3A_184 = arith.constant 0 : i32
    %dma_wait3A_185 = arith.constant 0 : i32
    %dma_wait3A_186 = tpu.memref_slice %arg5[%dma_wait3A_183, %dma_wait3A_184, %dma_wait3A_185] : memref<21x8x224xf32, #tpu.memory_space<vmem>> -> memref<1x8x224xf32, #tpu.memory_space<vmem>>
    %dma_wait3A_187 = tpu.memref_squeeze %dma_wait3A_186 : memref<1x8x224xf32, #tpu.memory_space<vmem>> -> memref<8x224xf32, #tpu.memory_space<vmem>>
    %dma_wait3A_188 = arith.constant 0 : i32
    %dma_wait3A_189 = arith.constant 0 : i32
    %dma_wait3A_190 = tpu.memref_slice %arg2[%dma_wait3A_181, %dma_wait3A_182, %dma_wait3A_188, %dma_wait3A_189] : memref<4x3x224x224xf32, #tpu.memory_space<hbm>> -> memref<1x1x8x224xf32, #tpu.memory_space<hbm>>
    %dma_wait3A_191 = tpu.memref_squeeze %dma_wait3A_190 : memref<1x1x8x224xf32, #tpu.memory_space<hbm>> -> memref<8x224xf32, #tpu.memory_space<hbm>>
    %dma_wait3A_192 = arith.constant 0 : i32
    %dma_wait3A_193 = arith.constant 0 : i32
    %dma_wait3A_194 = tpu.memref_slice %arg5[%dma_wait3A_183, %dma_wait3A_192, %dma_wait3A_193] : memref<21x8x224xf32, #tpu.memory_space<vmem>> -> memref<1x8x224xf32, #tpu.memory_space<vmem>>
    %dma_wait3A_195 = tpu.memref_squeeze %dma_wait3A_194 : memref<1x8x224xf32, #tpu.memory_space<vmem>> -> memref<8x224xf32, #tpu.memory_space<vmem>>
    %dma_wait3A_196 = arith.constant 0 : i32
    %dma_wait3A_197 = arith.constant 0 : i32
    %dma_wait3A_198 = tpu.memref_slice %arg2[%dma_wait3A_181, %dma_wait3A_182, %dma_wait3A_196, %dma_wait3A_197] : memref<4x3x224x224xf32, #tpu.memory_space<hbm>> -> memref<1x1x8x224xf32, #tpu.memory_space<hbm>>
    %dma_wait3A_199 = tpu.memref_squeeze %dma_wait3A_198 : memref<1x1x8x224xf32, #tpu.memory_space<hbm>> -> memref<8x224xf32, #tpu.memory_space<hbm>>
    tpu.wait_dma2 semaphore(%arg8 : memref<!tpu.dma_semaphore, #tpu.memory_space<semaphore_mem>>) src(%dma_wait3A_199 : memref<8x224xf32, #tpu.memory_space<hbm>>) dst(%dma_wait3A_195 : memref<8x224xf32, #tpu.memory_space<vmem>>)
    %dma_wait3A_200 = arith.constant 0 : i32
    %dma_wait3A_201 = arith.constant 0 : i32
    %dma_wait3A_202 = arith.constant 10 : i32
    %dma_wait3A_203 = arith.constant 0 : i32
    %dma_wait3A_204 = arith.constant 0 : i32
    %dma_wait3A_205 = tpu.memref_slice %arg5[%dma_wait3A_202, %dma_wait3A_203, %dma_wait3A_204] : memref<21x8x224xf32, #tpu.memory_space<vmem>> -> memref<1x8x224xf32, #tpu.memory_space<vmem>>
    %dma_wait3A_206 = tpu.memref_squeeze %dma_wait3A_205 : memref<1x8x224xf32, #tpu.memory_space<vmem>> -> memref<8x224xf32, #tpu.memory_space<vmem>>
    %dma_wait3A_207 = arith.constant 0 : i32
    %dma_wait3A_208 = arith.constant 0 : i32
    %dma_wait3A_209 = tpu.memref_slice %arg2[%dma_wait3A_200, %dma_wait3A_201, %dma_wait3A_207, %dma_wait3A_208] : memref<4x3x224x224xf32, #tpu.memory_space<hbm>> -> memref<1x1x8x224xf32, #tpu.memory_space<hbm>>
    %dma_wait3A_210 = tpu.memref_squeeze %dma_wait3A_209 : memref<1x1x8x224xf32, #tpu.memory_space<hbm>> -> memref<8x224xf32, #tpu.memory_space<hbm>>
    %dma_wait3A_211 = arith.constant 0 : i32
    %dma_wait3A_212 = arith.constant 0 : i32
    %dma_wait3A_213 = tpu.memref_slice %arg5[%dma_wait3A_202, %dma_wait3A_211, %dma_wait3A_212] : memref<21x8x224xf32, #tpu.memory_space<vmem>> -> memref<1x8x224xf32, #tpu.memory_space<vmem>>
    %dma_wait3A_214 = tpu.memref_squeeze %dma_wait3A_213 : memref<1x8x224xf32, #tpu.memory_space<vmem>> -> memref<8x224xf32, #tpu.memory_space<vmem>>
    %dma_wait3A_215 = arith.constant 0 : i32
    %dma_wait3A_216 = arith.constant 0 : i32
    %dma_wait3A_217 = tpu.memref_slice %arg2[%dma_wait3A_200, %dma_wait3A_201, %dma_wait3A_215, %dma_wait3A_216] : memref<4x3x224x224xf32, #tpu.memory_space<hbm>> -> memref<1x1x8x224xf32, #tpu.memory_space<hbm>>
    %dma_wait3A_218 = tpu.memref_squeeze %dma_wait3A_217 : memref<1x1x8x224xf32, #tpu.memory_space<hbm>> -> memref<8x224xf32, #tpu.memory_space<hbm>>
    tpu.wait_dma2 semaphore(%arg8 : memref<!tpu.dma_semaphore, #tpu.memory_space<semaphore_mem>>) src(%dma_wait3A_218 : memref<8x224xf32, #tpu.memory_space<hbm>>) dst(%dma_wait3A_214 : memref<8x224xf32, #tpu.memory_space<vmem>>)
    %dma_wait3A_219 = arith.constant 0 : i32
    %dma_wait3A_220 = arith.constant 0 : i32
    %dma_wait3A_221 = arith.constant 11 : i32
    %dma_wait3A_222 = arith.constant 0 : i32
    %dma_wait3A_223 = arith.constant 0 : i32
    %dma_wait3A_224 = tpu.memref_slice %arg5[%dma_wait3A_221, %dma_wait3A_222, %dma_wait3A_223] : memref<21x8x224xf32, #tpu.memory_space<vmem>> -> memref<1x8x224xf32, #tpu.memory_space<vmem>>
    %dma_wait3A_225 = tpu.memref_squeeze %dma_wait3A_224 : memref<1x8x224xf32, #tpu.memory_space<vmem>> -> memref<8x224xf32, #tpu.memory_space<vmem>>
    %dma_wait3A_226 = arith.constant 0 : i32
    %dma_wait3A_227 = arith.constant 0 : i32
    %dma_wait3A_228 = tpu.memref_slice %arg2[%dma_wait3A_219, %dma_wait3A_220, %dma_wait3A_226, %dma_wait3A_227] : memref<4x3x224x224xf32, #tpu.memory_space<hbm>> -> memref<1x1x8x224xf32, #tpu.memory_space<hbm>>
    %dma_wait3A_229 = tpu.memref_squeeze %dma_wait3A_228 : memref<1x1x8x224xf32, #tpu.memory_space<hbm>> -> memref<8x224xf32, #tpu.memory_space<hbm>>
    %dma_wait3A_230 = arith.constant 0 : i32
    %dma_wait3A_231 = arith.constant 0 : i32
    %dma_wait3A_232 = tpu.memref_slice %arg5[%dma_wait3A_221, %dma_wait3A_230, %dma_wait3A_231] : memref<21x8x224xf32, #tpu.memory_space<vmem>> -> memref<1x8x224xf32, #tpu.memory_space<vmem>>
    %dma_wait3A_233 = tpu.memref_squeeze %dma_wait3A_232 : memref<1x8x224xf32, #tpu.memory_space<vmem>> -> memref<8x224xf32, #tpu.memory_space<vmem>>
    %dma_wait3A_234 = arith.constant 0 : i32
    %dma_wait3A_235 = arith.constant 0 : i32
    %dma_wait3A_236 = tpu.memref_slice %arg2[%dma_wait3A_219, %dma_wait3A_220, %dma_wait3A_234, %dma_wait3A_235] : memref<4x3x224x224xf32, #tpu.memory_space<hbm>> -> memref<1x1x8x224xf32, #tpu.memory_space<hbm>>
    %dma_wait3A_237 = tpu.memref_squeeze %dma_wait3A_236 : memref<1x1x8x224xf32, #tpu.memory_space<hbm>> -> memref<8x224xf32, #tpu.memory_space<hbm>>
    tpu.wait_dma2 semaphore(%arg8 : memref<!tpu.dma_semaphore, #tpu.memory_space<semaphore_mem>>) src(%dma_wait3A_237 : memref<8x224xf32, #tpu.memory_space<hbm>>) dst(%dma_wait3A_233 : memref<8x224xf32, #tpu.memory_space<vmem>>)
    %dma_wait3A_238 = arith.constant 0 : i32
    %dma_wait3A_239 = arith.constant 0 : i32
    %dma_wait3A_240 = arith.constant 12 : i32
    %dma_wait3A_241 = arith.constant 0 : i32
    %dma_wait3A_242 = arith.constant 0 : i32
    %dma_wait3A_243 = tpu.memref_slice %arg5[%dma_wait3A_240, %dma_wait3A_241, %dma_wait3A_242] : memref<21x8x224xf32, #tpu.memory_space<vmem>> -> memref<1x8x224xf32, #tpu.memory_space<vmem>>
    %dma_wait3A_244 = tpu.memref_squeeze %dma_wait3A_243 : memref<1x8x224xf32, #tpu.memory_space<vmem>> -> memref<8x224xf32, #tpu.memory_space<vmem>>
    %dma_wait3A_245 = arith.constant 0 : i32
    %dma_wait3A_246 = arith.constant 0 : i32
    %dma_wait3A_247 = tpu.memref_slice %arg2[%dma_wait3A_238, %dma_wait3A_239, %dma_wait3A_245, %dma_wait3A_246] : memref<4x3x224x224xf32, #tpu.memory_space<hbm>> -> memref<1x1x8x224xf32, #tpu.memory_space<hbm>>
    %dma_wait3A_248 = tpu.memref_squeeze %dma_wait3A_247 : memref<1x1x8x224xf32, #tpu.memory_space<hbm>> -> memref<8x224xf32, #tpu.memory_space<hbm>>
    %dma_wait3A_249 = arith.constant 0 : i32
    %dma_wait3A_250 = arith.constant 0 : i32
    %dma_wait3A_251 = tpu.memref_slice %arg5[%dma_wait3A_240, %dma_wait3A_249, %dma_wait3A_250] : memref<21x8x224xf32, #tpu.memory_space<vmem>> -> memref<1x8x224xf32, #tpu.memory_space<vmem>>
    %dma_wait3A_252 = tpu.memref_squeeze %dma_wait3A_251 : memref<1x8x224xf32, #tpu.memory_space<vmem>> -> memref<8x224xf32, #tpu.memory_space<vmem>>
    %dma_wait3A_253 = arith.constant 0 : i32
    %dma_wait3A_254 = arith.constant 0 : i32
    %dma_wait3A_255 = tpu.memref_slice %arg2[%dma_wait3A_238, %dma_wait3A_239, %dma_wait3A_253, %dma_wait3A_254] : memref<4x3x224x224xf32, #tpu.memory_space<hbm>> -> memref<1x1x8x224xf32, #tpu.memory_space<hbm>>
    %dma_wait3A_256 = tpu.memref_squeeze %dma_wait3A_255 : memref<1x1x8x224xf32, #tpu.memory_space<hbm>> -> memref<8x224xf32, #tpu.memory_space<hbm>>
    tpu.wait_dma2 semaphore(%arg8 : memref<!tpu.dma_semaphore, #tpu.memory_space<semaphore_mem>>) src(%dma_wait3A_256 : memref<8x224xf32, #tpu.memory_space<hbm>>) dst(%dma_wait3A_252 : memref<8x224xf32, #tpu.memory_space<vmem>>)
    %dma_wait3A_257 = arith.constant 0 : i32
    %dma_wait3A_258 = arith.constant 0 : i32
    %dma_wait3A_259 = arith.constant 13 : i32
    %dma_wait3A_260 = arith.constant 0 : i32
    %dma_wait3A_261 = arith.constant 0 : i32
    %dma_wait3A_262 = tpu.memref_slice %arg5[%dma_wait3A_259, %dma_wait3A_260, %dma_wait3A_261] : memref<21x8x224xf32, #tpu.memory_space<vmem>> -> memref<1x8x224xf32, #tpu.memory_space<vmem>>
    %dma_wait3A_263 = tpu.memref_squeeze %dma_wait3A_262 : memref<1x8x224xf32, #tpu.memory_space<vmem>> -> memref<8x224xf32, #tpu.memory_space<vmem>>
    %dma_wait3A_264 = arith.constant 0 : i32
    %dma_wait3A_265 = arith.constant 0 : i32
    %dma_wait3A_266 = tpu.memref_slice %arg2[%dma_wait3A_257, %dma_wait3A_258, %dma_wait3A_264, %dma_wait3A_265] : memref<4x3x224x224xf32, #tpu.memory_space<hbm>> -> memref<1x1x8x224xf32, #tpu.memory_space<hbm>>
    %dma_wait3A_267 = tpu.memref_squeeze %dma_wait3A_266 : memref<1x1x8x224xf32, #tpu.memory_space<hbm>> -> memref<8x224xf32, #tpu.memory_space<hbm>>
    %dma_wait3A_268 = arith.constant 0 : i32
    %dma_wait3A_269 = arith.constant 0 : i32
    %dma_wait3A_270 = tpu.memref_slice %arg5[%dma_wait3A_259, %dma_wait3A_268, %dma_wait3A_269] : memref<21x8x224xf32, #tpu.memory_space<vmem>> -> memref<1x8x224xf32, #tpu.memory_space<vmem>>
    %dma_wait3A_271 = tpu.memref_squeeze %dma_wait3A_270 : memref<1x8x224xf32, #tpu.memory_space<vmem>> -> memref<8x224xf32, #tpu.memory_space<vmem>>
    %dma_wait3A_272 = arith.constant 0 : i32
    %dma_wait3A_273 = arith.constant 0 : i32
    %dma_wait3A_274 = tpu.memref_slice %arg2[%dma_wait3A_257, %dma_wait3A_258, %dma_wait3A_272, %dma_wait3A_273] : memref<4x3x224x224xf32, #tpu.memory_space<hbm>> -> memref<1x1x8x224xf32, #tpu.memory_space<hbm>>
    %dma_wait3A_275 = tpu.memref_squeeze %dma_wait3A_274 : memref<1x1x8x224xf32, #tpu.memory_space<hbm>> -> memref<8x224xf32, #tpu.memory_space<hbm>>
    tpu.wait_dma2 semaphore(%arg8 : memref<!tpu.dma_semaphore, #tpu.memory_space<semaphore_mem>>) src(%dma_wait3A_275 : memref<8x224xf32, #tpu.memory_space<hbm>>) dst(%dma_wait3A_271 : memref<8x224xf32, #tpu.memory_space<vmem>>)
    %dma_wait3A_276 = arith.constant 0 : i32
    %dma_wait3A_277 = arith.constant 0 : i32
    %dma_wait3A_278 = arith.constant 14 : i32
    %dma_wait3A_279 = arith.constant 0 : i32
    %dma_wait3A_280 = arith.constant 0 : i32
    %dma_wait3A_281 = tpu.memref_slice %arg5[%dma_wait3A_278, %dma_wait3A_279, %dma_wait3A_280] : memref<21x8x224xf32, #tpu.memory_space<vmem>> -> memref<1x8x224xf32, #tpu.memory_space<vmem>>
    %dma_wait3A_282 = tpu.memref_squeeze %dma_wait3A_281 : memref<1x8x224xf32, #tpu.memory_space<vmem>> -> memref<8x224xf32, #tpu.memory_space<vmem>>
    %dma_wait3A_283 = arith.constant 0 : i32
    %dma_wait3A_284 = arith.constant 0 : i32
    %dma_wait3A_285 = tpu.memref_slice %arg2[%dma_wait3A_276, %dma_wait3A_277, %dma_wait3A_283, %dma_wait3A_284] : memref<4x3x224x224xf32, #tpu.memory_space<hbm>> -> memref<1x1x8x224xf32, #tpu.memory_space<hbm>>
    %dma_wait3A_286 = tpu.memref_squeeze %dma_wait3A_285 : memref<1x1x8x224xf32, #tpu.memory_space<hbm>> -> memref<8x224xf32, #tpu.memory_space<hbm>>
    %dma_wait3A_287 = arith.constant 0 : i32
    %dma_wait3A_288 = arith.constant 0 : i32
    %dma_wait3A_289 = tpu.memref_slice %arg5[%dma_wait3A_278, %dma_wait3A_287, %dma_wait3A_288] : memref<21x8x224xf32, #tpu.memory_space<vmem>> -> memref<1x8x224xf32, #tpu.memory_space<vmem>>
    %dma_wait3A_290 = tpu.memref_squeeze %dma_wait3A_289 : memref<1x8x224xf32, #tpu.memory_space<vmem>> -> memref<8x224xf32, #tpu.memory_space<vmem>>
    %dma_wait3A_291 = arith.constant 0 : i32
    %dma_wait3A_292 = arith.constant 0 : i32
    %dma_wait3A_293 = tpu.memref_slice %arg2[%dma_wait3A_276, %dma_wait3A_277, %dma_wait3A_291, %dma_wait3A_292] : memref<4x3x224x224xf32, #tpu.memory_space<hbm>> -> memref<1x1x8x224xf32, #tpu.memory_space<hbm>>
    %dma_wait3A_294 = tpu.memref_squeeze %dma_wait3A_293 : memref<1x1x8x224xf32, #tpu.memory_space<hbm>> -> memref<8x224xf32, #tpu.memory_space<hbm>>
    tpu.wait_dma2 semaphore(%arg8 : memref<!tpu.dma_semaphore, #tpu.memory_space<semaphore_mem>>) src(%dma_wait3A_294 : memref<8x224xf32, #tpu.memory_space<hbm>>) dst(%dma_wait3A_290 : memref<8x224xf32, #tpu.memory_space<vmem>>)
    %dma_wait3A_295 = arith.constant 0 : i32
    %dma_wait3A_296 = arith.constant 0 : i32
    %dma_wait3A_297 = arith.constant 15 : i32
    %dma_wait3A_298 = arith.constant 0 : i32
    %dma_wait3A_299 = arith.constant 0 : i32
    %dma_wait3A_300 = tpu.memref_slice %arg5[%dma_wait3A_297, %dma_wait3A_298, %dma_wait3A_299] : memref<21x8x224xf32, #tpu.memory_space<vmem>> -> memref<1x8x224xf32, #tpu.memory_space<vmem>>
    %dma_wait3A_301 = tpu.memref_squeeze %dma_wait3A_300 : memref<1x8x224xf32, #tpu.memory_space<vmem>> -> memref<8x224xf32, #tpu.memory_space<vmem>>
    %dma_wait3A_302 = arith.constant 0 : i32
    %dma_wait3A_303 = arith.constant 0 : i32
    %dma_wait3A_304 = tpu.memref_slice %arg2[%dma_wait3A_295, %dma_wait3A_296, %dma_wait3A_302, %dma_wait3A_303] : memref<4x3x224x224xf32, #tpu.memory_space<hbm>> -> memref<1x1x8x224xf32, #tpu.memory_space<hbm>>
    %dma_wait3A_305 = tpu.memref_squeeze %dma_wait3A_304 : memref<1x1x8x224xf32, #tpu.memory_space<hbm>> -> memref<8x224xf32, #tpu.memory_space<hbm>>
    %dma_wait3A_306 = arith.constant 0 : i32
    %dma_wait3A_307 = arith.constant 0 : i32
    %dma_wait3A_308 = tpu.memref_slice %arg5[%dma_wait3A_297, %dma_wait3A_306, %dma_wait3A_307] : memref<21x8x224xf32, #tpu.memory_space<vmem>> -> memref<1x8x224xf32, #tpu.memory_space<vmem>>
    %dma_wait3A_309 = tpu.memref_squeeze %dma_wait3A_308 : memref<1x8x224xf32, #tpu.memory_space<vmem>> -> memref<8x224xf32, #tpu.memory_space<vmem>>
    %dma_wait3A_310 = arith.constant 0 : i32
    %dma_wait3A_311 = arith.constant 0 : i32
    %dma_wait3A_312 = tpu.memref_slice %arg2[%dma_wait3A_295, %dma_wait3A_296, %dma_wait3A_310, %dma_wait3A_311] : memref<4x3x224x224xf32, #tpu.memory_space<hbm>> -> memref<1x1x8x224xf32, #tpu.memory_space<hbm>>
    %dma_wait3A_313 = tpu.memref_squeeze %dma_wait3A_312 : memref<1x1x8x224xf32, #tpu.memory_space<hbm>> -> memref<8x224xf32, #tpu.memory_space<hbm>>
    tpu.wait_dma2 semaphore(%arg8 : memref<!tpu.dma_semaphore, #tpu.memory_space<semaphore_mem>>) src(%dma_wait3A_313 : memref<8x224xf32, #tpu.memory_space<hbm>>) dst(%dma_wait3A_309 : memref<8x224xf32, #tpu.memory_space<vmem>>)
    %dma_wait3A_314 = arith.constant 0 : i32
    %dma_wait3A_315 = arith.constant 0 : i32
    %dma_wait3A_316 = arith.constant 16 : i32
    %dma_wait3A_317 = arith.constant 0 : i32
    %dma_wait3A_318 = arith.constant 0 : i32
    %dma_wait3A_319 = tpu.memref_slice %arg5[%dma_wait3A_316, %dma_wait3A_317, %dma_wait3A_318] : memref<21x8x224xf32, #tpu.memory_space<vmem>> -> memref<1x8x224xf32, #tpu.memory_space<vmem>>
    %dma_wait3A_320 = tpu.memref_squeeze %dma_wait3A_319 : memref<1x8x224xf32, #tpu.memory_space<vmem>> -> memref<8x224xf32, #tpu.memory_space<vmem>>
    %dma_wait3A_321 = arith.constant 0 : i32
    %dma_wait3A_322 = arith.constant 0 : i32
    %dma_wait3A_323 = tpu.memref_slice %arg2[%dma_wait3A_314, %dma_wait3A_315, %dma_wait3A_321, %dma_wait3A_322] : memref<4x3x224x224xf32, #tpu.memory_space<hbm>> -> memref<1x1x8x224xf32, #tpu.memory_space<hbm>>
    %dma_wait3A_324 = tpu.memref_squeeze %dma_wait3A_323 : memref<1x1x8x224xf32, #tpu.memory_space<hbm>> -> memref<8x224xf32, #tpu.memory_space<hbm>>
    %dma_wait3A_325 = arith.constant 0 : i32
    %dma_wait3A_326 = arith.constant 0 : i32
    %dma_wait3A_327 = tpu.memref_slice %arg5[%dma_wait3A_316, %dma_wait3A_325, %dma_wait3A_326] : memref<21x8x224xf32, #tpu.memory_space<vmem>> -> memref<1x8x224xf32, #tpu.memory_space<vmem>>
    %dma_wait3A_328 = tpu.memref_squeeze %dma_wait3A_327 : memref<1x8x224xf32, #tpu.memory_space<vmem>> -> memref<8x224xf32, #tpu.memory_space<vmem>>
    %dma_wait3A_329 = arith.constant 0 : i32
    %dma_wait3A_330 = arith.constant 0 : i32
    %dma_wait3A_331 = tpu.memref_slice %arg2[%dma_wait3A_314, %dma_wait3A_315, %dma_wait3A_329, %dma_wait3A_330] : memref<4x3x224x224xf32, #tpu.memory_space<hbm>> -> memref<1x1x8x224xf32, #tpu.memory_space<hbm>>
    %dma_wait3A_332 = tpu.memref_squeeze %dma_wait3A_331 : memref<1x1x8x224xf32, #tpu.memory_space<hbm>> -> memref<8x224xf32, #tpu.memory_space<hbm>>
    tpu.wait_dma2 semaphore(%arg8 : memref<!tpu.dma_semaphore, #tpu.memory_space<semaphore_mem>>) src(%dma_wait3A_332 : memref<8x224xf32, #tpu.memory_space<hbm>>) dst(%dma_wait3A_328 : memref<8x224xf32, #tpu.memory_space<vmem>>)
    %dma_wait3A_333 = arith.constant 0 : i32
    %dma_wait3A_334 = arith.constant 0 : i32
    %dma_wait3A_335 = arith.constant 17 : i32
    %dma_wait3A_336 = arith.constant 0 : i32
    %dma_wait3A_337 = arith.constant 0 : i32
    %dma_wait3A_338 = tpu.memref_slice %arg5[%dma_wait3A_335, %dma_wait3A_336, %dma_wait3A_337] : memref<21x8x224xf32, #tpu.memory_space<vmem>> -> memref<1x8x224xf32, #tpu.memory_space<vmem>>
    %dma_wait3A_339 = tpu.memref_squeeze %dma_wait3A_338 : memref<1x8x224xf32, #tpu.memory_space<vmem>> -> memref<8x224xf32, #tpu.memory_space<vmem>>
    %dma_wait3A_340 = arith.constant 0 : i32
    %dma_wait3A_341 = arith.constant 0 : i32
    %dma_wait3A_342 = tpu.memref_slice %arg2[%dma_wait3A_333, %dma_wait3A_334, %dma_wait3A_340, %dma_wait3A_341] : memref<4x3x224x224xf32, #tpu.memory_space<hbm>> -> memref<1x1x8x224xf32, #tpu.memory_space<hbm>>
    %dma_wait3A_343 = tpu.memref_squeeze %dma_wait3A_342 : memref<1x1x8x224xf32, #tpu.memory_space<hbm>> -> memref<8x224xf32, #tpu.memory_space<hbm>>
    %dma_wait3A_344 = arith.constant 0 : i32
    %dma_wait3A_345 = arith.constant 0 : i32
    %dma_wait3A_346 = tpu.memref_slice %arg5[%dma_wait3A_335, %dma_wait3A_344, %dma_wait3A_345] : memref<21x8x224xf32, #tpu.memory_space<vmem>> -> memref<1x8x224xf32, #tpu.memory_space<vmem>>
    %dma_wait3A_347 = tpu.memref_squeeze %dma_wait3A_346 : memref<1x8x224xf32, #tpu.memory_space<vmem>> -> memref<8x224xf32, #tpu.memory_space<vmem>>
    %dma_wait3A_348 = arith.constant 0 : i32
    %dma_wait3A_349 = arith.constant 0 : i32
    %dma_wait3A_350 = tpu.memref_slice %arg2[%dma_wait3A_333, %dma_wait3A_334, %dma_wait3A_348, %dma_wait3A_349] : memref<4x3x224x224xf32, #tpu.memory_space<hbm>> -> memref<1x1x8x224xf32, #tpu.memory_space<hbm>>
    %dma_wait3A_351 = tpu.memref_squeeze %dma_wait3A_350 : memref<1x1x8x224xf32, #tpu.memory_space<hbm>> -> memref<8x224xf32, #tpu.memory_space<hbm>>
    tpu.wait_dma2 semaphore(%arg8 : memref<!tpu.dma_semaphore, #tpu.memory_space<semaphore_mem>>) src(%dma_wait3A_351 : memref<8x224xf32, #tpu.memory_space<hbm>>) dst(%dma_wait3A_347 : memref<8x224xf32, #tpu.memory_space<vmem>>)
    %dma_wait3A_352 = arith.constant 0 : i32
    %dma_wait3A_353 = arith.constant 0 : i32
    %dma_wait3A_354 = arith.constant 18 : i32
    %dma_wait3A_355 = arith.constant 0 : i32
    %dma_wait3A_356 = arith.constant 0 : i32
    %dma_wait3A_357 = tpu.memref_slice %arg5[%dma_wait3A_354, %dma_wait3A_355, %dma_wait3A_356] : memref<21x8x224xf32, #tpu.memory_space<vmem>> -> memref<1x8x224xf32, #tpu.memory_space<vmem>>
    %dma_wait3A_358 = tpu.memref_squeeze %dma_wait3A_357 : memref<1x8x224xf32, #tpu.memory_space<vmem>> -> memref<8x224xf32, #tpu.memory_space<vmem>>
    %dma_wait3A_359 = arith.constant 0 : i32
    %dma_wait3A_360 = arith.constant 0 : i32
    %dma_wait3A_361 = tpu.memref_slice %arg2[%dma_wait3A_352, %dma_wait3A_353, %dma_wait3A_359, %dma_wait3A_360] : memref<4x3x224x224xf32, #tpu.memory_space<hbm>> -> memref<1x1x8x224xf32, #tpu.memory_space<hbm>>
    %dma_wait3A_362 = tpu.memref_squeeze %dma_wait3A_361 : memref<1x1x8x224xf32, #tpu.memory_space<hbm>> -> memref<8x224xf32, #tpu.memory_space<hbm>>
    %dma_wait3A_363 = arith.constant 0 : i32
    %dma_wait3A_364 = arith.constant 0 : i32
    %dma_wait3A_365 = tpu.memref_slice %arg5[%dma_wait3A_354, %dma_wait3A_363, %dma_wait3A_364] : memref<21x8x224xf32, #tpu.memory_space<vmem>> -> memref<1x8x224xf32, #tpu.memory_space<vmem>>
    %dma_wait3A_366 = tpu.memref_squeeze %dma_wait3A_365 : memref<1x8x224xf32, #tpu.memory_space<vmem>> -> memref<8x224xf32, #tpu.memory_space<vmem>>
    %dma_wait3A_367 = arith.constant 0 : i32
    %dma_wait3A_368 = arith.constant 0 : i32
    %dma_wait3A_369 = tpu.memref_slice %arg2[%dma_wait3A_352, %dma_wait3A_353, %dma_wait3A_367, %dma_wait3A_368] : memref<4x3x224x224xf32, #tpu.memory_space<hbm>> -> memref<1x1x8x224xf32, #tpu.memory_space<hbm>>
    %dma_wait3A_370 = tpu.memref_squeeze %dma_wait3A_369 : memref<1x1x8x224xf32, #tpu.memory_space<hbm>> -> memref<8x224xf32, #tpu.memory_space<hbm>>
    tpu.wait_dma2 semaphore(%arg8 : memref<!tpu.dma_semaphore, #tpu.memory_space<semaphore_mem>>) src(%dma_wait3A_370 : memref<8x224xf32, #tpu.memory_space<hbm>>) dst(%dma_wait3A_366 : memref<8x224xf32, #tpu.memory_space<vmem>>)
    %dma_wait3A_371 = arith.constant 0 : i32
    %dma_wait3A_372 = arith.constant 0 : i32
    %dma_wait3A_373 = arith.constant 19 : i32
    %dma_wait3A_374 = arith.constant 0 : i32
    %dma_wait3A_375 = arith.constant 0 : i32
    %dma_wait3A_376 = tpu.memref_slice %arg5[%dma_wait3A_373, %dma_wait3A_374, %dma_wait3A_375] : memref<21x8x224xf32, #tpu.memory_space<vmem>> -> memref<1x8x224xf32, #tpu.memory_space<vmem>>
    %dma_wait3A_377 = tpu.memref_squeeze %dma_wait3A_376 : memref<1x8x224xf32, #tpu.memory_space<vmem>> -> memref<8x224xf32, #tpu.memory_space<vmem>>
    %dma_wait3A_378 = arith.constant 0 : i32
    %dma_wait3A_379 = arith.constant 0 : i32
    %dma_wait3A_380 = tpu.memref_slice %arg2[%dma_wait3A_371, %dma_wait3A_372, %dma_wait3A_378, %dma_wait3A_379] : memref<4x3x224x224xf32, #tpu.memory_space<hbm>> -> memref<1x1x8x224xf32, #tpu.memory_space<hbm>>
    %dma_wait3A_381 = tpu.memref_squeeze %dma_wait3A_380 : memref<1x1x8x224xf32, #tpu.memory_space<hbm>> -> memref<8x224xf32, #tpu.memory_space<hbm>>
    %dma_wait3A_382 = arith.constant 0 : i32
    %dma_wait3A_383 = arith.constant 0 : i32
    %dma_wait3A_384 = tpu.memref_slice %arg5[%dma_wait3A_373, %dma_wait3A_382, %dma_wait3A_383] : memref<21x8x224xf32, #tpu.memory_space<vmem>> -> memref<1x8x224xf32, #tpu.memory_space<vmem>>
    %dma_wait3A_385 = tpu.memref_squeeze %dma_wait3A_384 : memref<1x8x224xf32, #tpu.memory_space<vmem>> -> memref<8x224xf32, #tpu.memory_space<vmem>>
    %dma_wait3A_386 = arith.constant 0 : i32
    %dma_wait3A_387 = arith.constant 0 : i32
    %dma_wait3A_388 = tpu.memref_slice %arg2[%dma_wait3A_371, %dma_wait3A_372, %dma_wait3A_386, %dma_wait3A_387] : memref<4x3x224x224xf32, #tpu.memory_space<hbm>> -> memref<1x1x8x224xf32, #tpu.memory_space<hbm>>
    %dma_wait3A_389 = tpu.memref_squeeze %dma_wait3A_388 : memref<1x1x8x224xf32, #tpu.memory_space<hbm>> -> memref<8x224xf32, #tpu.memory_space<hbm>>
    tpu.wait_dma2 semaphore(%arg8 : memref<!tpu.dma_semaphore, #tpu.memory_space<semaphore_mem>>) src(%dma_wait3A_389 : memref<8x224xf32, #tpu.memory_space<hbm>>) dst(%dma_wait3A_385 : memref<8x224xf32, #tpu.memory_space<vmem>>)
    %dma_wait3A_390 = arith.constant 0 : i32
    %dma_wait3A_391 = arith.constant 0 : i32
    %dma_wait3A_392 = arith.constant 20 : i32
    %dma_wait3A_393 = arith.constant 0 : i32
    %dma_wait3A_394 = arith.constant 0 : i32
    %dma_wait3A_395 = tpu.memref_slice %arg5[%dma_wait3A_392, %dma_wait3A_393, %dma_wait3A_394] : memref<21x8x224xf32, #tpu.memory_space<vmem>> -> memref<1x8x224xf32, #tpu.memory_space<vmem>>
    %dma_wait3A_396 = tpu.memref_squeeze %dma_wait3A_395 : memref<1x8x224xf32, #tpu.memory_space<vmem>> -> memref<8x224xf32, #tpu.memory_space<vmem>>
    %dma_wait3A_397 = arith.constant 0 : i32
    %dma_wait3A_398 = arith.constant 0 : i32
    %dma_wait3A_399 = tpu.memref_slice %arg2[%dma_wait3A_390, %dma_wait3A_391, %dma_wait3A_397, %dma_wait3A_398] : memref<4x3x224x224xf32, #tpu.memory_space<hbm>> -> memref<1x1x8x224xf32, #tpu.memory_space<hbm>>
    %dma_wait3A_400 = tpu.memref_squeeze %dma_wait3A_399 : memref<1x1x8x224xf32, #tpu.memory_space<hbm>> -> memref<8x224xf32, #tpu.memory_space<hbm>>
    %dma_wait3A_401 = arith.constant 0 : i32
    %dma_wait3A_402 = arith.constant 0 : i32
    %dma_wait3A_403 = tpu.memref_slice %arg5[%dma_wait3A_392, %dma_wait3A_401, %dma_wait3A_402] : memref<21x8x224xf32, #tpu.memory_space<vmem>> -> memref<1x8x224xf32, #tpu.memory_space<vmem>>
    %dma_wait3A_404 = tpu.memref_squeeze %dma_wait3A_403 : memref<1x8x224xf32, #tpu.memory_space<vmem>> -> memref<8x224xf32, #tpu.memory_space<vmem>>
    %dma_wait3A_405 = arith.constant 0 : i32
    %dma_wait3A_406 = arith.constant 0 : i32
    %dma_wait3A_407 = tpu.memref_slice %arg2[%dma_wait3A_390, %dma_wait3A_391, %dma_wait3A_405, %dma_wait3A_406] : memref<4x3x224x224xf32, #tpu.memory_space<hbm>> -> memref<1x1x8x224xf32, #tpu.memory_space<hbm>>
    %dma_wait3A_408 = tpu.memref_squeeze %dma_wait3A_407 : memref<1x1x8x224xf32, #tpu.memory_space<hbm>> -> memref<8x224xf32, #tpu.memory_space<hbm>>
    tpu.wait_dma2 semaphore(%arg8 : memref<!tpu.dma_semaphore, #tpu.memory_space<semaphore_mem>>) src(%dma_wait3A_408 : memref<8x224xf32, #tpu.memory_space<hbm>>) dst(%dma_wait3A_404 : memref<8x224xf32, #tpu.memory_space<vmem>>)
    %iota3A = tpu.iota {dimensions = array<i32: 0>} : vector<16xi32>
    %mul3A_409 = arith.constant 1632 : i32
    %mul3A_410 = vector.broadcast %mul3A_409 : i32 to vector<16xi32>
    %mul3A_411 = arith.muli %iota3A, %mul3A_410 : vector<16xi32>
    %ge3A_412 = arith.constant 16 : i32
    %ge3A_413 = arith.cmpi sge, %add3A, %ge3A_412 : i32
    %jit3A = arith.constant 816 : i32
    %jit3A_414 = arith.constant 0 : i32
    %select_n3A = arith.select %ge3A_413, %jit3A, %jit3A_414 : i32
    %scan3A = arith.constant 0 : i32
    %scan3A_415 = arith.constant 21 : i32
    %scan3A_416 = arith.addi %scan3A, %scan3A_415 : i32
    %scan3A_417 = arith.constant 1 : i32
    scf.for %scan3A_422 = %scan3A to %scan3A_416 step %scan3A_417  : i32 {
      %mul3A_423 = arith.constant 21 : i32
      %mul3A_424 = arith.muli %rem3A_1, %mul3A_423 : i32
      %add3A_425 = arith.addi %mul3A_424, %scan3A_422 : i32
      %jit3A_426 = arith.constant 28 : i32
      %div3A = arith.divsi %add3A_425, %jit3A_426 : i32
      %sign3A = arith.constant 0 : i32
      %sign3A_427 = arith.cmpi sgt, %add3A_425, %sign3A : i32
      %sign3A_428 = arith.extui %sign3A_427 : i1 to i32
      %sign3A_429 = arith.constant 0 : i32
      %sign3A_430 = arith.cmpi slt, %add3A_425, %sign3A_429 : i32
      %sign3A_431 = arith.extui %sign3A_430 : i1 to i32
      %sign3A_432 = arith.subi %sign3A_428, %sign3A_431 : i32
      %sign3A_433 = arith.constant 0 : i32
      %sign3A_434 = arith.cmpi sgt, %jit3A_426, %sign3A_433 : i32
      %sign3A_435 = arith.extui %sign3A_434 : i1 to i32
      %sign3A_436 = arith.constant 0 : i32
      %sign3A_437 = arith.cmpi slt, %jit3A_426, %sign3A_436 : i32
      %sign3A_438 = arith.extui %sign3A_437 : i1 to i32
      %sign3A_439 = arith.subi %sign3A_435, %sign3A_438 : i32
      %ne3A = arith.cmpi ne, %sign3A_432, %sign3A_439 : i32
      %rem3A_440 = arith.remsi %add3A_425, %jit3A_426 : i32
      %ne3A_441 = arith.constant 0 : i32
      %ne3A_442 = arith.cmpi ne, %rem3A_440, %ne3A_441 : i32
      %and3A = arith.andi %ne3A, %ne3A_442 : i1
      %sub3A = arith.constant 1 : i32
      %sub3A_443 = arith.subi %div3A, %sub3A : i32
      %select_n3A_444 = arith.select %and3A, %sub3A_443, %div3A : i32
      %rem3A_445 = arith.constant 3 : i32
      %rem3A_446 = arith.remsi %select_n3A_444, %rem3A_445 : i32
      %mul3A_447 = arith.constant 272 : i32
      %mul3A_448 = arith.muli %rem3A_446, %mul3A_447 : i32
      %add3A_449 = arith.addi %select_n3A, %mul3A_448 : i32
      %add3A_450 = vector.broadcast %add3A_449 : i32 to vector<16xi32>
      %add3A_451 = arith.addi %mul3A_411, %add3A_450 : vector<16xi32>
      %parallel_loop3A_452 = arith.constant 0 : i32
      %parallel_loop3A_453 = arith.constant 112 : i32
      %parallel_loop3A_454 = arith.constant 1 : i32
      scf.for %parallel_loop3A_455 = %parallel_loop3A_452 to %parallel_loop3A_453 step %parallel_loop3A_454  : i32 {
        %parallel_loop3A_456 = arith.constant 7 : i32
        %parallel_loop3A_457 = arith.andi %parallel_loop3A_455, %parallel_loop3A_456 : i32
        %parallel_loop3A_458 = arith.constant 3 : i32
        %parallel_loop3A_459 = arith.shrsi %parallel_loop3A_455, %parallel_loop3A_458 : i32
        %parallel_loop3A_460 = arith.constant 16 : i32
        %parallel_loop3A_461 = arith.muli %parallel_loop3A_459, %parallel_loop3A_460 : i32
        %parallel_loop3A_462 = arith.index_cast %scan3A_422 : i32 to index
        %parallel_loop3A_463 = arith.index_cast %parallel_loop3A_457 : i32 to index
        %parallel_loop3A_464 = arith.index_cast %parallel_loop3A_461 : i32 to index
        %parallel_loop3A_465 = tpu.vector_load %arg5[%parallel_loop3A_462, %parallel_loop3A_463, %parallel_loop3A_464] {strides = array<i32>} : memref<21x8x224xf32, #tpu.memory_space<vmem>>, vector<16xf32>,
        %parallel_loop3A_466 = arith.constant 2.560000e+02 : f32
        %parallel_loop3A_467 = vector.broadcast %parallel_loop3A_466 : f32 to vector<16xf32>
        %parallel_loop3A_468 = arith.mulf %parallel_loop3A_465, %parallel_loop3A_467 : vector<16xf32>
        %parallel_loop3A_469 = arith.constant 5.000000e-01 : f32
        %parallel_loop3A_470 = vector.broadcast %parallel_loop3A_469 : f32 to vector<16xf32>
        %parallel_loop3A_471 = arith.addf %parallel_loop3A_468, %parallel_loop3A_470 : vector<16xf32>
        %parallel_loop3A_472 = arith.fptosi %parallel_loop3A_471 : vector<16xf32> to vector<16xi32>
        %parallel_loop3A_473 = arith.sitofp %parallel_loop3A_472 : vector<16xi32> to vector<16xf32>
        %parallel_loop3A_474 = arith.subf %parallel_loop3A_471, %parallel_loop3A_473 : vector<16xf32>
        %parallel_loop3A_475 = arith.addi %add3A_451, %parallel_loop3A_472 : vector<16xi32>
        %parallel_loop3A_476 = arith.constant 1.000000e+00 : f32
        %parallel_loop3A_477 = vector.broadcast %parallel_loop3A_476 : f32 to vector<16xf32>
        %parallel_loop3A_478 = arith.subf %parallel_loop3A_477, %parallel_loop3A_474 : vector<16xf32>
        tpu.vector_store_idx %arg6[%parallel_loop3A_475], %parallel_loop3A_478 {add = true} : memref<26112xf32, #tpu.memory_space<vmem>>[vector<16xi32>], vector<16xf32>,
        %parallel_loop3A_479 = arith.constant 1 : i32
        %parallel_loop3A_480 = vector.broadcast %parallel_loop3A_479 : i32 to vector<16xi32>
        %parallel_loop3A_481 = arith.addi %parallel_loop3A_475, %parallel_loop3A_480 : vector<16xi32>
        tpu.vector_store_idx %arg6[%parallel_loop3A_481], %parallel_loop3A_474 {add = true} : memref<26112xf32, #tpu.memory_space<vmem>>[vector<16xi32>], vector<16xf32>,
      } {sc.loop_unroll_factor = 8 : i64, sc.parallel_access}
    }
    %scan3A_418 = arith.constant 21 : i32
    %parallel_loop3A_419 = arith.constant 0 : i32
    %parallel_loop3A_420 = arith.constant 102 : i32
    %parallel_loop3A_421 = arith.constant 1 : i32
    scf.for %parallel_loop3A_422 = %parallel_loop3A_419 to %parallel_loop3A_420 step %parallel_loop3A_421  : i32 {
      %parallel_loop3A_423 = arith.constant 16 : i32
      %parallel_loop3A_424 = arith.muli %parallel_loop3A_422, %parallel_loop3A_423 : i32
      %parallel_loop3A_425 = arith.index_cast %parallel_loop3A_424 : i32 to index
      %parallel_loop3A_426 = tpu.vector_load %arg6[%parallel_loop3A_425] {strides = array<i32>} : memref<26112xf32, #tpu.memory_space<vmem>>, vector<16xf32>,
      %parallel_loop3A_427 = arith.constant 1632 : i32
      %parallel_loop3A_428 = arith.addi %parallel_loop3A_427, %parallel_loop3A_424 : i32
      %parallel_loop3A_429 = arith.index_cast %parallel_loop3A_428 : i32 to index
      %parallel_loop3A_430 = tpu.vector_load %arg6[%parallel_loop3A_429] {strides = array<i32>} : memref<26112xf32, #tpu.memory_space<vmem>>, vector<16xf32>,
      %parallel_loop3A_431 = arith.addf %parallel_loop3A_426, %parallel_loop3A_430 : vector<16xf32>
      %parallel_loop3A_432 = arith.constant 3264 : i32
      %parallel_loop3A_433 = arith.addi %parallel_loop3A_432, %parallel_loop3A_424 : i32
      %parallel_loop3A_434 = arith.index_cast %parallel_loop3A_433 : i32 to index
      %parallel_loop3A_435 = tpu.vector_load %arg6[%parallel_loop3A_434] {strides = array<i32>} : memref<26112xf32, #tpu.memory_space<vmem>>, vector<16xf32>,
      %parallel_loop3A_436 = arith.addf %parallel_loop3A_431, %parallel_loop3A_435 : vector<16xf32>
      %parallel_loop3A_437 = arith.constant 4896 : i32
      %parallel_loop3A_438 = arith.addi %parallel_loop3A_437, %parallel_loop3A_424 : i32
      %parallel_loop3A_439 = arith.index_cast %parallel_loop3A_438 : i32 to index
      %parallel_loop3A_440 = tpu.vector_load %arg6[%parallel_loop3A_439] {strides = array<i32>} : memref<26112xf32, #tpu.memory_space<vmem>>, vector<16xf32>,
      %parallel_loop3A_441 = arith.addf %parallel_loop3A_436, %parallel_loop3A_440 : vector<16xf32>
      %parallel_loop3A_442 = arith.constant 6528 : i32
      %parallel_loop3A_443 = arith.addi %parallel_loop3A_442, %parallel_loop3A_424 : i32
      %parallel_loop3A_444 = arith.index_cast %parallel_loop3A_443 : i32 to index
      %parallel_loop3A_445 = tpu.vector_load %arg6[%parallel_loop3A_444] {strides = array<i32>} : memref<26112xf32, #tpu.memory_space<vmem>>, vector<16xf32>,
      %parallel_loop3A_446 = arith.addf %parallel_loop3A_441, %parallel_loop3A_445 : vector<16xf32>
      %parallel_loop3A_447 = arith.constant 8160 : i32
      %parallel_loop3A_448 = arith.addi %parallel_loop3A_447, %parallel_loop3A_424 : i32
      %parallel_loop3A_449 = arith.index_cast %parallel_loop3A_448 : i32 to index
      %parallel_loop3A_450 = tpu.vector_load %arg6[%parallel_loop3A_449] {strides = array<i32>} : memref<26112xf32, #tpu.memory_space<vmem>>, vector<16xf32>,
      %parallel_loop3A_451 = arith.addf %parallel_loop3A_446, %parallel_loop3A_450 : vector<16xf32>
      %parallel_loop3A_452 = arith.constant 9792 : i32
      %parallel_loop3A_453 = arith.addi %parallel_loop3A_452, %parallel_loop3A_424 : i32
      %parallel_loop3A_454 = arith.index_cast %parallel_loop3A_453 : i32 to index
      %parallel_loop3A_455 = tpu.vector_load %arg6[%parallel_loop3A_454] {strides = array<i32>} : memref<26112xf32, #tpu.memory_space<vmem>>, vector<16xf32>,
      %parallel_loop3A_456 = arith.addf %parallel_loop3A_451, %parallel_loop3A_455 : vector<16xf32>
      %parallel_loop3A_457 = arith.constant 11424 : i32
      %parallel_loop3A_458 = arith.addi %parallel_loop3A_457, %parallel_loop3A_424 : i32
      %parallel_loop3A_459 = arith.index_cast %parallel_loop3A_458 : i32 to index
      %parallel_loop3A_460 = tpu.vector_load %arg6[%parallel_loop3A_459] {strides = array<i32>} : memref<26112xf32, #tpu.memory_space<vmem>>, vector<16xf32>,
      %parallel_loop3A_461 = arith.addf %parallel_loop3A_456, %parallel_loop3A_460 : vector<16xf32>
      %parallel_loop3A_462 = arith.constant 13056 : i32
      %parallel_loop3A_463 = arith.addi %parallel_loop3A_462, %parallel_loop3A_424 : i32
      %parallel_loop3A_464 = arith.index_cast %parallel_loop3A_463 : i32 to index
      %parallel_loop3A_465 = tpu.vector_load %arg6[%parallel_loop3A_464] {strides = array<i32>} : memref<26112xf32, #tpu.memory_space<vmem>>, vector<16xf32>,
      %parallel_loop3A_466 = arith.addf %parallel_loop3A_461, %parallel_loop3A_465 : vector<16xf32>
      %parallel_loop3A_467 = arith.constant 14688 : i32
      %parallel_loop3A_468 = arith.addi %parallel_loop3A_467, %parallel_loop3A_424 : i32
      %parallel_loop3A_469 = arith.index_cast %parallel_loop3A_468 : i32 to index
      %parallel_loop3A_470 = tpu.vector_load %arg6[%parallel_loop3A_469] {strides = array<i32>} : memref<26112xf32, #tpu.memory_space<vmem>>, vector<16xf32>,
      %parallel_loop3A_471 = arith.addf %parallel_loop3A_466, %parallel_loop3A_470 : vector<16xf32>
      %parallel_loop3A_472 = arith.constant 16320 : i32
      %parallel_loop3A_473 = arith.addi %parallel_loop3A_472, %parallel_loop3A_424 : i32
      %parallel_loop3A_474 = arith.index_cast %parallel_loop3A_473 : i32 to index
      %parallel_loop3A_475 = tpu.vector_load %arg6[%parallel_loop3A_474] {strides = array<i32>} : memref<26112xf32, #tpu.memory_space<vmem>>, vector<16xf32>,
      %parallel_loop3A_476 = arith.addf %parallel_loop3A_471, %parallel_loop3A_475 : vector<16xf32>
      %parallel_loop3A_477 = arith.constant 17952 : i32
      %parallel_loop3A_478 = arith.addi %parallel_loop3A_477, %parallel_loop3A_424 : i32
      %parallel_loop3A_479 = arith.index_cast %parallel_loop3A_478 : i32 to index
      %parallel_loop3A_480 = tpu.vector_load %arg6[%parallel_loop3A_479] {strides = array<i32>} : memref<26112xf32, #tpu.memory_space<vmem>>, vector<16xf32>,
      %parallel_loop3A_481 = arith.addf %parallel_loop3A_476, %parallel_loop3A_480 : vector<16xf32>
      %parallel_loop3A_482 = arith.constant 19584 : i32
      %parallel_loop3A_483 = arith.addi %parallel_loop3A_482, %parallel_loop3A_424 : i32
      %parallel_loop3A_484 = arith.index_cast %parallel_loop3A_483 : i32 to index
      %parallel_loop3A_485 = tpu.vector_load %arg6[%parallel_loop3A_484] {strides = array<i32>} : memref<26112xf32, #tpu.memory_space<vmem>>, vector<16xf32>,
      %parallel_loop3A_486 = arith.addf %parallel_loop3A_481, %parallel_loop3A_485 : vector<16xf32>
      %parallel_loop3A_487 = arith.constant 21216 : i32
      %parallel_loop3A_488 = arith.addi %parallel_loop3A_487, %parallel_loop3A_424 : i32
      %parallel_loop3A_489 = arith.index_cast %parallel_loop3A_488 : i32 to index
      %parallel_loop3A_490 = tpu.vector_load %arg6[%parallel_loop3A_489] {strides = array<i32>} : memref<26112xf32, #tpu.memory_space<vmem>>, vector<16xf32>,
      %parallel_loop3A_491 = arith.addf %parallel_loop3A_486, %parallel_loop3A_490 : vector<16xf32>
      %parallel_loop3A_492 = arith.constant 22848 : i32
      %parallel_loop3A_493 = arith.addi %parallel_loop3A_492, %parallel_loop3A_424 : i32
      %parallel_loop3A_494 = arith.index_cast %parallel_loop3A_493 : i32 to index
      %parallel_loop3A_495 = tpu.vector_load %arg6[%parallel_loop3A_494] {strides = array<i32>} : memref<26112xf32, #tpu.memory_space<vmem>>, vector<16xf32>,
      %parallel_loop3A_496 = arith.addf %parallel_loop3A_491, %parallel_loop3A_495 : vector<16xf32>
      %parallel_loop3A_497 = arith.constant 24480 : i32
      %parallel_loop3A_498 = arith.addi %parallel_loop3A_497, %parallel_loop3A_424 : i32
      %parallel_loop3A_499 = arith.index_cast %parallel_loop3A_498 : i32 to index
      %parallel_loop3A_500 = tpu.vector_load %arg6[%parallel_loop3A_499] {strides = array<i32>} : memref<26112xf32, #tpu.memory_space<vmem>>, vector<16xf32>,
      %parallel_loop3A_501 = arith.addf %parallel_loop3A_496, %parallel_loop3A_500 : vector<16xf32>
      %parallel_loop3A_502 = arith.index_cast %parallel_loop3A_424 : i32 to index
      %parallel_loop3A_503 = tpu.vector_load %arg7[%parallel_loop3A_502] {strides = array<i32>} : memref<1632xf32, #tpu.memory_space<vmem>>, vector<16xf32>,
      tpu.vector_store %arg7[%parallel_loop3A_502], %parallel_loop3A_501 {strides = array<i32>} : memref<1632xf32, #tpu.memory_space<vmem>>, vector<16xf32>,
    } {sc.loop_unroll_factor = 2 : i64, sc.parallel_access}
    "tpu.region"() ({
      %run_scoped3A = tpu.sem_alloc : memref<!tpu.dma_semaphore, #tpu.memory_space<semaphore_mem>>
      %dma_start3A = arith.constant 0 : i32
      %dma_start3A_422 = tpu.memref_slice %arg4[%add3A, %dma_start3A] : memref<32x1632xf32, #tpu.memory_space<hbm>> -> memref<1x1632xf32, #tpu.memory_space<hbm>>
      %dma_start3A_423 = tpu.memref_squeeze %dma_start3A_422 : memref<1x1632xf32, #tpu.memory_space<hbm>> -> memref<1632xf32, #tpu.memory_space<hbm>>
      %dma_start3A_424 = arith.constant 0 : i32
      %dma_start3A_425 = tpu.memref_slice %arg4[%add3A, %dma_start3A_424] : memref<32x1632xf32, #tpu.memory_space<hbm>> -> memref<1x1632xf32, #tpu.memory_space<hbm>>
      %dma_start3A_426 = tpu.memref_squeeze %dma_start3A_425 : memref<1x1632xf32, #tpu.memory_space<hbm>> -> memref<1632xf32, #tpu.memory_space<hbm>>
      tpu.enqueue_dma source(%arg7 : memref<1632xf32, #tpu.memory_space<vmem>>) target(%dma_start3A_426 : memref<1632xf32, #tpu.memory_space<hbm>>) target_semaphore(%run_scoped3A : memref<!tpu.dma_semaphore, #tpu.memory_space<semaphore_mem>>)
      %dma_wait3A_427 = arith.constant 0 : i32
      %dma_wait3A_428 = tpu.memref_slice %arg4[%add3A, %dma_wait3A_427] : memref<32x1632xf32, #tpu.memory_space<hbm>> -> memref<1x1632xf32, #tpu.memory_space<hbm>>
      %dma_wait3A_429 = tpu.memref_squeeze %dma_wait3A_428 : memref<1x1632xf32, #tpu.memory_space<hbm>> -> memref<1632xf32, #tpu.memory_space<hbm>>
      %dma_wait3A_430 = arith.constant 0 : i32
      %dma_wait3A_431 = tpu.memref_slice %arg4[%add3A, %dma_wait3A_430] : memref<32x1632xf32, #tpu.memory_space<hbm>> -> memref<1x1632xf32, #tpu.memory_space<hbm>>
      %dma_wait3A_432 = tpu.memref_squeeze %dma_wait3A_431 : memref<1x1632xf32, #tpu.memory_space<hbm>> -> memref<1632xf32, #tpu.memory_space<hbm>>
      tpu.wait_dma2 semaphore(%run_scoped3A : memref<!tpu.dma_semaphore, #tpu.memory_space<semaphore_mem>>) src(%arg7 : memref<1632xf32, #tpu.memory_space<vmem>>) dst(%dma_wait3A_432 : memref<1632xf32, #tpu.memory_space<hbm>>)
      tpu.yield
    }) : () -> ()
    return
  }
}

module attributes {stable_mosaic.version = 14 : i64} {
  func.func @_tc_loss(%arg0: memref<32x1632xf32, #tpu.memory_space<vmem>>, %arg1: memref<1x1xf32, #tpu.memory_space<smem>>) attributes {dimension_semantics = [], scalar_prefetch = 0 : i64, scratch_operands = 0 : i64, tpu.core_type = #tpu.core_type<tc>} {
    %get3A = arith.constant 0 : index
    %get3A_0 = arith.constant 0 : index
    %get3A_1 = vector.load %arg0[%get3A, %get3A_0] : memref<32x1632xf32, #tpu.memory_space<vmem>>, vector<32x1632xf32>
    %reduce_sum3A = arith.constant dense<0.000000e+00> : vector<1632xf32>
    %reduce_sum3A_2 = vector.multi_reduction <add>, %get3A_1, %reduce_sum3A [0] : vector<32x1632xf32> to vector<1632xf32>
    %broadcast_in_dim3A = vector.shape_cast %reduce_sum3A_2 : vector<1632xf32> to vector<1x1632xf32>
    %slice3A = vector.extract_strided_slice %broadcast_in_dim3A {offsets = [0, 1], sizes = [1, 256], strides = [1, 1]} : vector<1x1632xf32> to vector<1x256xf32>
    %slice3A_3 = vector.extract_strided_slice %broadcast_in_dim3A {offsets = [0, 273], sizes = [1, 256], strides = [1, 1]} : vector<1x1632xf32> to vector<1x256xf32>
    %slice3A_4 = vector.extract_strided_slice %broadcast_in_dim3A {offsets = [0, 545], sizes = [1, 256], strides = [1, 1]} : vector<1x1632xf32> to vector<1x256xf32>
    %slice3A_5 = vector.extract_strided_slice %broadcast_in_dim3A {offsets = [0, 817], sizes = [1, 256], strides = [1, 1]} : vector<1x1632xf32> to vector<1x256xf32>
    %slice3A_6 = vector.extract_strided_slice %broadcast_in_dim3A {offsets = [0, 1089], sizes = [1, 256], strides = [1, 1]} : vector<1x1632xf32> to vector<1x256xf32>
    %slice3A_7 = vector.extract_strided_slice %broadcast_in_dim3A {offsets = [0, 1361], sizes = [1, 256], strides = [1, 1]} : vector<1x1632xf32> to vector<1x256xf32>
    %concatenate3A = tpu.concatenate %slice3A, %slice3A_3, %slice3A_4 in 0 : vector<1x256xf32>, vector<1x256xf32>, vector<1x256xf32> -> vector<3x256xf32>
    %concatenate3A_8 = tpu.concatenate %slice3A_5, %slice3A_6, %slice3A_7 in 0 : vector<1x256xf32>, vector<1x256xf32>, vector<1x256xf32> -> vector<3x256xf32>
    %reduce_sum3A_9 = arith.constant dense<0.000000e+00> : vector<3xf32>
    %reduce_sum3A_10 = vector.multi_reduction <add>, %concatenate3A, %reduce_sum3A_9 [1] : vector<3x256xf32> to vector<3xf32>
    %broadcast_in_dim3A_11 = vector.shape_cast %reduce_sum3A_10 : vector<3xf32> to vector<3x1xf32>
    %add3A = arith.constant 1.000000e-10 : f32
    %add3A_12 = vector.broadcast %add3A : f32 to vector<3x1xf32>
    %add3A_13 = arith.addf %broadcast_in_dim3A_11, %add3A_12 : vector<3x1xf32>
    %div3A = vector.broadcast %add3A_13 : vector<3x1xf32> to vector<3x256xf32>
    %div3A_14 = arith.divf %concatenate3A, %div3A : vector<3x256xf32>
    %reduce_sum3A_15 = arith.constant dense<0.000000e+00> : vector<3xf32>
    %reduce_sum3A_16 = vector.multi_reduction <add>, %concatenate3A_8, %reduce_sum3A_15 [1] : vector<3x256xf32> to vector<3xf32>
    %broadcast_in_dim3A_17 = vector.shape_cast %reduce_sum3A_16 : vector<3xf32> to vector<3x1xf32>
    %add3A_18 = arith.constant 1.000000e-10 : f32
    %add3A_19 = vector.broadcast %add3A_18 : f32 to vector<3x1xf32>
    %add3A_20 = arith.addf %broadcast_in_dim3A_17, %add3A_19 : vector<3x1xf32>
    %div3A_21 = vector.broadcast %add3A_20 : vector<3x1xf32> to vector<3x256xf32>
    %div3A_22 = arith.divf %concatenate3A_8, %div3A_21 : vector<3x256xf32>
    %add3A_23 = arith.constant 1.000000e-16 : f32
    %add3A_24 = vector.broadcast %add3A_23 : f32 to vector<3x256xf32>
    %add3A_25 = arith.addf %div3A_14, %add3A_24 : vector<3x256xf32>
    %add3A_26 = arith.constant 1.000000e-16 : f32
    %add3A_27 = vector.broadcast %add3A_26 : f32 to vector<3x256xf32>
    %add3A_28 = arith.addf %div3A_22, %add3A_27 : vector<3x256xf32>
    %sub3A = arith.subf %add3A_25, %add3A_28 : vector<3x256xf32>
    %integer_pow3A = arith.mulf %sub3A, %sub3A : vector<3x256xf32>
    %add3A_29 = arith.addf %add3A_25, %add3A_28 : vector<3x256xf32>
    %div3A_30 = arith.divf %integer_pow3A, %add3A_29 : vector<3x256xf32>
    %reduce_sum3A_31 = vector.shape_cast %div3A_30 : vector<3x256xf32> to vector<1x3x256xf32>
    %reduce_sum3A_32 = arith.constant dense<0.000000e+00> : vector<1xf32>
    %reduce_sum3A_33 = vector.multi_reduction <add>, %reduce_sum3A_31, %reduce_sum3A_32 [1, 2] : vector<1x3x256xf32> to vector<1xf32>
    %reduce_sum3A_34 = vector.shape_cast %reduce_sum3A_33 : vector<1xf32> to vector<1x1x1xf32>
    %reduce_sum3A_35 = vector.extract %reduce_sum3A_34[0, 0, 0] : f32 from vector<1x1x1xf32>
    %mul3A = arith.constant 2.000000e+00 : f32
    %mul3A_36 = arith.mulf %mul3A, %reduce_sum3A_35 : f32
    %swap3A = arith.constant 0 : index
    %swap3A_37 = arith.constant 0 : index
    %swap3A_38 = memref.load %arg1[%swap3A, %swap3A_37] : memref<1x1xf32, #tpu.memory_space<smem>>
    memref.store %mul3A_36, %arg1[%swap3A, %swap3A_37] : memref<1x1xf32, #tpu.memory_space<smem>>
    return
  }
}

</mosaic_0001>

<sc_bundles>
// kernel: kernel.4.cloned.1.call-start
scs
__scs_entry_jumppad:
0x0: {  	(pc) =	sbr.rel $0x88, $3  }
0x1: {  	(tag) =	ssettag $0x0;
	lr =	simm.s32 $0x1  }
0x2: {  	[smem:$0x3F9F] =	sst lr;
	_ =	strace $0xD0000000  }
0x3: {  	_ = 	snop  }
0x4: {  	_ = 	snop  }
0x5: {  	_ = 	snop  }
0x6: {  	_ = 	snop  }
0x7: {  	_ = 	snop  }
__scs_overlays_trampoline_lowered:
0x8: {  	[smem:$0x3FAE] =	sst s0  }
0x9: {  	[smem:$0x3FAF] =	sst s1  }
0xa: {  	[smem:$0x3FB0] =	sst s2  }
0xb: {  	[smem:$0x3FB1] =	sst s3  }
0xc: {  	[smem:$0x3FB2] =	sst s4  }
0xd: {  	[smem:$0x3FB3] =	sst s5  }
0xe: {  	[smem:$0x3FB4] =	sst s6  }
0xf: {  	[smem:$0x3FB5] =	sst s7  }
0x10: {  	[smem:$0x3FB6] =	sst s8  }
0x11: {  	[smem:$0x3FB7] =	sst s9;
	s0 =	simm.s32 @!p0 $0x0  }
0x12: {  	s1 =	sld [smem:$0x3F9D];
	s0 =	simm.s32 @p0 $0x1  }
0x13: {  	[smem:$0x3FB8] =	sst s0;
	s0 =	simm.s32 @!p1 $0x0  }
0x14: {  	s2 =	sld [smem:$0x3F9C];
	s0 =	simm.s32 @p1 $0x1  }
0x15: {  	[smem:$0x3FB9] =	sst s0;
	s0 =	simm.s32 @!p2 $0x0  }
0x16: {  	s3 =	sld [smem:$0x3FDB];
	s0 =	simm.s32 @p2 $0x1  }
0x17: {  	s4 =	simm.s32 $0x1BF5;
	[smem:$0x3FBB] =	sst s0  }
0x18: {  	s0 =	sld [smem:$0x3F9E];
	_ =	swait.ge [sflag:s4], $0x0  }
0x19: {  	s7 =	sld [smem:$0x3F9F]  }
0x1a: {  	s8 =	sadd.s32 $0xFFFFE003, lr  }
0x1b: {  	s9 =	sadd.s32 $0xFFFFFEF7, lr;
	s5 =	simm.s32 $0xFFFFFFFF;
	p2 =	slt.u32 s8, $0xFFFFF086  }
0x1c: {  	p1 =	slt.u32 s9, $0xF7A;
	s5 =	simm.s32 @!p2 $0x0  }
0x1d: {  	s5 =	simm.s32 @p1 $0x1;
	p0 =	seq.s32 s7, s2  }
0x1e: {  	s7 =	smul.u32 @!p0 $0xF7A, s2;
	p2 =	seq.s32 @!p0 s5, $0x0  }
0x1f: {  	s9 =	smul.u32 $0xF7A, s1;
	s8 =	simm.s32 @!p0 $0x1BF5;
	p2 =	por !p2, p0  }
0x20: {  	[sflag:s8] =	ssyncset.s32 @!p0 $0xFFFFF086;
	s6 =	sadd.s32 @!p0 s3, s7;
	s7 =	simm.s32 @!p0 $0x108  }
0x21: {  	s3 =	sadd.s32 s3, s9;
	s6 =	sadd.s32 @!p0 $0x88, s6;
	s7 =	simm.s32 @p2 $0x1082  }
0x22: {  	[simem:s7], [sflag:s8] =	dma.local @!p0 [hbm:s6], $0xF7A  }
0x23: {  	s9 =	sor.u32 $0xD0000000, s2;
	s6 =	simm.s32 $0x108;
	_ =	swait.ge @!p0 [sflag:s8], $0x0  }
0x24: {  	s3 =	sadd.s32 $0x88, s3;
	s6 =	simm.s32 @!p1 $0x1082;
	[sflag:s4] =	ssyncset.s32 $0xFFFFF086  }
0x25: {  	[simem:s6], [sflag:s4] =	dma.local [hbm:s3], $0xF7A  }
0x26: {  	[smem:$0x3F9F] =	sst s1;
	(tag) =	ssettag s2;
	_ =	strace s9  }
0x27: {  	s1 =	sld [smem:$0x3FAF]  }
0x28: {  	s2 =	sld [smem:$0x3FB0]  }
0x29: {  	s4 =	sld [smem:$0x3FB2]  }
0x2a: {  	p0 =	seq.s32 s5, $0x0;
	s5 =	sld [smem:$0x3FB3]  }
0x2b: {  	s6 =	sld [smem:$0x3FB4]  }
0x2c: {  	s7 =	sld [smem:$0x3FB5]  }
0x2d: {  	s3 =	simm.s32 $0x108;
	s8 =	sld [smem:$0x3FB6]  }
0x2e: {  	s3 =	simm.s32 @!p0 $0x1082;
	s9 =	sld [smem:$0x3FB7]  }
0x2f: {  	lr =	sadd.s32 s0, s3;
	s0 =	sld [smem:$0x3FAE]  }
0x30: {  	s3 =	sld [smem:$0x3FB1]  }
0x31: {  	[smem:$0x3FBA] =	sst s10  }
0x32: {  	s10 =	sld [smem:$0x3FB8];
	_ =	sdelay $0x3  }
0x33: {  	p0 =	seq.s32 s10, $0x1;
	s10 =	sld [smem:$0x3FBA];
	_ =	sdelay $0x3  }
0x34: {  	[smem:$0x3FBA] =	sst s10  }
0x35: {  	s10 =	sld [smem:$0x3FB9];
	_ =	sdelay $0x3  }
0x36: {  	p1 =	seq.s32 s10, $0x1;
	s10 =	sld [smem:$0x3FBA];
	_ =	sdelay $0x3  }
0x37: {  	[smem:$0x3FBA] =	sst s10  }
0x38: {  	s10 =	sld [smem:$0x3FBB]  }
0x39: {  	_ = 	snop;
	(pc) =	sbr.ind lr, $3  }
0x3a: {  	_ = 	snop  }
0x3b: {  	_ = 	snop  }
0x3c: {  	p2 =	seq.s32 s10, $0x1;
	s10 =	sld [smem:$0x3FBA]  }
0x3d: {  	_ =	shalt  }
0x3e: {  	_ =	shalt  }
0x3f: {  	_ =	shalt  }
0x40: {  	_ =	shalt  }
0x41: {  	_ =	shalt  }
0x42: {  	_ =	shalt  }
0x43: {  	_ =	shalt  }
0x44: {  	_ =	shalt  }
0x45: {  	_ =	shalt  }
0x46: {  	_ =	shalt  }
0x47: {  	_ =	shalt  }
0x48: {  	_ =	shalt  }
0x49: {  	_ =	shalt  }
0x4a: {  	_ =	shalt  }
0x4b: {  	_ =	shalt  }
0x4c: {  	_ =	shalt  }
0x4d: {  	_ =	shalt  }
0x4e: {  	_ =	shalt  }
0x4f: {  	_ =	shalt  }
0x50: {  	_ =	shalt  }
0x51: {  	_ =	shalt  }
0x52: {  	_ =	shalt  }
0x53: {  	_ =	shalt  }
0x54: {  	_ =	shalt  }
0x55: {  	_ =	shalt  }
0x56: {  	_ =	shalt  }
0x57: {  	_ =	shalt  }
0x58: {  	_ =	shalt  }
0x59: {  	_ =	shalt  }
0x5a: {  	_ =	shalt  }
0x5b: {  	_ =	shalt  }
0x5c: {  	_ =	shalt  }
0x5d: {  	_ =	shalt  }
0x5e: {  	_ =	shalt  }
0x5f: {  	_ =	shalt  }
0x60: {  	_ =	shalt  }
0x61: {  	_ =	shalt  }
0x62: {  	_ =	shalt  }
0x63: {  	_ =	shalt  }
0x64: {  	_ =	shalt  }
0x65: {  	_ =	shalt  }
0x66: {  	_ =	shalt  }
0x67: {  	_ =	shalt  }
0x68: {  	_ =	shalt  }
0x69: {  	_ =	shalt  }
0x6a: {  	_ =	shalt  }
0x6b: {  	_ =	shalt  }
0x6c: {  	_ =	shalt  }
0x6d: {  	_ =	shalt  }
0x6e: {  	_ =	shalt  }
0x6f: {  	_ =	shalt  }
0x70: {  	_ =	shalt  }
0x71: {  	_ =	shalt  }
0x72: {  	_ =	shalt  }
0x73: {  	_ =	shalt  }
0x74: {  	_ =	shalt  }
0x75: {  	_ =	shalt  }
0x76: {  	_ =	shalt  }
0x77: {  	_ =	shalt  }
0x78: {  	_ =	shalt  }
0x79: {  	_ =	shalt  }
0x7a: {  	_ =	shalt  }
0x7b: {  	_ =	shalt  }
0x7c: {  	_ =	shalt  }
0x7d: {  	_ =	shalt  }
0x7e: {  	_ =	shalt  }
0x7f: {  	_ =	shalt  }
0x80: {  	_ =	shalt  }
0x81: {  	_ =	shalt  }
0x82: {  	_ =	shalt  }
0x83: {  	_ =	shalt  }
0x84: {  	_ =	shalt  }
0x85: {  	_ =	shalt  }
0x86: {  	_ =	shalt  }
0x87: {  	_ =	shalt  }
.Lfunc_end0:
.L_simem_size_0:
called_computation_lowered:
.L_overlay_start_0:
0x88: {  	s2 =	sld [smem:$0x3FD9]  }
0x89: {  	s3 =	sld [smem:$0x3FFE];
	_ =	sdelay $0x1  }
0x8a: {  	s1 =	srdreg.scid  }
0x8b: {  	s0 =	sand.u32 $0x1, s1  }
0x8c: {  	s17 =	sshll.u32 s0, $0xA;
	s2 =	sadd.s32 s3, s2  }
0x8d: {  	s2 =	sadd.s32 s2, s17  }
0x8e: {  	[smem:$0x3FC6] =	sst s2  }
0x8f: {  	_ = 	snop  }
0x90: {  	s2 =	sld [smem:$0x3FC9]  }
0x91: {  	s18 =	sld [smem:$0x3FC8];
	(tm) =	ssettm $0x1  }
0x92: {  	s4 =	sld [smem:$0x3FFB];
	_ =	sdelay $0x3  }
0x93: {  	_ =	strace s4  }
0x94: {  	s4 =	sld [smem:$0x3FFC];
	_ =	sdelay $0x3  }
0x95: {  	_ =	strace s4  }
0x96: {  	s4 =	sld [smem:$0x3FFD];
	_ =	sdelay $0x3  }
0x97: {  	_ =	strace s4  }
0x98: {  	_ =	strace $0x8FFFFFFF  }
0x99: {  	s19 =	sld [smem:$0x3FDB];
	_ =	sdelay $0x1  }
0x9a: {  	s5 =	simm.s32 $_scs_section_size  }
0x9b: {  	s6 =	simm.s32 $_size__tile_overlayer_lowered;
	s7 =	simm.s32 $_tile_overlayer_lowered  }
0x9c: {  	s22 =	simm.s32 $0x1BFF;
	s21 =	sshll.u32 s7, $0x1;
	s4 =	sadd.s32 s5, s19  }
0x9d: {  	s8 =	simm.s32 $0x0;
	s20 =	sshll.u32 s6, $0x1;
	s6 =	sadd.s32 s21, s4  }
0x9e: {  	[timem:s8], [sflag:s22] =	dma.local [hbm:s6], s20  }
0x9f: {  	_ =	swait.ge [sflag:s22], s20  }
0xa0: {  	s5 =	ssub.s32 $0x0, s20;
	[sflag:s22] =	ssyncset.done $0x0  }
0xa1: {  	[sflag:s22] =	ssyncadd.s32 s5;
	_ =	sdelay $0x1  }
0xa2: {  	s23 =	simm.s32 $0x1B8B  }
0xa3: {  	_ =	swait.ge [sflag:s23], $0x1  }
0xa4: {  	[sflag:s23] =	ssyncset.done $0x0  }
0xa5: {  	s25 =	simm.s32 $0x1B8E;
	s24 =	sld [smem:$0x3FFE];
	[sflag:s23] =	ssyncadd.s32 $0xFFFFFFFF  }
0xa6: {  	s26 =	simm.s32 $execute0_lowered;
	[smem:$0x3FD2] =	sst s25  }
0xa7: {  	s6 =	sshll.u32 s26, $0x1;
	_ =	strace $0x80000046;
	[dreg:$0x1] =	wrdreg $0xFFFFFFFF  }
0xa8: {  	s28 =	simm.s32 $_size_execute0_lowered;
	s4 =	sadd.s32 s4, s6;
	[dreg:$0x0] =	wrdreg $0x0  }
0xa9: {  	s6 =	sshll.u32 s28, $0x1;
	[dreg:$0x2] =	wrdreg s4  }
0xaa: {  	[dreg:$0x3] =	wrdreg s6  }
0xab: {  	[dreg:$0x4] =	wrdreg $0xC0  }
0xac: {  	_ =	task [dreg:s8], $0x5FFFF  }
0xad: {  	[dreg:$0x1] =	wrdreg $0xFFFFFFFF  }
0xae: {  	[dreg:$0x0] =	wrdreg $0x60  }
0xaf: {  	[dreg:$0x2] =	wrdreg s2  }
0xb0: {  	[dreg:$0x3] =	wrdreg s18  }
0xb1: {  	[dreg:$0x4] =	wrdreg s24  }
0xb2: {  	[dreg:$0x5] =	wrdreg $0x9  }
0xb3: {  	_ =	task.clear_ibuf [dreg:s8], $0x6FFFF;
	_ =	strace $0x90000046  }
0xb4: {  	s29 =	simm.s32 $0x9;
	_ =	strace $0x80000048  }
0xb5: {  	_ =	swait.ge [sflag:s29], $0x1  }
0xb6: {  	[sflag:s29] =	ssyncadd.s32 $0xFFFFFFFF  }
0xb7: {  	_ =	strace $0x90000048  }
0xb8: {  	_ =	sfence  }
0xb9: {  	s30 =	sld [smem:$0x0];
	_ =	sdelay $0x2  }
0xba: {  	s31 =	sshll.u32 s1, $0xD;
	s1 =	sshrl.u32 s1, $0x2  }
0xbb: {  	s3 =	sand.u32 $0x4000, s31;
	s1 =	sadd.s32 s1, s30  }
0xbc: {  	s0 =	sor.u32 s3, s0;
	s1 =	sshll.u32 s1, $0x11  }
0xbd: {  	s0 =	sor.u32 s1, s0  }
0xbe: {  	s0 =	sadd.s32 $0x8F2B, s0  }
0xbf: {  	[sflag:s0] =	ssyncadd.remote.s32 $0x1  }
0xc0: {  	_ =	sfence.sel $0xFFFF  }
0xc1: {  	[dreg:$0x0] =	wrdreg $0xFFFFFFFF;
	(pc) =	sbr.abs _section_cstart, $3  }
0xc2: {  	[dreg:$0x1] =	wrdreg $0xFFFFFFFF  }
0xc3: {  	_ =	task.clear_ibuf [dreg:s8], $0x2FFFF;
	_ =	strace $0x9FFFFFFF  }
0xc4: {  	(tm) =	ssettm $0x7FFFFFFF  }
0xc5: {  	_ =	shalt  }
tec
execute0_lowered:
.L_overlay_start_1:
0x0: {  	(tag) =	ssettag $0x1  }
0x1: {  	s0 =	srdreg.scid;
	s17 =	stileid.u32  }
0x2: {  	s6 =	rddreg [dreg:$0x2];
	s0 =	sand.u32 $0x1, s0;
	s1 =	sshll.u32 s17, $0x1  }
0x3: {  	s13 =	simm.s32 $0x1;
	s3 =	sshrl.u32 s17, $0x2;
	s1 =	sor.u32 s0, s1  }
0x4: {  	s3 =	smul.u32 $0x3400, s3;
	s2 =	sand.u32 $0xF, s1;
	s1 =	sshll.u32 s1, $0x7  }
0x5: {  	s8 =	ssub.s32 $0x2, s0;
	s7 =	smul.u32 $0xC009, s2;
	s1 =	sand.u32 $0x380, s1  }
0x6: {  	s29 =	simm.s32 $0x1;
	s21 =	sshrl.u32 s8, $0x1;
	s1 =	sor.u32 s3, s1  }
0x7: {  	s23 =	ssub.s32 s8, s21;
	s4 =	sshrl.u32 s7, $0x10;
	s1 =	sshrl.u32 s1, $0x3  }
0x8: {  	s10 =	sadd.s32 $0x124A, s7;
	s12 =	sadd.s32 $0x1B6F, s7;
	s5 =	smul.u32 $0x56, s4  }
0x9: {  	s20 =	sadd.s32 s1, s6;
	s1 =	smul.u32 $0x15, s2;
	s10 =	sshrl.u32 s10, $0x10  }
0xa: {  	s19 =	sadd.s32 $0x925, s7;
	s12 =	sshrl.u32 s12, $0x10;
	s11 =	smul.u32 $0xAB, s10  }
0xb: {  	s14 =	smul.u32 $0xAB, s12;
	s18 =	sshrl.u32 s5, $0x8;
	s5 =	sshrl.u32 s19, $0x10  }
0xc: {  	p0 =	slt.u32 s2, $0x2;
	[dreg:$0xc] =	wrdreg s23;
	s22 =	smul.u32 $0xAB, s5  }
0xd: {  	[dreg:$0xb] =	wrdreg s20;
	s3 =	smul.u32 $0x3, s18;
	s14 =	sshrl.u32 s14, $0x9  }
0xe: {  	s26 =	sshrl.u32 s11, $0x9;
	s16 =	smul.u32 $0x3, s14;
	s6 =	sshrl.u32 s22, $0x9  }
0xf: {  	s11 =	simm.s32 $0x1;
	s3 =	ssub.s32 s4, s3;
	s24 =	smul.u32 $0x3, s6  }
0x10: {  	s4 =	sshll.u32 s4, $0x2;
	s3 =	sand.u32 $0xFF, s3;
	s6 =	smul.u32 $0x800D, s2  }
0x11: {  	s18 =	sadd.s32 $0x2494, s7;
	s4 =	sadd.s32 s4, s1;
	s9 =	smul.u32 $0xE000, s3  }
0x12: {  	s4 =	sshll.u32 s4, $0xB;
	p1 =	sne.s32 s3, $0x0;
	s8 =	ssub.s32 s5, s24  }
0x13: {  	s4 =	sand.u32 $0xF800, s4;
	s25 =	sadd.s32 $0x619, s6;
	s5 =	sshll.u32 s5, $0x2  }
0x14: {  	s0 =	sadd.s32 $0xC32, s6;
	s21 =	sadd.s32 $0x124B, s6;
	s23 =	sadd.s32 $0x1864, s6  }
0x15: {  	s24 =	sadd.s32 $0x2DB9, s7;
	s8 =	sand.u32 $0xFF, s8;
	s3 =	sadd.s32 s4, s9  }
0x16: {  	s9 =	smul.u32 $0x3, s26;
	s4 =	sshrl.u32 s25, $0x11;
	s5 =	sadd.s32 s5, s1  }
0x17: {  	s14 =	sshrl.u32 s24, $0x10;
	s24 =	sadd.s32 $0x1E7D, s6;
	p2 =	sne.s32 s8, $0x0  }
0x18: {  	s5 =	sshll.u32 s5, $0xB;
	s8 =	smul.u32 $0xE000, s8;
	p2 =	por !p0, !p2  }
0x19: {  	s9 =	ssub.s32 s10, s9;
	s5 =	sadd.s32 $0x800, s5;
	s10 =	sshll.u32 s10, $0x2  }
0x1a: {  	p2 =	por !p2, !p2;
	s9 =	sand.u32 $0xFF, s9;
	s5 =	sand.u32 $0xF800, s5  }
0x1b: {  	s10 =	sadd.s32 s10, s1;
	s11 =	simm.s32 @!p2 $0x0;
	p5 =	sne.s32 s9, $0x0  }
0x1c: {  	s5 =	sadd.s32 s5, s8;
	s15 =	sshll.u32 s10, $0xB;
	s9 =	smul.u32 $0xE000, s9  }
0x1d: {  	s10 =	ssub.s32 s12, s16;
	s12 =	sshll.u32 s12, $0x2;
	s16 =	smul.u32 $0xAB, s14  }
0x1e: {  	s4 =	ssub.s32 s4, s11;
	p2 =	por !p0, !p5;
	s11 =	sshrl.u32 s0, $0x11  }
0x1f: {  	s8 =	sadd.s32 $0x1000, s15;
	s19 =	sand.u32 $0xFF, s10;
	s12 =	sadd.s32 s12, s1  }
0x20: {  	s15 =	simm.s32 $0x1;
	s4 =	smul.u32 $0x2A000, s4;
	p2 =	por !p2, !p2  }
0x21: {  	s8 =	sand.u32 $0xF800, s8;
	p6 =	sne.s32 s19, $0x0;
	s22 =	sshll.u32 s12, $0xB  }
0x22: {  	s12 =	sshrl.u32 s23, $0x11;
	s25 =	sshrl.u32 s16, $0x9;
	s13 =	simm.s32 @!p2 $0x0  }
0x23: {  	s8 =	sadd.s32 s8, s9;
	p2 =	por !p0, !p6;
	s9 =	smul.u32 $0xE000, s19  }
0x24: {  	s0 =	smul.u32 $0x3, s25;
	s19 =	sadd.s32 $0x36DE, s7;
	s11 =	ssub.s32 s11, s13  }
0x25: {  	s13 =	sshrl.u32 s18, $0x10;
	s4 =	sadd.s32 s4, s5;
	s11 =	smul.u32 $0x2A000, s11  }
0x26: {  	p2 =	por !p2, !p2;
	s20 =	smul.u32 $0xAB, s13;
	s18 =	ssub.s32 s14, s0  }
0x27: {  	s0 =	sadd.s32 $0x4003, s7;
	s4 =	sshrl.u32 s4, $0x3;
	s5 =	sadd.s32 s11, s8  }
0x28: {  	s10 =	sshrl.u32 s20, $0x9;
	s11 =	simm.s32 $0x1;
	s8 =	sshrl.u32 s21, $0x11  }
0x29: {  	s20 =	sand.u32 $0xFF, s18;
	s21 =	sshrl.u32 s19, $0x10;
	s10 =	smul.u32 $0x3, s10  }
0x2a: {  	s11 =	simm.s32 @!p2 $0x0;
	p4 =	sne.s32 s20, $0x0;
	s23 =	smul.u32 $0xAB, s21  }
0x2b: {  	s5 =	sshrl.u32 s5, $0x3;
	s8 =	ssub.s32 s8, s11;
	s11 =	sadd.s32 $0x1800, s22  }
0x2c: {  	s22 =	sshll.u32 s14, $0x2;
	s10 =	ssub.s32 s13, s10;
	s8 =	smul.u32 $0x2A000, s8  }
0x2d: {  	s11 =	sand.u32 $0xF800, s11;
	s13 =	sshll.u32 s13, $0x2;
	s14 =	sshrl.u32 s23, $0x9  }
0x2e: {  	s10 =	sand.u32 $0xFF, s10;
	s13 =	sadd.s32 s13, s1;
	s9 =	sadd.s32 s11, s9  }
0x2f: {  	s14 =	smul.u32 $0x3, s14;
	s11 =	sshll.u32 s21, $0x2;
	p3 =	sne.s32 s10, $0x0  }
0x30: {  	s26 =	sshll.u32 s13, $0xB;
	s8 =	sadd.s32 s8, s9;
	s13 =	sadd.s32 s22, s1  }
0x31: {  	s11 =	sadd.s32 s11, s1;
	p2 =	por !p0, !p3;
	s16 =	sadd.s32 $0x2000, s26  }
0x32: {  	s13 =	sshll.u32 s13, $0xB;
	s14 =	ssub.s32 s21, s14;
	s26 =	sadd.s32 $0x2496, s6  }
0x33: {  	s11 =	sshll.u32 s11, $0xB;
	s21 =	sadd.s32 $0x4928, s7;
	s8 =	sshrl.u32 s8, $0x3  }
0x34: {  	p2 =	por !p2, !p2;
	s13 =	sadd.s32 $0x2800, s13;
	s14 =	sand.u32 $0xFF, s14  }
0x35: {  	s11 =	sadd.s32 $0x3000, s11;
	s15 =	simm.s32 @!p2 $0x0;
	p2 =	por !p0, !p4  }
0x36: {  	s13 =	sand.u32 $0xF800, s13;
	p5 =	sne.s32 s14, $0x0;
	s19 =	smul.u32 $0xE000, s14  }
0x37: {  	s11 =	sand.u32 $0xF800, s11;
	s12 =	ssub.s32 s12, s15;
	s15 =	smul.u32 $0xE000, s10  }
0x38: {  	s10 =	sand.u32 $0xF800, s16;
	p2 =	por !p2, !p2;
	s16 =	simm.s32 $0x1  }
0x39: {  	s12 =	smul.u32 $0x2A000, s12;
	s16 =	simm.s32 @!p2 $0x0;
	p2 =	por !p0, !p5  }
0x3a: {  	s11 =	sadd.s32 s11, s19;
	s19 =	sadd.s32 $0x524D, s7;
	p0 =	por !p0, !p1  }
0x3b: {  	s9 =	sadd.s32 s10, s15;
	s15 =	sshrl.u32 s24, $0x11;
	s10 =	smul.u32 $0xE000, s20  }
0x3c: {  	p2 =	por !p2, !p2;
	s19 =	sshrl.u32 s19, $0x10;
	p0 =	por !p0, !p0  }
0x3d: {  	s9 =	sadd.s32 s12, s9;
	s25 =	ssub.s32 s15, s16;
	s16 =	simm.s32 $0x1  }
0x3e: {  	s15 =	sshrl.u32 s0, $0x10;
	s12 =	smul.u32 $0x2A000, s25;
	s10 =	sadd.s32 s13, s10  }
0x3f: {  	s13 =	sshrl.u32 s26, $0x11;
	s16 =	simm.s32 @!p2 $0x0;
	s18 =	smul.u32 $0xAB, s15  }
0x40: {  	s24 =	sshll.u32 s15, $0x2;
	p2 =	seq.s32 s2, $0x0;
	s16 =	ssub.s32 s13, s16  }
0x41: {  	s25 =	sadd.s32 $0x2AAF, s6;
	s10 =	sadd.s32 s12, s10;
	s12 =	smul.u32 $0x2A000, s16  }
0x42: {  	s20 =	sshrl.u32 s18, $0x9;
	s16 =	sshrl.u32 s21, $0x10;
	s21 =	smul.u32 $0xAB, s19  }
0x43: {  	s26 =	sadd.s32 $0x30C8, s6;
	s2 =	sshrl.u32 s2, $0x2;
	s14 =	smul.u32 $0x3, s20  }
0x44: {  	s9 =	sshrl.u32 s9, $0x3;
	s18 =	simm.s32 $0x1;
	s23 =	smul.u32 $0xAB, s16  }
0x45: {  	s20 =	simm.s32 $0x1;
	s10 =	sshrl.u32 s10, $0x3;
	s11 =	sadd.s32 s12, s11  }
0x46: {  	s12 =	sadd.s32 s24, s1;
	s0 =	sshrl.u32 s21, $0x9;
	s24 =	sadd.s32 $0x5B72, s7  }
0x47: {  	s22 =	ssub.s32 s15, s14;
	s14 =	sshrl.u32 s23, $0x9;
	s15 =	sshrl.u32 s25, $0x11  }
0x48: {  	s12 =	sshll.u32 s12, $0xB;
	s11 =	sshrl.u32 s11, $0x3;
	s14 =	smul.u32 $0x3, s14  }
0x49: {  	s13 =	sand.u32 $0xFF, s22;
	s12 =	sadd.s32 $0x3800, s12;
	s22 =	smul.u32 $0x3, s0  }
0x4a: {  	p3 =	sne.s32 s13, $0x0;
	s13 =	smul.u32 $0xE000, s13;
	s12 =	sand.u32 $0xF800, s12  }
0x4b: {  	p3 =	por !p2, !p3;
	s14 =	ssub.s32 s16, s14;
	s16 =	sshll.u32 s16, $0x2  }
0x4c: {  	s23 =	ssub.s32 s19, s22;
	s19 =	sshll.u32 s19, $0x2;
	p3 =	por !p3, !p3  }
0x4d: {  	s14 =	sand.u32 $0xFF, s14;
	s12 =	sadd.s32 s12, s13;
	s21 =	sadd.s32 s16, s1  }
0x4e: {  	s16 =	sshrl.u32 s24, $0x10;
	s0 =	sadd.s32 s19, s1;
	s24 =	sadd.s32 $0x3CFA, s6  }
0x4f: {  	s18 =	simm.s32 @!p3 $0x0;
	p6 =	sne.s32 s14, $0x0;
	s14 =	smul.u32 $0xE000, s14  }
0x50: {  	s13 =	sshll.u32 s21, $0xB;
	s25 =	smul.u32 $0xAB, s16;
	s21 =	simm.s32 $0x1  }
0x51: {  	s15 =	ssub.s32 s15, s18;
	p3 =	por !p2, !p6;
	s18 =	sshrl.u32 s26, $0x11  }
0x52: {  	s13 =	sadd.s32 $0x4000, s13;
	s26 =	sadd.s32 $0x36E1, s6;
	p3 =	por !p3, !p3  }
0x53: {  	s15 =	smul.u32 $0x2A000, s15;
	s13 =	sand.u32 $0xF800, s13;
	s20 =	simm.s32 @!p3 $0x0  }
0x54: {  	s13 =	sadd.s32 s13, s14;
	s14 =	sshrl.u32 s25, $0x9;
	s18 =	ssub.s32 s18, s20  }
0x55: {  	s12 =	sadd.s32 s15, s12;
	s15 =	sand.u32 $0xFF, s23;
	s14 =	smul.u32 $0x3, s14  }
0x56: {  	s20 =	sshrl.u32 s26, $0x11;
	s23 =	sadd.s32 $0x6497, s7;
	s18 =	smul.u32 $0x2A000, s18  }
0x57: {  	p4 =	sne.s32 s15, $0x0;
	s15 =	smul.u32 $0xE000, s15;
	s12 =	sshrl.u32 s12, $0x3  }
0x58: {  	p3 =	por !p2, !p4;
	s14 =	ssub.s32 s16, s14;
	s16 =	sshll.u32 s16, $0x2  }
0x59: {  	p3 =	por !p3, !p3;
	s13 =	sadd.s32 s18, s13;
	s18 =	sshll.u32 s0, $0xB  }
0x5a: {  	s14 =	sand.u32 $0xFF, s14;
	s16 =	sadd.s32 s16, s1;
	s21 =	simm.s32 @!p3 $0x0  }
0x5b: {  	s18 =	sadd.s32 $0x4800, s18;
	p5 =	sne.s32 s14, $0x0;
	s14 =	smul.u32 $0xE000, s14  }
0x5c: {  	s16 =	sshll.u32 s16, $0xB;
	s13 =	sshrl.u32 s13, $0x3;
	s22 =	ssub.s32 s20, s21  }
0x5d: {  	p3 =	por !p2, !p5;
	s20 =	sshrl.u32 s23, $0x10;
	s21 =	sshrl.u32 s24, $0x11  }
0x5e: {  	s16 =	sadd.s32 $0x5000, s16;
	s18 =	sand.u32 $0xF800, s18;
	s19 =	smul.u32 $0x2A000, s22  }
0x5f: {  	s24 =	sadd.s32 $0x4313, s6;
	p3 =	por !p3, !p3;
	s23 =	smul.u32 $0xAB, s20  }
0x60: {  	s22 =	simm.s32 $0x1;
	s16 =	sand.u32 $0xF800, s16;
	s15 =	sadd.s32 s18, s15  }
0x61: {  	s22 =	simm.s32 @!p3 $0x0;
	s16 =	sadd.s32 s16, s14;
	s23 =	sshrl.u32 s23, $0x9  }
0x62: {  	s21 =	ssub.s32 s21, s22;
	s14 =	sadd.s32 s19, s15;
	s25 =	smul.u32 $0x3, s23  }
0x63: {  	s22 =	sshll.u32 s20, $0x2;
	s21 =	smul.u32 $0x2A000, s21;
	s23 =	sadd.s32 $0x6DBC, s7  }
0x64: {  	s18 =	sadd.s32 s22, s1;
	s14 =	sshrl.u32 s14, $0x3;
	s19 =	sshrl.u32 s23, $0x10  }
0x65: {  	s18 =	sshll.u32 s18, $0xB;
	s26 =	ssub.s32 s20, s25;
	s15 =	sadd.s32 s21, s16  }
0x66: {  	s21 =	simm.s32 $0x1;
	s25 =	smul.u32 $0xAB, s19;
	s18 =	sadd.s32 $0x5800, s18  }
0x67: {  	s20 =	sshrl.u32 s24, $0x11;
	s0 =	sand.u32 $0xFF, s26;
	s18 =	sand.u32 $0xF800, s18  }
0x68: {  	s15 =	sshrl.u32 s15, $0x3;
	p6 =	sne.s32 s0, $0x0;
	s16 =	smul.u32 $0xE000, s0  }
0x69: {  	s22 =	sshrl.u32 s25, $0x9;
	s0 =	sadd.s32 $0x76E1, s7;
	s25 =	sadd.s32 $0x492C, s6  }
0x6a: {  	p3 =	por !p2, !p6;
	s26 =	smul.u32 $0x3, s22;
	s24 =	sshrl.u32 s0, $0x10  }
0x6b: {  	s0 =	sadd.s32 $0x8006, s7;
	p3 =	por !p3, !p3;
	s16 =	sadd.s32 s18, s16  }
0x6c: {  	s22 =	smul.u32 $0xAB, s24;
	s21 =	simm.s32 @!p3 $0x0;
	s23 =	ssub.s32 s19, s26  }
0x6d: {  	s19 =	sshll.u32 s19, $0x2;
	s26 =	sadd.s32 $0x4F45, s6;
	s20 =	ssub.s32 s20, s21  }
0x6e: {  	s18 =	sand.u32 $0xFF, s23;
	s19 =	sadd.s32 s19, s1;
	s22 =	sshrl.u32 s22, $0x9  }
0x6f: {  	s23 =	simm.s32 $0x1;
	s21 =	sshrl.u32 s26, $0x11;
	s20 =	smul.u32 $0x2A000, s20  }
0x70: {  	s26 =	sadd.s32 $0x892B, s7;
	p4 =	sne.s32 s18, $0x0;
	s22 =	smul.u32 $0x3, s22  }
0x71: {  	s19 =	sshll.u32 s19, $0xB;
	s18 =	smul.u32 $0xE000, s18;
	p3 =	por !p2, !p4  }
0x72: {  	s19 =	sadd.s32 $0x6000, s19;
	s16 =	sadd.s32 s20, s16;
	p3 =	por !p3, !p3  }
0x73: {  	s20 =	sshrl.u32 s25, $0x11;
	s22 =	ssub.s32 s24, s22;
	s19 =	sand.u32 $0xF800, s19  }
0x74: {  	s23 =	simm.s32 @!p3 $0x0;
	s22 =	sand.u32 $0xFF, s22;
	s18 =	sadd.s32 s19, s18  }
0x75: {  	s19 =	sshll.u32 s24, $0x2;
	s24 =	simm.s32 $0x1;
	s20 =	ssub.s32 s20, s23  }
0x76: {  	p5 =	sne.s32 s22, $0x0;
	s23 =	sshrl.u32 s0, $0x10;
	s22 =	smul.u32 $0xE000, s22  }
0x77: {  	s16 =	sshrl.u32 s16, $0x3;
	p3 =	por !p2, !p5;
	s25 =	smul.u32 $0xAB, s23  }
0x78: {  	s19 =	sadd.s32 s19, s1;
	s20 =	smul.u32 $0x2A000, s20;
	p3 =	por !p3, !p3  }
0x79: {  	s19 =	sshll.u32 s19, $0xB;
	s24 =	simm.s32 @!p3 $0x0;
	s25 =	sshrl.u32 s25, $0x9  }
0x7a: {  	s19 =	sadd.s32 $0x6800, s19;
	s21 =	ssub.s32 s21, s24;
	s24 =	smul.u32 $0x3, s25  }
0x7b: {  	s19 =	sand.u32 $0xF800, s19;
	s18 =	sadd.s32 s20, s18;
	s25 =	sshrl.u32 s26, $0x10  }
0x7c: {  	s19 =	sadd.s32 s19, s22;
	s21 =	smul.u32 $0x2A000, s21;
	s0 =	ssub.s32 s23, s24  }
0x7d: {  	s18 =	sshrl.u32 s18, $0x3;
	s24 =	smul.u32 $0xAB, s25;
	s26 =	sand.u32 $0xFF, s0  }
0x7e: {  	s19 =	sadd.s32 s21, s19;
	s0 =	sshll.u32 s23, $0x2;
	p6 =	sne.s32 s26, $0x0  }
0x7f: {  	s23 =	sshrl.u32 s24, $0x9;
	s24 =	sadd.s32 $0x555E, s6;
	s21 =	sadd.s32 s0, s1  }
0x80: {  	s20 =	smul.u32 $0xE000, s26;
	s26 =	sadd.s32 $0x9250, s7;
	s0 =	sadd.s32 $0x5B77, s6  }
0x81: {  	s19 =	sshrl.u32 s19, $0x3;
	p3 =	por !p2, !p6;
	s22 =	smul.u32 $0x3, s23  }
0x82: {  	s23 =	sshrl.u32 s24, $0x11;
	s21 =	sshll.u32 s21, $0xB;
	s24 =	simm.s32 $0x1  }
0x83: {  	p3 =	por !p3, !p3;
	s21 =	sadd.s32 $0x7000, s21;
	s22 =	ssub.s32 s25, s22  }
0x84: {  	s24 =	simm.s32 @!p3 $0x0;
	s21 =	sand.u32 $0xF800, s21;
	s22 =	sand.u32 $0xFF, s22  }
0x85: {  	s23 =	ssub.s32 s23, s24;
	s20 =	sadd.s32 s21, s20;
	s24 =	sshrl.u32 s26, $0x10  }
0x86: {  	s21 =	sshll.u32 s25, $0x2;
	s26 =	simm.s32 $0x1;
	s28 =	smul.u32 $0xAB, s24  }
0x87: {  	s25 =	sshrl.u32 s0, $0x11;
	p4 =	sne.s32 s22, $0x0;
	s23 =	smul.u32 $0x2A000, s23  }
0x88: {  	s21 =	sadd.s32 s21, s1;
	s22 =	smul.u32 $0xE000, s22;
	p3 =	por !p2, !p4  }
0x89: {  	s21 =	sshll.u32 s21, $0xB;
	p3 =	por !p3, !p3;
	s0 =	sshrl.u32 s28, $0x9  }
0x8a: {  	s21 =	sadd.s32 $0x7800, s21;
	s28 =	sadd.s32 $0x9B75, s7;
	s26 =	simm.s32 @!p3 $0x0  }
0x8b: {  	s20 =	sadd.s32 s23, s20;
	s25 =	ssub.s32 s25, s26;
	s26 =	smul.u32 $0x3, s0  }
0x8c: {  	s21 =	sand.u32 $0xF800, s21;
	s28 =	sshrl.u32 s28, $0x10;
	s25 =	smul.u32 $0x2A000, s25  }
0x8d: {  	s21 =	sadd.s32 s21, s22;
	s0 =	ssub.s32 s24, s26;
	s26 =	smul.u32 $0xAB, s28  }
0x8e: {  	s20 =	sshrl.u32 s20, $0x3;
	s21 =	sadd.s32 s25, s21;
	s22 =	sand.u32 $0xFF, s0  }
0x8f: {  	s0 =	sshll.u32 s24, $0x2;
	p5 =	sne.s32 s22, $0x0;
	s25 =	sshrl.u32 s26, $0x9  }
0x90: {  	s26 =	sadd.s32 $0x6190, s6;
	s23 =	sadd.s32 s0, s1;
	s22 =	smul.u32 $0xE000, s22  }
0x91: {  	s0 =	sadd.s32 $0xA49A, s7;
	s7 =	sadd.s32 $0xADBF, s7;
	p3 =	por !p2, !p5  }
0x92: {  	s24 =	smul.u32 $0x3, s25;
	s25 =	sshrl.u32 s26, $0x11;
	s23 =	sshll.u32 s23, $0xB  }
0x93: {  	s26 =	simm.s32 $0x1;
	p3 =	por !p3, !p3;
	s23 =	sadd.s32 $0x8000, s23  }
0x94: {  	s24 =	ssub.s32 s28, s24;
	s26 =	simm.s32 @!p3 $0x0;
	s23 =	sand.u32 $0xF800, s23  }
0x95: {  	s24 =	sand.u32 $0xFF, s24;
	s25 =	ssub.s32 s25, s26;
	s22 =	sadd.s32 s23, s22  }
0x96: {  	s23 =	sshll.u32 s28, $0x2;
	s26 =	sshrl.u32 s0, $0x10;
	s28 =	sadd.s32 $0x67A9, s6  }
0x97: {  	p6 =	sne.s32 s24, $0x0;
	s28 =	sshrl.u32 s28, $0x11;
	s23 =	sadd.s32 s23, s1  }
0x98: {  	s30 =	smul.u32 $0xAB, s26;
	p3 =	por !p2, !p6;
	s23 =	sshll.u32 s23, $0xB  }
0x99: {  	s25 =	smul.u32 $0x2A000, s25;
	p3 =	por !p3, !p3;
	s23 =	sadd.s32 $0x8800, s23  }
0x9a: {  	s24 =	smul.u32 $0xE000, s24;
	s29 =	simm.s32 @!p3 $0x0;
	s23 =	sand.u32 $0xF800, s23  }
0x9b: {  	s28 =	ssub.s32 s28, s29;
	s29 =	sshrl.u32 s30, $0x9;
	s30 =	sshrl.u32 s7, $0x10  }
0x9c: {  	s7 =	sadd.s32 s25, s22;
	s25 =	sshll.u32 s26, $0x2;
	s29 =	smul.u32 $0x3, s29  }
0x9d: {  	s23 =	sadd.s32 s23, s24;
	s28 =	smul.u32 $0x2A000, s28;
	s24 =	sadd.s32 s25, s1  }
0x9e: {  	s21 =	sshrl.u32 s21, $0x3;
	s7 =	sshrl.u32 s7, $0x3;
	s24 =	sshll.u32 s24, $0xB  }
0x9f: {  	s0 =	ssub.s32 s26, s29;
	s29 =	smul.u32 $0xAB, s30;
	s22 =	sadd.s32 s28, s23  }
0xa0: {  	s28 =	simm.s32 $0x1;
	s24 =	sadd.s32 $0x9000, s24;
	s23 =	sand.u32 $0xFF, s0  }
0xa1: {  	s0 =	sadd.s32 $0x6DC2, s6;
	s24 =	sand.u32 $0xF800, s24;
	s6 =	sadd.s32 $0x73DB, s6  }
0xa2: {  	p4 =	sne.s32 s23, $0x0;
	s26 =	sshrl.u32 s29, $0x9;
	s23 =	smul.u32 $0xE000, s23  }
0xa3: {  	s22 =	sshrl.u32 s22, $0x3;
	p3 =	por !p2, !p4;
	s25 =	smul.u32 $0x3, s26  }
0xa4: {  	s29 =	simm.s32 $0x1;
	s26 =	sshrl.u32 s0, $0x11;
	p3 =	por !p3, !p3  }
0xa5: {  	s0 =	sshll.u32 s30, $0x2;
	s28 =	simm.s32 @!p3 $0x0;
	s25 =	ssub.s32 s30, s25  }
0xa6: {  	s26 =	ssub.s32 s26, s28;
	s25 =	sand.u32 $0xFF, s25;
	s28 =	sadd.s32 $0x14, s1  }
0xa7: {  	s23 =	sadd.s32 s24, s23;
	p5 =	sne.s32 s25, $0x0;
	s31 =	smul.u32 $0x925, s28  }
0xa8: {  	s24 =	smul.u32 $0x2A000, s26;
	s26 =	sadd.s32 s0, s1;
	p3 =	por !p2, !p5  }
0xa9: {  	s25 =	smul.u32 $0xE000, s25;
	s26 =	sshll.u32 s26, $0xB;
	p3 =	por !p3, !p3  }
0xaa: {  	s30 =	sshrl.u32 s31, $0x10;
	s31 =	sshrl.u32 s6, $0x11;
	s6 =	sadd.s32 s24, s23  }
0xab: {  	s24 =	sadd.s32 $0x9800, s26;
	s29 =	simm.s32 @!p3 $0x0;
	s0 =	smul.u32 $0xAB, s30  }
0xac: {  	s24 =	sand.u32 $0xF800, s24;
	s26 =	sshll.u32 s30, $0x2;
	s23 =	ssub.s32 s31, s29  }
0xad: {  	s24 =	sadd.s32 s24, s25;
	s25 =	sadd.s32 s26, s28;
	s26 =	smul.u32 $0x619, s28  }
0xae: {  	s6 =	sshrl.u32 s6, $0x3;
	s0 =	sshrl.u32 s0, $0x9;
	s23 =	smul.u32 $0x2A000, s23  }
0xaf: {  	s28 =	sshrl.u32 s17, $0x1;
	s29 =	simm.s32 $0x1;
	s0 =	sand.u32 $0x7F, s0  }
0xb0: {  	s0 =	smul.u32 $0x3, s0;
	s23 =	sadd.s32 s23, s24;
	s24 =	simm.s32 $0x1  }
0xb1: {  	s31 =	simm.s32 $0x2;
	s25 =	sshll.u32 s25, $0xB;
	s24 =	simm.s32 @!p0 $0x0  }
0xb2: {  	s26 =	sshrl.u32 s26, $0x11;
	s0 =	ssub.s32 s30, s0;
	s28 =	ssub.s32 s28, s24  }
0xb3: {  	s2 =	ssub.s32 s2, s24;
	s0 =	sand.u32 $0xFF, s0;
	s24 =	smul.u32 $0x2A000, s28  }
0xb4: {  	s25 =	sand.u32 $0xF800, s25;
	s2 =	smul.u32 $0x2A000, s2;
	p6 =	sne.s32 s0, $0x0  }
0xb5: {  	s23 =	sshrl.u32 s23, $0x3;
	s0 =	smul.u32 $0xE000, s0;
	p0 =	por !p2, !p6  }
0xb6: {  	s28 =	simm.s32 $0x1;
	s24 =	sadd.s32 s24, s3;
	p0 =	por !p0, !p0  }
0xb7: {  	s2 =	sadd.s32 s2, s3;
	s0 =	sadd.s32 s25, s0;
	s28 =	simm.s32 @!p0 $0x0  }
0xb8: {  	s3 =	sshrl.u32 s24, $0x3;
	s24 =	rddreg [dreg:$0x0];
	s26 =	ssub.s32 s26, s28  }
0xb9: {  	p0 =	sgt.u32 s17, $0x7;
	s28 =	rddreg [dreg:$0x1];
	s25 =	smul.u32 $0x2A000, s26  }
0xba: {  	s26 =	sshrl.u32 s2, $0x3;
	s2 =	sadd.s32 s24, s3;
	s24 =	smov.u32 @p0 s28  }
0xbb: {  	s30 =	simm.s32 $0xA800;
	s3 =	sadd.s32 s28, s26;
	s4 =	sadd.s32 s24, s4  }
0xbc: {  	s17 =	sadd.s32 s24, s5;
	s26 =	sadd.s32 s24, s9;
	s5 =	sadd.s32 s24, s10  }
0xbd: {  	s9 =	sadd.s32 s24, s12;
	s12 =	sadd.s32 s24, s14;
	[dreg:$0x4] =	wrdreg s4  }
0xbe: {  	s14 =	sadd.s32 s24, s16;
	s16 =	sadd.s32 s24, s19;
	[dreg:$0x5] =	wrdreg s17  }
0xbf: {  	s19 =	sadd.s32 s24, s21;
	s21 =	sadd.s32 s24, s22;
	[dreg:$0x7] =	wrdreg s26  }
0xc0: {  	s22 =	sadd.s32 s24, s6;
	s23 =	sadd.s32 s24, s23;
	[dreg:$0x8] =	wrdreg s5  }
0xc1: {  	s2 =	smov.u32 @p0 s3;
	s3 =	simm.s32 $0x0;
	[dreg:$0xa] =	wrdreg s9  }
0xc2: {  	s0 =	sadd.s32 s25, s0;
	s25 =	sadd.s32 s24, s8;
	[smem:$0x7FF] =	sst s3  }
0xc3: {  	s8 =	sadd.s32 s24, s11;
	s11 =	sadd.s32 s24, s13;
	[dreg:$0x6] =	wrdreg s25  }
0xc4: {  	s13 =	sadd.s32 s24, s15;
	s15 =	sadd.s32 s24, s18;
	[dreg:$0x9] =	wrdreg s8  }
0xc5: {  	v0 =	vlaneseq.u32;
	s18 =	sadd.s32 s24, s20;
	s20 =	sadd.s32 s24, s7;
	_ =	strace $0x80000047  }
0xc6: {  	v0 =	vmul.u32 $0x660, v0;
	s0 =	sshrl.u32 s0, $0x3;
	s25 =	simm.s32 $0x330;
	s10 =	rddreg [dreg:$0xb]  }
0xc7: {  	s24 =	sadd.s32 s24, s0;
	s25 =	simm.s32 @!p0 $0x0;
	s17 =	rddreg [dreg:$0xc]  }
0xc8: {  	v1 =	vimm.f32 $0.0e+00;
	v2 =	vor.u32 $0x1, v0;
	s26 =	sadd.s32 $0x600, s10;
	s28 =	smax.u32 s17, $0x1;
	s17 =	simm.s32 $0x0  }
.LBB2_1:
0xc9: {  	[tilespmem:s3], [sflag:$0x1] =	stream.linear.gather [hbm4b:s2+s3], $0x800, $0x38;
	[tilespmem:$0x11480] =	vst v63  }
0xca: {  	s0 =	rddreg [dreg:$0x4];
	s4 =	simm.s32 $0x800  }
0xcb: {  	[tilespmem:s4], [sflag:$0x1] =	stream.linear.gather [hbm4b:s0+s3], $0x800, $0x38;
	[tilespmem:$0x11480] =	vst v63  }
0xcc: {  	s5 =	rddreg [dreg:$0x5];
	s6 =	simm.s32 $0x1000  }
0xcd: {  	[tilespmem:s6], [sflag:$0x1] =	stream.linear.gather [hbm4b:s5+s3], $0x800, $0x38;
	[tilespmem:$0x11480] =	vst v63  }
0xce: {  	s7 =	rddreg [dreg:$0x6];
	s8 =	simm.s32 $0x1800  }
0xcf: {  	[tilespmem:s8], [sflag:$0x1] =	stream.linear.gather [hbm4b:s7+s3], $0x800, $0x38;
	[tilespmem:$0x11480] =	vst v63  }
0xd0: {  	s9 =	rddreg [dreg:$0x7];
	s10 =	simm.s32 $0x2000  }
0xd1: {  	[tilespmem:s10], [sflag:$0x1] =	stream.linear.gather [hbm4b:s9+s3], $0x800, $0x38;
	[tilespmem:$0x11480] =	vst v63  }
0xd2: {  	s5 =	rddreg [dreg:$0x8];
	s6 =	simm.s32 $0x2800  }
0xd3: {  	[tilespmem:s6], [sflag:$0x1] =	stream.linear.gather [hbm4b:s5+s3], $0x800, $0x38;
	[tilespmem:$0x11480] =	vst v63  }
0xd4: {  	s7 =	rddreg [dreg:$0x9];
	s8 =	simm.s32 $0x3000  }
0xd5: {  	[tilespmem:s8], [sflag:$0x1] =	stream.linear.gather [hbm4b:s7+s3], $0x800, $0x38;
	[tilespmem:$0x11480] =	vst v63  }
0xd6: {  	s9 =	rddreg [dreg:$0xa];
	s10 =	simm.s32 $0x3800  }
0xd7: {  	[tilespmem:s10], [sflag:$0x1] =	stream.linear.gather [hbm4b:s9+s3], $0x800, $0x38;
	[tilespmem:$0x11480] =	vst v63  }
0xd8: {  	s5 =	simm.s32 $0x4000  }
0xd9: {  	[tilespmem:s5], [sflag:$0x1] =	stream.linear.gather [hbm4b:s11+s3], $0x800, $0x38;
	[tilespmem:$0x11480] =	vst v63  }
0xda: {  	s6 =	simm.s32 $0x4800  }
0xdb: {  	[tilespmem:s6], [sflag:$0x1] =	stream.linear.gather [hbm4b:s12+s3], $0x800, $0x38;
	[tilespmem:$0x11480] =	vst v63  }
0xdc: {  	s7 =	simm.s32 $0x5000  }
0xdd: {  	[tilespmem:s7], [sflag:$0x1] =	stream.linear.gather [hbm4b:s13+s3], $0x800, $0x38;
	[tilespmem:$0x11480] =	vst v63  }
0xde: {  	s8 =	simm.s32 $0x5800  }
0xdf: {  	[tilespmem:s8], [sflag:$0x1] =	stream.linear.gather [hbm4b:s14+s3], $0x800, $0x38;
	[tilespmem:$0x11480] =	vst v63  }
0xe0: {  	s9 =	simm.s32 $0x6000  }
0xe1: {  	[tilespmem:s9], [sflag:$0x1] =	stream.linear.gather [hbm4b:s15+s3], $0x800, $0x38;
	[tilespmem:$0x11480] =	vst v63  }
0xe2: {  	s10 =	simm.s32 $0x6800  }
0xe3: {  	[tilespmem:s10], [sflag:$0x1] =	stream.linear.gather [hbm4b:s16+s3], $0x800, $0x38;
	[tilespmem:$0x11480] =	vst v63  }
0xe4: {  	s4 =	simm.s32 $0x7000  }
0xe5: {  	[tilespmem:s4], [sflag:$0x1] =	stream.linear.gather [hbm4b:s18+s3], $0x800, $0x38;
	[tilespmem:$0x11480] =	vst v63  }
0xe6: {  	s5 =	simm.s32 $0x7800  }
0xe7: {  	[tilespmem:s5], [sflag:$0x1] =	stream.linear.gather [hbm4b:s19+s3], $0x800, $0x38;
	[tilespmem:$0x11480] =	vst v63  }
0xe8: {  	s6 =	simm.s32 $0x8000  }
0xe9: {  	[tilespmem:s6], [sflag:$0x1] =	stream.linear.gather [hbm4b:s20+s3], $0x800, $0x38;
	[tilespmem:$0x11480] =	vst v63  }
0xea: {  	s7 =	simm.s32 $0x8800  }
0xeb: {  	[tilespmem:s7], [sflag:$0x1] =	stream.linear.gather [hbm4b:s21+s3], $0x800, $0x38;
	[tilespmem:$0x11480] =	vst v63  }
0xec: {  	s8 =	simm.s32 $0x9000  }
0xed: {  	[tilespmem:s8], [sflag:$0x1] =	stream.linear.gather [hbm4b:s22+s3], $0x800, $0x38;
	[tilespmem:$0x11480] =	vst v63  }
0xee: {  	s9 =	simm.s32 $0x9800  }
0xef: {  	[tilespmem:s9], [sflag:$0x1] =	stream.linear.gather [hbm4b:s23+s3], $0x800, $0x38;
	[tilespmem:$0x11480] =	vst v63  }
0xf0: {  	s0 =	simm.s32 $0xA840;
	s10 =	simm.s32 $0xA000  }
0xf1: {  	[tilespmem:s10], [sflag:$0x1] =	stream.linear.gather [hbm4b:s24+s3], $0x800, $0x38;
	[tilespmem:$0x11480] =	vst v63  }
0xf2: {  	[tilespmem:s0+$0xFFFFFFC0] =	vst v1  }
0xf3: {  	[tilespmem:s0+$0x30] =	vst v1  }
0xf4: {  	[tilespmem:s0+$0x20] =	vst v1  }
0xf5: {  	[tilespmem:s0+$0x10] =	vst v1  }
0xf6: {  	[tilespmem:s0+$0x0] =	vst v1  }
0xf7: {  	[tilespmem:s0+$0xFFFFFFF0] =	vst v1  }
0xf8: {  	s4 =	simm.s32 $0x0;
	[tilespmem:s0+$0xFFFFFFE0] =	vst v1  }
.LBB2_2:
0xf9: {  	s4 =	sadd.s32 $0x8, s4;
	[tilespmem:s0+$0xFFFFFFD0] =	vst v1;
	s0 =	sadd.s32 $0x80, s0  }
0xfa: {  	[tilespmem:s0+$0xFFFFFFC0] =	vst v1;
	p0 =	slt.u32 s4, $0x658  }
0xfb: {  	[tilespmem:s0+$0x30] =	vst v1  }
.Ltmp0:
0xfc: {  	[tilespmem:s0+$0x20] =	vst v1;
	(pc) =	sbr.rel @p0 .LBB2_2-.Ltmp0, $4  }
0xfd: {  	[tilespmem:s0+$0x10] =	vst v1  }
0xfe: {  	[tilespmem:s0+$0x0] =	vst v1  }
0xff: {  	[tilespmem:s0+$0xFFFFFFF0] =	vst v1  }
0x100: {  	[tilespmem:s0+$0xFFFFFFE0] =	vst v1  }
0x101: {  	[tilespmem:s0+$0xFFFFFFD0] =	vst v1  }
0x102: {  	_ =	swait.ge [sflag:s29], $0x800  }
0x103: {  	[sflag:s29] =	ssyncset.done $0x0  }
0x104: {  	[sflag:s29] =	ssyncadd.s32 $0xFFFFF800  }
0x105: {  	_ =	swait.ge [sflag:s29], $0x800  }
0x106: {  	[sflag:s29] =	ssyncset.done $0x0  }
0x107: {  	[sflag:s29] =	ssyncadd.s32 $0xFFFFF800  }
0x108: {  	_ =	swait.ge [sflag:s29], $0x800  }
0x109: {  	[sflag:s29] =	ssyncset.done $0x0  }
0x10a: {  	[sflag:s29] =	ssyncadd.s32 $0xFFFFF800  }
0x10b: {  	_ =	swait.ge [sflag:s29], $0x800  }
0x10c: {  	[sflag:s29] =	ssyncset.done $0x0  }
0x10d: {  	[sflag:s29] =	ssyncadd.s32 $0xFFFFF800  }
0x10e: {  	_ =	swait.ge [sflag:s29], $0x800  }
0x10f: {  	[sflag:s29] =	ssyncset.done $0x0  }
0x110: {  	[sflag:s29] =	ssyncadd.s32 $0xFFFFF800  }
0x111: {  	_ =	swait.ge [sflag:s29], $0x800  }
0x112: {  	[sflag:s29] =	ssyncset.done $0x0  }
0x113: {  	[sflag:s29] =	ssyncadd.s32 $0xFFFFF800  }
0x114: {  	_ =	swait.ge [sflag:s29], $0x800  }
0x115: {  	[sflag:s29] =	ssyncset.done $0x0  }
0x116: {  	[sflag:s29] =	ssyncadd.s32 $0xFFFFF800  }
0x117: {  	_ =	swait.ge [sflag:s29], $0x800  }
0x118: {  	[sflag:s29] =	ssyncset.done $0x0  }
0x119: {  	[sflag:s29] =	ssyncadd.s32 $0xFFFFF800  }
0x11a: {  	_ =	swait.ge [sflag:s29], $0x800  }
0x11b: {  	[sflag:s29] =	ssyncset.done $0x0  }
0x11c: {  	[sflag:s29] =	ssyncadd.s32 $0xFFFFF800  }
0x11d: {  	_ =	swait.ge [sflag:s29], $0x800  }
0x11e: {  	[sflag:s29] =	ssyncset.done $0x0  }
0x11f: {  	[sflag:s29] =	ssyncadd.s32 $0xFFFFF800  }
0x120: {  	_ =	swait.ge [sflag:s29], $0x800  }
0x121: {  	[sflag:s29] =	ssyncset.done $0x0  }
0x122: {  	[sflag:s29] =	ssyncadd.s32 $0xFFFFF800  }
0x123: {  	_ =	swait.ge [sflag:s29], $0x800  }
0x124: {  	[sflag:s29] =	ssyncset.done $0x0  }
0x125: {  	[sflag:s29] =	ssyncadd.s32 $0xFFFFF800  }
0x126: {  	_ =	swait.ge [sflag:s29], $0x800  }
0x127: {  	[sflag:s29] =	ssyncset.done $0x0  }
0x128: {  	[sflag:s29] =	ssyncadd.s32 $0xFFFFF800  }
0x129: {  	_ =	swait.ge [sflag:s29], $0x800  }
0x12a: {  	[sflag:s29] =	ssyncset.done $0x0  }
0x12b: {  	[sflag:s29] =	ssyncadd.s32 $0xFFFFF800  }
0x12c: {  	_ =	swait.ge [sflag:s29], $0x800  }
0x12d: {  	[sflag:s29] =	ssyncset.done $0x0  }
0x12e: {  	[sflag:s29] =	ssyncadd.s32 $0xFFFFF800  }
0x12f: {  	_ =	swait.ge [sflag:s29], $0x800  }
0x130: {  	[sflag:s29] =	ssyncset.done $0x0  }
0x131: {  	[sflag:s29] =	ssyncadd.s32 $0xFFFFF800  }
0x132: {  	_ =	swait.ge [sflag:s29], $0x800  }
0x133: {  	[sflag:s29] =	ssyncset.done $0x0  }
0x134: {  	[sflag:s29] =	ssyncadd.s32 $0xFFFFF800  }
0x135: {  	_ =	swait.ge [sflag:s29], $0x800  }
0x136: {  	[sflag:s29] =	ssyncset.done $0x0  }
0x137: {  	[sflag:s29] =	ssyncadd.s32 $0xFFFFF800  }
0x138: {  	_ =	swait.ge [sflag:s29], $0x800  }
0x139: {  	[sflag:s29] =	ssyncset.done $0x0  }
0x13a: {  	[sflag:s29] =	ssyncadd.s32 $0xFFFFF800  }
0x13b: {  	_ =	swait.ge [sflag:s29], $0x800  }
0x13c: {  	[sflag:s29] =	ssyncset.done $0x0  }
0x13d: {  	[sflag:s29] =	ssyncadd.s32 $0xFFFFF800  }
0x13e: {  	_ =	swait.ge [sflag:s29], $0x800  }
0x13f: {  	[sflag:s29] =	ssyncset.done $0x0  }
0x140: {  	s0 =	simm.s32 $0x0;
	s4 =	simm.s32 $0x0;
	[sflag:s29] =	ssyncadd.s32 $0xFFFFF800  }
.LBB2_4:
0x141: {  	s5 =	sadd.s32 s1, s4  }
0x142: {  	s9 =	sshll.u32 s4, $0xB;
	s7 =	sand.u32 $0x400, s0;
	s5 =	sshrl.u32 s5, $0x2  }
0x143: {  	s6 =	smulhi.u32 $0x24924925, s5;
	s5 =	sand.u32 $0x3FFFF800, s9  }
0x144: {  	s8 =	sand.u32 $0x70, s0;
	s7 =	sadd.s32 s7, s5  }
0x145: {  	s7 =	sadd.s32 s8, s7  }
0x146: {  	v3 =	vld [tilespmem:s7+$0x380]  }
0x147: {  	v4 =	vld [tilespmem:s7+$0x0]  }
0x148: {  	v5 =	vld [tilespmem:s7+$0x80]  }
0x149: {  	v6 =	vld [tilespmem:s7+$0x100]  }
0x14a: {  	v7 =	vld [tilespmem:s7+$0x180]  }
0x14b: {  	v8 =	vld [tilespmem:s7+$0x200]  }
0x14c: {  	v11 =	vld [tilespmem:s7+$0x280]  }
0x14d: {  	v12 =	vld [tilespmem:s7+$0x300]  }
0x14e: {  	s9 =	smulhi.u32 $0x55555556, s6;
	v9 =	vmul.f32 $2.560000000e+02, v3  }
0x14f: {  	v10 =	vmul.f32 $2.560000000e+02, v4;
	v5 =	vmul.f32 $2.560000000e+02, v5  }
0x150: {  	s10 =	smul.u32 $0x3, s9;
	v6 =	vmul.f32 $2.560000000e+02, v6;
	v7 =	vmul.f32 $2.560000000e+02, v7  }
0x151: {  	v8 =	vmul.f32 $2.560000000e+02, v8;
	v11 =	vmul.f32 $2.560000000e+02, v11;
	v9 =	vadd.f32 $5.000000000e-01, v9  }
0x152: {  	s6 =	ssub.s32 s6, s10;
	v12 =	vmul.f32 $2.560000000e+02, v12;
	v10 =	vadd.f32 $5.000000000e-01, v10;
	v5 =	vadd.f32 $5.000000000e-01, v5  }
0x153: {  	s6 =	smul.u32 $0x110, s6;
	v6 =	vadd.f32 $5.000000000e-01, v6;
	v7 =	vadd.f32 $5.000000000e-01, v7;
	v13 =	vtrunc.f32 v9  }
0x154: {  	v11 =	vadd.f32 $5.000000000e-01, v11;
	v14 =	vtrunc.f32 v10;
	v16 =	vtrunc.f32 v5  }
0x155: {  	s6 =	sadd.s32 s25, s6;
	v12 =	vadd.f32 $5.000000000e-01, v12;
	v18 =	vtrunc.f32 v6;
	v19 =	vtrunc.f32 v7  }
0x156: {  	v3 =	vadd.s32 s6, v0;
	v20 =	vtrunc.f32 v11;
	v13 =	vcvt.f32.s32 v13  }
0x157: {  	v4 =	vadd.s32 s6, v2;
	v21 =	vtrunc.f32 v12;
	v14 =	vcvt.f32.s32 v14  }
0x158: {  	v8 =	vadd.f32 $5.000000000e-01, v8;
	v16 =	vcvt.f32.s32 v16;
	v15 =	vcvt.s32.f32 v13  }
0x159: {  	s8 =	simm.s32 $0x80;
	v18 =	vcvt.f32.s32 v18;
	v19 =	vcvt.f32.s32 v19;
	v17 =	vadd.s32 v13, v3  }
0x15a: {  	s9 =	sand.u32 $0x400, s8;
	s6 =	simm.s32 $0x10;
	v20 =	vcvt.f32.s32 v20;
	v13 =	vadd.s32 v13, v4;
	v9 =	vsub.f32 v9, v15  }
0x15b: {  	s7 =	sadd.s32 s9, s5;
	s10 =	sand.u32 $0x70, s6;
	v27 =	vcvt.f32.s32 v21;
	v23 =	vadd.s32 v14, v3;
	v24 =	vadd.s32 v14, v4  }
0x15c: {  	s7 =	sadd.s32 s10, s7;
	v14 =	vcvt.s32.f32 v14;
	v21 =	vcvt.s32.f32 v16;
	v22 =	vsub.f32 $1.000000000e+00, v9  }
0x15d: {  	v30 =	vld [tilespmem:s7+$0x180];
	v25 =	vadd.s32 v16, v3;
	v28 =	vadd.s32 v18, v3;
	v15 =	vtrunc.f32 v8  }
0x15e: {  	v21 =	vsub.f32 v5, v21;
	v5 =	vcvt.s32.f32 v27;
	v15 =	vcvt.f32.s32 v15;
	[tilespmem:v17+s30+$0x0] =	vst.idx.add.f32.msk $0xffff, v22  }
0x15f: {  	v41 =	vadd.s32 v20, v3;
	v17 =	vadd.s32 v16, v4;
	v16 =	vcvt.s32.f32 v18;
	[tilespmem:v13+s30+$0x0] =	vst.idx.add.f32.msk $0xffff, v9  }
0x160: {  	v5 =	vsub.f32 v12, v5;
	v9 =	vsub.f32 v10, v14;
	v10 =	vcvt.s32.f32 v15;
	v14 =	vld [tilespmem:s7+$0x380]  }
0x161: {  	v22 =	vcvt.s32.f32 v19;
	v13 =	vcvt.s32.f32 v20;
	v26 =	vsub.f32 v6, v16;
	v16 =	vld [tilespmem:s7+$0x0]  }
0x162: {  	v37 =	vadd.s32 v15, v3;
	v40 =	vadd.s32 v15, v4;
	v29 =	vsub.f32 v8, v10;
	v10 =	vld [tilespmem:s7+$0x80]  }
0x163: {  	v18 =	vadd.s32 v18, v4;
	v7 =	vsub.f32 v7, v22;
	v6 =	vsub.f32 v11, v13;
	v11 =	vld [tilespmem:s7+$0x100]  }
0x164: {  	v33 =	vld [tilespmem:s7+$0x200];
	v22 =	vadd.s32 v19, v3;
	v12 =	vsub.f32 $1.000000000e+00, v9;
	v13 =	vsub.f32 $1.000000000e+00, v21  }
0x165: {  	v36 =	vld [tilespmem:s7+$0x280];
	v19 =	vadd.s32 v19, v4;
	v8 =	vsub.f32 $1.000000000e+00, v5;
	v31 =	vsub.f32 $1.000000000e+00, v26  }
0x166: {  	v38 =	vld [tilespmem:s7+$0x300];
	v32 =	vsub.f32 $1.000000000e+00, v7;
	v34 =	vsub.f32 $1.000000000e+00, v29;
	v14 =	vmul.f32 $2.560000000e+02, v14  }
0x167: {  	v35 =	vsub.f32 $1.000000000e+00, v6;
	[tilespmem:v23+s30+$0x0] =	vst.idx.add.f32.msk $0xffff, v12;
	v12 =	vmul.f32 $2.560000000e+02, v30;
	v16 =	vmul.f32 $2.560000000e+02, v16  }
0x168: {  	[tilespmem:v24+s30+$0x0] =	vst.idx.add.f32.msk $0xffff, v9;
	v10 =	vmul.f32 $2.560000000e+02, v10;
	v39 =	vadd.f32 $5.000000000e-01, v14;
	v11 =	vmul.f32 $2.560000000e+02, v11  }
0x169: {  	v9 =	vmul.f32 $2.560000000e+02, v33;
	[tilespmem:v22+s30+$0x0] =	vst.idx.add.f32.msk $0xffff, v32;
	v22 =	vadd.s32 v20, v4;
	v15 =	vadd.f32 $5.000000000e-01, v16  }
0x16a: {  	[tilespmem:v25+s30+$0x0] =	vst.idx.add.f32.msk $0xffff, v13;
	v10 =	vadd.f32 $5.000000000e-01, v10;
	v14 =	vtrunc.f32 v39;
	v16 =	vadd.f32 $5.000000000e-01, v11  }
0x16b: {  	[tilespmem:v17+s30+$0x0] =	vst.idx.add.f32.msk $0xffff, v21;
	v11 =	vadd.f32 $5.000000000e-01, v9;
	v9 =	vmul.f32 $2.560000000e+02, v38;
	v23 =	vcvt.f32.s32 v14  }
0x16c: {  	[tilespmem:v28+s30+$0x0] =	vst.idx.add.f32.msk $0xffff, v31;
	v24 =	vtrunc.f32 v15;
	v14 =	vadd.f32 $5.000000000e-01, v12;
	v12 =	vmul.f32 $2.560000000e+02, v36  }
0x16d: {  	[tilespmem:v18+s30+$0x0] =	vst.idx.add.f32.msk $0xffff, v26;
	v21 =	vtrunc.f32 v10;
	v13 =	vadd.f32 $5.000000000e-01, v9;
	v17 =	vcvt.s32.f32 v23  }
0x16e: {  	[tilespmem:v19+s30+$0x0] =	vst.idx.add.f32.msk $0xffff, v7;
	v7 =	vtrunc.f32 v11;
	v26 =	vcvt.f32.s32 v24;
	v59 =	vadd.s32 v23, v3  }
0x16f: {  	v24 =	vadd.s32 v27, v3;
	v60 =	vadd.s32 v23, v4;
	v9 =	vsub.f32 v39, v17  }
0x170: {  	[tilespmem:v37+s30+$0x0] =	vst.idx.add.f32.msk $0xffff, v34;
	v12 =	vadd.f32 $5.000000000e-01, v12;
	v61 =	vtrunc.f32 v14;
	v25 =	vcvt.f32.s32 v21  }
0x171: {  	[tilespmem:v41+s30+$0x0] =	vst.idx.add.f32.msk $0xffff, v35;
	v63 =	vtrunc.f32 v13;
	v20 =	vcvt.f32.s32 v61;
	v18 =	vsub.f32 $1.000000000e+00, v9  }
0x172: {  	[tilespmem:v40+s30+$0x0] =	vst.idx.add.f32.msk $0xffff, v29;
	v23 =	vadd.s32 v27, v4;
	v17 =	vtrunc.f32 v16;
	v62 =	vtrunc.f32 v12  }
0x173: {  	v19 =	vadd.s32 v26, v4;
	v21 =	vcvt.f32.s32 v17;
	v17 =	vcvt.f32.s32 v7;
	[tilespmem:v59+s30+$0x0] =	vst.idx.add.f32.msk $0xffff, v18  }
0x174: {  	s8 =	simm.s32 $0x100;
	s7 =	simm.s32 $0x8;
	v7 =	vcvt.f32.s32 v63;
	v18 =	vadd.s32 v26, v3;
	[tilespmem:v60+s30+$0x0] =	vst.idx.add.f32.msk $0xffff, v9;
	v9 =	vcvt.f32.s32 v62  }
.LBB2_5:
0x175: {  	s9 =	sand.u32 $0x400, s8;
	v26 =	vcvt.s32.f32 v26;
	v27 =	vcvt.s32.f32 v25;
	v28 =	vadd.s32 v25, v3;
	s6 =	sadd.s32 $0x10, s6;
	[tilespmem:v22+s30+$0x0] =	vst.idx.add.f32.msk $0xffff, v6  }
0x176: {  	s7 =	sadd.s32 $0x8, s7;
	v22 =	vadd.s32 v25, v4;
	v6 =	vcvt.s32.f32 v21;
	v25 =	vcvt.s32.f32 v20;
	s10 =	sand.u32 $0x70, s6;
	s9 =	sadd.s32 s9, s5;
	[tilespmem:v24+s30+$0x0] =	vst.idx.add.f32.msk $0xffff, v8  }
0x177: {  	p0 =	slt.u32 s7, $0x68;
	v8 =	vcvt.s32.f32 v17;
	s9 =	sadd.s32 s10, s9;
	v24 =	vsub.f32 v15, v26;
	v15 =	vcvt.s32.f32 v9;
	[tilespmem:v23+s30+$0x0] =	vst.idx.add.f32.msk $0xffff, v5  }
0x178: {  	v26 =	vsub.f32 v10, v27;
	v27 =	vsub.f32 v16, v6;
	v5 =	vcvt.s32.f32 v7;
	v23 =	vld [tilespmem:s9+$0x380]  }
0x179: {  	v29 =	vadd.s32 v21, v3;
	v25 =	vsub.f32 v14, v25;
	v30 =	vsub.f32 v11, v8;
	v10 =	vld [tilespmem:s9+$0x0]  }
0x17a: {  	v21 =	vadd.s32 v21, v4;
	v6 =	vsub.f32 v12, v15;
	v5 =	vsub.f32 v13, v5;
	v11 =	vld [tilespmem:s9+$0x80]  }
0x17b: {  	v31 =	vadd.s32 v20, v3;
	v13 =	vsub.f32 $1.000000000e+00, v24;
	v14 =	vsub.f32 $1.000000000e+00, v26;
	v12 =	vld [tilespmem:s9+$0x100]  }
0x17c: {  	v20 =	vadd.s32 v20, v4;
	v32 =	vsub.f32 $1.000000000e+00, v27;
	v33 =	vsub.f32 $1.000000000e+00, v25;
	v16 =	vld [tilespmem:s9+$0x180]  }
0x17d: {  	v35 =	vsub.f32 $1.000000000e+00, v6;
	v34 =	vld [tilespmem:s9+$0x200];
	v15 =	vmul.f32 $2.560000000e+02, v23;
	v23 =	vsub.f32 $1.000000000e+00, v30  }
0x17e: {  	v37 =	vadd.s32 v17, v3;
	v8 =	vsub.f32 $1.000000000e+00, v5;
	v10 =	vmul.f32 $2.560000000e+02, v10;
	v36 =	vld [tilespmem:s9+$0x280]  }
0x17f: {  	v17 =	vadd.s32 v17, v4;
	v11 =	vmul.f32 $2.560000000e+02, v11;
	v38 =	vld [tilespmem:s9+$0x300];
	v39 =	vadd.f32 $5.000000000e-01, v15  }
0x180: {  	v40 =	vadd.s32 v9, v3;
	v15 =	vadd.f32 $5.000000000e-01, v10;
	v12 =	vmul.f32 $2.560000000e+02, v12;
	[tilespmem:v18+s30+$0x0] =	vst.idx.add.f32.msk $0xffff, v13  }
0x181: {  	v10 =	vadd.f32 $5.000000000e-01, v11;
	v11 =	vmul.f32 $2.560000000e+02, v16;
	v13 =	vtrunc.f32 v39;
	[tilespmem:v19+s30+$0x0] =	vst.idx.add.f32.msk $0xffff, v24  }
0x182: {  	v16 =	vadd.f32 $5.000000000e-01, v12;
	v12 =	vmul.f32 $2.560000000e+02, v34;
	v18 =	vcvt.f32.s32 v13;
	[tilespmem:v28+s30+$0x0] =	vst.idx.add.f32.msk $0xffff, v14  }
0x183: {  	v19 =	vtrunc.f32 v15;
	v14 =	vadd.f32 $5.000000000e-01, v11;
	v13 =	vmul.f32 $2.560000000e+02, v36;
	[tilespmem:v22+s30+$0x0] =	vst.idx.add.f32.msk $0xffff, v26  }
0x184: {  	v11 =	vadd.f32 $5.000000000e-01, v12;
	v22 =	vmul.f32 $2.560000000e+02, v38;
	v24 =	vcvt.s32.f32 v18;
	[tilespmem:v29+s30+$0x0] =	vst.idx.add.f32.msk $0xffff, v32  }
0x185: {  	v28 =	vtrunc.f32 v10;
	v29 =	vadd.s32 v18, v3;
	v12 =	vadd.f32 $5.000000000e-01, v13;
	[tilespmem:v21+s30+$0x0] =	vst.idx.add.f32.msk $0xffff, v27  }
0x186: {  	v32 =	vadd.s32 v18, v4;
	v13 =	vadd.f32 $5.000000000e-01, v22;
	v27 =	vsub.f32 v39, v24;
	[tilespmem:v31+s30+$0x0] =	vst.idx.add.f32.msk $0xffff, v33  }
0x187: {  	v18 =	vtrunc.f32 v16;
	v31 =	vtrunc.f32 v14;
	v22 =	vadd.s32 v9, v4;
	[tilespmem:v20+s30+$0x0] =	vst.idx.add.f32.msk $0xffff, v25  }
.Ltmp1:
0x188: {  	v9 =	vtrunc.f32 v11;
	v33 =	vtrunc.f32 v12;
	v20 =	vsub.f32 $1.000000000e+00, v27;
	[tilespmem:v37+s30+$0x0] =	vst.idx.add.f32.msk $0xffff, v23;
	(pc) =	sbr.rel @p0 .LBB2_5-.Ltmp1, $4  }
0x189: {  	v26 =	vcvt.f32.s32 v19;
	v24 =	vadd.s32 v7, v3;
	v34 =	vtrunc.f32 v13;
	[tilespmem:v17+s30+$0x0] =	vst.idx.add.f32.msk $0xffff, v30  }
0x18a: {  	v21 =	vcvt.f32.s32 v18;
	v25 =	vcvt.f32.s32 v28;
	v23 =	vadd.s32 v7, v4;
	[tilespmem:v29+s30+$0x0] =	vst.idx.add.f32.msk $0xffff, v20  }
0x18b: {  	v18 =	vadd.s32 v26, v3;
	v17 =	vcvt.f32.s32 v9;
	v20 =	vcvt.f32.s32 v31;
	[tilespmem:v32+s30+$0x0] =	vst.idx.add.f32.msk $0xffff, v27  }
0x18c: {  	s8 =	sadd.s32 $0x80, s8;
	v19 =	vadd.s32 v26, v4;
	v9 =	vcvt.f32.s32 v33;
	v7 =	vcvt.f32.s32 v34;
	[tilespmem:v40+s30+$0x0] =	vst.idx.add.f32.msk $0xffff, v35  }
0x18d: {  	_ = 	snop  }
0x18e: {  	v26 =	vcvt.s32.f32 v26  }
0x18f: {  	v27 =	vcvt.s32.f32 v25;
	v39 =	vadd.s32 v25, v3  }
0x190: {  	v41 =	vcvt.s32.f32 v21;
	v44 =	vcvt.s32.f32 v20;
	v15 =	vsub.f32 v15, v26  }
0x191: {  	[tilespmem:v22+s30+$0x0] =	vst.idx.add.f32.msk $0xffff, v6;
	v45 =	vadd.s32 v21, v3;
	v48 =	vcvt.s32.f32 v17;
	v42 =	vsub.f32 v10, v27  }
0x192: {  	[tilespmem:v24+s30+$0x0] =	vst.idx.add.f32.msk $0xffff, v8;
	v49 =	vadd.s32 v20, v3;
	v16 =	vsub.f32 v16, v41;
	v43 =	vsub.f32 $1.000000000e+00, v15  }
0x193: {  	v53 =	vadd.s32 v17, v3;
	[tilespmem:v23+s30+$0x0] =	vst.idx.add.f32.msk $0xffff, v5;
	v14 =	vsub.f32 v14, v44;
	v47 =	vsub.f32 $1.000000000e+00, v42  }
0x194: {  	v54 =	vsub.f32 v11, v48;
	v50 =	vsub.f32 $1.000000000e+00, v16;
	[tilespmem:v18+s30+$0x0] =	vst.idx.add.f32.msk $0xffff, v43  }
0x195: {  	v40 =	vadd.s32 v25, v4;
	v55 =	vsub.f32 $1.000000000e+00, v14;
	[tilespmem:v39+s30+$0x0] =	vst.idx.add.f32.msk $0xffff, v47  }
0x196: {  	v46 =	vadd.s32 v21, v4;
	v59 =	vsub.f32 $1.000000000e+00, v54;
	[tilespmem:v45+s30+$0x0] =	vst.idx.add.f32.msk $0xffff, v50  }
0x197: {  	v51 =	vadd.s32 v20, v4;
	[tilespmem:v49+s30+$0x0] =	vst.idx.add.f32.msk $0xffff, v55  }
0x198: {  	v56 =	vadd.s32 v17, v4;
	v52 =	vcvt.s32.f32 v9;
	[tilespmem:v53+s30+$0x0] =	vst.idx.add.f32.msk $0xffff, v59  }
0x199: {  	v57 =	vcvt.s32.f32 v7;
	v58 =	vadd.s32 v9, v3;
	[tilespmem:v19+s30+$0x0] =	vst.idx.add.f32.msk $0xffff, v15  }
0x19a: {  	v3 =	vadd.s32 v7, v3;
	v12 =	vsub.f32 v12, v52;
	[tilespmem:v40+s30+$0x0] =	vst.idx.add.f32.msk $0xffff, v42  }
0x19b: {  	s4 =	sadd.s32 $0x1, s4;
	v60 =	vadd.s32 v9, v4;
	v5 =	vsub.f32 v13, v57;
	[tilespmem:v46+s30+$0x0] =	vst.idx.add.f32.msk $0xffff, v16  }
0x19c: {  	v62 =	vadd.s32 v7, v4;
	p0 =	sne.s32 s4, $0x15;
	v61 =	vsub.f32 $1.000000000e+00, v12;
	[tilespmem:v51+s30+$0x0] =	vst.idx.add.f32.msk $0xffff, v14  }
.Ltmp2:
0x19d: {  	v63 =	vsub.f32 $1.000000000e+00, v5;
	[tilespmem:v56+s30+$0x0] =	vst.idx.add.f32.msk $0xffff, v54;
	(pc) =	sbr.rel @p0 .LBB2_4-.Ltmp2, $4  }
0x19e: {  	[tilespmem:v58+s30+$0x0] =	vst.idx.add.f32.msk $0xffff, v61  }
0x19f: {  	[tilespmem:v3+s30+$0x0] =	vst.idx.add.f32.msk $0xffff, v63  }
0x1a0: {  	[tilespmem:v60+s30+$0x0] =	vst.idx.add.f32.msk $0xffff, v12  }
0x1a1: {  	[tilespmem:v62+s30+$0x0] =	vst.idx.add.f32.msk $0xffff, v5  }
0x1a2: {  	s0 =	simm.s32 $0x0  }
0x1a3: {  	v6 =	vld [tilespmem:s0+$0xA810]  }
0x1a4: {  	v7 =	vld [tilespmem:s0+$0xAE70]  }
0x1a5: {  	v8 =	vld [tilespmem:s0+$0xA800]  }
0x1a6: {  	v9 =	vld [tilespmem:s0+$0xB4D0]  }
0x1a7: {  	v10 =	vld [tilespmem:s0+$0xAE60]  }
0x1a8: {  	v11 =	vld [tilespmem:s0+$0xBB30]  }
0x1a9: {  	v12 =	vld [tilespmem:s0+$0xB4C0]  }
0x1aa: {  	v13 =	vld [tilespmem:s0+$0xBB20]  }
0x1ab: {  	v14 =	vld [tilespmem:s0+$0xD4B0]  }
0x1ac: {  	s4 =	simm.s32 $0x0;
	v15 =	vld [tilespmem:s0+$0xE160];
	v6 =	vadd.f32 v7, v6  }
0x1ad: {  	s5 =	sand.u32 $0x7E0, s4;
	v7 =	vld [tilespmem:s0+$0xC190]  }
0x1ae: {  	v3 =	vld [tilespmem:s5+$0xF480];
	v6 =	vadd.f32 v9, v6  }
0x1af: {  	v8 =	vadd.f32 v10, v8;
	v9 =	vld [tilespmem:s0+$0xC7F0]  }
0x1b0: {  	v4 =	vld [tilespmem:s5+$0xC180];
	v6 =	vadd.f32 v11, v6  }
0x1b1: {  	v8 =	vadd.f32 v12, v8;
	v11 =	vld [tilespmem:s0+$0xCE50]  }
0x1b2: {  	v10 =	vld [tilespmem:s0+$0xC7E0];
	v6 =	vadd.f32 v7, v6  }
0x1b3: {  	v5 =	vld [tilespmem:s5+$0xDB00];
	v7 =	vadd.f32 v13, v8  }
0x1b4: {  	v12 =	vld [tilespmem:s0+$0xCE40];
	v6 =	vadd.f32 v9, v6  }
0x1b5: {  	v9 =	vld [tilespmem:s0+$0xDB10];
	v4 =	vadd.f32 v4, v7  }
0x1b6: {  	v13 =	vld [tilespmem:s0+$0xD4A0];
	v6 =	vadd.f32 v11, v6  }
0x1b7: {  	v11 =	vld [tilespmem:s0+$0xE170];
	v4 =	vadd.f32 v10, v4  }
0x1b8: {  	v8 =	vld [tilespmem:s0+$0xEE20];
	v6 =	vadd.f32 v14, v6  }
0x1b9: {  	v10 =	vld [tilespmem:s0+$0xE7D0];
	v4 =	vadd.f32 v12, v4  }
0x1ba: {  	v7 =	vld [tilespmem:s0+$0xE7C0];
	v6 =	vadd.f32 v9, v6  }
0x1bb: {  	v14 =	vld [tilespmem:s0+$0xEE30];
	v12 =	vadd.f32 v13, v4  }
0x1bc: {  	v4 =	vld [tilespmem:s0+$0xFAE0];
	v6 =	vadd.f32 v11, v6  }
0x1bd: {  	v9 =	vld [tilespmem:s0+$0xF490];
	v11 =	vadd.f32 v5, v12  }
0x1be: {  	v5 =	vld [tilespmem:s0+$0x10140];
	v13 =	vadd.f32 v10, v6  }
0x1bf: {  	v10 =	vld [tilespmem:s0+$0xFAF0];
	v12 =	vadd.f32 v15, v11  }
0x1c0: {  	s6 =	simm.s32 $0x20;
	s5 =	simm.s32 $0x0;
	v6 =	vld [tilespmem:s0+$0x107A0];
	v11 =	vadd.f32 v14, v13  }
.LBB2_8:
0x1c1: {  	s7 =	sand.u32 $0x7E0, s6;
	v7 =	vadd.f32 v7, v12;
	v12 =	vld [tilespmem:s0+$0x10150]  }
0x1c2: {  	v13 =	vld [tilespmem:s7+$0xF480];
	v9 =	vadd.f32 v9, v11  }
0x1c3: {  	v7 =	vadd.f32 v8, v7;
	v8 =	vld [tilespmem:s0+$0x107B0]  }
0x1c4: {  	s4 =	sadd.s32 $0x80, s4;
	v11 =	vld [tilespmem:s7+$0xDB00];
	v9 =	vadd.f32 v10, v9  }
0x1c5: {  	s8 =	sshra.s32 s4, $0x2;
	v10 =	vld [tilespmem:s7+$0xC180];
	v14 =	vadd.f32 v3, v7  }
0x1c6: {  	s5 =	sadd.s32 $0x2, s5;
	v7 =	vld [tilespmem:s8+$0xA810];
	v9 =	vadd.f32 v12, v9  }
0x1c7: {  	p0 =	slt.u32 s5, $0x64;
	v12 =	vld [tilespmem:s8+$0xAE70];
	v4 =	vadd.f32 v4, v14;
	v3 =	vmov v13  }
0x1c8: {  	v13 =	vld [tilespmem:s8+$0xA800];
	v8 =	vadd.f32 v8, v9  }
0x1c9: {  	v9 =	vld [tilespmem:s8+$0xB4D0];
	v4 =	vadd.f32 v5, v4  }
0x1ca: {  	v5 =	vld [tilespmem:s8+$0xAE60];
	[tilespmem:s0+$0x10E10] =	vst v8  }
0x1cb: {  	v8 =	vld [tilespmem:s8+$0xBB30];
	v4 =	vadd.f32 v6, v4  }
0x1cc: {  	v6 =	vld [tilespmem:s8+$0xB4C0];
	v7 =	vadd.f32 v12, v7  }
0x1cd: {  	v12 =	vld [tilespmem:s8+$0xC190];
	[tilespmem:s0+$0x10E00] =	vst v4;
	s0 =	smov.u32 s8  }
0x1ce: {  	v4 =	vld [tilespmem:s0+$0xBB20];
	v7 =	vadd.f32 v9, v7  }
0x1cf: {  	v5 =	vadd.f32 v5, v13;
	v9 =	vld [tilespmem:s0+$0xC7F0]  }
0x1d0: {  	v13 =	vld [tilespmem:s0+$0xC7E0];
	v7 =	vadd.f32 v8, v7  }
0x1d1: {  	v5 =	vadd.f32 v6, v5;
	v6 =	vld [tilespmem:s0+$0xCE50]  }
0x1d2: {  	v8 =	vld [tilespmem:s0+$0xCE40];
	v7 =	vadd.f32 v12, v7  }
0x1d3: {  	v4 =	vadd.f32 v4, v5;
	v5 =	vld [tilespmem:s0+$0xD4B0]  }
0x1d4: {  	v12 =	vld [tilespmem:s0+$0xD4A0];
	v7 =	vadd.f32 v9, v7  }
0x1d5: {  	v4 =	vadd.f32 v10, v4;
	v9 =	vld [tilespmem:s0+$0xDB10]  }
0x1d6: {  	v10 =	vld [tilespmem:s0+$0xE160];
	v6 =	vadd.f32 v6, v7  }
0x1d7: {  	v4 =	vadd.f32 v13, v4;
	v13 =	vld [tilespmem:s0+$0xE170]  }
0x1d8: {  	v7 =	vld [tilespmem:s0+$0xE7C0];
	v5 =	vadd.f32 v5, v6  }
0x1d9: {  	v4 =	vadd.f32 v8, v4;
	v6 =	vld [tilespmem:s0+$0xE7D0]  }
0x1da: {  	v8 =	vld [tilespmem:s0+$0xEE20];
	v5 =	vadd.f32 v9, v5  }
0x1db: {  	v9 =	vadd.f32 v12, v4;
	v14 =	vld [tilespmem:s0+$0xEE30]  }
.Ltmp3:
0x1dc: {  	v4 =	vld [tilespmem:s0+$0xFAE0];
	v12 =	vadd.f32 v13, v5;
	(pc) =	sbr.rel @p0 .LBB2_8-.Ltmp3, $4  }
0x1dd: {  	v11 =	vadd.f32 v11, v9;
	v9 =	vld [tilespmem:s0+$0xF490]  }
0x1de: {  	v5 =	vld [tilespmem:s0+$0x10140];
	v13 =	vadd.f32 v6, v12  }
0x1df: {  	v12 =	vadd.f32 v10, v11;
	v10 =	vld [tilespmem:s0+$0xFAF0]  }
0x1e0: {  	s6 =	sadd.s32 $0x20, s6;
	v6 =	vld [tilespmem:s0+$0x107A0];
	v11 =	vadd.f32 v14, v13  }
0x1e1: {  	v7 =	vadd.f32 v7, v12;
	_ =	sdelay $0x1  }
0x1e2: {  	v59 =	vld [tilespmem:s0+$0x10150];
	v7 =	vadd.f32 v8, v7  }
0x1e3: {  	v60 =	vadd.f32 v9, v11  }
0x1e4: {  	v61 =	vld [tilespmem:s0+$0x107B0];
	v3 =	vadd.f32 v3, v7  }
0x1e5: {  	v62 =	vadd.f32 v10, v60  }
0x1e6: {  	v3 =	vadd.f32 v4, v3  }
0x1e7: {  	v63 =	vadd.f32 v59, v62  }
0x1e8: {  	v3 =	vadd.f32 v5, v3  }
0x1e9: {  	v4 =	vadd.f32 v61, v63  }
0x1ea: {  	s17 =	sadd.s32 $0x1, s17;
	v3 =	vadd.f32 v6, v3  }
0x1eb: {  	s10 =	simm.s32 $0x80;
	p0 =	sne.s32 s17, s28;
	[tilespmem:s0+$0x10E10] =	vst v4  }
.Ltmp4:
0x1ec: {  	s4 =	simm.s32 $0x400;
	s5 =	simm.s32 $0x10E00;
	[tilespmem:s0+$0x10E00] =	vst v3;
	(pc) =	sbr.rel @p0 .LBB2_1-.Ltmp4, $4  }
0x1ed: {  	[hbm4b:s26+s10] =	stream.strided.scatter [tilespmem:s5], [sflag:$0x2], $0x680, s4, s10, $0x38;
	[tilespmem:$0x11480] =	vst v63  }
0x1ee: {  	_ =	swait.ge [sflag:s31], $0x680  }
0x1ef: {  	[sflag:s31] =	ssyncset.done $0x0  }
0x1f0: {  	[sflag:s31] =	ssyncadd.s32 $0xFFFFF980  }
0x1f1: {  	_ =	sfence.sel $0x180000  }
0x1f2: {  	[bflag:$0x0] =	sbarrier.arrive $0xFFFF  }
0x1f3: {  	_ =	strace $0x90000047  }
0x1f4: {  	s0 =	stileid.u32;
	[bflag:$0x2] =	sbarrier.arrive $0xFFFF  }
0x1f5: {  	p0 =	sne.s32 s0, $0x0;
	s0 =	rddreg [dreg:$0x3]  }
0x1f6: {  	s0 =	sadd.s32 @!p0 $0x100000, s0  }
0x1f7: {  	[sflag:s0] =	ssyncadd.tile.s32 @!p0 $0x1;
	_ =	shalt  }
.Lfunc_end2:
_tile_overlayer_lowered:
.L_overlay_start_2:
0x1f8: {  	(tag) =	ssettag $0x2  }
0x1f9: {  	s0 =	rddreg [dreg:$0x0];
	s2 =	stileid.u32  }
0x1fa: {  	s1 =	rddreg [dreg:$0x1];
	p0 =	sne.s32 s2, $0x0  }
0x1fb: {  	s3 =	rddreg [dreg:$0x2];
	[bflag:$0x3] =	sbarrier.arrive $0xFFFF;
	s2 =	simm.s32 @!p0 $0x1C02  }
0x1fc: {  	[timem:s3], [sflag:s2] =	dma.local @!p0 [hbm:s0], s1  }
0x1fd: {  	s0 =	simm.s32 @!p0 $0x2  }
0x1fe: {  	_ =	swait.ge @!p0 [sflag:s0], s1  }
0x1ff: {  	s1 =	ssub.s32 @!p0 $0x0, s1;
	[sflag:s0] =	ssyncset.done @!p0 $0x0  }
0x200: {  	[sflag:s0] =	ssyncadd.s32 @!p0 s1  }
0x201: {  	[bflag:$0x3] =	sbarrier.arrive $0xFFFF  }
0x202: {  	_ =	shalt  }

</sc_bundles>
